<compile_context>
chip_gen: v7x
topology: tpu7x:2x2x1
jax: 0.10.2.dev20260603
libtpu: 0.0.44.dev20260713+nightly
codegen_flags: <defaults>
</compile_context>

<pallas_src>
import functools

import jax
import jax.numpy as jnp
from jax import lax
from jax.experimental import pallas as pl
from jax.experimental.pallas import tpu as pltpu
from jax.experimental.pallas import tpu_sc as plsc

N = 10000
E = 160000
EPS = 1e-5

BR = 2000
GRID = N // BR

NC = 2
NS = 16
CHG = 128
EPT = E // NS
RPT = 640
NP = NS * RPT
NB = 3
NB0 = 8
CHA = 112
WCH = 80


@functools.cache
def _mesh():
    return plsc.VectorSubcoreMesh(core_axis_name="c", subcore_axis_name="s",
                                  num_cores=NC, num_subcores=NS)



def _k1_body(h_ref, w0_ref, b0_ref, w1_ref, b1_ref, z0_ref, z1_ref, st_ref):
    i = pl.program_id(0)
    z0 = lax.dot_general(h_ref[:, :512], w0_ref[...], (((1,), (0,)), ((), ())),
                         preferred_element_type=jnp.float32) + b0_ref[...]
    z1 = lax.dot_general(h_ref[:, 512:], w1_ref[...], (((1,), (0,)), ((), ())),
                         preferred_element_type=jnp.float32) + b1_ref[...]
    z0_ref[...] = z0
    z1_ref[...] = z1

    @pl.when(i == 0)
    def _():
        st_ref[...] = jnp.zeros_like(st_ref)

    st_ref[0:1, :] += jnp.sum(z0, axis=0, keepdims=True)
    st_ref[1:2, :] += jnp.sum(z0 * z0, axis=0, keepdims=True)
    st_ref[2:3, :] += jnp.sum(z1, axis=0, keepdims=True)
    st_ref[3:4, :] += jnp.sum(z1 * z1, axis=0, keepdims=True)


def _bn_cols(z, st, row, g, be):
    mu = st[row:row + 1, :] * (1.0 / N)
    var = st[row + 1:row + 2, :] * (1.0 / N) - mu * mu
    return g * (z - mu) * lax.rsqrt(var + EPS) + be


def _k2_body(z0_ref, z1_ref, st_ref, g0_ref, be0_ref, g1_ref, be1_ref,
             w0_ref, b0_ref, w1_ref, b1_ref, o0_ref, o1_ref, st2_ref):
    i = pl.program_id(0)
    st = st_ref[...]
    e0 = _bn_cols(z0_ref[...], st, 0, g0_ref[...], be0_ref[...])
    e1 = _bn_cols(z1_ref[...], st, 2, g1_ref[...], be1_ref[...])
    o0 = lax.dot_general(e0, w0_ref[...], (((1,), (0,)), ((), ())),
                         preferred_element_type=jnp.float32) + b0_ref[...]
    o1 = lax.dot_general(e1, w1_ref[...], (((1,), (0,)), ((), ())),
                         preferred_element_type=jnp.float32) + b1_ref[...]
    o0_ref[...] = o0
    o1_ref[...] = o1

    @pl.when(i == 0)
    def _():
        st2_ref[...] = jnp.zeros_like(st2_ref)

    st2_ref[0:1, :] += jnp.sum(o0, axis=0, keepdims=True)
    st2_ref[1:2, :] += jnp.sum(o0 * o0, axis=0, keepdims=True)
    st2_ref[2:3, :] += jnp.sum(o1, axis=0, keepdims=True)
    st2_ref[3:4, :] += jnp.sum(o1 * o1, axis=0, keepdims=True)


def _k3_body(z0_ref, z1_ref, st_ref, g0_ref, be0_ref, g1_ref, be1_ref,
             w0_ref, b0_ref, w1_ref, b1_ref, hf_ref):
    st = st_ref[...]
    e0 = _bn_cols(z0_ref[...], st, 0, g0_ref[...], be0_ref[...])
    e1 = _bn_cols(z1_ref[...], st, 2, g1_ref[...], be1_ref[...])
    d0 = lax.dot_general(e0, w0_ref[...], (((1,), (0,)), ((), ())),
                         preferred_element_type=jnp.float32) + b0_ref[...]
    d1 = lax.dot_general(e1, w1_ref[...], (((1,), (0,)), ((), ())),
                         preferred_element_type=jnp.float32) + b1_ref[...]
    hf = (d0 + d1) * 0.5
    hf_ref[0] = hf[:, :128]
    hf_ref[1] = hf[:, 128:]


def _k4_body(hf_ref, agg_ref, deg_ref, wsa_ref, wsb_ref, wna_ref, wnb_ref,
             b_ref, x_ref, st_ref):
    i = pl.program_id(0)
    d = 1.0 / jnp.maximum(deg_ref[0], 1.0)
    nba = agg_ref[0] * d
    nbb = agg_ref[1] * d
    dn = (((1,), (0,)), ((), ()))
    pre = (lax.dot_general(hf_ref[0], wsa_ref[...], dn, preferred_element_type=jnp.float32)
           + lax.dot_general(hf_ref[1], wsb_ref[...], dn, preferred_element_type=jnp.float32)
           + lax.dot_general(nba, wna_ref[...], dn, preferred_element_type=jnp.float32)
           + lax.dot_general(nbb, wnb_ref[...], dn, preferred_element_type=jnp.float32)
           + b_ref[...])
    x = jnp.maximum(pre, 0.0)
    x_ref[...] = x

    @pl.when(i == 0)
    def _():
        st_ref[...] = jnp.zeros_like(st_ref)

    st_ref[0:1, :] += jnp.sum(x, axis=0, keepdims=True)
    st_ref[1:2, :] += jnp.sum(x * x, axis=0, keepdims=True)


def _k5_body(x_ref, st_ref, g_ref, be_ref, ws_ref, wn_ref, b_ref,
             y2_ref, xs_ref):
    st = st_ref[...]
    x2 = _bn_cols(x_ref[...], st, 0, g_ref[...], be_ref[...])
    dn = (((1,), (0,)), ((), ()))
    y2_ref[...] = lax.dot_general(x2, wn_ref[...], dn, preferred_element_type=jnp.float32)
    xs_ref[...] = lax.dot_general(x2, ws_ref[...], dn, preferred_element_type=jnp.float32) + b_ref[...]


def _k6_body(xs_ref, agg_ref, deg_ref, out_ref):
    d = 1.0 / jnp.maximum(deg_ref[0], 1.0)
    nb = (agg_ref[0] + agg_ref[1]) * d
    out_ref[...] = xs_ref[...] + nb[:, 0:16]



def _s0_body(dst0_hbm, dst1_hbm, ones_hbm, zeros_hbm, deg_hbm, *scratch):
    idxd = scratch[0:NB0]
    ones_v = scratch[NB0]
    rows_v = scratch[NB0 + 1]
    acc_sh = scratch[NB0 + 2]
    sem_s = scratch[NB0 + 3:2 * NB0 + 3]
    c = lax.axis_index("c")
    s = lax.axis_index("s")
    nch = -(-EPT // CHG)
    ntrash = nch * CHG - EPT
    ngroups = -(-nch // NB0)
    trash = jnp.full((16,), N, jnp.int32)

    pltpu.sync_copy(zeros_hbm, rows_v)

    def zinit(k, carry):
        pltpu.sync_copy(rows_v, acc_sh.at[pl.ds(s * RPT + k * CHG, CHG)])
        return carry

    lax.fori_loop(0, RPT // CHG, zinit, 0)
    pltpu.sync_copy(ones_hbm, ones_v)
    plsc.subcore_barrier()

    base = s * EPT

    def load_idx(i, t):
        st = base + jnp.minimum(i * CHG, EPT - CHG)

        @pl.when(c == 0)
        def _():
            pltpu.sync_copy(dst0_hbm.at[pl.ds(st, CHG)], idxd[t])

        @pl.when(c == 1)
        def _():
            pltpu.sync_copy(dst1_hbm.at[pl.ds(st, CHG)], idxd[t])

        @pl.when(jnp.asarray(i == nch - 1))
        def _():
            for v in range(ntrash // 16):
                idxd[t][pl.ds(v * 16, 16)] = trash

    def issue_scatter(t):
        pltpu.async_copy(ones_v, acc_sh.at[idxd[t]], sem_s[t], add=True)

    def wait_scatter(t):
        pltpu.make_async_copy(ones_v, acc_sh.at[idxd[t]], sem_s[t]).wait()

    for t in range(NB0):
        load_idx(t, t)

    def group(k, carry):
        for t in range(NB0):
            i = NB0 * k + t

            @pl.when(i < nch)
            def _(t=t, i=i):
                issue_scatter(t)
        for t in range(NB0):
            j = NB0 * k + NB0 + t

            @pl.when(j < nch)
            def _(t=t, j=j):
                wait_scatter(t)
                load_idx(j, t)
        return carry

    lax.fori_loop(0, ngroups, group, 0)
    for t in range(NB0):
        wait_scatter(t)
    plsc.subcore_barrier()

    def wout(k, carry):
        pltpu.sync_copy(acc_sh.at[pl.ds(s * RPT + k * CHG, CHG)], rows_v)
        pltpu.sync_copy(rows_v, deg_hbm.at[c, pl.ds(s * RPT + k * CHG, CHG)])
        return carry

    lax.fori_loop(0, RPT // CHG, wout, 0)


def _make_agg_body(ch, edge_split, nb):
    per_tile = E // (NC * NS) if edge_split else EPT
    nch = -(-per_tile // ch)
    ntrash = nch * ch - per_tile
    ngroups = -(-nch // nb)

    def body(src_hbm, dst_hbm, tab_hbm, zeros_hbm, agg_hbm, *scratch):
        idxs = scratch[0:nb]
        idxd = scratch[nb:2 * nb]
        rows = scratch[2 * nb:3 * nb]
        acc_sh = scratch[3 * nb]
        sem_g = scratch[3 * nb + 1:4 * nb + 1]
        sem_s = scratch[4 * nb + 1:5 * nb + 1]
        c = lax.axis_index("c")
        s = lax.axis_index("s")
        off = (c * N).astype(jnp.int32)
        trash = jnp.full((16,), N, jnp.int32)

        pltpu.sync_copy(zeros_hbm.at[pl.ds(0, WCH)], rows[0].at[pl.ds(0, WCH)])

        def zinit(k, carry):
            pltpu.sync_copy(rows[0].at[pl.ds(0, WCH)],
                            acc_sh.at[pl.ds(s * RPT + k * WCH, WCH)])
            return carry

        lax.fori_loop(0, RPT // WCH, zinit, 0)
        plsc.subcore_barrier()

        if edge_split:
            base = c * (E // NC) + s * per_tile
        else:
            base = s * per_tile

        def load_idx(i, t):
            st = base + jnp.minimum(i * ch, per_tile - ch)
            pltpu.sync_copy(src_hbm.at[pl.ds(st, ch)], idxs[t])
            if not edge_split:
                for j in range(ch // 16):
                    idxs[t][pl.ds(j * 16, 16)] = idxs[t][pl.ds(j * 16, 16)] + off
            pltpu.sync_copy(dst_hbm.at[pl.ds(st, ch)], idxd[t])
            if ntrash:
                @pl.when(jnp.asarray(i == nch - 1))
                def _():
                    for v in range(ntrash // 16):
                        idxd[t][pl.ds(v * 16, 16)] = trash
                    rem = ntrash % 16
                    if rem:
                        v = ntrash // 16
                        blk = idxd[t][pl.ds(v * 16, 16)]
                        keep = lax.iota(jnp.int32, 16) >= rem
                        idxd[t][pl.ds(v * 16, 16)] = jnp.where(keep, blk, N)

        def issue_gather(t):
            pltpu.async_copy(tab_hbm.at[idxs[t]], rows[t], sem_g[t])

        def wait_gather(t):
            pltpu.make_async_copy(tab_hbm.at[idxs[t]], rows[t], sem_g[t]).wait()

        def issue_scatter(t):
            pltpu.async_copy(rows[t], acc_sh.at[idxd[t]], sem_s[t], add=True)

        def wait_scatter(t):
            pltpu.make_async_copy(rows[t], acc_sh.at[idxd[t]], sem_s[t]).wait()

        for t in range(nb):
            load_idx(t, t)
            issue_gather(t)

        def group(k, carry):
            for t in range(nb):
                i = nb * k + t

                @pl.when(i < nch)
                def _(t=t, i=i):
                    wait_gather(t)
                    issue_scatter(t)
            for t in range(nb):
                j = nb * k + nb + t

                @pl.when(j < nch)
                def _(t=t, j=j):
                    wait_scatter(t)
                    load_idx(j, t)
                    issue_gather(t)
            return carry

        lax.fori_loop(0, ngroups, group, 0)
        for t in range(nb):
            wait_scatter(t)
        plsc.subcore_barrier()

        def wout(k, carry):
            pltpu.sync_copy(acc_sh.at[pl.ds(s * RPT + k * WCH, WCH)],
                            rows[0].at[pl.ds(0, WCH)])
            pltpu.sync_copy(rows[0].at[pl.ds(0, WCH)],
                            agg_hbm.at[c, pl.ds(s * RPT + k * WCH, WCH)])
            return carry

        lax.fori_loop(0, RPT // WCH, wout, 0)

    return body



def _sc_deg(dst0, dst1, ones_row, zeros_row):
    return pl.kernel(
        _s0_body,
        out_type=jax.ShapeDtypeStruct((2, NP, 128), jnp.float32),
        mesh=_mesh(),
        scratch_types=(
            [pltpu.VMEM((CHG,), jnp.int32) for _ in range(NB0)]
            + [pltpu.VMEM((CHG, 128), jnp.float32),
               pltpu.VMEM((CHG, 128), jnp.float32),
               pltpu.VMEM_SHARED((NP, 128), jnp.float32)]
            + [pltpu.SemaphoreType.DMA for _ in range(NB0)]
        ),
    )(dst0, dst1, ones_row, zeros_row)


def _agg_kernel(ch, edge_split, nb):
    return pl.kernel(
        _make_agg_body(ch, edge_split, nb),
        out_type=jax.ShapeDtypeStruct((2, NP, 128), jnp.float32),
        mesh=_mesh(),
        scratch_types=(
            [pltpu.VMEM((ch,), jnp.int32) for _ in range(2 * nb)]
            + [pltpu.VMEM((ch, 128), jnp.float32) for _ in range(nb)]
            + [pltpu.VMEM_SHARED((NP, 128), jnp.float32)]
            + [pltpu.SemaphoreType.DMA for _ in range(2 * nb)]
        ),
    )


def _sc_agg(src, dst, tab_flat, zeros_row):
    return _agg_kernel(CHA, False, NB)(src, dst, tab_flat, zeros_row)


def _sc_agg_pad(src, dst, tab, zeros_row):
    return _agg_kernel(CHA, True, NB)(src, dst, tab, zeros_row)



def _row(x):
    return x.reshape(1, -1)


def kernel(h, edge_index0, edge_index1, enc_W1_0, enc_b1_0, bn1_gamma_0, bn1_beta_0, enc_W2_0, enc_b2_0, bn2_gamma_0, bn2_beta_0, dec_W_0, dec_b_0, enc_W1_1, enc_b1_1, bn1_gamma_1, bn1_beta_1, enc_W2_1, enc_b2_1, bn2_gamma_1, bn2_beta_1, dec_W_1, dec_b_1, sage0_Ws, sage0_Wn, sage0_b, bng0_gamma, bng0_beta, sage1_Ws, sage1_Wn, sage1_b):
    f32 = jnp.float32
    w1p0 = jnp.pad(enc_W1_0, ((0, 0), (0, 12)))
    w1p1 = jnp.pad(enc_W1_1, ((0, 0), (0, 12)))
    b1p0 = _row(jnp.pad(enc_b1_0, (0, 12)))
    b1p1 = _row(jnp.pad(enc_b1_1, (0, 12)))
    g1p0 = _row(jnp.pad(bn1_gamma_0, (0, 12)))
    g1p1 = _row(jnp.pad(bn1_gamma_1, (0, 12)))
    be1p0 = _row(jnp.pad(bn1_beta_0, (0, 12)))
    be1p1 = _row(jnp.pad(bn1_beta_1, (0, 12)))
    w2p0 = jnp.pad(enc_W2_0, ((0, 12), (0, 0)))
    w2p1 = jnp.pad(enc_W2_1, ((0, 12), (0, 0)))

    src0, dst0 = edge_index0[0], edge_index0[1]
    src1, dst1 = edge_index1[0], edge_index1[1]
    zeros_row = jnp.zeros((CHG, 128), f32)
    ones_row = jnp.ones((CHG, 128), f32)

    dn_full = lambda i: (0, 0)

    z10, z11, st1 = pl.pallas_call(
        _k1_body,
        grid=(GRID,),
        in_specs=[
            pl.BlockSpec((BR, 1024), lambda i: (i, 0)),
            pl.BlockSpec((512, 512), dn_full),
            pl.BlockSpec((1, 512), dn_full),
            pl.BlockSpec((512, 512), dn_full),
            pl.BlockSpec((1, 512), dn_full),
        ],
        out_specs=[
            pl.BlockSpec((BR, 512), lambda i: (i, 0)),
            pl.BlockSpec((BR, 512), lambda i: (i, 0)),
            pl.BlockSpec((4, 512), dn_full),
        ],
        out_shape=[
            jax.ShapeDtypeStruct((N, 512), f32),
            jax.ShapeDtypeStruct((N, 512), f32),
            jax.ShapeDtypeStruct((4, 512), f32),
        ],
        compiler_params=pltpu.CompilerParams(
            dimension_semantics=("arbitrary",)),
    )(h, w1p0, b1p0, w1p1, b1p1)

    degp = _sc_deg(dst0, dst1, ones_row, zeros_row)

    z20, z21, st2 = pl.pallas_call(
        _k2_body,
        grid=(GRID,),
        in_specs=[
            pl.BlockSpec((BR, 512), lambda i: (i, 0)),
            pl.BlockSpec((BR, 512), lambda i: (i, 0)),
            pl.BlockSpec((4, 512), dn_full),
            pl.BlockSpec((1, 512), dn_full),
            pl.BlockSpec((1, 512), dn_full),
            pl.BlockSpec((1, 512), dn_full),
            pl.BlockSpec((1, 512), dn_full),
            pl.BlockSpec((512, 256), dn_full),
            pl.BlockSpec((1, 256), dn_full),
            pl.BlockSpec((512, 256), dn_full),
            pl.BlockSpec((1, 256), dn_full),
        ],
        out_specs=[
            pl.BlockSpec((BR, 256), lambda i: (i, 0)),
            pl.BlockSpec((BR, 256), lambda i: (i, 0)),
            pl.BlockSpec((4, 256), dn_full),
        ],
        out_shape=[
            jax.ShapeDtypeStruct((N, 256), f32),
            jax.ShapeDtypeStruct((N, 256), f32),
            jax.ShapeDtypeStruct((4, 256), f32),
        ],
        compiler_params=pltpu.CompilerParams(
            dimension_semantics=("arbitrary",)),
    )(z10, z11, st1, g1p0, be1p0, g1p1, be1p1,
      w2p0, _row(enc_b2_0), w2p1, _row(enc_b2_1))

    hf2 = pl.pallas_call(
        _k3_body,
        grid=(GRID,),
        in_specs=[
            pl.BlockSpec((BR, 256), lambda i: (i, 0)),
            pl.BlockSpec((BR, 256), lambda i: (i, 0)),
            pl.BlockSpec((4, 256), dn_full),
            pl.BlockSpec((1, 256), dn_full),
            pl.BlockSpec((1, 256), dn_full),
            pl.BlockSpec((1, 256), dn_full),
            pl.BlockSpec((1, 256), dn_full),
            pl.BlockSpec((256, 256), dn_full),
            pl.BlockSpec((1, 256), dn_full),
            pl.BlockSpec((256, 256), dn_full),
            pl.BlockSpec((1, 256), dn_full),
        ],
        out_specs=pl.BlockSpec((2, BR, 128), lambda i: (0, i, 0)),
        out_shape=jax.ShapeDtypeStruct((2, N, 128), f32),
        compiler_params=pltpu.CompilerParams(
            dimension_semantics=("arbitrary",)),
    )(z20, z21, st2, _row(bn2_gamma_0), _row(bn2_beta_0),
      _row(bn2_gamma_1), _row(bn2_beta_1),
      dec_W_0, _row(dec_b_0), dec_W_1, _row(dec_b_1))

    agg = _sc_agg(src0, dst0, hf2.reshape(2 * N, 128), zeros_row)

    x1, st4 = pl.pallas_call(
        _k4_body,
        grid=(GRID,),
        in_specs=[
            pl.BlockSpec((2, BR, 128), lambda i: (0, i, 0)),
            pl.BlockSpec((2, BR, 128), lambda i: (0, i, 0)),
            pl.BlockSpec((1, BR, 128), lambda i: (0, i, 0)),
            pl.BlockSpec((128, 256), dn_full),
            pl.BlockSpec((128, 256), dn_full),
            pl.BlockSpec((128, 256), dn_full),
            pl.BlockSpec((128, 256), dn_full),
            pl.BlockSpec((1, 256), dn_full),
        ],
        out_specs=[
            pl.BlockSpec((BR, 256), lambda i: (i, 0)),
            pl.BlockSpec((2, 256), dn_full),
        ],
        out_shape=[
            jax.ShapeDtypeStruct((N, 256), f32),
            jax.ShapeDtypeStruct((2, 256), f32),
        ],
        compiler_params=pltpu.CompilerParams(
            dimension_semantics=("arbitrary",)),
    )(hf2, agg, degp, sage0_Ws[:128], sage0_Ws[128:],
      sage0_Wn[:128], sage0_Wn[128:], _row(sage0_b))

    y2p, xs = pl.pallas_call(
        _k5_body,
        grid=(GRID,),
        in_specs=[
            pl.BlockSpec((BR, 256), lambda i: (i, 0)),
            pl.BlockSpec((2, 256), dn_full),
            pl.BlockSpec((1, 256), dn_full),
            pl.BlockSpec((1, 256), dn_full),
            pl.BlockSpec((256, 16), dn_full),
            pl.BlockSpec((256, 128), dn_full),
            pl.BlockSpec((1, 16), dn_full),
        ],
        out_specs=[
            pl.BlockSpec((BR, 128), lambda i: (i, 0)),
            pl.BlockSpec((BR, 16), lambda i: (i, 0)),
        ],
        out_shape=[
            jax.ShapeDtypeStruct((N, 128), f32),
            jax.ShapeDtypeStruct((N, 16), f32),
        ],
        compiler_params=pltpu.CompilerParams(
            dimension_semantics=("arbitrary",)),
    )(x1, st4, _row(bng0_gamma), _row(bng0_beta),
      sage1_Ws, jnp.pad(sage1_Wn, ((0, 0), (0, 112))), _row(sage1_b))

    agg1 = _sc_agg_pad(src1, dst1, y2p, zeros_row)

    out = pl.pallas_call(
        _k6_body,
        grid=(GRID,),
        in_specs=[
            pl.BlockSpec((BR, 16), lambda i: (i, 0)),
            pl.BlockSpec((2, BR, 128), lambda i: (0, i, 0)),
            pl.BlockSpec((1, BR, 128), lambda i: (1, i, 0)),
        ],
        out_specs=pl.BlockSpec((BR, 16), lambda i: (i, 0)),
        out_shape=jax.ShapeDtypeStruct((N, 16), f32),
        compiler_params=pltpu.CompilerParams(
            dimension_semantics=("arbitrary",)),
    )(xs, agg1, degp)

    return out

# --- scband reference (transcript-rebuilt; emitter-appended) ---
"""Pipeline reference for scband-gsage-mme-35725537968697 (READ-ONLY COPY).

The authoritative reference and input builder live on the scoring server;
editing this copy changes nothing except your own understanding.
"""

import jax, jax.numpy as jnp
import numpy as np

N = 10000
E = 160000

def _mk_shapes():
    shapes = {}
    for m in ('0', '1'):
        shapes['enc_W1_' + m] = (512, 500)
        shapes['enc_b1_' + m] = (500,)
        shapes['bn1_gamma_' + m] = (500,)
        shapes['bn1_beta_' + m] = (500,)
        shapes['enc_W2_' + m] = (500, 256)
        shapes['enc_b2_' + m] = (256,)
        shapes['bn2_gamma_' + m] = (256,)
        shapes['bn2_beta_' + m] = (256,)
        shapes['dec_W_' + m] = (256, 256)
        shapes['dec_b_' + m] = (256,)
    shapes['sage0_Ws'] = (256, 256)
    shapes['sage0_Wn'] = (256, 256)
    shapes['sage0_b'] = (256,)
    shapes['bng0_gamma'] = (256,)
    shapes['bng0_beta'] = (256,)
    shapes['sage1_Ws'] = (256, 16)
    shapes['sage1_Wn'] = (256, 16)
    shapes['sage1_b'] = (16,)
    return shapes

SHAPES = _mk_shapes()
W_NAMES = list(SHAPES.keys())

def setup_inputs(seed=0):
    key = jax.random.key(seed)
    inp = {}
    inp['h'] = jax.random.normal(jax.random.fold_in(key, 0), (N, 1024), dtype=jnp.float32)
    inp['edge_index0'] = jax.random.randint(jax.random.fold_in(key, 1), (2, E), 0, N, dtype=jnp.int32)
    inp['edge_index1'] = jax.random.randint(jax.random.fold_in(key, 2), (2, E), 0, N, dtype=jnp.int32)
    for i, name in enumerate(W_NAMES):
        k = jax.random.fold_in(key, 100 + i)
        w = jax.random.normal(k, SHAPES[name], dtype=jnp.float32) * 0.05
        if 'gamma' in name:
            w = w + 1.0
        inp[name] = w
    return inp

def batchnorm(x, gamma, beta, eps=1e-05):
    # BatchNorm1d in training mode: batch statistics (biased variance)
    mu = jnp.mean(x, axis=0)
    var = jnp.var(x, axis=0)
    return gamma * (x - mu) * jax.lax.rsqrt(var + eps) + beta

def sage_mean(x, edge_index, Ws, Wn, b):
    # DGL SAGEConv with 'mean' aggregator: out = x @ W_self + mean_in_neigh(x) @ W_neigh + b
    src = edge_index[0]
    dst = edge_index[1]
    agg = jax.ops.segment_sum(x[src], dst, num_segments=N)
    deg = jax.ops.segment_sum(jnp.ones((src.shape[0],), jnp.float32), dst, num_segments=N)
    h_neigh = agg / jnp.maximum(deg, 1.0)[:, None]
    return x @ Ws + h_neigh @ Wn + b

def _forward(h, ei0, ei1, w):
    def enc(x, m):
        # Encoder: Linear->Dropout(identity at eval)->BN, twice, then decoder Linear
        e = batchnorm(x @ w['enc_W1_' + m] + w['enc_b1_' + m], w['bn1_gamma_' + m], w['bn1_beta_' + m])
        e = batchnorm(e @ w['enc_W2_' + m] + w['enc_b2_' + m], w['bn2_gamma_' + m], w['bn2_beta_' + m])
        return e @ w['dec_W_' + m] + w['dec_b_' + m]
    def impute(dec):
        # randn inputs contain no NaNs -> nan_rows all False -> reindex is identity;
        # keep the concat-with-median structure of the original code
        med = jnp.median(dec, axis=0)
        full = jnp.concatenate([dec, jnp.tile(med, (N, 1))], axis=0)
        return full[jnp.arange(N)]
    d0 = impute(enc(h[:, :512], '0'))
    d1 = impute(enc(h[:, 512:], '1'))
    hf = (d0 + d1) / 2.0
    x = sage_mean(hf, ei0, w['sage0_Ws'], w['sage0_Wn'], w['sage0_b'])
    x = jax.nn.relu(x)
    x = batchnorm(x, w['bng0_gamma'], w['bng0_beta'])
    x = sage_mean(x, ei1, w['sage1_Ws'], w['sage1_Wn'], w['sage1_b'])
    return x

def reference(h, edge_index0, edge_index1,
              enc_W1_0, enc_b1_0, bn1_gamma_0, bn1_beta_0,
              enc_W2_0, enc_b2_0, bn2_gamma_0, bn2_beta_0,
              dec_W_0, dec_b_0,
              enc_W1_1, enc_b1_1, bn1_gamma_1, bn1_beta_1,
              enc_W2_1, enc_b2_1, bn2_gamma_1, bn2_beta_1,
              dec_W_1, dec_b_1,
              sage0_Ws, sage0_Wn, sage0_b,
              bng0_gamma, bng0_beta,
              sage1_Ws, sage1_Wn, sage1_b):
    loc = locals()
    w = {n: loc[n] for n in W_NAMES}
    return _forward(h, edge_index0, edge_index1, w)

if __name__ == "__main__":
    import jax
    _d = setup_inputs()
    print(jax.jit(kernel)(*tuple(_d.values())))

</pallas_src>

<mosaic_0001>
#map = affine_map<(d0, d1) -> (0)>
#map1 = affine_map<(d0, d1) -> (0, 0)>
#map2 = affine_map<(d0, d1) -> (0, 0, 0)>
module attributes {stable_mosaic.version = 14 : i64} {
  func.func @body(%arg0: i32, %arg1: i32, %arg2: memref<160000xi32, #tpu.memory_space<hbm>>, %arg3: memref<160000xi32, #tpu.memory_space<hbm>>, %arg4: memref<10000x128xf32, #tpu.memory_space<hbm>>, %arg5: memref<128x128xf32, #tpu.memory_space<hbm>>, %arg6: memref<2x10240x128xf32, #tpu.memory_space<hbm>>, %arg7: memref<112xi32, #tpu.memory_space<vmem>>, %arg8: memref<112xi32, #tpu.memory_space<vmem>>, %arg9: memref<112xi32, #tpu.memory_space<vmem>>, %arg10: memref<112xi32, #tpu.memory_space<vmem>>, %arg11: memref<112xi32, #tpu.memory_space<vmem>>, %arg12: memref<112xi32, #tpu.memory_space<vmem>>, %arg13: memref<112x128xf32, #tpu.memory_space<vmem>>, %arg14: memref<112x128xf32, #tpu.memory_space<vmem>>, %arg15: memref<112x128xf32, #tpu.memory_space<vmem>>, %arg16: memref<10240x128xf32, #tpu.memory_space<vmem_shared>>, %arg17: memref<!tpu.dma_semaphore, #tpu.memory_space<semaphore_mem>>, %arg18: memref<!tpu.dma_semaphore, #tpu.memory_space<semaphore_mem>>, %arg19: memref<!tpu.dma_semaphore, #tpu.memory_space<semaphore_mem>>, %arg20: memref<!tpu.dma_semaphore, #tpu.memory_space<semaphore_mem>>, %arg21: memref<!tpu.dma_semaphore, #tpu.memory_space<semaphore_mem>>, %arg22: memref<!tpu.dma_semaphore, #tpu.memory_space<semaphore_mem>>) attributes {dimension_semantics = [#tpu.dimension_semantics<core_parallel>, #tpu.dimension_semantics<subcore_parallel>], iteration_bounds = array<i64: 2, 16>, scalar_prefetch = 0 : i64, scratch_operands = 16 : i64, tpu.core_type = #tpu.core_type<sc_vector_subcore>, window_params = [{transform_indices = #map}, {transform_indices = #map}, {transform_indices = #map1}, {transform_indices = #map1}, {transform_indices = #map2}]} {
    %mul3A = arith.constant 10000 : i32
    %mul3A_0 = arith.muli %arg0, %mul3A : i32
    %broadcast_in_dim3A = arith.constant 10000 : i32
    %broadcast_in_dim3A_1 = vector.broadcast %broadcast_in_dim3A : i32 to vector<16xi32>
    "tpu.region"() ({
      %run_scoped3A = tpu.sem_alloc : memref<!tpu.dma_semaphore, #tpu.memory_space<semaphore_mem>>
      %dma_start3A_53 = arith.constant 0 : i32
      %dma_start3A_54 = arith.constant 0 : i32
      %dma_start3A_55 = tpu.memref_slice %arg13[%dma_start3A_53, %dma_start3A_54] : memref<112x128xf32, #tpu.memory_space<vmem>> -> memref<80x128xf32, #tpu.memory_space<vmem>>
      %dma_start3A_56 = arith.constant 0 : i32
      %dma_start3A_57 = arith.constant 0 : i32
      %dma_start3A_58 = tpu.memref_slice %arg5[%dma_start3A_56, %dma_start3A_57] : memref<128x128xf32, #tpu.memory_space<hbm>> -> memref<80x128xf32, #tpu.memory_space<hbm>>
      %dma_start3A_59 = arith.constant 0 : i32
      %dma_start3A_60 = arith.constant 0 : i32
      %dma_start3A_61 = tpu.memref_slice %arg13[%dma_start3A_59, %dma_start3A_60] : memref<112x128xf32, #tpu.memory_space<vmem>> -> memref<80x128xf32, #tpu.memory_space<vmem>>
      %dma_start3A_62 = arith.constant 0 : i32
      %dma_start3A_63 = arith.constant 0 : i32
      %dma_start3A_64 = tpu.memref_slice %arg5[%dma_start3A_62, %dma_start3A_63] : memref<128x128xf32, #tpu.memory_space<hbm>> -> memref<80x128xf32, #tpu.memory_space<hbm>>
      tpu.enqueue_dma source(%dma_start3A_64 : memref<80x128xf32, #tpu.memory_space<hbm>>) target(%dma_start3A_61 : memref<80x128xf32, #tpu.memory_space<vmem>>) target_semaphore(%run_scoped3A : memref<!tpu.dma_semaphore, #tpu.memory_space<semaphore_mem>>)
      %dma_wait3A_65 = arith.constant 0 : i32
      %dma_wait3A_66 = arith.constant 0 : i32
      %dma_wait3A_67 = tpu.memref_slice %arg13[%dma_wait3A_65, %dma_wait3A_66] : memref<112x128xf32, #tpu.memory_space<vmem>> -> memref<80x128xf32, #tpu.memory_space<vmem>>
      %dma_wait3A_68 = arith.constant 0 : i32
      %dma_wait3A_69 = arith.constant 0 : i32
      %dma_wait3A_70 = tpu.memref_slice %arg5[%dma_wait3A_68, %dma_wait3A_69] : memref<128x128xf32, #tpu.memory_space<hbm>> -> memref<80x128xf32, #tpu.memory_space<hbm>>
      %dma_wait3A_71 = arith.constant 0 : i32
      %dma_wait3A_72 = arith.constant 0 : i32
      %dma_wait3A_73 = tpu.memref_slice %arg13[%dma_wait3A_71, %dma_wait3A_72] : memref<112x128xf32, #tpu.memory_space<vmem>> -> memref<80x128xf32, #tpu.memory_space<vmem>>
      %dma_wait3A_74 = arith.constant 0 : i32
      %dma_wait3A_75 = arith.constant 0 : i32
      %dma_wait3A_76 = tpu.memref_slice %arg5[%dma_wait3A_74, %dma_wait3A_75] : memref<128x128xf32, #tpu.memory_space<hbm>> -> memref<80x128xf32, #tpu.memory_space<hbm>>
      tpu.wait_dma2 semaphore(%run_scoped3A : memref<!tpu.dma_semaphore, #tpu.memory_space<semaphore_mem>>) src(%dma_wait3A_76 : memref<80x128xf32, #tpu.memory_space<hbm>>) dst(%dma_wait3A_73 : memref<80x128xf32, #tpu.memory_space<vmem>>)
      tpu.yield
    }) : () -> ()
    %scan3A = arith.constant 0 : i32
    %scan3A_2 = arith.constant 0 : i32
    %scan3A_3 = arith.constant 8 : i32
    %scan3A_4 = arith.addi %scan3A_2, %scan3A_3 : i32
    %scan3A_5 = arith.constant 1 : i32
    scf.for %scan3A_53 = %scan3A_2 to %scan3A_4 step %scan3A_5  : i32 {
      %mul3A_54 = arith.constant 640 : i32
      %mul3A_55 = arith.muli %arg1, %mul3A_54 : i32
      %mul3A_56 = arith.constant 80 : i32
      %mul3A_57 = arith.muli %scan3A_53, %mul3A_56 : i32
      %add3A_58 = arith.addi %mul3A_55, %mul3A_57 : i32
      "tpu.region"() ({
        %run_scoped3A = tpu.sem_alloc : memref<!tpu.dma_semaphore, #tpu.memory_space<semaphore_mem>>
        %dma_start3A_59 = arith.constant 0 : i32
        %dma_start3A_60 = arith.constant 0 : i32
        %dma_start3A_61 = tpu.memref_slice %arg13[%dma_start3A_59, %dma_start3A_60] : memref<112x128xf32, #tpu.memory_space<vmem>> -> memref<80x128xf32, #tpu.memory_space<vmem>>
        %dma_start3A_62 = arith.constant 0 : i32
        %dma_start3A_63 = tpu.memref_slice %arg16[%add3A_58, %dma_start3A_62] : memref<10240x128xf32, #tpu.memory_space<vmem_shared>> -> memref<80x128xf32, #tpu.memory_space<vmem_shared>>
        %dma_start3A_64 = arith.constant 0 : i32
        %dma_start3A_65 = tpu.memref_slice %arg16[%add3A_58, %dma_start3A_64] : memref<10240x128xf32, #tpu.memory_space<vmem_shared>> -> memref<80x128xf32, #tpu.memory_space<vmem_shared>>
        %dma_start3A_66 = arith.constant 0 : i32
        %dma_start3A_67 = arith.constant 0 : i32
        %dma_start3A_68 = tpu.memref_slice %arg13[%dma_start3A_66, %dma_start3A_67] : memref<112x128xf32, #tpu.memory_space<vmem>> -> memref<80x128xf32, #tpu.memory_space<vmem>>
        tpu.enqueue_dma source(%dma_start3A_68 : memref<80x128xf32, #tpu.memory_space<vmem>>) target(%dma_start3A_65 : memref<80x128xf32, #tpu.memory_space<vmem_shared>>) target_semaphore(%run_scoped3A : memref<!tpu.dma_semaphore, #tpu.memory_space<semaphore_mem>>)
        %dma_wait3A_69 = arith.constant 0 : i32
        %dma_wait3A_70 = arith.constant 0 : i32
        %dma_wait3A_71 = tpu.memref_slice %arg13[%dma_wait3A_69, %dma_wait3A_70] : memref<112x128xf32, #tpu.memory_space<vmem>> -> memref<80x128xf32, #tpu.memory_space<vmem>>
        %dma_wait3A_72 = arith.constant 0 : i32
        %dma_wait3A_73 = tpu.memref_slice %arg16[%add3A_58, %dma_wait3A_72] : memref<10240x128xf32, #tpu.memory_space<vmem_shared>> -> memref<80x128xf32, #tpu.memory_space<vmem_shared>>
        %dma_wait3A_74 = arith.constant 0 : i32
        %dma_wait3A_75 = tpu.memref_slice %arg16[%add3A_58, %dma_wait3A_74] : memref<10240x128xf32, #tpu.memory_space<vmem_shared>> -> memref<80x128xf32, #tpu.memory_space<vmem_shared>>
        %dma_wait3A_76 = arith.constant 0 : i32
        %dma_wait3A_77 = arith.constant 0 : i32
        %dma_wait3A_78 = tpu.memref_slice %arg13[%dma_wait3A_76, %dma_wait3A_77] : memref<112x128xf32, #tpu.memory_space<vmem>> -> memref<80x128xf32, #tpu.memory_space<vmem>>
        tpu.wait_dma2 semaphore(%run_scoped3A : memref<!tpu.dma_semaphore, #tpu.memory_space<semaphore_mem>>) src(%dma_wait3A_78 : memref<80x128xf32, #tpu.memory_space<vmem>>) dst(%dma_wait3A_75 : memref<80x128xf32, #tpu.memory_space<vmem_shared>>)
        tpu.yield
      }) : () -> ()
    }
    %scan3A_6 = arith.constant 8 : i32
    %barrier3A = arith.constant 0 : index
    tpu.barrier barrier_id(%barrier3A)
    %mul3A_7 = arith.constant 80000 : i32
    %mul3A_8 = arith.muli %arg0, %mul3A_7 : i32
    %mul3A_9 = arith.constant 5000 : i32
    %mul3A_10 = arith.muli %arg1, %mul3A_9 : i32
    %add3A = arith.addi %mul3A_8, %mul3A_10 : i32
    %min3A = arith.constant 0 : i32
    %min3A_11 = arith.constant 4888 : i32
    %min3A_12 = arith.minsi %min3A, %min3A_11 : i32
    %add3A_13 = arith.addi %add3A, %min3A_12 : i32
    "tpu.region"() ({
      %run_scoped3A = tpu.sem_alloc : memref<!tpu.dma_semaphore, #tpu.memory_space<semaphore_mem>>
      %dma_start3A_53 = tpu.memref_slice %arg2[%add3A_13] : memref<160000xi32, #tpu.memory_space<hbm>> -> memref<112xi32, #tpu.memory_space<hbm>>
      %dma_start3A_54 = tpu.memref_slice %arg2[%add3A_13] : memref<160000xi32, #tpu.memory_space<hbm>> -> memref<112xi32, #tpu.memory_space<hbm>>
      tpu.enqueue_dma source(%dma_start3A_54 : memref<112xi32, #tpu.memory_space<hbm>>) target(%arg7 : memref<112xi32, #tpu.memory_space<vmem>>) target_semaphore(%run_scoped3A : memref<!tpu.dma_semaphore, #tpu.memory_space<semaphore_mem>>)
      %dma_wait3A_55 = tpu.memref_slice %arg2[%add3A_13] : memref<160000xi32, #tpu.memory_space<hbm>> -> memref<112xi32, #tpu.memory_space<hbm>>
      %dma_wait3A_56 = tpu.memref_slice %arg2[%add3A_13] : memref<160000xi32, #tpu.memory_space<hbm>> -> memref<112xi32, #tpu.memory_space<hbm>>
      tpu.wait_dma2 semaphore(%run_scoped3A : memref<!tpu.dma_semaphore, #tpu.memory_space<semaphore_mem>>) src(%dma_wait3A_56 : memref<112xi32, #tpu.memory_space<hbm>>) dst(%arg7 : memref<112xi32, #tpu.memory_space<vmem>>)
      tpu.yield
    }) : () -> ()
    "tpu.region"() ({
      %run_scoped3A = tpu.sem_alloc : memref<!tpu.dma_semaphore, #tpu.memory_space<semaphore_mem>>
      %dma_start3A_53 = tpu.memref_slice %arg3[%add3A_13] : memref<160000xi32, #tpu.memory_space<hbm>> -> memref<112xi32, #tpu.memory_space<hbm>>
      %dma_start3A_54 = tpu.memref_slice %arg3[%add3A_13] : memref<160000xi32, #tpu.memory_space<hbm>> -> memref<112xi32, #tpu.memory_space<hbm>>
      tpu.enqueue_dma source(%dma_start3A_54 : memref<112xi32, #tpu.memory_space<hbm>>) target(%arg10 : memref<112xi32, #tpu.memory_space<vmem>>) target_semaphore(%run_scoped3A : memref<!tpu.dma_semaphore, #tpu.memory_space<semaphore_mem>>)
      %dma_wait3A_55 = tpu.memref_slice %arg3[%add3A_13] : memref<160000xi32, #tpu.memory_space<hbm>> -> memref<112xi32, #tpu.memory_space<hbm>>
      %dma_wait3A_56 = tpu.memref_slice %arg3[%add3A_13] : memref<160000xi32, #tpu.memory_space<hbm>> -> memref<112xi32, #tpu.memory_space<hbm>>
      tpu.wait_dma2 semaphore(%run_scoped3A : memref<!tpu.dma_semaphore, #tpu.memory_space<semaphore_mem>>) src(%dma_wait3A_56 : memref<112xi32, #tpu.memory_space<hbm>>) dst(%arg10 : memref<112xi32, #tpu.memory_space<vmem>>)
      tpu.yield
    }) : () -> ()
    %cond3A = arith.constant 0 : i32
    %dma_start3A = arith.constant 0 : i32
    %dma_start3A_14 = arith.constant 0 : i32
    %dma_start3A_15 = tpu.memref_slice %arg4[%dma_start3A, %dma_start3A_14] : memref<10000x128xf32, #tpu.memory_space<hbm>> -> memref<10000x128xf32, #tpu.memory_space<hbm>>
    tpu.enqueue_indirect_dma source(%dma_start3A_15 : memref<10000x128xf32, #tpu.memory_space<hbm>>) target(%arg13 : memref<112x128xf32, #tpu.memory_space<vmem>>) offsets(%arg7 : memref<112xi32, #tpu.memory_space<vmem>>) semaphore(%arg17 : memref<!tpu.dma_semaphore, #tpu.memory_space<semaphore_mem>>)
    %min3A_16 = arith.constant 112 : i32
    %min3A_17 = arith.constant 4888 : i32
    %min3A_18 = arith.minsi %min3A_16, %min3A_17 : i32
    %add3A_19 = arith.addi %add3A, %min3A_18 : i32
    "tpu.region"() ({
      %run_scoped3A = tpu.sem_alloc : memref<!tpu.dma_semaphore, #tpu.memory_space<semaphore_mem>>
      %dma_start3A_53 = tpu.memref_slice %arg2[%add3A_19] : memref<160000xi32, #tpu.memory_space<hbm>> -> memref<112xi32, #tpu.memory_space<hbm>>
      %dma_start3A_54 = tpu.memref_slice %arg2[%add3A_19] : memref<160000xi32, #tpu.memory_space<hbm>> -> memref<112xi32, #tpu.memory_space<hbm>>
      tpu.enqueue_dma source(%dma_start3A_54 : memref<112xi32, #tpu.memory_space<hbm>>) target(%arg8 : memref<112xi32, #tpu.memory_space<vmem>>) target_semaphore(%run_scoped3A : memref<!tpu.dma_semaphore, #tpu.memory_space<semaphore_mem>>)
      %dma_wait3A_55 = tpu.memref_slice %arg2[%add3A_19] : memref<160000xi32, #tpu.memory_space<hbm>> -> memref<112xi32, #tpu.memory_space<hbm>>
      %dma_wait3A_56 = tpu.memref_slice %arg2[%add3A_19] : memref<160000xi32, #tpu.memory_space<hbm>> -> memref<112xi32, #tpu.memory_space<hbm>>
      tpu.wait_dma2 semaphore(%run_scoped3A : memref<!tpu.dma_semaphore, #tpu.memory_space<semaphore_mem>>) src(%dma_wait3A_56 : memref<112xi32, #tpu.memory_space<hbm>>) dst(%arg8 : memref<112xi32, #tpu.memory_space<vmem>>)
      tpu.yield
    }) : () -> ()
    "tpu.region"() ({
      %run_scoped3A = tpu.sem_alloc : memref<!tpu.dma_semaphore, #tpu.memory_space<semaphore_mem>>
      %dma_start3A_53 = tpu.memref_slice %arg3[%add3A_19] : memref<160000xi32, #tpu.memory_space<hbm>> -> memref<112xi32, #tpu.memory_space<hbm>>
      %dma_start3A_54 = tpu.memref_slice %arg3[%add3A_19] : memref<160000xi32, #tpu.memory_space<hbm>> -> memref<112xi32, #tpu.memory_space<hbm>>
      tpu.enqueue_dma source(%dma_start3A_54 : memref<112xi32, #tpu.memory_space<hbm>>) target(%arg11 : memref<112xi32, #tpu.memory_space<vmem>>) target_semaphore(%run_scoped3A : memref<!tpu.dma_semaphore, #tpu.memory_space<semaphore_mem>>)
      %dma_wait3A_55 = tpu.memref_slice %arg3[%add3A_19] : memref<160000xi32, #tpu.memory_space<hbm>> -> memref<112xi32, #tpu.memory_space<hbm>>
      %dma_wait3A_56 = tpu.memref_slice %arg3[%add3A_19] : memref<160000xi32, #tpu.memory_space<hbm>> -> memref<112xi32, #tpu.memory_space<hbm>>
      tpu.wait_dma2 semaphore(%run_scoped3A : memref<!tpu.dma_semaphore, #tpu.memory_space<semaphore_mem>>) src(%dma_wait3A_56 : memref<112xi32, #tpu.memory_space<hbm>>) dst(%arg11 : memref<112xi32, #tpu.memory_space<vmem>>)
      tpu.yield
    }) : () -> ()
    %cond3A_20 = arith.constant 0 : i32
    %dma_start3A_21 = arith.constant 0 : i32
    %dma_start3A_22 = arith.constant 0 : i32
    %dma_start3A_23 = tpu.memref_slice %arg4[%dma_start3A_21, %dma_start3A_22] : memref<10000x128xf32, #tpu.memory_space<hbm>> -> memref<10000x128xf32, #tpu.memory_space<hbm>>
    tpu.enqueue_indirect_dma source(%dma_start3A_23 : memref<10000x128xf32, #tpu.memory_space<hbm>>) target(%arg14 : memref<112x128xf32, #tpu.memory_space<vmem>>) offsets(%arg8 : memref<112xi32, #tpu.memory_space<vmem>>) semaphore(%arg18 : memref<!tpu.dma_semaphore, #tpu.memory_space<semaphore_mem>>)
    %min3A_24 = arith.constant 224 : i32
    %min3A_25 = arith.constant 4888 : i32
    %min3A_26 = arith.minsi %min3A_24, %min3A_25 : i32
    %add3A_27 = arith.addi %add3A, %min3A_26 : i32
    "tpu.region"() ({
      %run_scoped3A = tpu.sem_alloc : memref<!tpu.dma_semaphore, #tpu.memory_space<semaphore_mem>>
      %dma_start3A_53 = tpu.memref_slice %arg2[%add3A_27] : memref<160000xi32, #tpu.memory_space<hbm>> -> memref<112xi32, #tpu.memory_space<hbm>>
      %dma_start3A_54 = tpu.memref_slice %arg2[%add3A_27] : memref<160000xi32, #tpu.memory_space<hbm>> -> memref<112xi32, #tpu.memory_space<hbm>>
      tpu.enqueue_dma source(%dma_start3A_54 : memref<112xi32, #tpu.memory_space<hbm>>) target(%arg9 : memref<112xi32, #tpu.memory_space<vmem>>) target_semaphore(%run_scoped3A : memref<!tpu.dma_semaphore, #tpu.memory_space<semaphore_mem>>)
      %dma_wait3A_55 = tpu.memref_slice %arg2[%add3A_27] : memref<160000xi32, #tpu.memory_space<hbm>> -> memref<112xi32, #tpu.memory_space<hbm>>
      %dma_wait3A_56 = tpu.memref_slice %arg2[%add3A_27] : memref<160000xi32, #tpu.memory_space<hbm>> -> memref<112xi32, #tpu.memory_space<hbm>>
      tpu.wait_dma2 semaphore(%run_scoped3A : memref<!tpu.dma_semaphore, #tpu.memory_space<semaphore_mem>>) src(%dma_wait3A_56 : memref<112xi32, #tpu.memory_space<hbm>>) dst(%arg9 : memref<112xi32, #tpu.memory_space<vmem>>)
      tpu.yield
    }) : () -> ()
    "tpu.region"() ({
      %run_scoped3A = tpu.sem_alloc : memref<!tpu.dma_semaphore, #tpu.memory_space<semaphore_mem>>
      %dma_start3A_53 = tpu.memref_slice %arg3[%add3A_27] : memref<160000xi32, #tpu.memory_space<hbm>> -> memref<112xi32, #tpu.memory_space<hbm>>
      %dma_start3A_54 = tpu.memref_slice %arg3[%add3A_27] : memref<160000xi32, #tpu.memory_space<hbm>> -> memref<112xi32, #tpu.memory_space<hbm>>
      tpu.enqueue_dma source(%dma_start3A_54 : memref<112xi32, #tpu.memory_space<hbm>>) target(%arg12 : memref<112xi32, #tpu.memory_space<vmem>>) target_semaphore(%run_scoped3A : memref<!tpu.dma_semaphore, #tpu.memory_space<semaphore_mem>>)
      %dma_wait3A_55 = tpu.memref_slice %arg3[%add3A_27] : memref<160000xi32, #tpu.memory_space<hbm>> -> memref<112xi32, #tpu.memory_space<hbm>>
      %dma_wait3A_56 = tpu.memref_slice %arg3[%add3A_27] : memref<160000xi32, #tpu.memory_space<hbm>> -> memref<112xi32, #tpu.memory_space<hbm>>
      tpu.wait_dma2 semaphore(%run_scoped3A : memref<!tpu.dma_semaphore, #tpu.memory_space<semaphore_mem>>) src(%dma_wait3A_56 : memref<112xi32, #tpu.memory_space<hbm>>) dst(%arg12 : memref<112xi32, #tpu.memory_space<vmem>>)
      tpu.yield
    }) : () -> ()
    %cond3A_28 = arith.constant 0 : i32
    %dma_start3A_29 = arith.constant 0 : i32
    %dma_start3A_30 = arith.constant 0 : i32
    %dma_start3A_31 = tpu.memref_slice %arg4[%dma_start3A_29, %dma_start3A_30] : memref<10000x128xf32, #tpu.memory_space<hbm>> -> memref<10000x128xf32, #tpu.memory_space<hbm>>
    tpu.enqueue_indirect_dma source(%dma_start3A_31 : memref<10000x128xf32, #tpu.memory_space<hbm>>) target(%arg15 : memref<112x128xf32, #tpu.memory_space<vmem>>) offsets(%arg9 : memref<112xi32, #tpu.memory_space<vmem>>) semaphore(%arg19 : memref<!tpu.dma_semaphore, #tpu.memory_space<semaphore_mem>>)
    %scan3A_32 = arith.constant 0 : i32
    %scan3A_33 = arith.constant 0 : i32
    %scan3A_34 = arith.constant 15 : i32
    %scan3A_35 = arith.addi %scan3A_33, %scan3A_34 : i32
    %scan3A_36 = arith.constant 1 : i32
    scf.for %scan3A_53 = %scan3A_33 to %scan3A_35 step %scan3A_36  : i32 {
      %mul3A_54 = arith.constant 3 : i32
      %mul3A_55 = arith.muli %mul3A_54, %scan3A_53 : i32
      %add3A_56 = arith.constant 0 : i32
      %add3A_57 = arith.addi %mul3A_55, %add3A_56 : i32
      %lt3A = arith.constant 45 : i32
      %lt3A_58 = arith.cmpi slt, %add3A_57, %lt3A : i32
      %convert_element_type3A = arith.extui %lt3A_58 : i1 to i32
      %cond3A_59 = arith.constant 0 : i32
      %cond3A_60 = arith.cmpi ne, %convert_element_type3A, %cond3A_59 : i32
      scf.if %cond3A_60 {
        %dma_wait3A_112 = arith.constant 0 : i32
        %dma_wait3A_113 = arith.constant 0 : i32
        %dma_wait3A_114 = tpu.memref_slice %arg4[%dma_wait3A_112, %dma_wait3A_113] : memref<10000x128xf32, #tpu.memory_space<hbm>> -> memref<10000x128xf32, #tpu.memory_space<hbm>>
        tpu.wait_indirect_dma semaphore(%arg17 : memref<!tpu.dma_semaphore, #tpu.memory_space<semaphore_mem>>) src(%dma_wait3A_114 : memref<10000x128xf32, #tpu.memory_space<hbm>>) dst(%arg13 : memref<112x128xf32, #tpu.memory_space<vmem>>)
        %dma_start3A_115 = arith.constant 0 : i32
        %dma_start3A_116 = arith.constant 0 : i32
        %dma_start3A_117 = tpu.memref_slice %arg16[%dma_start3A_115, %dma_start3A_116] : memref<10240x128xf32, #tpu.memory_space<vmem_shared>> -> memref<10240x128xf32, #tpu.memory_space<vmem_shared>>
        tpu.enqueue_indirect_dma source(%arg13 : memref<112x128xf32, #tpu.memory_space<vmem>>) target(%dma_start3A_117 : memref<10240x128xf32, #tpu.memory_space<vmem_shared>>) offsets(%arg10 : memref<112xi32, #tpu.memory_space<vmem>>) semaphore(%arg20 : memref<!tpu.dma_semaphore, #tpu.memory_space<semaphore_mem>>) {add = true}
      } else {
      }
      %mul3A_61 = arith.constant 3 : i32
      %mul3A_62 = arith.muli %mul3A_61, %scan3A_53 : i32
      %add3A_63 = arith.constant 1 : i32
      %add3A_64 = arith.addi %mul3A_62, %add3A_63 : i32
      %lt3A_65 = arith.constant 45 : i32
      %lt3A_66 = arith.cmpi slt, %add3A_64, %lt3A_65 : i32
      %convert_element_type3A_67 = arith.extui %lt3A_66 : i1 to i32
      %cond3A_68 = arith.constant 0 : i32
      %cond3A_69 = arith.cmpi ne, %convert_element_type3A_67, %cond3A_68 : i32
      scf.if %cond3A_69 {
        %dma_wait3A_112 = arith.constant 0 : i32
        %dma_wait3A_113 = arith.constant 0 : i32
        %dma_wait3A_114 = tpu.memref_slice %arg4[%dma_wait3A_112, %dma_wait3A_113] : memref<10000x128xf32, #tpu.memory_space<hbm>> -> memref<10000x128xf32, #tpu.memory_space<hbm>>
        tpu.wait_indirect_dma semaphore(%arg18 : memref<!tpu.dma_semaphore, #tpu.memory_space<semaphore_mem>>) src(%dma_wait3A_114 : memref<10000x128xf32, #tpu.memory_space<hbm>>) dst(%arg14 : memref<112x128xf32, #tpu.memory_space<vmem>>)
        %dma_start3A_115 = arith.constant 0 : i32
        %dma_start3A_116 = arith.constant 0 : i32
        %dma_start3A_117 = tpu.memref_slice %arg16[%dma_start3A_115, %dma_start3A_116] : memref<10240x128xf32, #tpu.memory_space<vmem_shared>> -> memref<10240x128xf32, #tpu.memory_space<vmem_shared>>
        tpu.enqueue_indirect_dma source(%arg14 : memref<112x128xf32, #tpu.memory_space<vmem>>) target(%dma_start3A_117 : memref<10240x128xf32, #tpu.memory_space<vmem_shared>>) offsets(%arg11 : memref<112xi32, #tpu.memory_space<vmem>>) semaphore(%arg21 : memref<!tpu.dma_semaphore, #tpu.memory_space<semaphore_mem>>) {add = true}
      } else {
      }
      %mul3A_70 = arith.constant 3 : i32
      %mul3A_71 = arith.muli %mul3A_70, %scan3A_53 : i32
      %add3A_72 = arith.constant 2 : i32
      %add3A_73 = arith.addi %mul3A_71, %add3A_72 : i32
      %lt3A_74 = arith.constant 45 : i32
      %lt3A_75 = arith.cmpi slt, %add3A_73, %lt3A_74 : i32
      %convert_element_type3A_76 = arith.extui %lt3A_75 : i1 to i32
      %cond3A_77 = arith.constant 0 : i32
      %cond3A_78 = arith.cmpi ne, %convert_element_type3A_76, %cond3A_77 : i32
      scf.if %cond3A_78 {
        %dma_wait3A_112 = arith.constant 0 : i32
        %dma_wait3A_113 = arith.constant 0 : i32
        %dma_wait3A_114 = tpu.memref_slice %arg4[%dma_wait3A_112, %dma_wait3A_113] : memref<10000x128xf32, #tpu.memory_space<hbm>> -> memref<10000x128xf32, #tpu.memory_space<hbm>>
        tpu.wait_indirect_dma semaphore(%arg19 : memref<!tpu.dma_semaphore, #tpu.memory_space<semaphore_mem>>) src(%dma_wait3A_114 : memref<10000x128xf32, #tpu.memory_space<hbm>>) dst(%arg15 : memref<112x128xf32, #tpu.memory_space<vmem>>)
        %dma_start3A_115 = arith.constant 0 : i32
        %dma_start3A_116 = arith.constant 0 : i32
        %dma_start3A_117 = tpu.memref_slice %arg16[%dma_start3A_115, %dma_start3A_116] : memref<10240x128xf32, #tpu.memory_space<vmem_shared>> -> memref<10240x128xf32, #tpu.memory_space<vmem_shared>>
        tpu.enqueue_indirect_dma source(%arg15 : memref<112x128xf32, #tpu.memory_space<vmem>>) target(%dma_start3A_117 : memref<10240x128xf32, #tpu.memory_space<vmem_shared>>) offsets(%arg12 : memref<112xi32, #tpu.memory_space<vmem>>) semaphore(%arg22 : memref<!tpu.dma_semaphore, #tpu.memory_space<semaphore_mem>>) {add = true}
      } else {
      }
      %mul3A_79 = arith.constant 3 : i32
      %mul3A_80 = arith.muli %mul3A_79, %scan3A_53 : i32
      %add3A_81 = arith.constant 3 : i32
      %add3A_82 = arith.addi %mul3A_80, %add3A_81 : i32
      %add3A_83 = arith.constant 0 : i32
      %add3A_84 = arith.addi %add3A_82, %add3A_83 : i32
      %lt3A_85 = arith.constant 45 : i32
      %lt3A_86 = arith.cmpi slt, %add3A_84, %lt3A_85 : i32
      %convert_element_type3A_87 = arith.extui %lt3A_86 : i1 to i32
      %cond3A_88 = arith.constant 0 : i32
      %cond3A_89 = arith.cmpi ne, %convert_element_type3A_87, %cond3A_88 : i32
      scf.if %cond3A_89 {
        %dma_wait3A_112 = arith.constant 0 : i32
        %dma_wait3A_113 = arith.constant 0 : i32
        %dma_wait3A_114 = tpu.memref_slice %arg16[%dma_wait3A_112, %dma_wait3A_113] : memref<10240x128xf32, #tpu.memory_space<vmem_shared>> -> memref<10240x128xf32, #tpu.memory_space<vmem_shared>>
        tpu.wait_indirect_dma semaphore(%arg20 : memref<!tpu.dma_semaphore, #tpu.memory_space<semaphore_mem>>) src(%arg13 : memref<112x128xf32, #tpu.memory_space<vmem>>) dst(%dma_wait3A_114 : memref<10240x128xf32, #tpu.memory_space<vmem_shared>>)
        %mul3A_115 = arith.constant 112 : i32
        %mul3A_116 = arith.muli %add3A_84, %mul3A_115 : i32
        %min3A_117 = arith.constant 4888 : i32
        %min3A_118 = arith.minsi %mul3A_116, %min3A_117 : i32
        %add3A_119 = arith.addi %add3A, %min3A_118 : i32
        "tpu.region"() ({
          %run_scoped3A = tpu.sem_alloc : memref<!tpu.dma_semaphore, #tpu.memory_space<semaphore_mem>>
          %dma_start3A_127 = tpu.memref_slice %arg2[%add3A_119] : memref<160000xi32, #tpu.memory_space<hbm>> -> memref<112xi32, #tpu.memory_space<hbm>>
          %dma_start3A_128 = tpu.memref_slice %arg2[%add3A_119] : memref<160000xi32, #tpu.memory_space<hbm>> -> memref<112xi32, #tpu.memory_space<hbm>>
          tpu.enqueue_dma source(%dma_start3A_128 : memref<112xi32, #tpu.memory_space<hbm>>) target(%arg7 : memref<112xi32, #tpu.memory_space<vmem>>) target_semaphore(%run_scoped3A : memref<!tpu.dma_semaphore, #tpu.memory_space<semaphore_mem>>)
          %dma_wait3A_129 = tpu.memref_slice %arg2[%add3A_119] : memref<160000xi32, #tpu.memory_space<hbm>> -> memref<112xi32, #tpu.memory_space<hbm>>
          %dma_wait3A_130 = tpu.memref_slice %arg2[%add3A_119] : memref<160000xi32, #tpu.memory_space<hbm>> -> memref<112xi32, #tpu.memory_space<hbm>>
          tpu.wait_dma2 semaphore(%run_scoped3A : memref<!tpu.dma_semaphore, #tpu.memory_space<semaphore_mem>>) src(%dma_wait3A_130 : memref<112xi32, #tpu.memory_space<hbm>>) dst(%arg7 : memref<112xi32, #tpu.memory_space<vmem>>)
          tpu.yield
        }) : () -> ()
        "tpu.region"() ({
          %run_scoped3A = tpu.sem_alloc : memref<!tpu.dma_semaphore, #tpu.memory_space<semaphore_mem>>
          %dma_start3A_127 = tpu.memref_slice %arg3[%add3A_119] : memref<160000xi32, #tpu.memory_space<hbm>> -> memref<112xi32, #tpu.memory_space<hbm>>
          %dma_start3A_128 = tpu.memref_slice %arg3[%add3A_119] : memref<160000xi32, #tpu.memory_space<hbm>> -> memref<112xi32, #tpu.memory_space<hbm>>
          tpu.enqueue_dma source(%dma_start3A_128 : memref<112xi32, #tpu.memory_space<hbm>>) target(%arg10 : memref<112xi32, #tpu.memory_space<vmem>>) target_semaphore(%run_scoped3A : memref<!tpu.dma_semaphore, #tpu.memory_space<semaphore_mem>>)
          %dma_wait3A_129 = tpu.memref_slice %arg3[%add3A_119] : memref<160000xi32, #tpu.memory_space<hbm>> -> memref<112xi32, #tpu.memory_space<hbm>>
          %dma_wait3A_130 = tpu.memref_slice %arg3[%add3A_119] : memref<160000xi32, #tpu.memory_space<hbm>> -> memref<112xi32, #tpu.memory_space<hbm>>
          tpu.wait_dma2 semaphore(%run_scoped3A : memref<!tpu.dma_semaphore, #tpu.memory_space<semaphore_mem>>) src(%dma_wait3A_130 : memref<112xi32, #tpu.memory_space<hbm>>) dst(%arg10 : memref<112xi32, #tpu.memory_space<vmem>>)
          tpu.yield
        }) : () -> ()
        %eq3A = arith.constant 44 : i32
        %eq3A_120 = arith.cmpi eq, %add3A_84, %eq3A : i32
        %convert_element_type3A_121 = arith.extui %eq3A_120 : i1 to i32
        %cond3A_122 = arith.constant 0 : i32
        %cond3A_123 = arith.cmpi ne, %convert_element_type3A_121, %cond3A_122 : i32
        scf.if %cond3A_123 {
          %swap3A = arith.constant 0 : index
          %swap3A_127 = tpu.vector_load %arg10[%swap3A] {strides = array<i32>} : memref<112xi32, #tpu.memory_space<vmem>>, vector<16xi32>,
          %swap3A_128 = vector.shape_cast %swap3A_127 : vector<16xi32> to vector<16xi32>
          %swap3A_129 = vector.shape_cast %broadcast_in_dim3A_1 : vector<16xi32> to vector<16xi32>
          tpu.vector_store %arg10[%swap3A], %swap3A_129 {strides = array<i32>} : memref<112xi32, #tpu.memory_space<vmem>>, vector<16xi32>,
          %swap3A_130 = arith.constant 16 : index
          %swap3A_131 = tpu.vector_load %arg10[%swap3A_130] {strides = array<i32>} : memref<112xi32, #tpu.memory_space<vmem>>, vector<16xi32>,
          %swap3A_132 = vector.shape_cast %swap3A_131 : vector<16xi32> to vector<16xi32>
          %swap3A_133 = vector.shape_cast %broadcast_in_dim3A_1 : vector<16xi32> to vector<16xi32>
          tpu.vector_store %arg10[%swap3A_130], %swap3A_133 {strides = array<i32>} : memref<112xi32, #tpu.memory_space<vmem>>, vector<16xi32>,
          %get3A = arith.constant 32 : index
          %get3A_134 = tpu.vector_load %arg10[%get3A] {strides = array<i32>} : memref<112xi32, #tpu.memory_space<vmem>>, vector<16xi32>,
          %get3A_135 = vector.shape_cast %get3A_134 : vector<16xi32> to vector<16xi32>
          %iota3A = tpu.iota {dimensions = array<i32: 0>} : vector<16xi32>
          %ge3A = arith.constant 8 : i32
          %ge3A_136 = vector.broadcast %ge3A : i32 to vector<16xi32>
          %ge3A_137 = arith.cmpi sge, %iota3A, %ge3A_136 : vector<16xi32>
          %jit3A = arith.constant 10000 : i32
          %broadcast_in_dim3A_138 = vector.broadcast %jit3A : i32 to vector<16xi32>
          %select_n3A = arith.select %ge3A_137, %get3A_135, %broadcast_in_dim3A_138 : vector<16xi1>, vector<16xi32>
          %swap3A_139 = arith.constant 32 : index
          %swap3A_140 = tpu.vector_load %arg10[%swap3A_139] {strides = array<i32>} : memref<112xi32, #tpu.memory_space<vmem>>, vector<16xi32>,
          %swap3A_141 = vector.shape_cast %swap3A_140 : vector<16xi32> to vector<16xi32>
          %swap3A_142 = vector.shape_cast %select_n3A : vector<16xi32> to vector<16xi32>
          tpu.vector_store %arg10[%swap3A_139], %swap3A_142 {strides = array<i32>} : memref<112xi32, #tpu.memory_space<vmem>>, vector<16xi32>,
        } else {
        }
        %dma_start3A_124 = arith.constant 0 : i32
        %dma_start3A_125 = arith.constant 0 : i32
        %dma_start3A_126 = tpu.memref_slice %arg4[%dma_start3A_124, %dma_start3A_125] : memref<10000x128xf32, #tpu.memory_space<hbm>> -> memref<10000x128xf32, #tpu.memory_space<hbm>>
        tpu.enqueue_indirect_dma source(%dma_start3A_126 : memref<10000x128xf32, #tpu.memory_space<hbm>>) target(%arg13 : memref<112x128xf32, #tpu.memory_space<vmem>>) offsets(%arg7 : memref<112xi32, #tpu.memory_space<vmem>>) semaphore(%arg17 : memref<!tpu.dma_semaphore, #tpu.memory_space<semaphore_mem>>)
      } else {
      }
      %mul3A_90 = arith.constant 3 : i32
      %mul3A_91 = arith.muli %mul3A_90, %scan3A_53 : i32
      %add3A_92 = arith.constant 3 : i32
      %add3A_93 = arith.addi %mul3A_91, %add3A_92 : i32
      %add3A_94 = arith.constant 1 : i32
      %add3A_95 = arith.addi %add3A_93, %add3A_94 : i32
      %lt3A_96 = arith.constant 45 : i32
      %lt3A_97 = arith.cmpi slt, %add3A_95, %lt3A_96 : i32
      %convert_element_type3A_98 = arith.extui %lt3A_97 : i1 to i32
      %cond3A_99 = arith.constant 0 : i32
      %cond3A_100 = arith.cmpi ne, %convert_element_type3A_98, %cond3A_99 : i32
      scf.if %cond3A_100 {
        %dma_wait3A_112 = arith.constant 0 : i32
        %dma_wait3A_113 = arith.constant 0 : i32
        %dma_wait3A_114 = tpu.memref_slice %arg16[%dma_wait3A_112, %dma_wait3A_113] : memref<10240x128xf32, #tpu.memory_space<vmem_shared>> -> memref<10240x128xf32, #tpu.memory_space<vmem_shared>>
        tpu.wait_indirect_dma semaphore(%arg21 : memref<!tpu.dma_semaphore, #tpu.memory_space<semaphore_mem>>) src(%arg14 : memref<112x128xf32, #tpu.memory_space<vmem>>) dst(%dma_wait3A_114 : memref<10240x128xf32, #tpu.memory_space<vmem_shared>>)
        %mul3A_115 = arith.constant 112 : i32
        %mul3A_116 = arith.muli %add3A_95, %mul3A_115 : i32
        %min3A_117 = arith.constant 4888 : i32
        %min3A_118 = arith.minsi %mul3A_116, %min3A_117 : i32
        %add3A_119 = arith.addi %add3A, %min3A_118 : i32
        "tpu.region"() ({
          %run_scoped3A = tpu.sem_alloc : memref<!tpu.dma_semaphore, #tpu.memory_space<semaphore_mem>>
          %dma_start3A_127 = tpu.memref_slice %arg2[%add3A_119] : memref<160000xi32, #tpu.memory_space<hbm>> -> memref<112xi32, #tpu.memory_space<hbm>>
          %dma_start3A_128 = tpu.memref_slice %arg2[%add3A_119] : memref<160000xi32, #tpu.memory_space<hbm>> -> memref<112xi32, #tpu.memory_space<hbm>>
          tpu.enqueue_dma source(%dma_start3A_128 : memref<112xi32, #tpu.memory_space<hbm>>) target(%arg8 : memref<112xi32, #tpu.memory_space<vmem>>) target_semaphore(%run_scoped3A : memref<!tpu.dma_semaphore, #tpu.memory_space<semaphore_mem>>)
          %dma_wait3A_129 = tpu.memref_slice %arg2[%add3A_119] : memref<160000xi32, #tpu.memory_space<hbm>> -> memref<112xi32, #tpu.memory_space<hbm>>
          %dma_wait3A_130 = tpu.memref_slice %arg2[%add3A_119] : memref<160000xi32, #tpu.memory_space<hbm>> -> memref<112xi32, #tpu.memory_space<hbm>>
          tpu.wait_dma2 semaphore(%run_scoped3A : memref<!tpu.dma_semaphore, #tpu.memory_space<semaphore_mem>>) src(%dma_wait3A_130 : memref<112xi32, #tpu.memory_space<hbm>>) dst(%arg8 : memref<112xi32, #tpu.memory_space<vmem>>)
          tpu.yield
        }) : () -> ()
        "tpu.region"() ({
          %run_scoped3A = tpu.sem_alloc : memref<!tpu.dma_semaphore, #tpu.memory_space<semaphore_mem>>
          %dma_start3A_127 = tpu.memref_slice %arg3[%add3A_119] : memref<160000xi32, #tpu.memory_space<hbm>> -> memref<112xi32, #tpu.memory_space<hbm>>
          %dma_start3A_128 = tpu.memref_slice %arg3[%add3A_119] : memref<160000xi32, #tpu.memory_space<hbm>> -> memref<112xi32, #tpu.memory_space<hbm>>
          tpu.enqueue_dma source(%dma_start3A_128 : memref<112xi32, #tpu.memory_space<hbm>>) target(%arg11 : memref<112xi32, #tpu.memory_space<vmem>>) target_semaphore(%run_scoped3A : memref<!tpu.dma_semaphore, #tpu.memory_space<semaphore_mem>>)
          %dma_wait3A_129 = tpu.memref_slice %arg3[%add3A_119] : memref<160000xi32, #tpu.memory_space<hbm>> -> memref<112xi32, #tpu.memory_space<hbm>>
          %dma_wait3A_130 = tpu.memref_slice %arg3[%add3A_119] : memref<160000xi32, #tpu.memory_space<hbm>> -> memref<112xi32, #tpu.memory_space<hbm>>
          tpu.wait_dma2 semaphore(%run_scoped3A : memref<!tpu.dma_semaphore, #tpu.memory_space<semaphore_mem>>) src(%dma_wait3A_130 : memref<112xi32, #tpu.memory_space<hbm>>) dst(%arg11 : memref<112xi32, #tpu.memory_space<vmem>>)
          tpu.yield
        }) : () -> ()
        %eq3A = arith.constant 44 : i32
        %eq3A_120 = arith.cmpi eq, %add3A_95, %eq3A : i32
        %convert_element_type3A_121 = arith.extui %eq3A_120 : i1 to i32
        %cond3A_122 = arith.constant 0 : i32
        %cond3A_123 = arith.cmpi ne, %convert_element_type3A_121, %cond3A_122 : i32
        scf.if %cond3A_123 {
          %swap3A = arith.constant 0 : index
          %swap3A_127 = tpu.vector_load %arg11[%swap3A] {strides = array<i32>} : memref<112xi32, #tpu.memory_space<vmem>>, vector<16xi32>,
          %swap3A_128 = vector.shape_cast %swap3A_127 : vector<16xi32> to vector<16xi32>
          %swap3A_129 = vector.shape_cast %broadcast_in_dim3A_1 : vector<16xi32> to vector<16xi32>
          tpu.vector_store %arg11[%swap3A], %swap3A_129 {strides = array<i32>} : memref<112xi32, #tpu.memory_space<vmem>>, vector<16xi32>,
          %swap3A_130 = arith.constant 16 : index
          %swap3A_131 = tpu.vector_load %arg11[%swap3A_130] {strides = array<i32>} : memref<112xi32, #tpu.memory_space<vmem>>, vector<16xi32>,
          %swap3A_132 = vector.shape_cast %swap3A_131 : vector<16xi32> to vector<16xi32>
          %swap3A_133 = vector.shape_cast %broadcast_in_dim3A_1 : vector<16xi32> to vector<16xi32>
          tpu.vector_store %arg11[%swap3A_130], %swap3A_133 {strides = array<i32>} : memref<112xi32, #tpu.memory_space<vmem>>, vector<16xi32>,
          %get3A = arith.constant 32 : index
          %get3A_134 = tpu.vector_load %arg11[%get3A] {strides = array<i32>} : memref<112xi32, #tpu.memory_space<vmem>>, vector<16xi32>,
          %get3A_135 = vector.shape_cast %get3A_134 : vector<16xi32> to vector<16xi32>
          %iota3A = tpu.iota {dimensions = array<i32: 0>} : vector<16xi32>
          %ge3A = arith.constant 8 : i32
          %ge3A_136 = vector.broadcast %ge3A : i32 to vector<16xi32>
          %ge3A_137 = arith.cmpi sge, %iota3A, %ge3A_136 : vector<16xi32>
          %jit3A = arith.constant 10000 : i32
          %broadcast_in_dim3A_138 = vector.broadcast %jit3A : i32 to vector<16xi32>
          %select_n3A = arith.select %ge3A_137, %get3A_135, %broadcast_in_dim3A_138 : vector<16xi1>, vector<16xi32>
          %swap3A_139 = arith.constant 32 : index
          %swap3A_140 = tpu.vector_load %arg11[%swap3A_139] {strides = array<i32>} : memref<112xi32, #tpu.memory_space<vmem>>, vector<16xi32>,
          %swap3A_141 = vector.shape_cast %swap3A_140 : vector<16xi32> to vector<16xi32>
          %swap3A_142 = vector.shape_cast %select_n3A : vector<16xi32> to vector<16xi32>
          tpu.vector_store %arg11[%swap3A_139], %swap3A_142 {strides = array<i32>} : memref<112xi32, #tpu.memory_space<vmem>>, vector<16xi32>,
        } else {
        }
        %dma_start3A_124 = arith.constant 0 : i32
        %dma_start3A_125 = arith.constant 0 : i32
        %dma_start3A_126 = tpu.memref_slice %arg4[%dma_start3A_124, %dma_start3A_125] : memref<10000x128xf32, #tpu.memory_space<hbm>> -> memref<10000x128xf32, #tpu.memory_space<hbm>>
        tpu.enqueue_indirect_dma source(%dma_start3A_126 : memref<10000x128xf32, #tpu.memory_space<hbm>>) target(%arg14 : memref<112x128xf32, #tpu.memory_space<vmem>>) offsets(%arg8 : memref<112xi32, #tpu.memory_space<vmem>>) semaphore(%arg18 : memref<!tpu.dma_semaphore, #tpu.memory_space<semaphore_mem>>)
      } else {
      }
      %mul3A_101 = arith.constant 3 : i32
      %mul3A_102 = arith.muli %mul3A_101, %scan3A_53 : i32
      %add3A_103 = arith.constant 3 : i32
      %add3A_104 = arith.addi %mul3A_102, %add3A_103 : i32
      %add3A_105 = arith.constant 2 : i32
      %add3A_106 = arith.addi %add3A_104, %add3A_105 : i32
      %lt3A_107 = arith.constant 45 : i32
      %lt3A_108 = arith.cmpi slt, %add3A_106, %lt3A_107 : i32
      %convert_element_type3A_109 = arith.extui %lt3A_108 : i1 to i32
      %cond3A_110 = arith.constant 0 : i32
      %cond3A_111 = arith.cmpi ne, %convert_element_type3A_109, %cond3A_110 : i32
      scf.if %cond3A_111 {
        %dma_wait3A_112 = arith.constant 0 : i32
        %dma_wait3A_113 = arith.constant 0 : i32
        %dma_wait3A_114 = tpu.memref_slice %arg16[%dma_wait3A_112, %dma_wait3A_113] : memref<10240x128xf32, #tpu.memory_space<vmem_shared>> -> memref<10240x128xf32, #tpu.memory_space<vmem_shared>>
        tpu.wait_indirect_dma semaphore(%arg22 : memref<!tpu.dma_semaphore, #tpu.memory_space<semaphore_mem>>) src(%arg15 : memref<112x128xf32, #tpu.memory_space<vmem>>) dst(%dma_wait3A_114 : memref<10240x128xf32, #tpu.memory_space<vmem_shared>>)
        %mul3A_115 = arith.constant 112 : i32
        %mul3A_116 = arith.muli %add3A_106, %mul3A_115 : i32
        %min3A_117 = arith.constant 4888 : i32
        %min3A_118 = arith.minsi %mul3A_116, %min3A_117 : i32
        %add3A_119 = arith.addi %add3A, %min3A_118 : i32
        "tpu.region"() ({
          %run_scoped3A = tpu.sem_alloc : memref<!tpu.dma_semaphore, #tpu.memory_space<semaphore_mem>>
          %dma_start3A_127 = tpu.memref_slice %arg2[%add3A_119] : memref<160000xi32, #tpu.memory_space<hbm>> -> memref<112xi32, #tpu.memory_space<hbm>>
          %dma_start3A_128 = tpu.memref_slice %arg2[%add3A_119] : memref<160000xi32, #tpu.memory_space<hbm>> -> memref<112xi32, #tpu.memory_space<hbm>>
          tpu.enqueue_dma source(%dma_start3A_128 : memref<112xi32, #tpu.memory_space<hbm>>) target(%arg9 : memref<112xi32, #tpu.memory_space<vmem>>) target_semaphore(%run_scoped3A : memref<!tpu.dma_semaphore, #tpu.memory_space<semaphore_mem>>)
          %dma_wait3A_129 = tpu.memref_slice %arg2[%add3A_119] : memref<160000xi32, #tpu.memory_space<hbm>> -> memref<112xi32, #tpu.memory_space<hbm>>
          %dma_wait3A_130 = tpu.memref_slice %arg2[%add3A_119] : memref<160000xi32, #tpu.memory_space<hbm>> -> memref<112xi32, #tpu.memory_space<hbm>>
          tpu.wait_dma2 semaphore(%run_scoped3A : memref<!tpu.dma_semaphore, #tpu.memory_space<semaphore_mem>>) src(%dma_wait3A_130 : memref<112xi32, #tpu.memory_space<hbm>>) dst(%arg9 : memref<112xi32, #tpu.memory_space<vmem>>)
          tpu.yield
        }) : () -> ()
        "tpu.region"() ({
          %run_scoped3A = tpu.sem_alloc : memref<!tpu.dma_semaphore, #tpu.memory_space<semaphore_mem>>
          %dma_start3A_127 = tpu.memref_slice %arg3[%add3A_119] : memref<160000xi32, #tpu.memory_space<hbm>> -> memref<112xi32, #tpu.memory_space<hbm>>
          %dma_start3A_128 = tpu.memref_slice %arg3[%add3A_119] : memref<160000xi32, #tpu.memory_space<hbm>> -> memref<112xi32, #tpu.memory_space<hbm>>
          tpu.enqueue_dma source(%dma_start3A_128 : memref<112xi32, #tpu.memory_space<hbm>>) target(%arg12 : memref<112xi32, #tpu.memory_space<vmem>>) target_semaphore(%run_scoped3A : memref<!tpu.dma_semaphore, #tpu.memory_space<semaphore_mem>>)
          %dma_wait3A_129 = tpu.memref_slice %arg3[%add3A_119] : memref<160000xi32, #tpu.memory_space<hbm>> -> memref<112xi32, #tpu.memory_space<hbm>>
          %dma_wait3A_130 = tpu.memref_slice %arg3[%add3A_119] : memref<160000xi32, #tpu.memory_space<hbm>> -> memref<112xi32, #tpu.memory_space<hbm>>
          tpu.wait_dma2 semaphore(%run_scoped3A : memref<!tpu.dma_semaphore, #tpu.memory_space<semaphore_mem>>) src(%dma_wait3A_130 : memref<112xi32, #tpu.memory_space<hbm>>) dst(%arg12 : memref<112xi32, #tpu.memory_space<vmem>>)
          tpu.yield
        }) : () -> ()
        %eq3A = arith.constant 44 : i32
        %eq3A_120 = arith.cmpi eq, %add3A_106, %eq3A : i32
        %convert_element_type3A_121 = arith.extui %eq3A_120 : i1 to i32
        %cond3A_122 = arith.constant 0 : i32
        %cond3A_123 = arith.cmpi ne, %convert_element_type3A_121, %cond3A_122 : i32
        scf.if %cond3A_123 {
          %swap3A = arith.constant 0 : index
          %swap3A_127 = tpu.vector_load %arg12[%swap3A] {strides = array<i32>} : memref<112xi32, #tpu.memory_space<vmem>>, vector<16xi32>,
          %swap3A_128 = vector.shape_cast %swap3A_127 : vector<16xi32> to vector<16xi32>
          %swap3A_129 = vector.shape_cast %broadcast_in_dim3A_1 : vector<16xi32> to vector<16xi32>
          tpu.vector_store %arg12[%swap3A], %swap3A_129 {strides = array<i32>} : memref<112xi32, #tpu.memory_space<vmem>>, vector<16xi32>,
          %swap3A_130 = arith.constant 16 : index
          %swap3A_131 = tpu.vector_load %arg12[%swap3A_130] {strides = array<i32>} : memref<112xi32, #tpu.memory_space<vmem>>, vector<16xi32>,
          %swap3A_132 = vector.shape_cast %swap3A_131 : vector<16xi32> to vector<16xi32>
          %swap3A_133 = vector.shape_cast %broadcast_in_dim3A_1 : vector<16xi32> to vector<16xi32>
          tpu.vector_store %arg12[%swap3A_130], %swap3A_133 {strides = array<i32>} : memref<112xi32, #tpu.memory_space<vmem>>, vector<16xi32>,
          %get3A = arith.constant 32 : index
          %get3A_134 = tpu.vector_load %arg12[%get3A] {strides = array<i32>} : memref<112xi32, #tpu.memory_space<vmem>>, vector<16xi32>,
          %get3A_135 = vector.shape_cast %get3A_134 : vector<16xi32> to vector<16xi32>
          %iota3A = tpu.iota {dimensions = array<i32: 0>} : vector<16xi32>
          %ge3A = arith.constant 8 : i32
          %ge3A_136 = vector.broadcast %ge3A : i32 to vector<16xi32>
          %ge3A_137 = arith.cmpi sge, %iota3A, %ge3A_136 : vector<16xi32>
          %jit3A = arith.constant 10000 : i32
          %broadcast_in_dim3A_138 = vector.broadcast %jit3A : i32 to vector<16xi32>
          %select_n3A = arith.select %ge3A_137, %get3A_135, %broadcast_in_dim3A_138 : vector<16xi1>, vector<16xi32>
          %swap3A_139 = arith.constant 32 : index
          %swap3A_140 = tpu.vector_load %arg12[%swap3A_139] {strides = array<i32>} : memref<112xi32, #tpu.memory_space<vmem>>, vector<16xi32>,
          %swap3A_141 = vector.shape_cast %swap3A_140 : vector<16xi32> to vector<16xi32>
          %swap3A_142 = vector.shape_cast %select_n3A : vector<16xi32> to vector<16xi32>
          tpu.vector_store %arg12[%swap3A_139], %swap3A_142 {strides = array<i32>} : memref<112xi32, #tpu.memory_space<vmem>>, vector<16xi32>,
        } else {
        }
        %dma_start3A_124 = arith.constant 0 : i32
        %dma_start3A_125 = arith.constant 0 : i32
        %dma_start3A_126 = tpu.memref_slice %arg4[%dma_start3A_124, %dma_start3A_125] : memref<10000x128xf32, #tpu.memory_space<hbm>> -> memref<10000x128xf32, #tpu.memory_space<hbm>>
        tpu.enqueue_indirect_dma source(%dma_start3A_126 : memref<10000x128xf32, #tpu.memory_space<hbm>>) target(%arg15 : memref<112x128xf32, #tpu.memory_space<vmem>>) offsets(%arg9 : memref<112xi32, #tpu.memory_space<vmem>>) semaphore(%arg19 : memref<!tpu.dma_semaphore, #tpu.memory_space<semaphore_mem>>)
      } else {
      }
    }
    %scan3A_37 = arith.constant 15 : i32
    %dma_wait3A = arith.constant 0 : i32
    %dma_wait3A_38 = arith.constant 0 : i32
    %dma_wait3A_39 = tpu.memref_slice %arg16[%dma_wait3A, %dma_wait3A_38] : memref<10240x128xf32, #tpu.memory_space<vmem_shared>> -> memref<10240x128xf32, #tpu.memory_space<vmem_shared>>
    tpu.wait_indirect_dma semaphore(%arg20 : memref<!tpu.dma_semaphore, #tpu.memory_space<semaphore_mem>>) src(%arg13 : memref<112x128xf32, #tpu.memory_space<vmem>>) dst(%dma_wait3A_39 : memref<10240x128xf32, #tpu.memory_space<vmem_shared>>)
    %dma_wait3A_40 = arith.constant 0 : i32
    %dma_wait3A_41 = arith.constant 0 : i32
    %dma_wait3A_42 = tpu.memref_slice %arg16[%dma_wait3A_40, %dma_wait3A_41] : memref<10240x128xf32, #tpu.memory_space<vmem_shared>> -> memref<10240x128xf32, #tpu.memory_space<vmem_shared>>
    tpu.wait_indirect_dma semaphore(%arg21 : memref<!tpu.dma_semaphore, #tpu.memory_space<semaphore_mem>>) src(%arg14 : memref<112x128xf32, #tpu.memory_space<vmem>>) dst(%dma_wait3A_42 : memref<10240x128xf32, #tpu.memory_space<vmem_shared>>)
    %dma_wait3A_43 = arith.constant 0 : i32
    %dma_wait3A_44 = arith.constant 0 : i32
    %dma_wait3A_45 = tpu.memref_slice %arg16[%dma_wait3A_43, %dma_wait3A_44] : memref<10240x128xf32, #tpu.memory_space<vmem_shared>> -> memref<10240x128xf32, #tpu.memory_space<vmem_shared>>
    tpu.wait_indirect_dma semaphore(%arg22 : memref<!tpu.dma_semaphore, #tpu.memory_space<semaphore_mem>>) src(%arg15 : memref<112x128xf32, #tpu.memory_space<vmem>>) dst(%dma_wait3A_45 : memref<10240x128xf32, #tpu.memory_space<vmem_shared>>)
    %barrier3A_46 = arith.constant 0 : index
    tpu.barrier barrier_id(%barrier3A_46)
    %scan3A_47 = arith.constant 0 : i32
    %scan3A_48 = arith.constant 0 : i32
    %scan3A_49 = arith.constant 8 : i32
    %scan3A_50 = arith.addi %scan3A_48, %scan3A_49 : i32
    %scan3A_51 = arith.constant 1 : i32
    scf.for %scan3A_53 = %scan3A_48 to %scan3A_50 step %scan3A_51  : i32 {
      %mul3A_54 = arith.constant 640 : i32
      %mul3A_55 = arith.muli %arg1, %mul3A_54 : i32
      %mul3A_56 = arith.constant 80 : i32
      %mul3A_57 = arith.muli %scan3A_53, %mul3A_56 : i32
      %add3A_58 = arith.addi %mul3A_55, %mul3A_57 : i32
      "tpu.region"() ({
        %run_scoped3A = tpu.sem_alloc : memref<!tpu.dma_semaphore, #tpu.memory_space<semaphore_mem>>
        %dma_start3A_64 = arith.constant 0 : i32
        %dma_start3A_65 = arith.constant 0 : i32
        %dma_start3A_66 = tpu.memref_slice %arg13[%dma_start3A_64, %dma_start3A_65] : memref<112x128xf32, #tpu.memory_space<vmem>> -> memref<80x128xf32, #tpu.memory_space<vmem>>
        %dma_start3A_67 = arith.constant 0 : i32
        %dma_start3A_68 = tpu.memref_slice %arg16[%add3A_58, %dma_start3A_67] : memref<10240x128xf32, #tpu.memory_space<vmem_shared>> -> memref<80x128xf32, #tpu.memory_space<vmem_shared>>
        %dma_start3A_69 = arith.constant 0 : i32
        %dma_start3A_70 = arith.constant 0 : i32
        %dma_start3A_71 = tpu.memref_slice %arg13[%dma_start3A_69, %dma_start3A_70] : memref<112x128xf32, #tpu.memory_space<vmem>> -> memref<80x128xf32, #tpu.memory_space<vmem>>
        %dma_start3A_72 = arith.constant 0 : i32
        %dma_start3A_73 = tpu.memref_slice %arg16[%add3A_58, %dma_start3A_72] : memref<10240x128xf32, #tpu.memory_space<vmem_shared>> -> memref<80x128xf32, #tpu.memory_space<vmem_shared>>
        tpu.enqueue_dma source(%dma_start3A_73 : memref<80x128xf32, #tpu.memory_space<vmem_shared>>) target(%dma_start3A_71 : memref<80x128xf32, #tpu.memory_space<vmem>>) target_semaphore(%run_scoped3A : memref<!tpu.dma_semaphore, #tpu.memory_space<semaphore_mem>>)
        %dma_wait3A_74 = arith.constant 0 : i32
        %dma_wait3A_75 = arith.constant 0 : i32
        %dma_wait3A_76 = tpu.memref_slice %arg13[%dma_wait3A_74, %dma_wait3A_75] : memref<112x128xf32, #tpu.memory_space<vmem>> -> memref<80x128xf32, #tpu.memory_space<vmem>>
        %dma_wait3A_77 = arith.constant 0 : i32
        %dma_wait3A_78 = tpu.memref_slice %arg16[%add3A_58, %dma_wait3A_77] : memref<10240x128xf32, #tpu.memory_space<vmem_shared>> -> memref<80x128xf32, #tpu.memory_space<vmem_shared>>
        %dma_wait3A_79 = arith.constant 0 : i32
        %dma_wait3A_80 = arith.constant 0 : i32
        %dma_wait3A_81 = tpu.memref_slice %arg13[%dma_wait3A_79, %dma_wait3A_80] : memref<112x128xf32, #tpu.memory_space<vmem>> -> memref<80x128xf32, #tpu.memory_space<vmem>>
        %dma_wait3A_82 = arith.constant 0 : i32
        %dma_wait3A_83 = tpu.memref_slice %arg16[%add3A_58, %dma_wait3A_82] : memref<10240x128xf32, #tpu.memory_space<vmem_shared>> -> memref<80x128xf32, #tpu.memory_space<vmem_shared>>
        tpu.wait_dma2 semaphore(%run_scoped3A : memref<!tpu.dma_semaphore, #tpu.memory_space<semaphore_mem>>) src(%dma_wait3A_83 : memref<80x128xf32, #tpu.memory_space<vmem_shared>>) dst(%dma_wait3A_81 : memref<80x128xf32, #tpu.memory_space<vmem>>)
        tpu.yield
      }) : () -> ()
      %mul3A_59 = arith.constant 640 : i32
      %mul3A_60 = arith.muli %arg1, %mul3A_59 : i32
      %mul3A_61 = arith.constant 80 : i32
      %mul3A_62 = arith.muli %scan3A_53, %mul3A_61 : i32
      %add3A_63 = arith.addi %mul3A_60, %mul3A_62 : i32
      "tpu.region"() ({
        %run_scoped3A = tpu.sem_alloc : memref<!tpu.dma_semaphore, #tpu.memory_space<semaphore_mem>>
        %dma_start3A_64 = arith.constant 0 : i32
        %dma_start3A_65 = arith.constant 0 : i32
        %dma_start3A_66 = tpu.memref_slice %arg13[%dma_start3A_64, %dma_start3A_65] : memref<112x128xf32, #tpu.memory_space<vmem>> -> memref<80x128xf32, #tpu.memory_space<vmem>>
        %dma_start3A_67 = arith.constant 0 : i32
        %dma_start3A_68 = tpu.memref_slice %arg6[%arg0, %add3A_63, %dma_start3A_67] : memref<2x10240x128xf32, #tpu.memory_space<hbm>> -> memref<1x80x128xf32, #tpu.memory_space<hbm>>
        %dma_start3A_69 = tpu.memref_squeeze %dma_start3A_68 : memref<1x80x128xf32, #tpu.memory_space<hbm>> -> memref<80x128xf32, #tpu.memory_space<hbm>>
        %dma_start3A_70 = arith.constant 0 : i32
        %dma_start3A_71 = tpu.memref_slice %arg6[%arg0, %add3A_63, %dma_start3A_70] : memref<2x10240x128xf32, #tpu.memory_space<hbm>> -> memref<1x80x128xf32, #tpu.memory_space<hbm>>
        %dma_start3A_72 = tpu.memref_squeeze %dma_start3A_71 : memref<1x80x128xf32, #tpu.memory_space<hbm>> -> memref<80x128xf32, #tpu.memory_space<hbm>>
        %dma_start3A_73 = arith.constant 0 : i32
        %dma_start3A_74 = arith.constant 0 : i32
        %dma_start3A_75 = tpu.memref_slice %arg13[%dma_start3A_73, %dma_start3A_74] : memref<112x128xf32, #tpu.memory_space<vmem>> -> memref<80x128xf32, #tpu.memory_space<vmem>>
        tpu.enqueue_dma source(%dma_start3A_75 : memref<80x128xf32, #tpu.memory_space<vmem>>) target(%dma_start3A_72 : memref<80x128xf32, #tpu.memory_space<hbm>>) target_semaphore(%run_scoped3A : memref<!tpu.dma_semaphore, #tpu.memory_space<semaphore_mem>>)
        %dma_wait3A_76 = arith.constant 0 : i32
        %dma_wait3A_77 = arith.constant 0 : i32
        %dma_wait3A_78 = tpu.memref_slice %arg13[%dma_wait3A_76, %dma_wait3A_77] : memref<112x128xf32, #tpu.memory_space<vmem>> -> memref<80x128xf32, #tpu.memory_space<vmem>>
        %dma_wait3A_79 = arith.constant 0 : i32
        %dma_wait3A_80 = tpu.memref_slice %arg6[%arg0, %add3A_63, %dma_wait3A_79] : memref<2x10240x128xf32, #tpu.memory_space<hbm>> -> memref<1x80x128xf32, #tpu.memory_space<hbm>>
        %dma_wait3A_81 = tpu.memref_squeeze %dma_wait3A_80 : memref<1x80x128xf32, #tpu.memory_space<hbm>> -> memref<80x128xf32, #tpu.memory_space<hbm>>
        %dma_wait3A_82 = arith.constant 0 : i32
        %dma_wait3A_83 = tpu.memref_slice %arg6[%arg0, %add3A_63, %dma_wait3A_82] : memref<2x10240x128xf32, #tpu.memory_space<hbm>> -> memref<1x80x128xf32, #tpu.memory_space<hbm>>
        %dma_wait3A_84 = tpu.memref_squeeze %dma_wait3A_83 : memref<1x80x128xf32, #tpu.memory_space<hbm>> -> memref<80x128xf32, #tpu.memory_space<hbm>>
        %dma_wait3A_85 = arith.constant 0 : i32
        %dma_wait3A_86 = arith.constant 0 : i32
        %dma_wait3A_87 = tpu.memref_slice %arg13[%dma_wait3A_85, %dma_wait3A_86] : memref<112x128xf32, #tpu.memory_space<vmem>> -> memref<80x128xf32, #tpu.memory_space<vmem>>
        tpu.wait_dma2 semaphore(%run_scoped3A : memref<!tpu.dma_semaphore, #tpu.memory_space<semaphore_mem>>) src(%dma_wait3A_87 : memref<80x128xf32, #tpu.memory_space<vmem>>) dst(%dma_wait3A_84 : memref<80x128xf32, #tpu.memory_space<hbm>>)
        tpu.yield
      }) : () -> ()
    }
    %scan3A_52 = arith.constant 8 : i32
    return
  }
}

#map = affine_map<(d0, d1) -> (0)>
#map1 = affine_map<(d0, d1) -> (0, 0)>
#map2 = affine_map<(d0, d1) -> (0, 0, 0)>
module attributes {stable_mosaic.version = 14 : i64} {
  func.func @body(%arg0: i32, %arg1: i32, %arg2: memref<160000xi32, #tpu.memory_space<hbm>>, %arg3: memref<160000xi32, #tpu.memory_space<hbm>>, %arg4: memref<20000x128xf32, #tpu.memory_space<hbm>>, %arg5: memref<128x128xf32, #tpu.memory_space<hbm>>, %arg6: memref<2x10240x128xf32, #tpu.memory_space<hbm>>, %arg7: memref<112xi32, #tpu.memory_space<vmem>>, %arg8: memref<112xi32, #tpu.memory_space<vmem>>, %arg9: memref<112xi32, #tpu.memory_space<vmem>>, %arg10: memref<112xi32, #tpu.memory_space<vmem>>, %arg11: memref<112xi32, #tpu.memory_space<vmem>>, %arg12: memref<112xi32, #tpu.memory_space<vmem>>, %arg13: memref<112x128xf32, #tpu.memory_space<vmem>>, %arg14: memref<112x128xf32, #tpu.memory_space<vmem>>, %arg15: memref<112x128xf32, #tpu.memory_space<vmem>>, %arg16: memref<10240x128xf32, #tpu.memory_space<vmem_shared>>, %arg17: memref<!tpu.dma_semaphore, #tpu.memory_space<semaphore_mem>>, %arg18: memref<!tpu.dma_semaphore, #tpu.memory_space<semaphore_mem>>, %arg19: memref<!tpu.dma_semaphore, #tpu.memory_space<semaphore_mem>>, %arg20: memref<!tpu.dma_semaphore, #tpu.memory_space<semaphore_mem>>, %arg21: memref<!tpu.dma_semaphore, #tpu.memory_space<semaphore_mem>>, %arg22: memref<!tpu.dma_semaphore, #tpu.memory_space<semaphore_mem>>) attributes {dimension_semantics = [#tpu.dimension_semantics<core_parallel>, #tpu.dimension_semantics<subcore_parallel>], iteration_bounds = array<i64: 2, 16>, scalar_prefetch = 0 : i64, scratch_operands = 16 : i64, tpu.core_type = #tpu.core_type<sc_vector_subcore>, window_params = [{transform_indices = #map}, {transform_indices = #map}, {transform_indices = #map1}, {transform_indices = #map1}, {transform_indices = #map2}]} {
    %mul3A = arith.constant 10000 : i32
    %mul3A_0 = arith.muli %arg0, %mul3A : i32
    %broadcast_in_dim3A = arith.constant 10000 : i32
    %broadcast_in_dim3A_1 = vector.broadcast %broadcast_in_dim3A : i32 to vector<16xi32>
    "tpu.region"() ({
      %run_scoped3A = tpu.sem_alloc : memref<!tpu.dma_semaphore, #tpu.memory_space<semaphore_mem>>
      %dma_start3A_237 = arith.constant 0 : i32
      %dma_start3A_238 = arith.constant 0 : i32
      %dma_start3A_239 = tpu.memref_slice %arg13[%dma_start3A_237, %dma_start3A_238] : memref<112x128xf32, #tpu.memory_space<vmem>> -> memref<80x128xf32, #tpu.memory_space<vmem>>
      %dma_start3A_240 = arith.constant 0 : i32
      %dma_start3A_241 = arith.constant 0 : i32
      %dma_start3A_242 = tpu.memref_slice %arg5[%dma_start3A_240, %dma_start3A_241] : memref<128x128xf32, #tpu.memory_space<hbm>> -> memref<80x128xf32, #tpu.memory_space<hbm>>
      %dma_start3A_243 = arith.constant 0 : i32
      %dma_start3A_244 = arith.constant 0 : i32
      %dma_start3A_245 = tpu.memref_slice %arg13[%dma_start3A_243, %dma_start3A_244] : memref<112x128xf32, #tpu.memory_space<vmem>> -> memref<80x128xf32, #tpu.memory_space<vmem>>
      %dma_start3A_246 = arith.constant 0 : i32
      %dma_start3A_247 = arith.constant 0 : i32
      %dma_start3A_248 = tpu.memref_slice %arg5[%dma_start3A_246, %dma_start3A_247] : memref<128x128xf32, #tpu.memory_space<hbm>> -> memref<80x128xf32, #tpu.memory_space<hbm>>
      tpu.enqueue_dma source(%dma_start3A_248 : memref<80x128xf32, #tpu.memory_space<hbm>>) target(%dma_start3A_245 : memref<80x128xf32, #tpu.memory_space<vmem>>) target_semaphore(%run_scoped3A : memref<!tpu.dma_semaphore, #tpu.memory_space<semaphore_mem>>)
      %dma_wait3A_249 = arith.constant 0 : i32
      %dma_wait3A_250 = arith.constant 0 : i32
      %dma_wait3A_251 = tpu.memref_slice %arg13[%dma_wait3A_249, %dma_wait3A_250] : memref<112x128xf32, #tpu.memory_space<vmem>> -> memref<80x128xf32, #tpu.memory_space<vmem>>
      %dma_wait3A_252 = arith.constant 0 : i32
      %dma_wait3A_253 = arith.constant 0 : i32
      %dma_wait3A_254 = tpu.memref_slice %arg5[%dma_wait3A_252, %dma_wait3A_253] : memref<128x128xf32, #tpu.memory_space<hbm>> -> memref<80x128xf32, #tpu.memory_space<hbm>>
      %dma_wait3A_255 = arith.constant 0 : i32
      %dma_wait3A_256 = arith.constant 0 : i32
      %dma_wait3A_257 = tpu.memref_slice %arg13[%dma_wait3A_255, %dma_wait3A_256] : memref<112x128xf32, #tpu.memory_space<vmem>> -> memref<80x128xf32, #tpu.memory_space<vmem>>
      %dma_wait3A_258 = arith.constant 0 : i32
      %dma_wait3A_259 = arith.constant 0 : i32
      %dma_wait3A_260 = tpu.memref_slice %arg5[%dma_wait3A_258, %dma_wait3A_259] : memref<128x128xf32, #tpu.memory_space<hbm>> -> memref<80x128xf32, #tpu.memory_space<hbm>>
      tpu.wait_dma2 semaphore(%run_scoped3A : memref<!tpu.dma_semaphore, #tpu.memory_space<semaphore_mem>>) src(%dma_wait3A_260 : memref<80x128xf32, #tpu.memory_space<hbm>>) dst(%dma_wait3A_257 : memref<80x128xf32, #tpu.memory_space<vmem>>)
      tpu.yield
    }) : () -> ()
    %scan3A = arith.constant 0 : i32
    %scan3A_2 = arith.constant 0 : i32
    %scan3A_3 = arith.constant 8 : i32
    %scan3A_4 = arith.addi %scan3A_2, %scan3A_3 : i32
    %scan3A_5 = arith.constant 1 : i32
    scf.for %scan3A_237 = %scan3A_2 to %scan3A_4 step %scan3A_5  : i32 {
      %mul3A_238 = arith.constant 640 : i32
      %mul3A_239 = arith.muli %arg1, %mul3A_238 : i32
      %mul3A_240 = arith.constant 80 : i32
      %mul3A_241 = arith.muli %scan3A_237, %mul3A_240 : i32
      %add3A_242 = arith.addi %mul3A_239, %mul3A_241 : i32
      "tpu.region"() ({
        %run_scoped3A = tpu.sem_alloc : memref<!tpu.dma_semaphore, #tpu.memory_space<semaphore_mem>>
        %dma_start3A_243 = arith.constant 0 : i32
        %dma_start3A_244 = arith.constant 0 : i32
        %dma_start3A_245 = tpu.memref_slice %arg13[%dma_start3A_243, %dma_start3A_244] : memref<112x128xf32, #tpu.memory_space<vmem>> -> memref<80x128xf32, #tpu.memory_space<vmem>>
        %dma_start3A_246 = arith.constant 0 : i32
        %dma_start3A_247 = tpu.memref_slice %arg16[%add3A_242, %dma_start3A_246] : memref<10240x128xf32, #tpu.memory_space<vmem_shared>> -> memref<80x128xf32, #tpu.memory_space<vmem_shared>>
        %dma_start3A_248 = arith.constant 0 : i32
        %dma_start3A_249 = tpu.memref_slice %arg16[%add3A_242, %dma_start3A_248] : memref<10240x128xf32, #tpu.memory_space<vmem_shared>> -> memref<80x128xf32, #tpu.memory_space<vmem_shared>>
        %dma_start3A_250 = arith.constant 0 : i32
        %dma_start3A_251 = arith.constant 0 : i32
        %dma_start3A_252 = tpu.memref_slice %arg13[%dma_start3A_250, %dma_start3A_251] : memref<112x128xf32, #tpu.memory_space<vmem>> -> memref<80x128xf32, #tpu.memory_space<vmem>>
        tpu.enqueue_dma source(%dma_start3A_252 : memref<80x128xf32, #tpu.memory_space<vmem>>) target(%dma_start3A_249 : memref<80x128xf32, #tpu.memory_space<vmem_shared>>) target_semaphore(%run_scoped3A : memref<!tpu.dma_semaphore, #tpu.memory_space<semaphore_mem>>)
        %dma_wait3A_253 = arith.constant 0 : i32
        %dma_wait3A_254 = arith.constant 0 : i32
        %dma_wait3A_255 = tpu.memref_slice %arg13[%dma_wait3A_253, %dma_wait3A_254] : memref<112x128xf32, #tpu.memory_space<vmem>> -> memref<80x128xf32, #tpu.memory_space<vmem>>
        %dma_wait3A_256 = arith.constant 0 : i32
        %dma_wait3A_257 = tpu.memref_slice %arg16[%add3A_242, %dma_wait3A_256] : memref<10240x128xf32, #tpu.memory_space<vmem_shared>> -> memref<80x128xf32, #tpu.memory_space<vmem_shared>>
        %dma_wait3A_258 = arith.constant 0 : i32
        %dma_wait3A_259 = tpu.memref_slice %arg16[%add3A_242, %dma_wait3A_258] : memref<10240x128xf32, #tpu.memory_space<vmem_shared>> -> memref<80x128xf32, #tpu.memory_space<vmem_shared>>
        %dma_wait3A_260 = arith.constant 0 : i32
        %dma_wait3A_261 = arith.constant 0 : i32
        %dma_wait3A_262 = tpu.memref_slice %arg13[%dma_wait3A_260, %dma_wait3A_261] : memref<112x128xf32, #tpu.memory_space<vmem>> -> memref<80x128xf32, #tpu.memory_space<vmem>>
        tpu.wait_dma2 semaphore(%run_scoped3A : memref<!tpu.dma_semaphore, #tpu.memory_space<semaphore_mem>>) src(%dma_wait3A_262 : memref<80x128xf32, #tpu.memory_space<vmem>>) dst(%dma_wait3A_259 : memref<80x128xf32, #tpu.memory_space<vmem_shared>>)
        tpu.yield
      }) : () -> ()
    }
    %scan3A_6 = arith.constant 8 : i32
    %barrier3A = arith.constant 0 : index
    tpu.barrier barrier_id(%barrier3A)
    %mul3A_7 = arith.constant 10000 : i32
    %mul3A_8 = arith.muli %arg1, %mul3A_7 : i32
    %min3A = arith.constant 0 : i32
    %min3A_9 = arith.constant 9888 : i32
    %min3A_10 = arith.minsi %min3A, %min3A_9 : i32
    %add3A = arith.addi %mul3A_8, %min3A_10 : i32
    "tpu.region"() ({
      %run_scoped3A = tpu.sem_alloc : memref<!tpu.dma_semaphore, #tpu.memory_space<semaphore_mem>>
      %dma_start3A_237 = tpu.memref_slice %arg2[%add3A] : memref<160000xi32, #tpu.memory_space<hbm>> -> memref<112xi32, #tpu.memory_space<hbm>>
      %dma_start3A_238 = tpu.memref_slice %arg2[%add3A] : memref<160000xi32, #tpu.memory_space<hbm>> -> memref<112xi32, #tpu.memory_space<hbm>>
      tpu.enqueue_dma source(%dma_start3A_238 : memref<112xi32, #tpu.memory_space<hbm>>) target(%arg7 : memref<112xi32, #tpu.memory_space<vmem>>) target_semaphore(%run_scoped3A : memref<!tpu.dma_semaphore, #tpu.memory_space<semaphore_mem>>)
      %dma_wait3A_239 = tpu.memref_slice %arg2[%add3A] : memref<160000xi32, #tpu.memory_space<hbm>> -> memref<112xi32, #tpu.memory_space<hbm>>
      %dma_wait3A_240 = tpu.memref_slice %arg2[%add3A] : memref<160000xi32, #tpu.memory_space<hbm>> -> memref<112xi32, #tpu.memory_space<hbm>>
      tpu.wait_dma2 semaphore(%run_scoped3A : memref<!tpu.dma_semaphore, #tpu.memory_space<semaphore_mem>>) src(%dma_wait3A_240 : memref<112xi32, #tpu.memory_space<hbm>>) dst(%arg7 : memref<112xi32, #tpu.memory_space<vmem>>)
      tpu.yield
    }) : () -> ()
    %get3A = arith.constant 0 : index
    %get3A_11 = tpu.vector_load %arg7[%get3A] {strides = array<i32>} : memref<112xi32, #tpu.memory_space<vmem>>, vector<16xi32>,
    %get3A_12 = vector.shape_cast %get3A_11 : vector<16xi32> to vector<16xi32>
    %add3A_13 = vector.broadcast %mul3A_0 : i32 to vector<16xi32>
    %add3A_14 = arith.addi %get3A_12, %add3A_13 : vector<16xi32>
    %swap3A = arith.constant 0 : index
    %swap3A_15 = tpu.vector_load %arg7[%swap3A] {strides = array<i32>} : memref<112xi32, #tpu.memory_space<vmem>>, vector<16xi32>,
    %swap3A_16 = vector.shape_cast %swap3A_15 : vector<16xi32> to vector<16xi32>
    %swap3A_17 = vector.shape_cast %add3A_14 : vector<16xi32> to vector<16xi32>
    tpu.vector_store %arg7[%swap3A], %swap3A_17 {strides = array<i32>} : memref<112xi32, #tpu.memory_space<vmem>>, vector<16xi32>,
    %get3A_18 = arith.constant 16 : index
    %get3A_19 = tpu.vector_load %arg7[%get3A_18] {strides = array<i32>} : memref<112xi32, #tpu.memory_space<vmem>>, vector<16xi32>,
    %get3A_20 = vector.shape_cast %get3A_19 : vector<16xi32> to vector<16xi32>
    %add3A_21 = vector.broadcast %mul3A_0 : i32 to vector<16xi32>
    %add3A_22 = arith.addi %get3A_20, %add3A_21 : vector<16xi32>
    %swap3A_23 = arith.constant 16 : index
    %swap3A_24 = tpu.vector_load %arg7[%swap3A_23] {strides = array<i32>} : memref<112xi32, #tpu.memory_space<vmem>>, vector<16xi32>,
    %swap3A_25 = vector.shape_cast %swap3A_24 : vector<16xi32> to vector<16xi32>
    %swap3A_26 = vector.shape_cast %add3A_22 : vector<16xi32> to vector<16xi32>
    tpu.vector_store %arg7[%swap3A_23], %swap3A_26 {strides = array<i32>} : memref<112xi32, #tpu.memory_space<vmem>>, vector<16xi32>,
    %get3A_27 = arith.constant 32 : index
    %get3A_28 = tpu.vector_load %arg7[%get3A_27] {strides = array<i32>} : memref<112xi32, #tpu.memory_space<vmem>>, vector<16xi32>,
    %get3A_29 = vector.shape_cast %get3A_28 : vector<16xi32> to vector<16xi32>
    %add3A_30 = vector.broadcast %mul3A_0 : i32 to vector<16xi32>
    %add3A_31 = arith.addi %get3A_29, %add3A_30 : vector<16xi32>
    %swap3A_32 = arith.constant 32 : index
    %swap3A_33 = tpu.vector_load %arg7[%swap3A_32] {strides = array<i32>} : memref<112xi32, #tpu.memory_space<vmem>>, vector<16xi32>,
    %swap3A_34 = vector.shape_cast %swap3A_33 : vector<16xi32> to vector<16xi32>
    %swap3A_35 = vector.shape_cast %add3A_31 : vector<16xi32> to vector<16xi32>
    tpu.vector_store %arg7[%swap3A_32], %swap3A_35 {strides = array<i32>} : memref<112xi32, #tpu.memory_space<vmem>>, vector<16xi32>,
    %get3A_36 = arith.constant 48 : index
    %get3A_37 = tpu.vector_load %arg7[%get3A_36] {strides = array<i32>} : memref<112xi32, #tpu.memory_space<vmem>>, vector<16xi32>,
    %get3A_38 = vector.shape_cast %get3A_37 : vector<16xi32> to vector<16xi32>
    %add3A_39 = vector.broadcast %mul3A_0 : i32 to vector<16xi32>
    %add3A_40 = arith.addi %get3A_38, %add3A_39 : vector<16xi32>
    %swap3A_41 = arith.constant 48 : index
    %swap3A_42 = tpu.vector_load %arg7[%swap3A_41] {strides = array<i32>} : memref<112xi32, #tpu.memory_space<vmem>>, vector<16xi32>,
    %swap3A_43 = vector.shape_cast %swap3A_42 : vector<16xi32> to vector<16xi32>
    %swap3A_44 = vector.shape_cast %add3A_40 : vector<16xi32> to vector<16xi32>
    tpu.vector_store %arg7[%swap3A_41], %swap3A_44 {strides = array<i32>} : memref<112xi32, #tpu.memory_space<vmem>>, vector<16xi32>,
    %get3A_45 = arith.constant 64 : index
    %get3A_46 = tpu.vector_load %arg7[%get3A_45] {strides = array<i32>} : memref<112xi32, #tpu.memory_space<vmem>>, vector<16xi32>,
    %get3A_47 = vector.shape_cast %get3A_46 : vector<16xi32> to vector<16xi32>
    %add3A_48 = vector.broadcast %mul3A_0 : i32 to vector<16xi32>
    %add3A_49 = arith.addi %get3A_47, %add3A_48 : vector<16xi32>
    %swap3A_50 = arith.constant 64 : index
    %swap3A_51 = tpu.vector_load %arg7[%swap3A_50] {strides = array<i32>} : memref<112xi32, #tpu.memory_space<vmem>>, vector<16xi32>,
    %swap3A_52 = vector.shape_cast %swap3A_51 : vector<16xi32> to vector<16xi32>
    %swap3A_53 = vector.shape_cast %add3A_49 : vector<16xi32> to vector<16xi32>
    tpu.vector_store %arg7[%swap3A_50], %swap3A_53 {strides = array<i32>} : memref<112xi32, #tpu.memory_space<vmem>>, vector<16xi32>,
    %get3A_54 = arith.constant 80 : index
    %get3A_55 = tpu.vector_load %arg7[%get3A_54] {strides = array<i32>} : memref<112xi32, #tpu.memory_space<vmem>>, vector<16xi32>,
    %get3A_56 = vector.shape_cast %get3A_55 : vector<16xi32> to vector<16xi32>
    %add3A_57 = vector.broadcast %mul3A_0 : i32 to vector<16xi32>
    %add3A_58 = arith.addi %get3A_56, %add3A_57 : vector<16xi32>
    %swap3A_59 = arith.constant 80 : index
    %swap3A_60 = tpu.vector_load %arg7[%swap3A_59] {strides = array<i32>} : memref<112xi32, #tpu.memory_space<vmem>>, vector<16xi32>,
    %swap3A_61 = vector.shape_cast %swap3A_60 : vector<16xi32> to vector<16xi32>
    %swap3A_62 = vector.shape_cast %add3A_58 : vector<16xi32> to vector<16xi32>
    tpu.vector_store %arg7[%swap3A_59], %swap3A_62 {strides = array<i32>} : memref<112xi32, #tpu.memory_space<vmem>>, vector<16xi32>,
    %get3A_63 = arith.constant 96 : index
    %get3A_64 = tpu.vector_load %arg7[%get3A_63] {strides = array<i32>} : memref<112xi32, #tpu.memory_space<vmem>>, vector<16xi32>,
    %get3A_65 = vector.shape_cast %get3A_64 : vector<16xi32> to vector<16xi32>
    %add3A_66 = vector.broadcast %mul3A_0 : i32 to vector<16xi32>
    %add3A_67 = arith.addi %get3A_65, %add3A_66 : vector<16xi32>
    %swap3A_68 = arith.constant 96 : index
    %swap3A_69 = tpu.vector_load %arg7[%swap3A_68] {strides = array<i32>} : memref<112xi32, #tpu.memory_space<vmem>>, vector<16xi32>,
    %swap3A_70 = vector.shape_cast %swap3A_69 : vector<16xi32> to vector<16xi32>
    %swap3A_71 = vector.shape_cast %add3A_67 : vector<16xi32> to vector<16xi32>
    tpu.vector_store %arg7[%swap3A_68], %swap3A_71 {strides = array<i32>} : memref<112xi32, #tpu.memory_space<vmem>>, vector<16xi32>,
    "tpu.region"() ({
      %run_scoped3A = tpu.sem_alloc : memref<!tpu.dma_semaphore, #tpu.memory_space<semaphore_mem>>
      %dma_start3A_237 = tpu.memref_slice %arg3[%add3A] : memref<160000xi32, #tpu.memory_space<hbm>> -> memref<112xi32, #tpu.memory_space<hbm>>
      %dma_start3A_238 = tpu.memref_slice %arg3[%add3A] : memref<160000xi32, #tpu.memory_space<hbm>> -> memref<112xi32, #tpu.memory_space<hbm>>
      tpu.enqueue_dma source(%dma_start3A_238 : memref<112xi32, #tpu.memory_space<hbm>>) target(%arg10 : memref<112xi32, #tpu.memory_space<vmem>>) target_semaphore(%run_scoped3A : memref<!tpu.dma_semaphore, #tpu.memory_space<semaphore_mem>>)
      %dma_wait3A_239 = tpu.memref_slice %arg3[%add3A] : memref<160000xi32, #tpu.memory_space<hbm>> -> memref<112xi32, #tpu.memory_space<hbm>>
      %dma_wait3A_240 = tpu.memref_slice %arg3[%add3A] : memref<160000xi32, #tpu.memory_space<hbm>> -> memref<112xi32, #tpu.memory_space<hbm>>
      tpu.wait_dma2 semaphore(%run_scoped3A : memref<!tpu.dma_semaphore, #tpu.memory_space<semaphore_mem>>) src(%dma_wait3A_240 : memref<112xi32, #tpu.memory_space<hbm>>) dst(%arg10 : memref<112xi32, #tpu.memory_space<vmem>>)
      tpu.yield
    }) : () -> ()
    %cond3A = arith.constant 0 : i32
    %dma_start3A = arith.constant 0 : i32
    %dma_start3A_72 = arith.constant 0 : i32
    %dma_start3A_73 = tpu.memref_slice %arg4[%dma_start3A, %dma_start3A_72] : memref<20000x128xf32, #tpu.memory_space<hbm>> -> memref<20000x128xf32, #tpu.memory_space<hbm>>
    tpu.enqueue_indirect_dma source(%dma_start3A_73 : memref<20000x128xf32, #tpu.memory_space<hbm>>) target(%arg13 : memref<112x128xf32, #tpu.memory_space<vmem>>) offsets(%arg7 : memref<112xi32, #tpu.memory_space<vmem>>) semaphore(%arg17 : memref<!tpu.dma_semaphore, #tpu.memory_space<semaphore_mem>>)
    %min3A_74 = arith.constant 112 : i32
    %min3A_75 = arith.constant 9888 : i32
    %min3A_76 = arith.minsi %min3A_74, %min3A_75 : i32
    %add3A_77 = arith.addi %mul3A_8, %min3A_76 : i32
    "tpu.region"() ({
      %run_scoped3A = tpu.sem_alloc : memref<!tpu.dma_semaphore, #tpu.memory_space<semaphore_mem>>
      %dma_start3A_237 = tpu.memref_slice %arg2[%add3A_77] : memref<160000xi32, #tpu.memory_space<hbm>> -> memref<112xi32, #tpu.memory_space<hbm>>
      %dma_start3A_238 = tpu.memref_slice %arg2[%add3A_77] : memref<160000xi32, #tpu.memory_space<hbm>> -> memref<112xi32, #tpu.memory_space<hbm>>
      tpu.enqueue_dma source(%dma_start3A_238 : memref<112xi32, #tpu.memory_space<hbm>>) target(%arg8 : memref<112xi32, #tpu.memory_space<vmem>>) target_semaphore(%run_scoped3A : memref<!tpu.dma_semaphore, #tpu.memory_space<semaphore_mem>>)
      %dma_wait3A_239 = tpu.memref_slice %arg2[%add3A_77] : memref<160000xi32, #tpu.memory_space<hbm>> -> memref<112xi32, #tpu.memory_space<hbm>>
      %dma_wait3A_240 = tpu.memref_slice %arg2[%add3A_77] : memref<160000xi32, #tpu.memory_space<hbm>> -> memref<112xi32, #tpu.memory_space<hbm>>
      tpu.wait_dma2 semaphore(%run_scoped3A : memref<!tpu.dma_semaphore, #tpu.memory_space<semaphore_mem>>) src(%dma_wait3A_240 : memref<112xi32, #tpu.memory_space<hbm>>) dst(%arg8 : memref<112xi32, #tpu.memory_space<vmem>>)
      tpu.yield
    }) : () -> ()
    %get3A_78 = arith.constant 0 : index
    %get3A_79 = tpu.vector_load %arg8[%get3A_78] {strides = array<i32>} : memref<112xi32, #tpu.memory_space<vmem>>, vector<16xi32>,
    %get3A_80 = vector.shape_cast %get3A_79 : vector<16xi32> to vector<16xi32>
    %add3A_81 = vector.broadcast %mul3A_0 : i32 to vector<16xi32>
    %add3A_82 = arith.addi %get3A_80, %add3A_81 : vector<16xi32>
    %swap3A_83 = arith.constant 0 : index
    %swap3A_84 = tpu.vector_load %arg8[%swap3A_83] {strides = array<i32>} : memref<112xi32, #tpu.memory_space<vmem>>, vector<16xi32>,
    %swap3A_85 = vector.shape_cast %swap3A_84 : vector<16xi32> to vector<16xi32>
    %swap3A_86 = vector.shape_cast %add3A_82 : vector<16xi32> to vector<16xi32>
    tpu.vector_store %arg8[%swap3A_83], %swap3A_86 {strides = array<i32>} : memref<112xi32, #tpu.memory_space<vmem>>, vector<16xi32>,
    %get3A_87 = arith.constant 16 : index
    %get3A_88 = tpu.vector_load %arg8[%get3A_87] {strides = array<i32>} : memref<112xi32, #tpu.memory_space<vmem>>, vector<16xi32>,
    %get3A_89 = vector.shape_cast %get3A_88 : vector<16xi32> to vector<16xi32>
    %add3A_90 = vector.broadcast %mul3A_0 : i32 to vector<16xi32>
    %add3A_91 = arith.addi %get3A_89, %add3A_90 : vector<16xi32>
    %swap3A_92 = arith.constant 16 : index
    %swap3A_93 = tpu.vector_load %arg8[%swap3A_92] {strides = array<i32>} : memref<112xi32, #tpu.memory_space<vmem>>, vector<16xi32>,
    %swap3A_94 = vector.shape_cast %swap3A_93 : vector<16xi32> to vector<16xi32>
    %swap3A_95 = vector.shape_cast %add3A_91 : vector<16xi32> to vector<16xi32>
    tpu.vector_store %arg8[%swap3A_92], %swap3A_95 {strides = array<i32>} : memref<112xi32, #tpu.memory_space<vmem>>, vector<16xi32>,
    %get3A_96 = arith.constant 32 : index
    %get3A_97 = tpu.vector_load %arg8[%get3A_96] {strides = array<i32>} : memref<112xi32, #tpu.memory_space<vmem>>, vector<16xi32>,
    %get3A_98 = vector.shape_cast %get3A_97 : vector<16xi32> to vector<16xi32>
    %add3A_99 = vector.broadcast %mul3A_0 : i32 to vector<16xi32>
    %add3A_100 = arith.addi %get3A_98, %add3A_99 : vector<16xi32>
    %swap3A_101 = arith.constant 32 : index
    %swap3A_102 = tpu.vector_load %arg8[%swap3A_101] {strides = array<i32>} : memref<112xi32, #tpu.memory_space<vmem>>, vector<16xi32>,
    %swap3A_103 = vector.shape_cast %swap3A_102 : vector<16xi32> to vector<16xi32>
    %swap3A_104 = vector.shape_cast %add3A_100 : vector<16xi32> to vector<16xi32>
    tpu.vector_store %arg8[%swap3A_101], %swap3A_104 {strides = array<i32>} : memref<112xi32, #tpu.memory_space<vmem>>, vector<16xi32>,
    %get3A_105 = arith.constant 48 : index
    %get3A_106 = tpu.vector_load %arg8[%get3A_105] {strides = array<i32>} : memref<112xi32, #tpu.memory_space<vmem>>, vector<16xi32>,
    %get3A_107 = vector.shape_cast %get3A_106 : vector<16xi32> to vector<16xi32>
    %add3A_108 = vector.broadcast %mul3A_0 : i32 to vector<16xi32>
    %add3A_109 = arith.addi %get3A_107, %add3A_108 : vector<16xi32>
    %swap3A_110 = arith.constant 48 : index
    %swap3A_111 = tpu.vector_load %arg8[%swap3A_110] {strides = array<i32>} : memref<112xi32, #tpu.memory_space<vmem>>, vector<16xi32>,
    %swap3A_112 = vector.shape_cast %swap3A_111 : vector<16xi32> to vector<16xi32>
    %swap3A_113 = vector.shape_cast %add3A_109 : vector<16xi32> to vector<16xi32>
    tpu.vector_store %arg8[%swap3A_110], %swap3A_113 {strides = array<i32>} : memref<112xi32, #tpu.memory_space<vmem>>, vector<16xi32>,
    %get3A_114 = arith.constant 64 : index
    %get3A_115 = tpu.vector_load %arg8[%get3A_114] {strides = array<i32>} : memref<112xi32, #tpu.memory_space<vmem>>, vector<16xi32>,
    %get3A_116 = vector.shape_cast %get3A_115 : vector<16xi32> to vector<16xi32>
    %add3A_117 = vector.broadcast %mul3A_0 : i32 to vector<16xi32>
    %add3A_118 = arith.addi %get3A_116, %add3A_117 : vector<16xi32>
    %swap3A_119 = arith.constant 64 : index
    %swap3A_120 = tpu.vector_load %arg8[%swap3A_119] {strides = array<i32>} : memref<112xi32, #tpu.memory_space<vmem>>, vector<16xi32>,
    %swap3A_121 = vector.shape_cast %swap3A_120 : vector<16xi32> to vector<16xi32>
    %swap3A_122 = vector.shape_cast %add3A_118 : vector<16xi32> to vector<16xi32>
    tpu.vector_store %arg8[%swap3A_119], %swap3A_122 {strides = array<i32>} : memref<112xi32, #tpu.memory_space<vmem>>, vector<16xi32>,
    %get3A_123 = arith.constant 80 : index
    %get3A_124 = tpu.vector_load %arg8[%get3A_123] {strides = array<i32>} : memref<112xi32, #tpu.memory_space<vmem>>, vector<16xi32>,
    %get3A_125 = vector.shape_cast %get3A_124 : vector<16xi32> to vector<16xi32>
    %add3A_126 = vector.broadcast %mul3A_0 : i32 to vector<16xi32>
    %add3A_127 = arith.addi %get3A_125, %add3A_126 : vector<16xi32>
    %swap3A_128 = arith.constant 80 : index
    %swap3A_129 = tpu.vector_load %arg8[%swap3A_128] {strides = array<i32>} : memref<112xi32, #tpu.memory_space<vmem>>, vector<16xi32>,
    %swap3A_130 = vector.shape_cast %swap3A_129 : vector<16xi32> to vector<16xi32>
    %swap3A_131 = vector.shape_cast %add3A_127 : vector<16xi32> to vector<16xi32>
    tpu.vector_store %arg8[%swap3A_128], %swap3A_131 {strides = array<i32>} : memref<112xi32, #tpu.memory_space<vmem>>, vector<16xi32>,
    %get3A_132 = arith.constant 96 : index
    %get3A_133 = tpu.vector_load %arg8[%get3A_132] {strides = array<i32>} : memref<112xi32, #tpu.memory_space<vmem>>, vector<16xi32>,
    %get3A_134 = vector.shape_cast %get3A_133 : vector<16xi32> to vector<16xi32>
    %add3A_135 = vector.broadcast %mul3A_0 : i32 to vector<16xi32>
    %add3A_136 = arith.addi %get3A_134, %add3A_135 : vector<16xi32>
    %swap3A_137 = arith.constant 96 : index
    %swap3A_138 = tpu.vector_load %arg8[%swap3A_137] {strides = array<i32>} : memref<112xi32, #tpu.memory_space<vmem>>, vector<16xi32>,
    %swap3A_139 = vector.shape_cast %swap3A_138 : vector<16xi32> to vector<16xi32>
    %swap3A_140 = vector.shape_cast %add3A_136 : vector<16xi32> to vector<16xi32>
    tpu.vector_store %arg8[%swap3A_137], %swap3A_140 {strides = array<i32>} : memref<112xi32, #tpu.memory_space<vmem>>, vector<16xi32>,
    "tpu.region"() ({
      %run_scoped3A = tpu.sem_alloc : memref<!tpu.dma_semaphore, #tpu.memory_space<semaphore_mem>>
      %dma_start3A_237 = tpu.memref_slice %arg3[%add3A_77] : memref<160000xi32, #tpu.memory_space<hbm>> -> memref<112xi32, #tpu.memory_space<hbm>>
      %dma_start3A_238 = tpu.memref_slice %arg3[%add3A_77] : memref<160000xi32, #tpu.memory_space<hbm>> -> memref<112xi32, #tpu.memory_space<hbm>>
      tpu.enqueue_dma source(%dma_start3A_238 : memref<112xi32, #tpu.memory_space<hbm>>) target(%arg11 : memref<112xi32, #tpu.memory_space<vmem>>) target_semaphore(%run_scoped3A : memref<!tpu.dma_semaphore, #tpu.memory_space<semaphore_mem>>)
      %dma_wait3A_239 = tpu.memref_slice %arg3[%add3A_77] : memref<160000xi32, #tpu.memory_space<hbm>> -> memref<112xi32, #tpu.memory_space<hbm>>
      %dma_wait3A_240 = tpu.memref_slice %arg3[%add3A_77] : memref<160000xi32, #tpu.memory_space<hbm>> -> memref<112xi32, #tpu.memory_space<hbm>>
      tpu.wait_dma2 semaphore(%run_scoped3A : memref<!tpu.dma_semaphore, #tpu.memory_space<semaphore_mem>>) src(%dma_wait3A_240 : memref<112xi32, #tpu.memory_space<hbm>>) dst(%arg11 : memref<112xi32, #tpu.memory_space<vmem>>)
      tpu.yield
    }) : () -> ()
    %cond3A_141 = arith.constant 0 : i32
    %dma_start3A_142 = arith.constant 0 : i32
    %dma_start3A_143 = arith.constant 0 : i32
    %dma_start3A_144 = tpu.memref_slice %arg4[%dma_start3A_142, %dma_start3A_143] : memref<20000x128xf32, #tpu.memory_space<hbm>> -> memref<20000x128xf32, #tpu.memory_space<hbm>>
    tpu.enqueue_indirect_dma source(%dma_start3A_144 : memref<20000x128xf32, #tpu.memory_space<hbm>>) target(%arg14 : memref<112x128xf32, #tpu.memory_space<vmem>>) offsets(%arg8 : memref<112xi32, #tpu.memory_space<vmem>>) semaphore(%arg18 : memref<!tpu.dma_semaphore, #tpu.memory_space<semaphore_mem>>)
    %min3A_145 = arith.constant 224 : i32
    %min3A_146 = arith.constant 9888 : i32
    %min3A_147 = arith.minsi %min3A_145, %min3A_146 : i32
    %add3A_148 = arith.addi %mul3A_8, %min3A_147 : i32
    "tpu.region"() ({
      %run_scoped3A = tpu.sem_alloc : memref<!tpu.dma_semaphore, #tpu.memory_space<semaphore_mem>>
      %dma_start3A_237 = tpu.memref_slice %arg2[%add3A_148] : memref<160000xi32, #tpu.memory_space<hbm>> -> memref<112xi32, #tpu.memory_space<hbm>>
      %dma_start3A_238 = tpu.memref_slice %arg2[%add3A_148] : memref<160000xi32, #tpu.memory_space<hbm>> -> memref<112xi32, #tpu.memory_space<hbm>>
      tpu.enqueue_dma source(%dma_start3A_238 : memref<112xi32, #tpu.memory_space<hbm>>) target(%arg9 : memref<112xi32, #tpu.memory_space<vmem>>) target_semaphore(%run_scoped3A : memref<!tpu.dma_semaphore, #tpu.memory_space<semaphore_mem>>)
      %dma_wait3A_239 = tpu.memref_slice %arg2[%add3A_148] : memref<160000xi32, #tpu.memory_space<hbm>> -> memref<112xi32, #tpu.memory_space<hbm>>
      %dma_wait3A_240 = tpu.memref_slice %arg2[%add3A_148] : memref<160000xi32, #tpu.memory_space<hbm>> -> memref<112xi32, #tpu.memory_space<hbm>>
      tpu.wait_dma2 semaphore(%run_scoped3A : memref<!tpu.dma_semaphore, #tpu.memory_space<semaphore_mem>>) src(%dma_wait3A_240 : memref<112xi32, #tpu.memory_space<hbm>>) dst(%arg9 : memref<112xi32, #tpu.memory_space<vmem>>)
      tpu.yield
    }) : () -> ()
    %get3A_149 = arith.constant 0 : index
    %get3A_150 = tpu.vector_load %arg9[%get3A_149] {strides = array<i32>} : memref<112xi32, #tpu.memory_space<vmem>>, vector<16xi32>,
    %get3A_151 = vector.shape_cast %get3A_150 : vector<16xi32> to vector<16xi32>
    %add3A_152 = vector.broadcast %mul3A_0 : i32 to vector<16xi32>
    %add3A_153 = arith.addi %get3A_151, %add3A_152 : vector<16xi32>
    %swap3A_154 = arith.constant 0 : index
    %swap3A_155 = tpu.vector_load %arg9[%swap3A_154] {strides = array<i32>} : memref<112xi32, #tpu.memory_space<vmem>>, vector<16xi32>,
    %swap3A_156 = vector.shape_cast %swap3A_155 : vector<16xi32> to vector<16xi32>
    %swap3A_157 = vector.shape_cast %add3A_153 : vector<16xi32> to vector<16xi32>
    tpu.vector_store %arg9[%swap3A_154], %swap3A_157 {strides = array<i32>} : memref<112xi32, #tpu.memory_space<vmem>>, vector<16xi32>,
    %get3A_158 = arith.constant 16 : index
    %get3A_159 = tpu.vector_load %arg9[%get3A_158] {strides = array<i32>} : memref<112xi32, #tpu.memory_space<vmem>>, vector<16xi32>,
    %get3A_160 = vector.shape_cast %get3A_159 : vector<16xi32> to vector<16xi32>
    %add3A_161 = vector.broadcast %mul3A_0 : i32 to vector<16xi32>
    %add3A_162 = arith.addi %get3A_160, %add3A_161 : vector<16xi32>
    %swap3A_163 = arith.constant 16 : index
    %swap3A_164 = tpu.vector_load %arg9[%swap3A_163] {strides = array<i32>} : memref<112xi32, #tpu.memory_space<vmem>>, vector<16xi32>,
    %swap3A_165 = vector.shape_cast %swap3A_164 : vector<16xi32> to vector<16xi32>
    %swap3A_166 = vector.shape_cast %add3A_162 : vector<16xi32> to vector<16xi32>
    tpu.vector_store %arg9[%swap3A_163], %swap3A_166 {strides = array<i32>} : memref<112xi32, #tpu.memory_space<vmem>>, vector<16xi32>,
    %get3A_167 = arith.constant 32 : index
    %get3A_168 = tpu.vector_load %arg9[%get3A_167] {strides = array<i32>} : memref<112xi32, #tpu.memory_space<vmem>>, vector<16xi32>,
    %get3A_169 = vector.shape_cast %get3A_168 : vector<16xi32> to vector<16xi32>
    %add3A_170 = vector.broadcast %mul3A_0 : i32 to vector<16xi32>
    %add3A_171 = arith.addi %get3A_169, %add3A_170 : vector<16xi32>
    %swap3A_172 = arith.constant 32 : index
    %swap3A_173 = tpu.vector_load %arg9[%swap3A_172] {strides = array<i32>} : memref<112xi32, #tpu.memory_space<vmem>>, vector<16xi32>,
    %swap3A_174 = vector.shape_cast %swap3A_173 : vector<16xi32> to vector<16xi32>
    %swap3A_175 = vector.shape_cast %add3A_171 : vector<16xi32> to vector<16xi32>
    tpu.vector_store %arg9[%swap3A_172], %swap3A_175 {strides = array<i32>} : memref<112xi32, #tpu.memory_space<vmem>>, vector<16xi32>,
    %get3A_176 = arith.constant 48 : index
    %get3A_177 = tpu.vector_load %arg9[%get3A_176] {strides = array<i32>} : memref<112xi32, #tpu.memory_space<vmem>>, vector<16xi32>,
    %get3A_178 = vector.shape_cast %get3A_177 : vector<16xi32> to vector<16xi32>
    %add3A_179 = vector.broadcast %mul3A_0 : i32 to vector<16xi32>
    %add3A_180 = arith.addi %get3A_178, %add3A_179 : vector<16xi32>
    %swap3A_181 = arith.constant 48 : index
    %swap3A_182 = tpu.vector_load %arg9[%swap3A_181] {strides = array<i32>} : memref<112xi32, #tpu.memory_space<vmem>>, vector<16xi32>,
    %swap3A_183 = vector.shape_cast %swap3A_182 : vector<16xi32> to vector<16xi32>
    %swap3A_184 = vector.shape_cast %add3A_180 : vector<16xi32> to vector<16xi32>
    tpu.vector_store %arg9[%swap3A_181], %swap3A_184 {strides = array<i32>} : memref<112xi32, #tpu.memory_space<vmem>>, vector<16xi32>,
    %get3A_185 = arith.constant 64 : index
    %get3A_186 = tpu.vector_load %arg9[%get3A_185] {strides = array<i32>} : memref<112xi32, #tpu.memory_space<vmem>>, vector<16xi32>,
    %get3A_187 = vector.shape_cast %get3A_186 : vector<16xi32> to vector<16xi32>
    %add3A_188 = vector.broadcast %mul3A_0 : i32 to vector<16xi32>
    %add3A_189 = arith.addi %get3A_187, %add3A_188 : vector<16xi32>
    %swap3A_190 = arith.constant 64 : index
    %swap3A_191 = tpu.vector_load %arg9[%swap3A_190] {strides = array<i32>} : memref<112xi32, #tpu.memory_space<vmem>>, vector<16xi32>,
    %swap3A_192 = vector.shape_cast %swap3A_191 : vector<16xi32> to vector<16xi32>
    %swap3A_193 = vector.shape_cast %add3A_189 : vector<16xi32> to vector<16xi32>
    tpu.vector_store %arg9[%swap3A_190], %swap3A_193 {strides = array<i32>} : memref<112xi32, #tpu.memory_space<vmem>>, vector<16xi32>,
    %get3A_194 = arith.constant 80 : index
    %get3A_195 = tpu.vector_load %arg9[%get3A_194] {strides = array<i32>} : memref<112xi32, #tpu.memory_space<vmem>>, vector<16xi32>,
    %get3A_196 = vector.shape_cast %get3A_195 : vector<16xi32> to vector<16xi32>
    %add3A_197 = vector.broadcast %mul3A_0 : i32 to vector<16xi32>
    %add3A_198 = arith.addi %get3A_196, %add3A_197 : vector<16xi32>
    %swap3A_199 = arith.constant 80 : index
    %swap3A_200 = tpu.vector_load %arg9[%swap3A_199] {strides = array<i32>} : memref<112xi32, #tpu.memory_space<vmem>>, vector<16xi32>,
    %swap3A_201 = vector.shape_cast %swap3A_200 : vector<16xi32> to vector<16xi32>
    %swap3A_202 = vector.shape_cast %add3A_198 : vector<16xi32> to vector<16xi32>
    tpu.vector_store %arg9[%swap3A_199], %swap3A_202 {strides = array<i32>} : memref<112xi32, #tpu.memory_space<vmem>>, vector<16xi32>,
    %get3A_203 = arith.constant 96 : index
    %get3A_204 = tpu.vector_load %arg9[%get3A_203] {strides = array<i32>} : memref<112xi32, #tpu.memory_space<vmem>>, vector<16xi32>,
    %get3A_205 = vector.shape_cast %get3A_204 : vector<16xi32> to vector<16xi32>
    %add3A_206 = vector.broadcast %mul3A_0 : i32 to vector<16xi32>
    %add3A_207 = arith.addi %get3A_205, %add3A_206 : vector<16xi32>
    %swap3A_208 = arith.constant 96 : index
    %swap3A_209 = tpu.vector_load %arg9[%swap3A_208] {strides = array<i32>} : memref<112xi32, #tpu.memory_space<vmem>>, vector<16xi32>,
    %swap3A_210 = vector.shape_cast %swap3A_209 : vector<16xi32> to vector<16xi32>
    %swap3A_211 = vector.shape_cast %add3A_207 : vector<16xi32> to vector<16xi32>
    tpu.vector_store %arg9[%swap3A_208], %swap3A_211 {strides = array<i32>} : memref<112xi32, #tpu.memory_space<vmem>>, vector<16xi32>,
    "tpu.region"() ({
      %run_scoped3A = tpu.sem_alloc : memref<!tpu.dma_semaphore, #tpu.memory_space<semaphore_mem>>
      %dma_start3A_237 = tpu.memref_slice %arg3[%add3A_148] : memref<160000xi32, #tpu.memory_space<hbm>> -> memref<112xi32, #tpu.memory_space<hbm>>
      %dma_start3A_238 = tpu.memref_slice %arg3[%add3A_148] : memref<160000xi32, #tpu.memory_space<hbm>> -> memref<112xi32, #tpu.memory_space<hbm>>
      tpu.enqueue_dma source(%dma_start3A_238 : memref<112xi32, #tpu.memory_space<hbm>>) target(%arg12 : memref<112xi32, #tpu.memory_space<vmem>>) target_semaphore(%run_scoped3A : memref<!tpu.dma_semaphore, #tpu.memory_space<semaphore_mem>>)
      %dma_wait3A_239 = tpu.memref_slice %arg3[%add3A_148] : memref<160000xi32, #tpu.memory_space<hbm>> -> memref<112xi32, #tpu.memory_space<hbm>>
      %dma_wait3A_240 = tpu.memref_slice %arg3[%add3A_148] : memref<160000xi32, #tpu.memory_space<hbm>> -> memref<112xi32, #tpu.memory_space<hbm>>
      tpu.wait_dma2 semaphore(%run_scoped3A : memref<!tpu.dma_semaphore, #tpu.memory_space<semaphore_mem>>) src(%dma_wait3A_240 : memref<112xi32, #tpu.memory_space<hbm>>) dst(%arg12 : memref<112xi32, #tpu.memory_space<vmem>>)
      tpu.yield
    }) : () -> ()
    %cond3A_212 = arith.constant 0 : i32
    %dma_start3A_213 = arith.constant 0 : i32
    %dma_start3A_214 = arith.constant 0 : i32
    %dma_start3A_215 = tpu.memref_slice %arg4[%dma_start3A_213, %dma_start3A_214] : memref<20000x128xf32, #tpu.memory_space<hbm>> -> memref<20000x128xf32, #tpu.memory_space<hbm>>
    tpu.enqueue_indirect_dma source(%dma_start3A_215 : memref<20000x128xf32, #tpu.memory_space<hbm>>) target(%arg15 : memref<112x128xf32, #tpu.memory_space<vmem>>) offsets(%arg9 : memref<112xi32, #tpu.memory_space<vmem>>) semaphore(%arg19 : memref<!tpu.dma_semaphore, #tpu.memory_space<semaphore_mem>>)
    %scan3A_216 = arith.constant 0 : i32
    %scan3A_217 = arith.constant 0 : i32
    %scan3A_218 = arith.constant 30 : i32
    %scan3A_219 = arith.addi %scan3A_217, %scan3A_218 : i32
    %scan3A_220 = arith.constant 1 : i32
    scf.for %scan3A_237 = %scan3A_217 to %scan3A_219 step %scan3A_220  : i32 {
      %mul3A_238 = arith.constant 3 : i32
      %mul3A_239 = arith.muli %mul3A_238, %scan3A_237 : i32
      %add3A_240 = arith.constant 0 : i32
      %add3A_241 = arith.addi %mul3A_239, %add3A_240 : i32
      %lt3A = arith.constant 90 : i32
      %lt3A_242 = arith.cmpi slt, %add3A_241, %lt3A : i32
      %convert_element_type3A = arith.extui %lt3A_242 : i1 to i32
      %cond3A_243 = arith.constant 0 : i32
      %cond3A_244 = arith.cmpi ne, %convert_element_type3A, %cond3A_243 : i32
      scf.if %cond3A_244 {
        %dma_wait3A_296 = arith.constant 0 : i32
        %dma_wait3A_297 = arith.constant 0 : i32
        %dma_wait3A_298 = tpu.memref_slice %arg4[%dma_wait3A_296, %dma_wait3A_297] : memref<20000x128xf32, #tpu.memory_space<hbm>> -> memref<20000x128xf32, #tpu.memory_space<hbm>>
        tpu.wait_indirect_dma semaphore(%arg17 : memref<!tpu.dma_semaphore, #tpu.memory_space<semaphore_mem>>) src(%dma_wait3A_298 : memref<20000x128xf32, #tpu.memory_space<hbm>>) dst(%arg13 : memref<112x128xf32, #tpu.memory_space<vmem>>)
        %dma_start3A_299 = arith.constant 0 : i32
        %dma_start3A_300 = arith.constant 0 : i32
        %dma_start3A_301 = tpu.memref_slice %arg16[%dma_start3A_299, %dma_start3A_300] : memref<10240x128xf32, #tpu.memory_space<vmem_shared>> -> memref<10240x128xf32, #tpu.memory_space<vmem_shared>>
        tpu.enqueue_indirect_dma source(%arg13 : memref<112x128xf32, #tpu.memory_space<vmem>>) target(%dma_start3A_301 : memref<10240x128xf32, #tpu.memory_space<vmem_shared>>) offsets(%arg10 : memref<112xi32, #tpu.memory_space<vmem>>) semaphore(%arg20 : memref<!tpu.dma_semaphore, #tpu.memory_space<semaphore_mem>>) {add = true}
      } else {
      }
      %mul3A_245 = arith.constant 3 : i32
      %mul3A_246 = arith.muli %mul3A_245, %scan3A_237 : i32
      %add3A_247 = arith.constant 1 : i32
      %add3A_248 = arith.addi %mul3A_246, %add3A_247 : i32
      %lt3A_249 = arith.constant 90 : i32
      %lt3A_250 = arith.cmpi slt, %add3A_248, %lt3A_249 : i32
      %convert_element_type3A_251 = arith.extui %lt3A_250 : i1 to i32
      %cond3A_252 = arith.constant 0 : i32
      %cond3A_253 = arith.cmpi ne, %convert_element_type3A_251, %cond3A_252 : i32
      scf.if %cond3A_253 {
        %dma_wait3A_296 = arith.constant 0 : i32
        %dma_wait3A_297 = arith.constant 0 : i32
        %dma_wait3A_298 = tpu.memref_slice %arg4[%dma_wait3A_296, %dma_wait3A_297] : memref<20000x128xf32, #tpu.memory_space<hbm>> -> memref<20000x128xf32, #tpu.memory_space<hbm>>
        tpu.wait_indirect_dma semaphore(%arg18 : memref<!tpu.dma_semaphore, #tpu.memory_space<semaphore_mem>>) src(%dma_wait3A_298 : memref<20000x128xf32, #tpu.memory_space<hbm>>) dst(%arg14 : memref<112x128xf32, #tpu.memory_space<vmem>>)
        %dma_start3A_299 = arith.constant 0 : i32
        %dma_start3A_300 = arith.constant 0 : i32
        %dma_start3A_301 = tpu.memref_slice %arg16[%dma_start3A_299, %dma_start3A_300] : memref<10240x128xf32, #tpu.memory_space<vmem_shared>> -> memref<10240x128xf32, #tpu.memory_space<vmem_shared>>
        tpu.enqueue_indirect_dma source(%arg14 : memref<112x128xf32, #tpu.memory_space<vmem>>) target(%dma_start3A_301 : memref<10240x128xf32, #tpu.memory_space<vmem_shared>>) offsets(%arg11 : memref<112xi32, #tpu.memory_space<vmem>>) semaphore(%arg21 : memref<!tpu.dma_semaphore, #tpu.memory_space<semaphore_mem>>) {add = true}
      } else {
      }
      %mul3A_254 = arith.constant 3 : i32
      %mul3A_255 = arith.muli %mul3A_254, %scan3A_237 : i32
      %add3A_256 = arith.constant 2 : i32
      %add3A_257 = arith.addi %mul3A_255, %add3A_256 : i32
      %lt3A_258 = arith.constant 90 : i32
      %lt3A_259 = arith.cmpi slt, %add3A_257, %lt3A_258 : i32
      %convert_element_type3A_260 = arith.extui %lt3A_259 : i1 to i32
      %cond3A_261 = arith.constant 0 : i32
      %cond3A_262 = arith.cmpi ne, %convert_element_type3A_260, %cond3A_261 : i32
      scf.if %cond3A_262 {
        %dma_wait3A_296 = arith.constant 0 : i32
        %dma_wait3A_297 = arith.constant 0 : i32
        %dma_wait3A_298 = tpu.memref_slice %arg4[%dma_wait3A_296, %dma_wait3A_297] : memref<20000x128xf32, #tpu.memory_space<hbm>> -> memref<20000x128xf32, #tpu.memory_space<hbm>>
        tpu.wait_indirect_dma semaphore(%arg19 : memref<!tpu.dma_semaphore, #tpu.memory_space<semaphore_mem>>) src(%dma_wait3A_298 : memref<20000x128xf32, #tpu.memory_space<hbm>>) dst(%arg15 : memref<112x128xf32, #tpu.memory_space<vmem>>)
        %dma_start3A_299 = arith.constant 0 : i32
        %dma_start3A_300 = arith.constant 0 : i32
        %dma_start3A_301 = tpu.memref_slice %arg16[%dma_start3A_299, %dma_start3A_300] : memref<10240x128xf32, #tpu.memory_space<vmem_shared>> -> memref<10240x128xf32, #tpu.memory_space<vmem_shared>>
        tpu.enqueue_indirect_dma source(%arg15 : memref<112x128xf32, #tpu.memory_space<vmem>>) target(%dma_start3A_301 : memref<10240x128xf32, #tpu.memory_space<vmem_shared>>) offsets(%arg12 : memref<112xi32, #tpu.memory_space<vmem>>) semaphore(%arg22 : memref<!tpu.dma_semaphore, #tpu.memory_space<semaphore_mem>>) {add = true}
      } else {
      }
      %mul3A_263 = arith.constant 3 : i32
      %mul3A_264 = arith.muli %mul3A_263, %scan3A_237 : i32
      %add3A_265 = arith.constant 3 : i32
      %add3A_266 = arith.addi %mul3A_264, %add3A_265 : i32
      %add3A_267 = arith.constant 0 : i32
      %add3A_268 = arith.addi %add3A_266, %add3A_267 : i32
      %lt3A_269 = arith.constant 90 : i32
      %lt3A_270 = arith.cmpi slt, %add3A_268, %lt3A_269 : i32
      %convert_element_type3A_271 = arith.extui %lt3A_270 : i1 to i32
      %cond3A_272 = arith.constant 0 : i32
      %cond3A_273 = arith.cmpi ne, %convert_element_type3A_271, %cond3A_272 : i32
      scf.if %cond3A_273 {
        %dma_wait3A_296 = arith.constant 0 : i32
        %dma_wait3A_297 = arith.constant 0 : i32
        %dma_wait3A_298 = tpu.memref_slice %arg16[%dma_wait3A_296, %dma_wait3A_297] : memref<10240x128xf32, #tpu.memory_space<vmem_shared>> -> memref<10240x128xf32, #tpu.memory_space<vmem_shared>>
        tpu.wait_indirect_dma semaphore(%arg20 : memref<!tpu.dma_semaphore, #tpu.memory_space<semaphore_mem>>) src(%arg13 : memref<112x128xf32, #tpu.memory_space<vmem>>) dst(%dma_wait3A_298 : memref<10240x128xf32, #tpu.memory_space<vmem_shared>>)
        %mul3A_299 = arith.constant 112 : i32
        %mul3A_300 = arith.muli %add3A_268, %mul3A_299 : i32
        %min3A_301 = arith.constant 9888 : i32
        %min3A_302 = arith.minsi %mul3A_300, %min3A_301 : i32
        %add3A_303 = arith.addi %mul3A_8, %min3A_302 : i32
        "tpu.region"() ({
          %run_scoped3A = tpu.sem_alloc : memref<!tpu.dma_semaphore, #tpu.memory_space<semaphore_mem>>
          %dma_start3A_374 = tpu.memref_slice %arg2[%add3A_303] : memref<160000xi32, #tpu.memory_space<hbm>> -> memref<112xi32, #tpu.memory_space<hbm>>
          %dma_start3A_375 = tpu.memref_slice %arg2[%add3A_303] : memref<160000xi32, #tpu.memory_space<hbm>> -> memref<112xi32, #tpu.memory_space<hbm>>
          tpu.enqueue_dma source(%dma_start3A_375 : memref<112xi32, #tpu.memory_space<hbm>>) target(%arg7 : memref<112xi32, #tpu.memory_space<vmem>>) target_semaphore(%run_scoped3A : memref<!tpu.dma_semaphore, #tpu.memory_space<semaphore_mem>>)
          %dma_wait3A_376 = tpu.memref_slice %arg2[%add3A_303] : memref<160000xi32, #tpu.memory_space<hbm>> -> memref<112xi32, #tpu.memory_space<hbm>>
          %dma_wait3A_377 = tpu.memref_slice %arg2[%add3A_303] : memref<160000xi32, #tpu.memory_space<hbm>> -> memref<112xi32, #tpu.memory_space<hbm>>
          tpu.wait_dma2 semaphore(%run_scoped3A : memref<!tpu.dma_semaphore, #tpu.memory_space<semaphore_mem>>) src(%dma_wait3A_377 : memref<112xi32, #tpu.memory_space<hbm>>) dst(%arg7 : memref<112xi32, #tpu.memory_space<vmem>>)
          tpu.yield
        }) : () -> ()
        %get3A_304 = arith.constant 0 : index
        %get3A_305 = tpu.vector_load %arg7[%get3A_304] {strides = array<i32>} : memref<112xi32, #tpu.memory_space<vmem>>, vector<16xi32>,
        %get3A_306 = vector.shape_cast %get3A_305 : vector<16xi32> to vector<16xi32>
        %add3A_307 = vector.broadcast %mul3A_0 : i32 to vector<16xi32>
        %add3A_308 = arith.addi %get3A_306, %add3A_307 : vector<16xi32>
        %swap3A_309 = arith.constant 0 : index
        %swap3A_310 = tpu.vector_load %arg7[%swap3A_309] {strides = array<i32>} : memref<112xi32, #tpu.memory_space<vmem>>, vector<16xi32>,
        %swap3A_311 = vector.shape_cast %swap3A_310 : vector<16xi32> to vector<16xi32>
        %swap3A_312 = vector.shape_cast %add3A_308 : vector<16xi32> to vector<16xi32>
        tpu.vector_store %arg7[%swap3A_309], %swap3A_312 {strides = array<i32>} : memref<112xi32, #tpu.memory_space<vmem>>, vector<16xi32>,
        %get3A_313 = arith.constant 16 : index
        %get3A_314 = tpu.vector_load %arg7[%get3A_313] {strides = array<i32>} : memref<112xi32, #tpu.memory_space<vmem>>, vector<16xi32>,
        %get3A_315 = vector.shape_cast %get3A_314 : vector<16xi32> to vector<16xi32>
        %add3A_316 = vector.broadcast %mul3A_0 : i32 to vector<16xi32>
        %add3A_317 = arith.addi %get3A_315, %add3A_316 : vector<16xi32>
        %swap3A_318 = arith.constant 16 : index
        %swap3A_319 = tpu.vector_load %arg7[%swap3A_318] {strides = array<i32>} : memref<112xi32, #tpu.memory_space<vmem>>, vector<16xi32>,
        %swap3A_320 = vector.shape_cast %swap3A_319 : vector<16xi32> to vector<16xi32>
        %swap3A_321 = vector.shape_cast %add3A_317 : vector<16xi32> to vector<16xi32>
        tpu.vector_store %arg7[%swap3A_318], %swap3A_321 {strides = array<i32>} : memref<112xi32, #tpu.memory_space<vmem>>, vector<16xi32>,
        %get3A_322 = arith.constant 32 : index
        %get3A_323 = tpu.vector_load %arg7[%get3A_322] {strides = array<i32>} : memref<112xi32, #tpu.memory_space<vmem>>, vector<16xi32>,
        %get3A_324 = vector.shape_cast %get3A_323 : vector<16xi32> to vector<16xi32>
        %add3A_325 = vector.broadcast %mul3A_0 : i32 to vector<16xi32>
        %add3A_326 = arith.addi %get3A_324, %add3A_325 : vector<16xi32>
        %swap3A_327 = arith.constant 32 : index
        %swap3A_328 = tpu.vector_load %arg7[%swap3A_327] {strides = array<i32>} : memref<112xi32, #tpu.memory_space<vmem>>, vector<16xi32>,
        %swap3A_329 = vector.shape_cast %swap3A_328 : vector<16xi32> to vector<16xi32>
        %swap3A_330 = vector.shape_cast %add3A_326 : vector<16xi32> to vector<16xi32>
        tpu.vector_store %arg7[%swap3A_327], %swap3A_330 {strides = array<i32>} : memref<112xi32, #tpu.memory_space<vmem>>, vector<16xi32>,
        %get3A_331 = arith.constant 48 : index
        %get3A_332 = tpu.vector_load %arg7[%get3A_331] {strides = array<i32>} : memref<112xi32, #tpu.memory_space<vmem>>, vector<16xi32>,
        %get3A_333 = vector.shape_cast %get3A_332 : vector<16xi32> to vector<16xi32>
        %add3A_334 = vector.broadcast %mul3A_0 : i32 to vector<16xi32>
        %add3A_335 = arith.addi %get3A_333, %add3A_334 : vector<16xi32>
        %swap3A_336 = arith.constant 48 : index
        %swap3A_337 = tpu.vector_load %arg7[%swap3A_336] {strides = array<i32>} : memref<112xi32, #tpu.memory_space<vmem>>, vector<16xi32>,
        %swap3A_338 = vector.shape_cast %swap3A_337 : vector<16xi32> to vector<16xi32>
        %swap3A_339 = vector.shape_cast %add3A_335 : vector<16xi32> to vector<16xi32>
        tpu.vector_store %arg7[%swap3A_336], %swap3A_339 {strides = array<i32>} : memref<112xi32, #tpu.memory_space<vmem>>, vector<16xi32>,
        %get3A_340 = arith.constant 64 : index
        %get3A_341 = tpu.vector_load %arg7[%get3A_340] {strides = array<i32>} : memref<112xi32, #tpu.memory_space<vmem>>, vector<16xi32>,
        %get3A_342 = vector.shape_cast %get3A_341 : vector<16xi32> to vector<16xi32>
        %add3A_343 = vector.broadcast %mul3A_0 : i32 to vector<16xi32>
        %add3A_344 = arith.addi %get3A_342, %add3A_343 : vector<16xi32>
        %swap3A_345 = arith.constant 64 : index
        %swap3A_346 = tpu.vector_load %arg7[%swap3A_345] {strides = array<i32>} : memref<112xi32, #tpu.memory_space<vmem>>, vector<16xi32>,
        %swap3A_347 = vector.shape_cast %swap3A_346 : vector<16xi32> to vector<16xi32>
        %swap3A_348 = vector.shape_cast %add3A_344 : vector<16xi32> to vector<16xi32>
        tpu.vector_store %arg7[%swap3A_345], %swap3A_348 {strides = array<i32>} : memref<112xi32, #tpu.memory_space<vmem>>, vector<16xi32>,
        %get3A_349 = arith.constant 80 : index
        %get3A_350 = tpu.vector_load %arg7[%get3A_349] {strides = array<i32>} : memref<112xi32, #tpu.memory_space<vmem>>, vector<16xi32>,
        %get3A_351 = vector.shape_cast %get3A_350 : vector<16xi32> to vector<16xi32>
        %add3A_352 = vector.broadcast %mul3A_0 : i32 to vector<16xi32>
        %add3A_353 = arith.addi %get3A_351, %add3A_352 : vector<16xi32>
        %swap3A_354 = arith.constant 80 : index
        %swap3A_355 = tpu.vector_load %arg7[%swap3A_354] {strides = array<i32>} : memref<112xi32, #tpu.memory_space<vmem>>, vector<16xi32>,
        %swap3A_356 = vector.shape_cast %swap3A_355 : vector<16xi32> to vector<16xi32>
        %swap3A_357 = vector.shape_cast %add3A_353 : vector<16xi32> to vector<16xi32>
        tpu.vector_store %arg7[%swap3A_354], %swap3A_357 {strides = array<i32>} : memref<112xi32, #tpu.memory_space<vmem>>, vector<16xi32>,
        %get3A_358 = arith.constant 96 : index
        %get3A_359 = tpu.vector_load %arg7[%get3A_358] {strides = array<i32>} : memref<112xi32, #tpu.memory_space<vmem>>, vector<16xi32>,
        %get3A_360 = vector.shape_cast %get3A_359 : vector<16xi32> to vector<16xi32>
        %add3A_361 = vector.broadcast %mul3A_0 : i32 to vector<16xi32>
        %add3A_362 = arith.addi %get3A_360, %add3A_361 : vector<16xi32>
        %swap3A_363 = arith.constant 96 : index
        %swap3A_364 = tpu.vector_load %arg7[%swap3A_363] {strides = array<i32>} : memref<112xi32, #tpu.memory_space<vmem>>, vector<16xi32>,
        %swap3A_365 = vector.shape_cast %swap3A_364 : vector<16xi32> to vector<16xi32>
        %swap3A_366 = vector.shape_cast %add3A_362 : vector<16xi32> to vector<16xi32>
        tpu.vector_store %arg7[%swap3A_363], %swap3A_366 {strides = array<i32>} : memref<112xi32, #tpu.memory_space<vmem>>, vector<16xi32>,
        "tpu.region"() ({
          %run_scoped3A = tpu.sem_alloc : memref<!tpu.dma_semaphore, #tpu.memory_space<semaphore_mem>>
          %dma_start3A_374 = tpu.memref_slice %arg3[%add3A_303] : memref<160000xi32, #tpu.memory_space<hbm>> -> memref<112xi32, #tpu.memory_space<hbm>>
          %dma_start3A_375 = tpu.memref_slice %arg3[%add3A_303] : memref<160000xi32, #tpu.memory_space<hbm>> -> memref<112xi32, #tpu.memory_space<hbm>>
          tpu.enqueue_dma source(%dma_start3A_375 : memref<112xi32, #tpu.memory_space<hbm>>) target(%arg10 : memref<112xi32, #tpu.memory_space<vmem>>) target_semaphore(%run_scoped3A : memref<!tpu.dma_semaphore, #tpu.memory_space<semaphore_mem>>)
          %dma_wait3A_376 = tpu.memref_slice %arg3[%add3A_303] : memref<160000xi32, #tpu.memory_space<hbm>> -> memref<112xi32, #tpu.memory_space<hbm>>
          %dma_wait3A_377 = tpu.memref_slice %arg3[%add3A_303] : memref<160000xi32, #tpu.memory_space<hbm>> -> memref<112xi32, #tpu.memory_space<hbm>>
          tpu.wait_dma2 semaphore(%run_scoped3A : memref<!tpu.dma_semaphore, #tpu.memory_space<semaphore_mem>>) src(%dma_wait3A_377 : memref<112xi32, #tpu.memory_space<hbm>>) dst(%arg10 : memref<112xi32, #tpu.memory_space<vmem>>)
          tpu.yield
        }) : () -> ()
        %eq3A = arith.constant 89 : i32
        %eq3A_367 = arith.cmpi eq, %add3A_268, %eq3A : i32
        %convert_element_type3A_368 = arith.extui %eq3A_367 : i1 to i32
        %cond3A_369 = arith.constant 0 : i32
        %cond3A_370 = arith.cmpi ne, %convert_element_type3A_368, %cond3A_369 : i32
        scf.if %cond3A_370 {
          %swap3A_374 = arith.constant 0 : index
          %swap3A_375 = tpu.vector_load %arg10[%swap3A_374] {strides = array<i32>} : memref<112xi32, #tpu.memory_space<vmem>>, vector<16xi32>,
          %swap3A_376 = vector.shape_cast %swap3A_375 : vector<16xi32> to vector<16xi32>
          %swap3A_377 = vector.shape_cast %broadcast_in_dim3A_1 : vector<16xi32> to vector<16xi32>
          tpu.vector_store %arg10[%swap3A_374], %swap3A_377 {strides = array<i32>} : memref<112xi32, #tpu.memory_space<vmem>>, vector<16xi32>,
          %swap3A_378 = arith.constant 16 : index
          %swap3A_379 = tpu.vector_load %arg10[%swap3A_378] {strides = array<i32>} : memref<112xi32, #tpu.memory_space<vmem>>, vector<16xi32>,
          %swap3A_380 = vector.shape_cast %swap3A_379 : vector<16xi32> to vector<16xi32>
          %swap3A_381 = vector.shape_cast %broadcast_in_dim3A_1 : vector<16xi32> to vector<16xi32>
          tpu.vector_store %arg10[%swap3A_378], %swap3A_381 {strides = array<i32>} : memref<112xi32, #tpu.memory_space<vmem>>, vector<16xi32>,
          %swap3A_382 = arith.constant 32 : index
          %swap3A_383 = tpu.vector_load %arg10[%swap3A_382] {strides = array<i32>} : memref<112xi32, #tpu.memory_space<vmem>>, vector<16xi32>,
          %swap3A_384 = vector.shape_cast %swap3A_383 : vector<16xi32> to vector<16xi32>
          %swap3A_385 = vector.shape_cast %broadcast_in_dim3A_1 : vector<16xi32> to vector<16xi32>
          tpu.vector_store %arg10[%swap3A_382], %swap3A_385 {strides = array<i32>} : memref<112xi32, #tpu.memory_space<vmem>>, vector<16xi32>,
          %swap3A_386 = arith.constant 48 : index
          %swap3A_387 = tpu.vector_load %arg10[%swap3A_386] {strides = array<i32>} : memref<112xi32, #tpu.memory_space<vmem>>, vector<16xi32>,
          %swap3A_388 = vector.shape_cast %swap3A_387 : vector<16xi32> to vector<16xi32>
          %swap3A_389 = vector.shape_cast %broadcast_in_dim3A_1 : vector<16xi32> to vector<16xi32>
          tpu.vector_store %arg10[%swap3A_386], %swap3A_389 {strides = array<i32>} : memref<112xi32, #tpu.memory_space<vmem>>, vector<16xi32>,
          %swap3A_390 = arith.constant 64 : index
          %swap3A_391 = tpu.vector_load %arg10[%swap3A_390] {strides = array<i32>} : memref<112xi32, #tpu.memory_space<vmem>>, vector<16xi32>,
          %swap3A_392 = vector.shape_cast %swap3A_391 : vector<16xi32> to vector<16xi32>
          %swap3A_393 = vector.shape_cast %broadcast_in_dim3A_1 : vector<16xi32> to vector<16xi32>
          tpu.vector_store %arg10[%swap3A_390], %swap3A_393 {strides = array<i32>} : memref<112xi32, #tpu.memory_space<vmem>>, vector<16xi32>,
        } else {
        }
        %dma_start3A_371 = arith.constant 0 : i32
        %dma_start3A_372 = arith.constant 0 : i32
        %dma_start3A_373 = tpu.memref_slice %arg4[%dma_start3A_371, %dma_start3A_372] : memref<20000x128xf32, #tpu.memory_space<hbm>> -> memref<20000x128xf32, #tpu.memory_space<hbm>>
        tpu.enqueue_indirect_dma source(%dma_start3A_373 : memref<20000x128xf32, #tpu.memory_space<hbm>>) target(%arg13 : memref<112x128xf32, #tpu.memory_space<vmem>>) offsets(%arg7 : memref<112xi32, #tpu.memory_space<vmem>>) semaphore(%arg17 : memref<!tpu.dma_semaphore, #tpu.memory_space<semaphore_mem>>)
      } else {
      }
      %mul3A_274 = arith.constant 3 : i32
      %mul3A_275 = arith.muli %mul3A_274, %scan3A_237 : i32
      %add3A_276 = arith.constant 3 : i32
      %add3A_277 = arith.addi %mul3A_275, %add3A_276 : i32
      %add3A_278 = arith.constant 1 : i32
      %add3A_279 = arith.addi %add3A_277, %add3A_278 : i32
      %lt3A_280 = arith.constant 90 : i32
      %lt3A_281 = arith.cmpi slt, %add3A_279, %lt3A_280 : i32
      %convert_element_type3A_282 = arith.extui %lt3A_281 : i1 to i32
      %cond3A_283 = arith.constant 0 : i32
      %cond3A_284 = arith.cmpi ne, %convert_element_type3A_282, %cond3A_283 : i32
      scf.if %cond3A_284 {
        %dma_wait3A_296 = arith.constant 0 : i32
        %dma_wait3A_297 = arith.constant 0 : i32
        %dma_wait3A_298 = tpu.memref_slice %arg16[%dma_wait3A_296, %dma_wait3A_297] : memref<10240x128xf32, #tpu.memory_space<vmem_shared>> -> memref<10240x128xf32, #tpu.memory_space<vmem_shared>>
        tpu.wait_indirect_dma semaphore(%arg21 : memref<!tpu.dma_semaphore, #tpu.memory_space<semaphore_mem>>) src(%arg14 : memref<112x128xf32, #tpu.memory_space<vmem>>) dst(%dma_wait3A_298 : memref<10240x128xf32, #tpu.memory_space<vmem_shared>>)
        %mul3A_299 = arith.constant 112 : i32
        %mul3A_300 = arith.muli %add3A_279, %mul3A_299 : i32
        %min3A_301 = arith.constant 9888 : i32
        %min3A_302 = arith.minsi %mul3A_300, %min3A_301 : i32
        %add3A_303 = arith.addi %mul3A_8, %min3A_302 : i32
        "tpu.region"() ({
          %run_scoped3A = tpu.sem_alloc : memref<!tpu.dma_semaphore, #tpu.memory_space<semaphore_mem>>
          %dma_start3A_374 = tpu.memref_slice %arg2[%add3A_303] : memref<160000xi32, #tpu.memory_space<hbm>> -> memref<112xi32, #tpu.memory_space<hbm>>
          %dma_start3A_375 = tpu.memref_slice %arg2[%add3A_303] : memref<160000xi32, #tpu.memory_space<hbm>> -> memref<112xi32, #tpu.memory_space<hbm>>
          tpu.enqueue_dma source(%dma_start3A_375 : memref<112xi32, #tpu.memory_space<hbm>>) target(%arg8 : memref<112xi32, #tpu.memory_space<vmem>>) target_semaphore(%run_scoped3A : memref<!tpu.dma_semaphore, #tpu.memory_space<semaphore_mem>>)
          %dma_wait3A_376 = tpu.memref_slice %arg2[%add3A_303] : memref<160000xi32, #tpu.memory_space<hbm>> -> memref<112xi32, #tpu.memory_space<hbm>>
          %dma_wait3A_377 = tpu.memref_slice %arg2[%add3A_303] : memref<160000xi32, #tpu.memory_space<hbm>> -> memref<112xi32, #tpu.memory_space<hbm>>
          tpu.wait_dma2 semaphore(%run_scoped3A : memref<!tpu.dma_semaphore, #tpu.memory_space<semaphore_mem>>) src(%dma_wait3A_377 : memref<112xi32, #tpu.memory_space<hbm>>) dst(%arg8 : memref<112xi32, #tpu.memory_space<vmem>>)
          tpu.yield
        }) : () -> ()
        %get3A_304 = arith.constant 0 : index
        %get3A_305 = tpu.vector_load %arg8[%get3A_304] {strides = array<i32>} : memref<112xi32, #tpu.memory_space<vmem>>, vector<16xi32>,
        %get3A_306 = vector.shape_cast %get3A_305 : vector<16xi32> to vector<16xi32>
        %add3A_307 = vector.broadcast %mul3A_0 : i32 to vector<16xi32>
        %add3A_308 = arith.addi %get3A_306, %add3A_307 : vector<16xi32>
        %swap3A_309 = arith.constant 0 : index
        %swap3A_310 = tpu.vector_load %arg8[%swap3A_309] {strides = array<i32>} : memref<112xi32, #tpu.memory_space<vmem>>, vector<16xi32>,
        %swap3A_311 = vector.shape_cast %swap3A_310 : vector<16xi32> to vector<16xi32>
        %swap3A_312 = vector.shape_cast %add3A_308 : vector<16xi32> to vector<16xi32>
        tpu.vector_store %arg8[%swap3A_309], %swap3A_312 {strides = array<i32>} : memref<112xi32, #tpu.memory_space<vmem>>, vector<16xi32>,
        %get3A_313 = arith.constant 16 : index
        %get3A_314 = tpu.vector_load %arg8[%get3A_313] {strides = array<i32>} : memref<112xi32, #tpu.memory_space<vmem>>, vector<16xi32>,
        %get3A_315 = vector.shape_cast %get3A_314 : vector<16xi32> to vector<16xi32>
        %add3A_316 = vector.broadcast %mul3A_0 : i32 to vector<16xi32>
        %add3A_317 = arith.addi %get3A_315, %add3A_316 : vector<16xi32>
        %swap3A_318 = arith.constant 16 : index
        %swap3A_319 = tpu.vector_load %arg8[%swap3A_318] {strides = array<i32>} : memref<112xi32, #tpu.memory_space<vmem>>, vector<16xi32>,
        %swap3A_320 = vector.shape_cast %swap3A_319 : vector<16xi32> to vector<16xi32>
        %swap3A_321 = vector.shape_cast %add3A_317 : vector<16xi32> to vector<16xi32>
        tpu.vector_store %arg8[%swap3A_318], %swap3A_321 {strides = array<i32>} : memref<112xi32, #tpu.memory_space<vmem>>, vector<16xi32>,
        %get3A_322 = arith.constant 32 : index
        %get3A_323 = tpu.vector_load %arg8[%get3A_322] {strides = array<i32>} : memref<112xi32, #tpu.memory_space<vmem>>, vector<16xi32>,
        %get3A_324 = vector.shape_cast %get3A_323 : vector<16xi32> to vector<16xi32>
        %add3A_325 = vector.broadcast %mul3A_0 : i32 to vector<16xi32>
        %add3A_326 = arith.addi %get3A_324, %add3A_325 : vector<16xi32>
        %swap3A_327 = arith.constant 32 : index
        %swap3A_328 = tpu.vector_load %arg8[%swap3A_327] {strides = array<i32>} : memref<112xi32, #tpu.memory_space<vmem>>, vector<16xi32>,
        %swap3A_329 = vector.shape_cast %swap3A_328 : vector<16xi32> to vector<16xi32>
        %swap3A_330 = vector.shape_cast %add3A_326 : vector<16xi32> to vector<16xi32>
        tpu.vector_store %arg8[%swap3A_327], %swap3A_330 {strides = array<i32>} : memref<112xi32, #tpu.memory_space<vmem>>, vector<16xi32>,
        %get3A_331 = arith.constant 48 : index
        %get3A_332 = tpu.vector_load %arg8[%get3A_331] {strides = array<i32>} : memref<112xi32, #tpu.memory_space<vmem>>, vector<16xi32>,
        %get3A_333 = vector.shape_cast %get3A_332 : vector<16xi32> to vector<16xi32>
        %add3A_334 = vector.broadcast %mul3A_0 : i32 to vector<16xi32>
        %add3A_335 = arith.addi %get3A_333, %add3A_334 : vector<16xi32>
        %swap3A_336 = arith.constant 48 : index
        %swap3A_337 = tpu.vector_load %arg8[%swap3A_336] {strides = array<i32>} : memref<112xi32, #tpu.memory_space<vmem>>, vector<16xi32>,
        %swap3A_338 = vector.shape_cast %swap3A_337 : vector<16xi32> to vector<16xi32>
        %swap3A_339 = vector.shape_cast %add3A_335 : vector<16xi32> to vector<16xi32>
        tpu.vector_store %arg8[%swap3A_336], %swap3A_339 {strides = array<i32>} : memref<112xi32, #tpu.memory_space<vmem>>, vector<16xi32>,
        %get3A_340 = arith.constant 64 : index
        %get3A_341 = tpu.vector_load %arg8[%get3A_340] {strides = array<i32>} : memref<112xi32, #tpu.memory_space<vmem>>, vector<16xi32>,
        %get3A_342 = vector.shape_cast %get3A_341 : vector<16xi32> to vector<16xi32>
        %add3A_343 = vector.broadcast %mul3A_0 : i32 to vector<16xi32>
        %add3A_344 = arith.addi %get3A_342, %add3A_343 : vector<16xi32>
        %swap3A_345 = arith.constant 64 : index
        %swap3A_346 = tpu.vector_load %arg8[%swap3A_345] {strides = array<i32>} : memref<112xi32, #tpu.memory_space<vmem>>, vector<16xi32>,
        %swap3A_347 = vector.shape_cast %swap3A_346 : vector<16xi32> to vector<16xi32>
        %swap3A_348 = vector.shape_cast %add3A_344 : vector<16xi32> to vector<16xi32>
        tpu.vector_store %arg8[%swap3A_345], %swap3A_348 {strides = array<i32>} : memref<112xi32, #tpu.memory_space<vmem>>, vector<16xi32>,
        %get3A_349 = arith.constant 80 : index
        %get3A_350 = tpu.vector_load %arg8[%get3A_349] {strides = array<i32>} : memref<112xi32, #tpu.memory_space<vmem>>, vector<16xi32>,
        %get3A_351 = vector.shape_cast %get3A_350 : vector<16xi32> to vector<16xi32>
        %add3A_352 = vector.broadcast %mul3A_0 : i32 to vector<16xi32>
        %add3A_353 = arith.addi %get3A_351, %add3A_352 : vector<16xi32>
        %swap3A_354 = arith.constant 80 : index
        %swap3A_355 = tpu.vector_load %arg8[%swap3A_354] {strides = array<i32>} : memref<112xi32, #tpu.memory_space<vmem>>, vector<16xi32>,
        %swap3A_356 = vector.shape_cast %swap3A_355 : vector<16xi32> to vector<16xi32>
        %swap3A_357 = vector.shape_cast %add3A_353 : vector<16xi32> to vector<16xi32>
        tpu.vector_store %arg8[%swap3A_354], %swap3A_357 {strides = array<i32>} : memref<112xi32, #tpu.memory_space<vmem>>, vector<16xi32>,
        %get3A_358 = arith.constant 96 : index
        %get3A_359 = tpu.vector_load %arg8[%get3A_358] {strides = array<i32>} : memref<112xi32, #tpu.memory_space<vmem>>, vector<16xi32>,
        %get3A_360 = vector.shape_cast %get3A_359 : vector<16xi32> to vector<16xi32>
        %add3A_361 = vector.broadcast %mul3A_0 : i32 to vector<16xi32>
        %add3A_362 = arith.addi %get3A_360, %add3A_361 : vector<16xi32>
        %swap3A_363 = arith.constant 96 : index
        %swap3A_364 = tpu.vector_load %arg8[%swap3A_363] {strides = array<i32>} : memref<112xi32, #tpu.memory_space<vmem>>, vector<16xi32>,
        %swap3A_365 = vector.shape_cast %swap3A_364 : vector<16xi32> to vector<16xi32>
        %swap3A_366 = vector.shape_cast %add3A_362 : vector<16xi32> to vector<16xi32>
        tpu.vector_store %arg8[%swap3A_363], %swap3A_366 {strides = array<i32>} : memref<112xi32, #tpu.memory_space<vmem>>, vector<16xi32>,
        "tpu.region"() ({
          %run_scoped3A = tpu.sem_alloc : memref<!tpu.dma_semaphore, #tpu.memory_space<semaphore_mem>>
          %dma_start3A_374 = tpu.memref_slice %arg3[%add3A_303] : memref<160000xi32, #tpu.memory_space<hbm>> -> memref<112xi32, #tpu.memory_space<hbm>>
          %dma_start3A_375 = tpu.memref_slice %arg3[%add3A_303] : memref<160000xi32, #tpu.memory_space<hbm>> -> memref<112xi32, #tpu.memory_space<hbm>>
          tpu.enqueue_dma source(%dma_start3A_375 : memref<112xi32, #tpu.memory_space<hbm>>) target(%arg11 : memref<112xi32, #tpu.memory_space<vmem>>) target_semaphore(%run_scoped3A : memref<!tpu.dma_semaphore, #tpu.memory_space<semaphore_mem>>)
          %dma_wait3A_376 = tpu.memref_slice %arg3[%add3A_303] : memref<160000xi32, #tpu.memory_space<hbm>> -> memref<112xi32, #tpu.memory_space<hbm>>
          %dma_wait3A_377 = tpu.memref_slice %arg3[%add3A_303] : memref<160000xi32, #tpu.memory_space<hbm>> -> memref<112xi32, #tpu.memory_space<hbm>>
          tpu.wait_dma2 semaphore(%run_scoped3A : memref<!tpu.dma_semaphore, #tpu.memory_space<semaphore_mem>>) src(%dma_wait3A_377 : memref<112xi32, #tpu.memory_space<hbm>>) dst(%arg11 : memref<112xi32, #tpu.memory_space<vmem>>)
          tpu.yield
        }) : () -> ()
        %eq3A = arith.constant 89 : i32
        %eq3A_367 = arith.cmpi eq, %add3A_279, %eq3A : i32
        %convert_element_type3A_368 = arith.extui %eq3A_367 : i1 to i32
        %cond3A_369 = arith.constant 0 : i32
        %cond3A_370 = arith.cmpi ne, %convert_element_type3A_368, %cond3A_369 : i32
        scf.if %cond3A_370 {
          %swap3A_374 = arith.constant 0 : index
          %swap3A_375 = tpu.vector_load %arg11[%swap3A_374] {strides = array<i32>} : memref<112xi32, #tpu.memory_space<vmem>>, vector<16xi32>,
          %swap3A_376 = vector.shape_cast %swap3A_375 : vector<16xi32> to vector<16xi32>
          %swap3A_377 = vector.shape_cast %broadcast_in_dim3A_1 : vector<16xi32> to vector<16xi32>
          tpu.vector_store %arg11[%swap3A_374], %swap3A_377 {strides = array<i32>} : memref<112xi32, #tpu.memory_space<vmem>>, vector<16xi32>,
          %swap3A_378 = arith.constant 16 : index
          %swap3A_379 = tpu.vector_load %arg11[%swap3A_378] {strides = array<i32>} : memref<112xi32, #tpu.memory_space<vmem>>, vector<16xi32>,
          %swap3A_380 = vector.shape_cast %swap3A_379 : vector<16xi32> to vector<16xi32>
          %swap3A_381 = vector.shape_cast %broadcast_in_dim3A_1 : vector<16xi32> to vector<16xi32>
          tpu.vector_store %arg11[%swap3A_378], %swap3A_381 {strides = array<i32>} : memref<112xi32, #tpu.memory_space<vmem>>, vector<16xi32>,
          %swap3A_382 = arith.constant 32 : index
          %swap3A_383 = tpu.vector_load %arg11[%swap3A_382] {strides = array<i32>} : memref<112xi32, #tpu.memory_space<vmem>>, vector<16xi32>,
          %swap3A_384 = vector.shape_cast %swap3A_383 : vector<16xi32> to vector<16xi32>
          %swap3A_385 = vector.shape_cast %broadcast_in_dim3A_1 : vector<16xi32> to vector<16xi32>
          tpu.vector_store %arg11[%swap3A_382], %swap3A_385 {strides = array<i32>} : memref<112xi32, #tpu.memory_space<vmem>>, vector<16xi32>,
          %swap3A_386 = arith.constant 48 : index
          %swap3A_387 = tpu.vector_load %arg11[%swap3A_386] {strides = array<i32>} : memref<112xi32, #tpu.memory_space<vmem>>, vector<16xi32>,
          %swap3A_388 = vector.shape_cast %swap3A_387 : vector<16xi32> to vector<16xi32>
          %swap3A_389 = vector.shape_cast %broadcast_in_dim3A_1 : vector<16xi32> to vector<16xi32>
          tpu.vector_store %arg11[%swap3A_386], %swap3A_389 {strides = array<i32>} : memref<112xi32, #tpu.memory_space<vmem>>, vector<16xi32>,
          %swap3A_390 = arith.constant 64 : index
          %swap3A_391 = tpu.vector_load %arg11[%swap3A_390] {strides = array<i32>} : memref<112xi32, #tpu.memory_space<vmem>>, vector<16xi32>,
          %swap3A_392 = vector.shape_cast %swap3A_391 : vector<16xi32> to vector<16xi32>
          %swap3A_393 = vector.shape_cast %broadcast_in_dim3A_1 : vector<16xi32> to vector<16xi32>
          tpu.vector_store %arg11[%swap3A_390], %swap3A_393 {strides = array<i32>} : memref<112xi32, #tpu.memory_space<vmem>>, vector<16xi32>,
        } else {
        }
        %dma_start3A_371 = arith.constant 0 : i32
        %dma_start3A_372 = arith.constant 0 : i32
        %dma_start3A_373 = tpu.memref_slice %arg4[%dma_start3A_371, %dma_start3A_372] : memref<20000x128xf32, #tpu.memory_space<hbm>> -> memref<20000x128xf32, #tpu.memory_space<hbm>>
        tpu.enqueue_indirect_dma source(%dma_start3A_373 : memref<20000x128xf32, #tpu.memory_space<hbm>>) target(%arg14 : memref<112x128xf32, #tpu.memory_space<vmem>>) offsets(%arg8 : memref<112xi32, #tpu.memory_space<vmem>>) semaphore(%arg18 : memref<!tpu.dma_semaphore, #tpu.memory_space<semaphore_mem>>)
      } else {
      }
      %mul3A_285 = arith.constant 3 : i32
      %mul3A_286 = arith.muli %mul3A_285, %scan3A_237 : i32
      %add3A_287 = arith.constant 3 : i32
      %add3A_288 = arith.addi %mul3A_286, %add3A_287 : i32
      %add3A_289 = arith.constant 2 : i32
      %add3A_290 = arith.addi %add3A_288, %add3A_289 : i32
      %lt3A_291 = arith.constant 90 : i32
      %lt3A_292 = arith.cmpi slt, %add3A_290, %lt3A_291 : i32
      %convert_element_type3A_293 = arith.extui %lt3A_292 : i1 to i32
      %cond3A_294 = arith.constant 0 : i32
      %cond3A_295 = arith.cmpi ne, %convert_element_type3A_293, %cond3A_294 : i32
      scf.if %cond3A_295 {
        %dma_wait3A_296 = arith.constant 0 : i32
        %dma_wait3A_297 = arith.constant 0 : i32
        %dma_wait3A_298 = tpu.memref_slice %arg16[%dma_wait3A_296, %dma_wait3A_297] : memref<10240x128xf32, #tpu.memory_space<vmem_shared>> -> memref<10240x128xf32, #tpu.memory_space<vmem_shared>>
        tpu.wait_indirect_dma semaphore(%arg22 : memref<!tpu.dma_semaphore, #tpu.memory_space<semaphore_mem>>) src(%arg15 : memref<112x128xf32, #tpu.memory_space<vmem>>) dst(%dma_wait3A_298 : memref<10240x128xf32, #tpu.memory_space<vmem_shared>>)
        %mul3A_299 = arith.constant 112 : i32
        %mul3A_300 = arith.muli %add3A_290, %mul3A_299 : i32
        %min3A_301 = arith.constant 9888 : i32
        %min3A_302 = arith.minsi %mul3A_300, %min3A_301 : i32
        %add3A_303 = arith.addi %mul3A_8, %min3A_302 : i32
        "tpu.region"() ({
          %run_scoped3A = tpu.sem_alloc : memref<!tpu.dma_semaphore, #tpu.memory_space<semaphore_mem>>
          %dma_start3A_374 = tpu.memref_slice %arg2[%add3A_303] : memref<160000xi32, #tpu.memory_space<hbm>> -> memref<112xi32, #tpu.memory_space<hbm>>
          %dma_start3A_375 = tpu.memref_slice %arg2[%add3A_303] : memref<160000xi32, #tpu.memory_space<hbm>> -> memref<112xi32, #tpu.memory_space<hbm>>
          tpu.enqueue_dma source(%dma_start3A_375 : memref<112xi32, #tpu.memory_space<hbm>>) target(%arg9 : memref<112xi32, #tpu.memory_space<vmem>>) target_semaphore(%run_scoped3A : memref<!tpu.dma_semaphore, #tpu.memory_space<semaphore_mem>>)
          %dma_wait3A_376 = tpu.memref_slice %arg2[%add3A_303] : memref<160000xi32, #tpu.memory_space<hbm>> -> memref<112xi32, #tpu.memory_space<hbm>>
          %dma_wait3A_377 = tpu.memref_slice %arg2[%add3A_303] : memref<160000xi32, #tpu.memory_space<hbm>> -> memref<112xi32, #tpu.memory_space<hbm>>
          tpu.wait_dma2 semaphore(%run_scoped3A : memref<!tpu.dma_semaphore, #tpu.memory_space<semaphore_mem>>) src(%dma_wait3A_377 : memref<112xi32, #tpu.memory_space<hbm>>) dst(%arg9 : memref<112xi32, #tpu.memory_space<vmem>>)
          tpu.yield
        }) : () -> ()
        %get3A_304 = arith.constant 0 : index
        %get3A_305 = tpu.vector_load %arg9[%get3A_304] {strides = array<i32>} : memref<112xi32, #tpu.memory_space<vmem>>, vector<16xi32>,
        %get3A_306 = vector.shape_cast %get3A_305 : vector<16xi32> to vector<16xi32>
        %add3A_307 = vector.broadcast %mul3A_0 : i32 to vector<16xi32>
        %add3A_308 = arith.addi %get3A_306, %add3A_307 : vector<16xi32>
        %swap3A_309 = arith.constant 0 : index
        %swap3A_310 = tpu.vector_load %arg9[%swap3A_309] {strides = array<i32>} : memref<112xi32, #tpu.memory_space<vmem>>, vector<16xi32>,
        %swap3A_311 = vector.shape_cast %swap3A_310 : vector<16xi32> to vector<16xi32>
        %swap3A_312 = vector.shape_cast %add3A_308 : vector<16xi32> to vector<16xi32>
        tpu.vector_store %arg9[%swap3A_309], %swap3A_312 {strides = array<i32>} : memref<112xi32, #tpu.memory_space<vmem>>, vector<16xi32>,
        %get3A_313 = arith.constant 16 : index
        %get3A_314 = tpu.vector_load %arg9[%get3A_313] {strides = array<i32>} : memref<112xi32, #tpu.memory_space<vmem>>, vector<16xi32>,
        %get3A_315 = vector.shape_cast %get3A_314 : vector<16xi32> to vector<16xi32>
        %add3A_316 = vector.broadcast %mul3A_0 : i32 to vector<16xi32>
        %add3A_317 = arith.addi %get3A_315, %add3A_316 : vector<16xi32>
        %swap3A_318 = arith.constant 16 : index
        %swap3A_319 = tpu.vector_load %arg9[%swap3A_318] {strides = array<i32>} : memref<112xi32, #tpu.memory_space<vmem>>, vector<16xi32>,
        %swap3A_320 = vector.shape_cast %swap3A_319 : vector<16xi32> to vector<16xi32>
        %swap3A_321 = vector.shape_cast %add3A_317 : vector<16xi32> to vector<16xi32>
        tpu.vector_store %arg9[%swap3A_318], %swap3A_321 {strides = array<i32>} : memref<112xi32, #tpu.memory_space<vmem>>, vector<16xi32>,
        %get3A_322 = arith.constant 32 : index
        %get3A_323 = tpu.vector_load %arg9[%get3A_322] {strides = array<i32>} : memref<112xi32, #tpu.memory_space<vmem>>, vector<16xi32>,
        %get3A_324 = vector.shape_cast %get3A_323 : vector<16xi32> to vector<16xi32>
        %add3A_325 = vector.broadcast %mul3A_0 : i32 to vector<16xi32>
        %add3A_326 = arith.addi %get3A_324, %add3A_325 : vector<16xi32>
        %swap3A_327 = arith.constant 32 : index
        %swap3A_328 = tpu.vector_load %arg9[%swap3A_327] {strides = array<i32>} : memref<112xi32, #tpu.memory_space<vmem>>, vector<16xi32>,
        %swap3A_329 = vector.shape_cast %swap3A_328 : vector<16xi32> to vector<16xi32>
        %swap3A_330 = vector.shape_cast %add3A_326 : vector<16xi32> to vector<16xi32>
        tpu.vector_store %arg9[%swap3A_327], %swap3A_330 {strides = array<i32>} : memref<112xi32, #tpu.memory_space<vmem>>, vector<16xi32>,
        %get3A_331 = arith.constant 48 : index
        %get3A_332 = tpu.vector_load %arg9[%get3A_331] {strides = array<i32>} : memref<112xi32, #tpu.memory_space<vmem>>, vector<16xi32>,
        %get3A_333 = vector.shape_cast %get3A_332 : vector<16xi32> to vector<16xi32>
        %add3A_334 = vector.broadcast %mul3A_0 : i32 to vector<16xi32>
        %add3A_335 = arith.addi %get3A_333, %add3A_334 : vector<16xi32>
        %swap3A_336 = arith.constant 48 : index
        %swap3A_337 = tpu.vector_load %arg9[%swap3A_336] {strides = array<i32>} : memref<112xi32, #tpu.memory_space<vmem>>, vector<16xi32>,
        %swap3A_338 = vector.shape_cast %swap3A_337 : vector<16xi32> to vector<16xi32>
        %swap3A_339 = vector.shape_cast %add3A_335 : vector<16xi32> to vector<16xi32>
        tpu.vector_store %arg9[%swap3A_336], %swap3A_339 {strides = array<i32>} : memref<112xi32, #tpu.memory_space<vmem>>, vector<16xi32>,
        %get3A_340 = arith.constant 64 : index
        %get3A_341 = tpu.vector_load %arg9[%get3A_340] {strides = array<i32>} : memref<112xi32, #tpu.memory_space<vmem>>, vector<16xi32>,
        %get3A_342 = vector.shape_cast %get3A_341 : vector<16xi32> to vector<16xi32>
        %add3A_343 = vector.broadcast %mul3A_0 : i32 to vector<16xi32>
        %add3A_344 = arith.addi %get3A_342, %add3A_343 : vector<16xi32>
        %swap3A_345 = arith.constant 64 : index
        %swap3A_346 = tpu.vector_load %arg9[%swap3A_345] {strides = array<i32>} : memref<112xi32, #tpu.memory_space<vmem>>, vector<16xi32>,
        %swap3A_347 = vector.shape_cast %swap3A_346 : vector<16xi32> to vector<16xi32>
        %swap3A_348 = vector.shape_cast %add3A_344 : vector<16xi32> to vector<16xi32>
        tpu.vector_store %arg9[%swap3A_345], %swap3A_348 {strides = array<i32>} : memref<112xi32, #tpu.memory_space<vmem>>, vector<16xi32>,
        %get3A_349 = arith.constant 80 : index
        %get3A_350 = tpu.vector_load %arg9[%get3A_349] {strides = array<i32>} : memref<112xi32, #tpu.memory_space<vmem>>, vector<16xi32>,
        %get3A_351 = vector.shape_cast %get3A_350 : vector<16xi32> to vector<16xi32>
        %add3A_352 = vector.broadcast %mul3A_0 : i32 to vector<16xi32>
        %add3A_353 = arith.addi %get3A_351, %add3A_352 : vector<16xi32>
        %swap3A_354 = arith.constant 80 : index
        %swap3A_355 = tpu.vector_load %arg9[%swap3A_354] {strides = array<i32>} : memref<112xi32, #tpu.memory_space<vmem>>, vector<16xi32>,
        %swap3A_356 = vector.shape_cast %swap3A_355 : vector<16xi32> to vector<16xi32>
        %swap3A_357 = vector.shape_cast %add3A_353 : vector<16xi32> to vector<16xi32>
        tpu.vector_store %arg9[%swap3A_354], %swap3A_357 {strides = array<i32>} : memref<112xi32, #tpu.memory_space<vmem>>, vector<16xi32>,
        %get3A_358 = arith.constant 96 : index
        %get3A_359 = tpu.vector_load %arg9[%get3A_358] {strides = array<i32>} : memref<112xi32, #tpu.memory_space<vmem>>, vector<16xi32>,
        %get3A_360 = vector.shape_cast %get3A_359 : vector<16xi32> to vector<16xi32>
        %add3A_361 = vector.broadcast %mul3A_0 : i32 to vector<16xi32>
        %add3A_362 = arith.addi %get3A_360, %add3A_361 : vector<16xi32>
        %swap3A_363 = arith.constant 96 : index
        %swap3A_364 = tpu.vector_load %arg9[%swap3A_363] {strides = array<i32>} : memref<112xi32, #tpu.memory_space<vmem>>, vector<16xi32>,
        %swap3A_365 = vector.shape_cast %swap3A_364 : vector<16xi32> to vector<16xi32>
        %swap3A_366 = vector.shape_cast %add3A_362 : vector<16xi32> to vector<16xi32>
        tpu.vector_store %arg9[%swap3A_363], %swap3A_366 {strides = array<i32>} : memref<112xi32, #tpu.memory_space<vmem>>, vector<16xi32>,
        "tpu.region"() ({
          %run_scoped3A = tpu.sem_alloc : memref<!tpu.dma_semaphore, #tpu.memory_space<semaphore_mem>>
          %dma_start3A_374 = tpu.memref_slice %arg3[%add3A_303] : memref<160000xi32, #tpu.memory_space<hbm>> -> memref<112xi32, #tpu.memory_space<hbm>>
          %dma_start3A_375 = tpu.memref_slice %arg3[%add3A_303] : memref<160000xi32, #tpu.memory_space<hbm>> -> memref<112xi32, #tpu.memory_space<hbm>>
          tpu.enqueue_dma source(%dma_start3A_375 : memref<112xi32, #tpu.memory_space<hbm>>) target(%arg12 : memref<112xi32, #tpu.memory_space<vmem>>) target_semaphore(%run_scoped3A : memref<!tpu.dma_semaphore, #tpu.memory_space<semaphore_mem>>)
          %dma_wait3A_376 = tpu.memref_slice %arg3[%add3A_303] : memref<160000xi32, #tpu.memory_space<hbm>> -> memref<112xi32, #tpu.memory_space<hbm>>
          %dma_wait3A_377 = tpu.memref_slice %arg3[%add3A_303] : memref<160000xi32, #tpu.memory_space<hbm>> -> memref<112xi32, #tpu.memory_space<hbm>>
          tpu.wait_dma2 semaphore(%run_scoped3A : memref<!tpu.dma_semaphore, #tpu.memory_space<semaphore_mem>>) src(%dma_wait3A_377 : memref<112xi32, #tpu.memory_space<hbm>>) dst(%arg12 : memref<112xi32, #tpu.memory_space<vmem>>)
          tpu.yield
        }) : () -> ()
        %eq3A = arith.constant 89 : i32
        %eq3A_367 = arith.cmpi eq, %add3A_290, %eq3A : i32
        %convert_element_type3A_368 = arith.extui %eq3A_367 : i1 to i32
        %cond3A_369 = arith.constant 0 : i32
        %cond3A_370 = arith.cmpi ne, %convert_element_type3A_368, %cond3A_369 : i32
        scf.if %cond3A_370 {
          %swap3A_374 = arith.constant 0 : index
          %swap3A_375 = tpu.vector_load %arg12[%swap3A_374] {strides = array<i32>} : memref<112xi32, #tpu.memory_space<vmem>>, vector<16xi32>,
          %swap3A_376 = vector.shape_cast %swap3A_375 : vector<16xi32> to vector<16xi32>
          %swap3A_377 = vector.shape_cast %broadcast_in_dim3A_1 : vector<16xi32> to vector<16xi32>
          tpu.vector_store %arg12[%swap3A_374], %swap3A_377 {strides = array<i32>} : memref<112xi32, #tpu.memory_space<vmem>>, vector<16xi32>,
          %swap3A_378 = arith.constant 16 : index
          %swap3A_379 = tpu.vector_load %arg12[%swap3A_378] {strides = array<i32>} : memref<112xi32, #tpu.memory_space<vmem>>, vector<16xi32>,
          %swap3A_380 = vector.shape_cast %swap3A_379 : vector<16xi32> to vector<16xi32>
          %swap3A_381 = vector.shape_cast %broadcast_in_dim3A_1 : vector<16xi32> to vector<16xi32>
          tpu.vector_store %arg12[%swap3A_378], %swap3A_381 {strides = array<i32>} : memref<112xi32, #tpu.memory_space<vmem>>, vector<16xi32>,
          %swap3A_382 = arith.constant 32 : index
          %swap3A_383 = tpu.vector_load %arg12[%swap3A_382] {strides = array<i32>} : memref<112xi32, #tpu.memory_space<vmem>>, vector<16xi32>,
          %swap3A_384 = vector.shape_cast %swap3A_383 : vector<16xi32> to vector<16xi32>
          %swap3A_385 = vector.shape_cast %broadcast_in_dim3A_1 : vector<16xi32> to vector<16xi32>
          tpu.vector_store %arg12[%swap3A_382], %swap3A_385 {strides = array<i32>} : memref<112xi32, #tpu.memory_space<vmem>>, vector<16xi32>,
          %swap3A_386 = arith.constant 48 : index
          %swap3A_387 = tpu.vector_load %arg12[%swap3A_386] {strides = array<i32>} : memref<112xi32, #tpu.memory_space<vmem>>, vector<16xi32>,
          %swap3A_388 = vector.shape_cast %swap3A_387 : vector<16xi32> to vector<16xi32>
          %swap3A_389 = vector.shape_cast %broadcast_in_dim3A_1 : vector<16xi32> to vector<16xi32>
          tpu.vector_store %arg12[%swap3A_386], %swap3A_389 {strides = array<i32>} : memref<112xi32, #tpu.memory_space<vmem>>, vector<16xi32>,
          %swap3A_390 = arith.constant 64 : index
          %swap3A_391 = tpu.vector_load %arg12[%swap3A_390] {strides = array<i32>} : memref<112xi32, #tpu.memory_space<vmem>>, vector<16xi32>,
          %swap3A_392 = vector.shape_cast %swap3A_391 : vector<16xi32> to vector<16xi32>
          %swap3A_393 = vector.shape_cast %broadcast_in_dim3A_1 : vector<16xi32> to vector<16xi32>
          tpu.vector_store %arg12[%swap3A_390], %swap3A_393 {strides = array<i32>} : memref<112xi32, #tpu.memory_space<vmem>>, vector<16xi32>,
        } else {
        }
        %dma_start3A_371 = arith.constant 0 : i32
        %dma_start3A_372 = arith.constant 0 : i32
        %dma_start3A_373 = tpu.memref_slice %arg4[%dma_start3A_371, %dma_start3A_372] : memref<20000x128xf32, #tpu.memory_space<hbm>> -> memref<20000x128xf32, #tpu.memory_space<hbm>>
        tpu.enqueue_indirect_dma source(%dma_start3A_373 : memref<20000x128xf32, #tpu.memory_space<hbm>>) target(%arg15 : memref<112x128xf32, #tpu.memory_space<vmem>>) offsets(%arg9 : memref<112xi32, #tpu.memory_space<vmem>>) semaphore(%arg19 : memref<!tpu.dma_semaphore, #tpu.memory_space<semaphore_mem>>)
      } else {
      }
    }
    %scan3A_221 = arith.constant 30 : i32
    %dma_wait3A = arith.constant 0 : i32
    %dma_wait3A_222 = arith.constant 0 : i32
    %dma_wait3A_223 = tpu.memref_slice %arg16[%dma_wait3A, %dma_wait3A_222] : memref<10240x128xf32, #tpu.memory_space<vmem_shared>> -> memref<10240x128xf32, #tpu.memory_space<vmem_shared>>
    tpu.wait_indirect_dma semaphore(%arg20 : memref<!tpu.dma_semaphore, #tpu.memory_space<semaphore_mem>>) src(%arg13 : memref<112x128xf32, #tpu.memory_space<vmem>>) dst(%dma_wait3A_223 : memref<10240x128xf32, #tpu.memory_space<vmem_shared>>)
    %dma_wait3A_224 = arith.constant 0 : i32
    %dma_wait3A_225 = arith.constant 0 : i32
    %dma_wait3A_226 = tpu.memref_slice %arg16[%dma_wait3A_224, %dma_wait3A_225] : memref<10240x128xf32, #tpu.memory_space<vmem_shared>> -> memref<10240x128xf32, #tpu.memory_space<vmem_shared>>
    tpu.wait_indirect_dma semaphore(%arg21 : memref<!tpu.dma_semaphore, #tpu.memory_space<semaphore_mem>>) src(%arg14 : memref<112x128xf32, #tpu.memory_space<vmem>>) dst(%dma_wait3A_226 : memref<10240x128xf32, #tpu.memory_space<vmem_shared>>)
    %dma_wait3A_227 = arith.constant 0 : i32
    %dma_wait3A_228 = arith.constant 0 : i32
    %dma_wait3A_229 = tpu.memref_slice %arg16[%dma_wait3A_227, %dma_wait3A_228] : memref<10240x128xf32, #tpu.memory_space<vmem_shared>> -> memref<10240x128xf32, #tpu.memory_space<vmem_shared>>
    tpu.wait_indirect_dma semaphore(%arg22 : memref<!tpu.dma_semaphore, #tpu.memory_space<semaphore_mem>>) src(%arg15 : memref<112x128xf32, #tpu.memory_space<vmem>>) dst(%dma_wait3A_229 : memref<10240x128xf32, #tpu.memory_space<vmem_shared>>)
    %barrier3A_230 = arith.constant 0 : index
    tpu.barrier barrier_id(%barrier3A_230)
    %scan3A_231 = arith.constant 0 : i32
    %scan3A_232 = arith.constant 0 : i32
    %scan3A_233 = arith.constant 8 : i32
    %scan3A_234 = arith.addi %scan3A_232, %scan3A_233 : i32
    %scan3A_235 = arith.constant 1 : i32
    scf.for %scan3A_237 = %scan3A_232 to %scan3A_234 step %scan3A_235  : i32 {
      %mul3A_238 = arith.constant 640 : i32
      %mul3A_239 = arith.muli %arg1, %mul3A_238 : i32
      %mul3A_240 = arith.constant 80 : i32
      %mul3A_241 = arith.muli %scan3A_237, %mul3A_240 : i32
      %add3A_242 = arith.addi %mul3A_239, %mul3A_241 : i32
      "tpu.region"() ({
        %run_scoped3A = tpu.sem_alloc : memref<!tpu.dma_semaphore, #tpu.memory_space<semaphore_mem>>
        %dma_start3A_248 = arith.constant 0 : i32
        %dma_start3A_249 = arith.constant 0 : i32
        %dma_start3A_250 = tpu.memref_slice %arg13[%dma_start3A_248, %dma_start3A_249] : memref<112x128xf32, #tpu.memory_space<vmem>> -> memref<80x128xf32, #tpu.memory_space<vmem>>
        %dma_start3A_251 = arith.constant 0 : i32
        %dma_start3A_252 = tpu.memref_slice %arg16[%add3A_242, %dma_start3A_251] : memref<10240x128xf32, #tpu.memory_space<vmem_shared>> -> memref<80x128xf32, #tpu.memory_space<vmem_shared>>
        %dma_start3A_253 = arith.constant 0 : i32
        %dma_start3A_254 = arith.constant 0 : i32
        %dma_start3A_255 = tpu.memref_slice %arg13[%dma_start3A_253, %dma_start3A_254] : memref<112x128xf32, #tpu.memory_space<vmem>> -> memref<80x128xf32, #tpu.memory_space<vmem>>
        %dma_start3A_256 = arith.constant 0 : i32
        %dma_start3A_257 = tpu.memref_slice %arg16[%add3A_242, %dma_start3A_256] : memref<10240x128xf32, #tpu.memory_space<vmem_shared>> -> memref<80x128xf32, #tpu.memory_space<vmem_shared>>
        tpu.enqueue_dma source(%dma_start3A_257 : memref<80x128xf32, #tpu.memory_space<vmem_shared>>) target(%dma_start3A_255 : memref<80x128xf32, #tpu.memory_space<vmem>>) target_semaphore(%run_scoped3A : memref<!tpu.dma_semaphore, #tpu.memory_space<semaphore_mem>>)
        %dma_wait3A_258 = arith.constant 0 : i32
        %dma_wait3A_259 = arith.constant 0 : i32
        %dma_wait3A_260 = tpu.memref_slice %arg13[%dma_wait3A_258, %dma_wait3A_259] : memref<112x128xf32, #tpu.memory_space<vmem>> -> memref<80x128xf32, #tpu.memory_space<vmem>>
        %dma_wait3A_261 = arith.constant 0 : i32
        %dma_wait3A_262 = tpu.memref_slice %arg16[%add3A_242, %dma_wait3A_261] : memref<10240x128xf32, #tpu.memory_space<vmem_shared>> -> memref<80x128xf32, #tpu.memory_space<vmem_shared>>
        %dma_wait3A_263 = arith.constant 0 : i32
        %dma_wait3A_264 = arith.constant 0 : i32
        %dma_wait3A_265 = tpu.memref_slice %arg13[%dma_wait3A_263, %dma_wait3A_264] : memref<112x128xf32, #tpu.memory_space<vmem>> -> memref<80x128xf32, #tpu.memory_space<vmem>>
        %dma_wait3A_266 = arith.constant 0 : i32
        %dma_wait3A_267 = tpu.memref_slice %arg16[%add3A_242, %dma_wait3A_266] : memref<10240x128xf32, #tpu.memory_space<vmem_shared>> -> memref<80x128xf32, #tpu.memory_space<vmem_shared>>
        tpu.wait_dma2 semaphore(%run_scoped3A : memref<!tpu.dma_semaphore, #tpu.memory_space<semaphore_mem>>) src(%dma_wait3A_267 : memref<80x128xf32, #tpu.memory_space<vmem_shared>>) dst(%dma_wait3A_265 : memref<80x128xf32, #tpu.memory_space<vmem>>)
        tpu.yield
      }) : () -> ()
      %mul3A_243 = arith.constant 640 : i32
      %mul3A_244 = arith.muli %arg1, %mul3A_243 : i32
      %mul3A_245 = arith.constant 80 : i32
      %mul3A_246 = arith.muli %scan3A_237, %mul3A_245 : i32
      %add3A_247 = arith.addi %mul3A_244, %mul3A_246 : i32
      "tpu.region"() ({
        %run_scoped3A = tpu.sem_alloc : memref<!tpu.dma_semaphore, #tpu.memory_space<semaphore_mem>>
        %dma_start3A_248 = arith.constant 0 : i32
        %dma_start3A_249 = arith.constant 0 : i32
        %dma_start3A_250 = tpu.memref_slice %arg13[%dma_start3A_248, %dma_start3A_249] : memref<112x128xf32, #tpu.memory_space<vmem>> -> memref<80x128xf32, #tpu.memory_space<vmem>>
        %dma_start3A_251 = arith.constant 0 : i32
        %dma_start3A_252 = tpu.memref_slice %arg6[%arg0, %add3A_247, %dma_start3A_251] : memref<2x10240x128xf32, #tpu.memory_space<hbm>> -> memref<1x80x128xf32, #tpu.memory_space<hbm>>
        %dma_start3A_253 = tpu.memref_squeeze %dma_start3A_252 : memref<1x80x128xf32, #tpu.memory_space<hbm>> -> memref<80x128xf32, #tpu.memory_space<hbm>>
        %dma_start3A_254 = arith.constant 0 : i32
        %dma_start3A_255 = tpu.memref_slice %arg6[%arg0, %add3A_247, %dma_start3A_254] : memref<2x10240x128xf32, #tpu.memory_space<hbm>> -> memref<1x80x128xf32, #tpu.memory_space<hbm>>
        %dma_start3A_256 = tpu.memref_squeeze %dma_start3A_255 : memref<1x80x128xf32, #tpu.memory_space<hbm>> -> memref<80x128xf32, #tpu.memory_space<hbm>>
        %dma_start3A_257 = arith.constant 0 : i32
        %dma_start3A_258 = arith.constant 0 : i32
        %dma_start3A_259 = tpu.memref_slice %arg13[%dma_start3A_257, %dma_start3A_258] : memref<112x128xf32, #tpu.memory_space<vmem>> -> memref<80x128xf32, #tpu.memory_space<vmem>>
        tpu.enqueue_dma source(%dma_start3A_259 : memref<80x128xf32, #tpu.memory_space<vmem>>) target(%dma_start3A_256 : memref<80x128xf32, #tpu.memory_space<hbm>>) target_semaphore(%run_scoped3A : memref<!tpu.dma_semaphore, #tpu.memory_space<semaphore_mem>>)
        %dma_wait3A_260 = arith.constant 0 : i32
        %dma_wait3A_261 = arith.constant 0 : i32
        %dma_wait3A_262 = tpu.memref_slice %arg13[%dma_wait3A_260, %dma_wait3A_261] : memref<112x128xf32, #tpu.memory_space<vmem>> -> memref<80x128xf32, #tpu.memory_space<vmem>>
        %dma_wait3A_263 = arith.constant 0 : i32
        %dma_wait3A_264 = tpu.memref_slice %arg6[%arg0, %add3A_247, %dma_wait3A_263] : memref<2x10240x128xf32, #tpu.memory_space<hbm>> -> memref<1x80x128xf32, #tpu.memory_space<hbm>>
        %dma_wait3A_265 = tpu.memref_squeeze %dma_wait3A_264 : memref<1x80x128xf32, #tpu.memory_space<hbm>> -> memref<80x128xf32, #tpu.memory_space<hbm>>
        %dma_wait3A_266 = arith.constant 0 : i32
        %dma_wait3A_267 = tpu.memref_slice %arg6[%arg0, %add3A_247, %dma_wait3A_266] : memref<2x10240x128xf32, #tpu.memory_space<hbm>> -> memref<1x80x128xf32, #tpu.memory_space<hbm>>
        %dma_wait3A_268 = tpu.memref_squeeze %dma_wait3A_267 : memref<1x80x128xf32, #tpu.memory_space<hbm>> -> memref<80x128xf32, #tpu.memory_space<hbm>>
        %dma_wait3A_269 = arith.constant 0 : i32
        %dma_wait3A_270 = arith.constant 0 : i32
        %dma_wait3A_271 = tpu.memref_slice %arg13[%dma_wait3A_269, %dma_wait3A_270] : memref<112x128xf32, #tpu.memory_space<vmem>> -> memref<80x128xf32, #tpu.memory_space<vmem>>
        tpu.wait_dma2 semaphore(%run_scoped3A : memref<!tpu.dma_semaphore, #tpu.memory_space<semaphore_mem>>) src(%dma_wait3A_271 : memref<80x128xf32, #tpu.memory_space<vmem>>) dst(%dma_wait3A_268 : memref<80x128xf32, #tpu.memory_space<hbm>>)
        tpu.yield
      }) : () -> ()
    }
    %scan3A_236 = arith.constant 8 : i32
    return
  }
}

#map = affine_map<(d0, d1) -> (0)>
#map1 = affine_map<(d0, d1) -> (0, 0)>
#map2 = affine_map<(d0, d1) -> (0, 0, 0)>
module attributes {stable_mosaic.version = 14 : i64} {
  func.func @_s0_body(%arg0: i32, %arg1: i32, %arg2: memref<160000xi32, #tpu.memory_space<hbm>>, %arg3: memref<160000xi32, #tpu.memory_space<hbm>>, %arg4: memref<128x128xf32, #tpu.memory_space<hbm>>, %arg5: memref<128x128xf32, #tpu.memory_space<hbm>>, %arg6: memref<2x10240x128xf32, #tpu.memory_space<hbm>>, %arg7: memref<128xi32, #tpu.memory_space<vmem>>, %arg8: memref<128xi32, #tpu.memory_space<vmem>>, %arg9: memref<128xi32, #tpu.memory_space<vmem>>, %arg10: memref<128xi32, #tpu.memory_space<vmem>>, %arg11: memref<128xi32, #tpu.memory_space<vmem>>, %arg12: memref<128xi32, #tpu.memory_space<vmem>>, %arg13: memref<128xi32, #tpu.memory_space<vmem>>, %arg14: memref<128xi32, #tpu.memory_space<vmem>>, %arg15: memref<128x128xf32, #tpu.memory_space<vmem>>, %arg16: memref<128x128xf32, #tpu.memory_space<vmem>>, %arg17: memref<10240x128xf32, #tpu.memory_space<vmem_shared>>, %arg18: memref<!tpu.dma_semaphore, #tpu.memory_space<semaphore_mem>>, %arg19: memref<!tpu.dma_semaphore, #tpu.memory_space<semaphore_mem>>, %arg20: memref<!tpu.dma_semaphore, #tpu.memory_space<semaphore_mem>>, %arg21: memref<!tpu.dma_semaphore, #tpu.memory_space<semaphore_mem>>, %arg22: memref<!tpu.dma_semaphore, #tpu.memory_space<semaphore_mem>>, %arg23: memref<!tpu.dma_semaphore, #tpu.memory_space<semaphore_mem>>, %arg24: memref<!tpu.dma_semaphore, #tpu.memory_space<semaphore_mem>>, %arg25: memref<!tpu.dma_semaphore, #tpu.memory_space<semaphore_mem>>) attributes {dimension_semantics = [#tpu.dimension_semantics<core_parallel>, #tpu.dimension_semantics<subcore_parallel>], iteration_bounds = array<i64: 2, 16>, scalar_prefetch = 0 : i64, scratch_operands = 19 : i64, tpu.core_type = #tpu.core_type<sc_vector_subcore>, window_params = [{transform_indices = #map}, {transform_indices = #map}, {transform_indices = #map1}, {transform_indices = #map1}, {transform_indices = #map2}]} {
    %broadcast_in_dim3A = arith.constant 10000 : i32
    %broadcast_in_dim3A_0 = vector.broadcast %broadcast_in_dim3A : i32 to vector<16xi32>
    "tpu.region"() ({
      %run_scoped3A = tpu.sem_alloc : memref<!tpu.dma_semaphore, #tpu.memory_space<semaphore_mem>>
      tpu.enqueue_dma source(%arg5 : memref<128x128xf32, #tpu.memory_space<hbm>>) target(%arg16 : memref<128x128xf32, #tpu.memory_space<vmem>>) target_semaphore(%run_scoped3A : memref<!tpu.dma_semaphore, #tpu.memory_space<semaphore_mem>>)
      tpu.wait_dma2 semaphore(%run_scoped3A : memref<!tpu.dma_semaphore, #tpu.memory_space<semaphore_mem>>) src(%arg5 : memref<128x128xf32, #tpu.memory_space<hbm>>) dst(%arg16 : memref<128x128xf32, #tpu.memory_space<vmem>>)
      tpu.yield
    }) : () -> ()
    %scan3A = arith.constant 0 : i32
    %scan3A_1 = arith.constant 0 : i32
    %scan3A_2 = arith.constant 5 : i32
    %scan3A_3 = arith.addi %scan3A_1, %scan3A_2 : i32
    %scan3A_4 = arith.constant 1 : i32
    scf.for %scan3A_158 = %scan3A_1 to %scan3A_3 step %scan3A_4  : i32 {
      %mul3A_159 = arith.constant 640 : i32
      %mul3A_160 = arith.muli %arg1, %mul3A_159 : i32
      %mul3A_161 = arith.constant 128 : i32
      %mul3A_162 = arith.muli %scan3A_158, %mul3A_161 : i32
      %add3A_163 = arith.addi %mul3A_160, %mul3A_162 : i32
      "tpu.region"() ({
        %run_scoped3A = tpu.sem_alloc : memref<!tpu.dma_semaphore, #tpu.memory_space<semaphore_mem>>
        %dma_start3A = arith.constant 0 : i32
        %dma_start3A_164 = tpu.memref_slice %arg17[%add3A_163, %dma_start3A] : memref<10240x128xf32, #tpu.memory_space<vmem_shared>> -> memref<128x128xf32, #tpu.memory_space<vmem_shared>>
        %dma_start3A_165 = arith.constant 0 : i32
        %dma_start3A_166 = tpu.memref_slice %arg17[%add3A_163, %dma_start3A_165] : memref<10240x128xf32, #tpu.memory_space<vmem_shared>> -> memref<128x128xf32, #tpu.memory_space<vmem_shared>>
        tpu.enqueue_dma source(%arg16 : memref<128x128xf32, #tpu.memory_space<vmem>>) target(%dma_start3A_166 : memref<128x128xf32, #tpu.memory_space<vmem_shared>>) target_semaphore(%run_scoped3A : memref<!tpu.dma_semaphore, #tpu.memory_space<semaphore_mem>>)
        %dma_wait3A_167 = arith.constant 0 : i32
        %dma_wait3A_168 = tpu.memref_slice %arg17[%add3A_163, %dma_wait3A_167] : memref<10240x128xf32, #tpu.memory_space<vmem_shared>> -> memref<128x128xf32, #tpu.memory_space<vmem_shared>>
        %dma_wait3A_169 = arith.constant 0 : i32
        %dma_wait3A_170 = tpu.memref_slice %arg17[%add3A_163, %dma_wait3A_169] : memref<10240x128xf32, #tpu.memory_space<vmem_shared>> -> memref<128x128xf32, #tpu.memory_space<vmem_shared>>
        tpu.wait_dma2 semaphore(%run_scoped3A : memref<!tpu.dma_semaphore, #tpu.memory_space<semaphore_mem>>) src(%arg16 : memref<128x128xf32, #tpu.memory_space<vmem>>) dst(%dma_wait3A_170 : memref<128x128xf32, #tpu.memory_space<vmem_shared>>)
        tpu.yield
      }) : () -> ()
    }
    %scan3A_5 = arith.constant 5 : i32
    "tpu.region"() ({
      %run_scoped3A = tpu.sem_alloc : memref<!tpu.dma_semaphore, #tpu.memory_space<semaphore_mem>>
      tpu.enqueue_dma source(%arg4 : memref<128x128xf32, #tpu.memory_space<hbm>>) target(%arg15 : memref<128x128xf32, #tpu.memory_space<vmem>>) target_semaphore(%run_scoped3A : memref<!tpu.dma_semaphore, #tpu.memory_space<semaphore_mem>>)
      tpu.wait_dma2 semaphore(%run_scoped3A : memref<!tpu.dma_semaphore, #tpu.memory_space<semaphore_mem>>) src(%arg4 : memref<128x128xf32, #tpu.memory_space<hbm>>) dst(%arg15 : memref<128x128xf32, #tpu.memory_space<vmem>>)
      tpu.yield
    }) : () -> ()
    %barrier3A = arith.constant 0 : index
    tpu.barrier barrier_id(%barrier3A)
    %mul3A = arith.constant 10000 : i32
    %mul3A_6 = arith.muli %arg1, %mul3A : i32
    %min3A = arith.constant 0 : i32
    %min3A_7 = arith.constant 9872 : i32
    %min3A_8 = arith.minsi %min3A, %min3A_7 : i32
    %add3A = arith.addi %mul3A_6, %min3A_8 : i32
    %eq3A = arith.constant 0 : i32
    %eq3A_9 = arith.cmpi eq, %arg0, %eq3A : i32
    %convert_element_type3A = arith.extui %eq3A_9 : i1 to i32
    %cond3A = arith.constant 0 : i32
    %cond3A_10 = arith.cmpi ne, %convert_element_type3A, %cond3A : i32
    scf.if %cond3A_10 {
      "tpu.region"() ({
        %run_scoped3A = tpu.sem_alloc : memref<!tpu.dma_semaphore, #tpu.memory_space<semaphore_mem>>
        %dma_start3A = tpu.memref_slice %arg2[%add3A] : memref<160000xi32, #tpu.memory_space<hbm>> -> memref<128xi32, #tpu.memory_space<hbm>>
        %dma_start3A_158 = tpu.memref_slice %arg2[%add3A] : memref<160000xi32, #tpu.memory_space<hbm>> -> memref<128xi32, #tpu.memory_space<hbm>>
        tpu.enqueue_dma source(%dma_start3A_158 : memref<128xi32, #tpu.memory_space<hbm>>) target(%arg7 : memref<128xi32, #tpu.memory_space<vmem>>) target_semaphore(%run_scoped3A : memref<!tpu.dma_semaphore, #tpu.memory_space<semaphore_mem>>)
        %dma_wait3A_159 = tpu.memref_slice %arg2[%add3A] : memref<160000xi32, #tpu.memory_space<hbm>> -> memref<128xi32, #tpu.memory_space<hbm>>
        %dma_wait3A_160 = tpu.memref_slice %arg2[%add3A] : memref<160000xi32, #tpu.memory_space<hbm>> -> memref<128xi32, #tpu.memory_space<hbm>>
        tpu.wait_dma2 semaphore(%run_scoped3A : memref<!tpu.dma_semaphore, #tpu.memory_space<semaphore_mem>>) src(%dma_wait3A_160 : memref<128xi32, #tpu.memory_space<hbm>>) dst(%arg7 : memref<128xi32, #tpu.memory_space<vmem>>)
        tpu.yield
      }) : () -> ()
    } else {
    }
    %eq3A_11 = arith.constant 1 : i32
    %eq3A_12 = arith.cmpi eq, %arg0, %eq3A_11 : i32
    %convert_element_type3A_13 = arith.extui %eq3A_12 : i1 to i32
    %cond3A_14 = arith.constant 0 : i32
    %cond3A_15 = arith.cmpi ne, %convert_element_type3A_13, %cond3A_14 : i32
    scf.if %cond3A_15 {
      "tpu.region"() ({
        %run_scoped3A = tpu.sem_alloc : memref<!tpu.dma_semaphore, #tpu.memory_space<semaphore_mem>>
        %dma_start3A = tpu.memref_slice %arg3[%add3A] : memref<160000xi32, #tpu.memory_space<hbm>> -> memref<128xi32, #tpu.memory_space<hbm>>
        %dma_start3A_158 = tpu.memref_slice %arg3[%add3A] : memref<160000xi32, #tpu.memory_space<hbm>> -> memref<128xi32, #tpu.memory_space<hbm>>
        tpu.enqueue_dma source(%dma_start3A_158 : memref<128xi32, #tpu.memory_space<hbm>>) target(%arg7 : memref<128xi32, #tpu.memory_space<vmem>>) target_semaphore(%run_scoped3A : memref<!tpu.dma_semaphore, #tpu.memory_space<semaphore_mem>>)
        %dma_wait3A_159 = tpu.memref_slice %arg3[%add3A] : memref<160000xi32, #tpu.memory_space<hbm>> -> memref<128xi32, #tpu.memory_space<hbm>>
        %dma_wait3A_160 = tpu.memref_slice %arg3[%add3A] : memref<160000xi32, #tpu.memory_space<hbm>> -> memref<128xi32, #tpu.memory_space<hbm>>
        tpu.wait_dma2 semaphore(%run_scoped3A : memref<!tpu.dma_semaphore, #tpu.memory_space<semaphore_mem>>) src(%dma_wait3A_160 : memref<128xi32, #tpu.memory_space<hbm>>) dst(%arg7 : memref<128xi32, #tpu.memory_space<vmem>>)
        tpu.yield
      }) : () -> ()
    } else {
    }
    %cond3A_16 = arith.constant 0 : i32
    %min3A_17 = arith.constant 128 : i32
    %min3A_18 = arith.constant 9872 : i32
    %min3A_19 = arith.minsi %min3A_17, %min3A_18 : i32
    %add3A_20 = arith.addi %mul3A_6, %min3A_19 : i32
    %eq3A_21 = arith.constant 0 : i32
    %eq3A_22 = arith.cmpi eq, %arg0, %eq3A_21 : i32
    %convert_element_type3A_23 = arith.extui %eq3A_22 : i1 to i32
    %cond3A_24 = arith.constant 0 : i32
    %cond3A_25 = arith.cmpi ne, %convert_element_type3A_23, %cond3A_24 : i32
    scf.if %cond3A_25 {
      "tpu.region"() ({
        %run_scoped3A = tpu.sem_alloc : memref<!tpu.dma_semaphore, #tpu.memory_space<semaphore_mem>>
        %dma_start3A = tpu.memref_slice %arg2[%add3A_20] : memref<160000xi32, #tpu.memory_space<hbm>> -> memref<128xi32, #tpu.memory_space<hbm>>
        %dma_start3A_158 = tpu.memref_slice %arg2[%add3A_20] : memref<160000xi32, #tpu.memory_space<hbm>> -> memref<128xi32, #tpu.memory_space<hbm>>
        tpu.enqueue_dma source(%dma_start3A_158 : memref<128xi32, #tpu.memory_space<hbm>>) target(%arg8 : memref<128xi32, #tpu.memory_space<vmem>>) target_semaphore(%run_scoped3A : memref<!tpu.dma_semaphore, #tpu.memory_space<semaphore_mem>>)
        %dma_wait3A_159 = tpu.memref_slice %arg2[%add3A_20] : memref<160000xi32, #tpu.memory_space<hbm>> -> memref<128xi32, #tpu.memory_space<hbm>>
        %dma_wait3A_160 = tpu.memref_slice %arg2[%add3A_20] : memref<160000xi32, #tpu.memory_space<hbm>> -> memref<128xi32, #tpu.memory_space<hbm>>
        tpu.wait_dma2 semaphore(%run_scoped3A : memref<!tpu.dma_semaphore, #tpu.memory_space<semaphore_mem>>) src(%dma_wait3A_160 : memref<128xi32, #tpu.memory_space<hbm>>) dst(%arg8 : memref<128xi32, #tpu.memory_space<vmem>>)
        tpu.yield
      }) : () -> ()
    } else {
    }
    %eq3A_26 = arith.constant 1 : i32
    %eq3A_27 = arith.cmpi eq, %arg0, %eq3A_26 : i32
    %convert_element_type3A_28 = arith.extui %eq3A_27 : i1 to i32
    %cond3A_29 = arith.constant 0 : i32
    %cond3A_30 = arith.cmpi ne, %convert_element_type3A_28, %cond3A_29 : i32
    scf.if %cond3A_30 {
      "tpu.region"() ({
        %run_scoped3A = tpu.sem_alloc : memref<!tpu.dma_semaphore, #tpu.memory_space<semaphore_mem>>
        %dma_start3A = tpu.memref_slice %arg3[%add3A_20] : memref<160000xi32, #tpu.memory_space<hbm>> -> memref<128xi32, #tpu.memory_space<hbm>>
        %dma_start3A_158 = tpu.memref_slice %arg3[%add3A_20] : memref<160000xi32, #tpu.memory_space<hbm>> -> memref<128xi32, #tpu.memory_space<hbm>>
        tpu.enqueue_dma source(%dma_start3A_158 : memref<128xi32, #tpu.memory_space<hbm>>) target(%arg8 : memref<128xi32, #tpu.memory_space<vmem>>) target_semaphore(%run_scoped3A : memref<!tpu.dma_semaphore, #tpu.memory_space<semaphore_mem>>)
        %dma_wait3A_159 = tpu.memref_slice %arg3[%add3A_20] : memref<160000xi32, #tpu.memory_space<hbm>> -> memref<128xi32, #tpu.memory_space<hbm>>
        %dma_wait3A_160 = tpu.memref_slice %arg3[%add3A_20] : memref<160000xi32, #tpu.memory_space<hbm>> -> memref<128xi32, #tpu.memory_space<hbm>>
        tpu.wait_dma2 semaphore(%run_scoped3A : memref<!tpu.dma_semaphore, #tpu.memory_space<semaphore_mem>>) src(%dma_wait3A_160 : memref<128xi32, #tpu.memory_space<hbm>>) dst(%arg8 : memref<128xi32, #tpu.memory_space<vmem>>)
        tpu.yield
      }) : () -> ()
    } else {
    }
    %cond3A_31 = arith.constant 0 : i32
    %min3A_32 = arith.constant 256 : i32
    %min3A_33 = arith.constant 9872 : i32
    %min3A_34 = arith.minsi %min3A_32, %min3A_33 : i32
    %add3A_35 = arith.addi %mul3A_6, %min3A_34 : i32
    %eq3A_36 = arith.constant 0 : i32
    %eq3A_37 = arith.cmpi eq, %arg0, %eq3A_36 : i32
    %convert_element_type3A_38 = arith.extui %eq3A_37 : i1 to i32
    %cond3A_39 = arith.constant 0 : i32
    %cond3A_40 = arith.cmpi ne, %convert_element_type3A_38, %cond3A_39 : i32
    scf.if %cond3A_40 {
      "tpu.region"() ({
        %run_scoped3A = tpu.sem_alloc : memref<!tpu.dma_semaphore, #tpu.memory_space<semaphore_mem>>
        %dma_start3A = tpu.memref_slice %arg2[%add3A_35] : memref<160000xi32, #tpu.memory_space<hbm>> -> memref<128xi32, #tpu.memory_space<hbm>>
        %dma_start3A_158 = tpu.memref_slice %arg2[%add3A_35] : memref<160000xi32, #tpu.memory_space<hbm>> -> memref<128xi32, #tpu.memory_space<hbm>>
        tpu.enqueue_dma source(%dma_start3A_158 : memref<128xi32, #tpu.memory_space<hbm>>) target(%arg9 : memref<128xi32, #tpu.memory_space<vmem>>) target_semaphore(%run_scoped3A : memref<!tpu.dma_semaphore, #tpu.memory_space<semaphore_mem>>)
        %dma_wait3A_159 = tpu.memref_slice %arg2[%add3A_35] : memref<160000xi32, #tpu.memory_space<hbm>> -> memref<128xi32, #tpu.memory_space<hbm>>
        %dma_wait3A_160 = tpu.memref_slice %arg2[%add3A_35] : memref<160000xi32, #tpu.memory_space<hbm>> -> memref<128xi32, #tpu.memory_space<hbm>>
        tpu.wait_dma2 semaphore(%run_scoped3A : memref<!tpu.dma_semaphore, #tpu.memory_space<semaphore_mem>>) src(%dma_wait3A_160 : memref<128xi32, #tpu.memory_space<hbm>>) dst(%arg9 : memref<128xi32, #tpu.memory_space<vmem>>)
        tpu.yield
      }) : () -> ()
    } else {
    }
    %eq3A_41 = arith.constant 1 : i32
    %eq3A_42 = arith.cmpi eq, %arg0, %eq3A_41 : i32
    %convert_element_type3A_43 = arith.extui %eq3A_42 : i1 to i32
    %cond3A_44 = arith.constant 0 : i32
    %cond3A_45 = arith.cmpi ne, %convert_element_type3A_43, %cond3A_44 : i32
    scf.if %cond3A_45 {
      "tpu.region"() ({
        %run_scoped3A = tpu.sem_alloc : memref<!tpu.dma_semaphore, #tpu.memory_space<semaphore_mem>>
        %dma_start3A = tpu.memref_slice %arg3[%add3A_35] : memref<160000xi32, #tpu.memory_space<hbm>> -> memref<128xi32, #tpu.memory_space<hbm>>
        %dma_start3A_158 = tpu.memref_slice %arg3[%add3A_35] : memref<160000xi32, #tpu.memory_space<hbm>> -> memref<128xi32, #tpu.memory_space<hbm>>
        tpu.enqueue_dma source(%dma_start3A_158 : memref<128xi32, #tpu.memory_space<hbm>>) target(%arg9 : memref<128xi32, #tpu.memory_space<vmem>>) target_semaphore(%run_scoped3A : memref<!tpu.dma_semaphore, #tpu.memory_space<semaphore_mem>>)
        %dma_wait3A_159 = tpu.memref_slice %arg3[%add3A_35] : memref<160000xi32, #tpu.memory_space<hbm>> -> memref<128xi32, #tpu.memory_space<hbm>>
        %dma_wait3A_160 = tpu.memref_slice %arg3[%add3A_35] : memref<160000xi32, #tpu.memory_space<hbm>> -> memref<128xi32, #tpu.memory_space<hbm>>
        tpu.wait_dma2 semaphore(%run_scoped3A : memref<!tpu.dma_semaphore, #tpu.memory_space<semaphore_mem>>) src(%dma_wait3A_160 : memref<128xi32, #tpu.memory_space<hbm>>) dst(%arg9 : memref<128xi32, #tpu.memory_space<vmem>>)
        tpu.yield
      }) : () -> ()
    } else {
    }
    %cond3A_46 = arith.constant 0 : i32
    %min3A_47 = arith.constant 384 : i32
    %min3A_48 = arith.constant 9872 : i32
    %min3A_49 = arith.minsi %min3A_47, %min3A_48 : i32
    %add3A_50 = arith.addi %mul3A_6, %min3A_49 : i32
    %eq3A_51 = arith.constant 0 : i32
    %eq3A_52 = arith.cmpi eq, %arg0, %eq3A_51 : i32
    %convert_element_type3A_53 = arith.extui %eq3A_52 : i1 to i32
    %cond3A_54 = arith.constant 0 : i32
    %cond3A_55 = arith.cmpi ne, %convert_element_type3A_53, %cond3A_54 : i32
    scf.if %cond3A_55 {
      "tpu.region"() ({
        %run_scoped3A = tpu.sem_alloc : memref<!tpu.dma_semaphore, #tpu.memory_space<semaphore_mem>>
        %dma_start3A = tpu.memref_slice %arg2[%add3A_50] : memref<160000xi32, #tpu.memory_space<hbm>> -> memref<128xi32, #tpu.memory_space<hbm>>
        %dma_start3A_158 = tpu.memref_slice %arg2[%add3A_50] : memref<160000xi32, #tpu.memory_space<hbm>> -> memref<128xi32, #tpu.memory_space<hbm>>
        tpu.enqueue_dma source(%dma_start3A_158 : memref<128xi32, #tpu.memory_space<hbm>>) target(%arg10 : memref<128xi32, #tpu.memory_space<vmem>>) target_semaphore(%run_scoped3A : memref<!tpu.dma_semaphore, #tpu.memory_space<semaphore_mem>>)
        %dma_wait3A_159 = tpu.memref_slice %arg2[%add3A_50] : memref<160000xi32, #tpu.memory_space<hbm>> -> memref<128xi32, #tpu.memory_space<hbm>>
        %dma_wait3A_160 = tpu.memref_slice %arg2[%add3A_50] : memref<160000xi32, #tpu.memory_space<hbm>> -> memref<128xi32, #tpu.memory_space<hbm>>
        tpu.wait_dma2 semaphore(%run_scoped3A : memref<!tpu.dma_semaphore, #tpu.memory_space<semaphore_mem>>) src(%dma_wait3A_160 : memref<128xi32, #tpu.memory_space<hbm>>) dst(%arg10 : memref<128xi32, #tpu.memory_space<vmem>>)
        tpu.yield
      }) : () -> ()
    } else {
    }
    %eq3A_56 = arith.constant 1 : i32
    %eq3A_57 = arith.cmpi eq, %arg0, %eq3A_56 : i32
    %convert_element_type3A_58 = arith.extui %eq3A_57 : i1 to i32
    %cond3A_59 = arith.constant 0 : i32
    %cond3A_60 = arith.cmpi ne, %convert_element_type3A_58, %cond3A_59 : i32
    scf.if %cond3A_60 {
      "tpu.region"() ({
        %run_scoped3A = tpu.sem_alloc : memref<!tpu.dma_semaphore, #tpu.memory_space<semaphore_mem>>
        %dma_start3A = tpu.memref_slice %arg3[%add3A_50] : memref<160000xi32, #tpu.memory_space<hbm>> -> memref<128xi32, #tpu.memory_space<hbm>>
        %dma_start3A_158 = tpu.memref_slice %arg3[%add3A_50] : memref<160000xi32, #tpu.memory_space<hbm>> -> memref<128xi32, #tpu.memory_space<hbm>>
        tpu.enqueue_dma source(%dma_start3A_158 : memref<128xi32, #tpu.memory_space<hbm>>) target(%arg10 : memref<128xi32, #tpu.memory_space<vmem>>) target_semaphore(%run_scoped3A : memref<!tpu.dma_semaphore, #tpu.memory_space<semaphore_mem>>)
        %dma_wait3A_159 = tpu.memref_slice %arg3[%add3A_50] : memref<160000xi32, #tpu.memory_space<hbm>> -> memref<128xi32, #tpu.memory_space<hbm>>
        %dma_wait3A_160 = tpu.memref_slice %arg3[%add3A_50] : memref<160000xi32, #tpu.memory_space<hbm>> -> memref<128xi32, #tpu.memory_space<hbm>>
        tpu.wait_dma2 semaphore(%run_scoped3A : memref<!tpu.dma_semaphore, #tpu.memory_space<semaphore_mem>>) src(%dma_wait3A_160 : memref<128xi32, #tpu.memory_space<hbm>>) dst(%arg10 : memref<128xi32, #tpu.memory_space<vmem>>)
        tpu.yield
      }) : () -> ()
    } else {
    }
    %cond3A_61 = arith.constant 0 : i32
    %min3A_62 = arith.constant 512 : i32
    %min3A_63 = arith.constant 9872 : i32
    %min3A_64 = arith.minsi %min3A_62, %min3A_63 : i32
    %add3A_65 = arith.addi %mul3A_6, %min3A_64 : i32
    %eq3A_66 = arith.constant 0 : i32
    %eq3A_67 = arith.cmpi eq, %arg0, %eq3A_66 : i32
    %convert_element_type3A_68 = arith.extui %eq3A_67 : i1 to i32
    %cond3A_69 = arith.constant 0 : i32
    %cond3A_70 = arith.cmpi ne, %convert_element_type3A_68, %cond3A_69 : i32
    scf.if %cond3A_70 {
      "tpu.region"() ({
        %run_scoped3A = tpu.sem_alloc : memref<!tpu.dma_semaphore, #tpu.memory_space<semaphore_mem>>
        %dma_start3A = tpu.memref_slice %arg2[%add3A_65] : memref<160000xi32, #tpu.memory_space<hbm>> -> memref<128xi32, #tpu.memory_space<hbm>>
        %dma_start3A_158 = tpu.memref_slice %arg2[%add3A_65] : memref<160000xi32, #tpu.memory_space<hbm>> -> memref<128xi32, #tpu.memory_space<hbm>>
        tpu.enqueue_dma source(%dma_start3A_158 : memref<128xi32, #tpu.memory_space<hbm>>) target(%arg11 : memref<128xi32, #tpu.memory_space<vmem>>) target_semaphore(%run_scoped3A : memref<!tpu.dma_semaphore, #tpu.memory_space<semaphore_mem>>)
        %dma_wait3A_159 = tpu.memref_slice %arg2[%add3A_65] : memref<160000xi32, #tpu.memory_space<hbm>> -> memref<128xi32, #tpu.memory_space<hbm>>
        %dma_wait3A_160 = tpu.memref_slice %arg2[%add3A_65] : memref<160000xi32, #tpu.memory_space<hbm>> -> memref<128xi32, #tpu.memory_space<hbm>>
        tpu.wait_dma2 semaphore(%run_scoped3A : memref<!tpu.dma_semaphore, #tpu.memory_space<semaphore_mem>>) src(%dma_wait3A_160 : memref<128xi32, #tpu.memory_space<hbm>>) dst(%arg11 : memref<128xi32, #tpu.memory_space<vmem>>)
        tpu.yield
      }) : () -> ()
    } else {
    }
    %eq3A_71 = arith.constant 1 : i32
    %eq3A_72 = arith.cmpi eq, %arg0, %eq3A_71 : i32
    %convert_element_type3A_73 = arith.extui %eq3A_72 : i1 to i32
    %cond3A_74 = arith.constant 0 : i32
    %cond3A_75 = arith.cmpi ne, %convert_element_type3A_73, %cond3A_74 : i32
    scf.if %cond3A_75 {
      "tpu.region"() ({
        %run_scoped3A = tpu.sem_alloc : memref<!tpu.dma_semaphore, #tpu.memory_space<semaphore_mem>>
        %dma_start3A = tpu.memref_slice %arg3[%add3A_65] : memref<160000xi32, #tpu.memory_space<hbm>> -> memref<128xi32, #tpu.memory_space<hbm>>
        %dma_start3A_158 = tpu.memref_slice %arg3[%add3A_65] : memref<160000xi32, #tpu.memory_space<hbm>> -> memref<128xi32, #tpu.memory_space<hbm>>
        tpu.enqueue_dma source(%dma_start3A_158 : memref<128xi32, #tpu.memory_space<hbm>>) target(%arg11 : memref<128xi32, #tpu.memory_space<vmem>>) target_semaphore(%run_scoped3A : memref<!tpu.dma_semaphore, #tpu.memory_space<semaphore_mem>>)
        %dma_wait3A_159 = tpu.memref_slice %arg3[%add3A_65] : memref<160000xi32, #tpu.memory_space<hbm>> -> memref<128xi32, #tpu.memory_space<hbm>>
        %dma_wait3A_160 = tpu.memref_slice %arg3[%add3A_65] : memref<160000xi32, #tpu.memory_space<hbm>> -> memref<128xi32, #tpu.memory_space<hbm>>
        tpu.wait_dma2 semaphore(%run_scoped3A : memref<!tpu.dma_semaphore, #tpu.memory_space<semaphore_mem>>) src(%dma_wait3A_160 : memref<128xi32, #tpu.memory_space<hbm>>) dst(%arg11 : memref<128xi32, #tpu.memory_space<vmem>>)
        tpu.yield
      }) : () -> ()
    } else {
    }
    %cond3A_76 = arith.constant 0 : i32
    %min3A_77 = arith.constant 640 : i32
    %min3A_78 = arith.constant 9872 : i32
    %min3A_79 = arith.minsi %min3A_77, %min3A_78 : i32
    %add3A_80 = arith.addi %mul3A_6, %min3A_79 : i32
    %eq3A_81 = arith.constant 0 : i32
    %eq3A_82 = arith.cmpi eq, %arg0, %eq3A_81 : i32
    %convert_element_type3A_83 = arith.extui %eq3A_82 : i1 to i32
    %cond3A_84 = arith.constant 0 : i32
    %cond3A_85 = arith.cmpi ne, %convert_element_type3A_83, %cond3A_84 : i32
    scf.if %cond3A_85 {
      "tpu.region"() ({
        %run_scoped3A = tpu.sem_alloc : memref<!tpu.dma_semaphore, #tpu.memory_space<semaphore_mem>>
        %dma_start3A = tpu.memref_slice %arg2[%add3A_80] : memref<160000xi32, #tpu.memory_space<hbm>> -> memref<128xi32, #tpu.memory_space<hbm>>
        %dma_start3A_158 = tpu.memref_slice %arg2[%add3A_80] : memref<160000xi32, #tpu.memory_space<hbm>> -> memref<128xi32, #tpu.memory_space<hbm>>
        tpu.enqueue_dma source(%dma_start3A_158 : memref<128xi32, #tpu.memory_space<hbm>>) target(%arg12 : memref<128xi32, #tpu.memory_space<vmem>>) target_semaphore(%run_scoped3A : memref<!tpu.dma_semaphore, #tpu.memory_space<semaphore_mem>>)
        %dma_wait3A_159 = tpu.memref_slice %arg2[%add3A_80] : memref<160000xi32, #tpu.memory_space<hbm>> -> memref<128xi32, #tpu.memory_space<hbm>>
        %dma_wait3A_160 = tpu.memref_slice %arg2[%add3A_80] : memref<160000xi32, #tpu.memory_space<hbm>> -> memref<128xi32, #tpu.memory_space<hbm>>
        tpu.wait_dma2 semaphore(%run_scoped3A : memref<!tpu.dma_semaphore, #tpu.memory_space<semaphore_mem>>) src(%dma_wait3A_160 : memref<128xi32, #tpu.memory_space<hbm>>) dst(%arg12 : memref<128xi32, #tpu.memory_space<vmem>>)
        tpu.yield
      }) : () -> ()
    } else {
    }
    %eq3A_86 = arith.constant 1 : i32
    %eq3A_87 = arith.cmpi eq, %arg0, %eq3A_86 : i32
    %convert_element_type3A_88 = arith.extui %eq3A_87 : i1 to i32
    %cond3A_89 = arith.constant 0 : i32
    %cond3A_90 = arith.cmpi ne, %convert_element_type3A_88, %cond3A_89 : i32
    scf.if %cond3A_90 {
      "tpu.region"() ({
        %run_scoped3A = tpu.sem_alloc : memref<!tpu.dma_semaphore, #tpu.memory_space<semaphore_mem>>
        %dma_start3A = tpu.memref_slice %arg3[%add3A_80] : memref<160000xi32, #tpu.memory_space<hbm>> -> memref<128xi32, #tpu.memory_space<hbm>>
        %dma_start3A_158 = tpu.memref_slice %arg3[%add3A_80] : memref<160000xi32, #tpu.memory_space<hbm>> -> memref<128xi32, #tpu.memory_space<hbm>>
        tpu.enqueue_dma source(%dma_start3A_158 : memref<128xi32, #tpu.memory_space<hbm>>) target(%arg12 : memref<128xi32, #tpu.memory_space<vmem>>) target_semaphore(%run_scoped3A : memref<!tpu.dma_semaphore, #tpu.memory_space<semaphore_mem>>)
        %dma_wait3A_159 = tpu.memref_slice %arg3[%add3A_80] : memref<160000xi32, #tpu.memory_space<hbm>> -> memref<128xi32, #tpu.memory_space<hbm>>
        %dma_wait3A_160 = tpu.memref_slice %arg3[%add3A_80] : memref<160000xi32, #tpu.memory_space<hbm>> -> memref<128xi32, #tpu.memory_space<hbm>>
        tpu.wait_dma2 semaphore(%run_scoped3A : memref<!tpu.dma_semaphore, #tpu.memory_space<semaphore_mem>>) src(%dma_wait3A_160 : memref<128xi32, #tpu.memory_space<hbm>>) dst(%arg12 : memref<128xi32, #tpu.memory_space<vmem>>)
        tpu.yield
      }) : () -> ()
    } else {
    }
    %cond3A_91 = arith.constant 0 : i32
    %min3A_92 = arith.constant 768 : i32
    %min3A_93 = arith.constant 9872 : i32
    %min3A_94 = arith.minsi %min3A_92, %min3A_93 : i32
    %add3A_95 = arith.addi %mul3A_6, %min3A_94 : i32
    %eq3A_96 = arith.constant 0 : i32
    %eq3A_97 = arith.cmpi eq, %arg0, %eq3A_96 : i32
    %convert_element_type3A_98 = arith.extui %eq3A_97 : i1 to i32
    %cond3A_99 = arith.constant 0 : i32
    %cond3A_100 = arith.cmpi ne, %convert_element_type3A_98, %cond3A_99 : i32
    scf.if %cond3A_100 {
      "tpu.region"() ({
        %run_scoped3A = tpu.sem_alloc : memref<!tpu.dma_semaphore, #tpu.memory_space<semaphore_mem>>
        %dma_start3A = tpu.memref_slice %arg2[%add3A_95] : memref<160000xi32, #tpu.memory_space<hbm>> -> memref<128xi32, #tpu.memory_space<hbm>>
        %dma_start3A_158 = tpu.memref_slice %arg2[%add3A_95] : memref<160000xi32, #tpu.memory_space<hbm>> -> memref<128xi32, #tpu.memory_space<hbm>>
        tpu.enqueue_dma source(%dma_start3A_158 : memref<128xi32, #tpu.memory_space<hbm>>) target(%arg13 : memref<128xi32, #tpu.memory_space<vmem>>) target_semaphore(%run_scoped3A : memref<!tpu.dma_semaphore, #tpu.memory_space<semaphore_mem>>)
        %dma_wait3A_159 = tpu.memref_slice %arg2[%add3A_95] : memref<160000xi32, #tpu.memory_space<hbm>> -> memref<128xi32, #tpu.memory_space<hbm>>
        %dma_wait3A_160 = tpu.memref_slice %arg2[%add3A_95] : memref<160000xi32, #tpu.memory_space<hbm>> -> memref<128xi32, #tpu.memory_space<hbm>>
        tpu.wait_dma2 semaphore(%run_scoped3A : memref<!tpu.dma_semaphore, #tpu.memory_space<semaphore_mem>>) src(%dma_wait3A_160 : memref<128xi32, #tpu.memory_space<hbm>>) dst(%arg13 : memref<128xi32, #tpu.memory_space<vmem>>)
        tpu.yield
      }) : () -> ()
    } else {
    }
    %eq3A_101 = arith.constant 1 : i32
    %eq3A_102 = arith.cmpi eq, %arg0, %eq3A_101 : i32
    %convert_element_type3A_103 = arith.extui %eq3A_102 : i1 to i32
    %cond3A_104 = arith.constant 0 : i32
    %cond3A_105 = arith.cmpi ne, %convert_element_type3A_103, %cond3A_104 : i32
    scf.if %cond3A_105 {
      "tpu.region"() ({
        %run_scoped3A = tpu.sem_alloc : memref<!tpu.dma_semaphore, #tpu.memory_space<semaphore_mem>>
        %dma_start3A = tpu.memref_slice %arg3[%add3A_95] : memref<160000xi32, #tpu.memory_space<hbm>> -> memref<128xi32, #tpu.memory_space<hbm>>
        %dma_start3A_158 = tpu.memref_slice %arg3[%add3A_95] : memref<160000xi32, #tpu.memory_space<hbm>> -> memref<128xi32, #tpu.memory_space<hbm>>
        tpu.enqueue_dma source(%dma_start3A_158 : memref<128xi32, #tpu.memory_space<hbm>>) target(%arg13 : memref<128xi32, #tpu.memory_space<vmem>>) target_semaphore(%run_scoped3A : memref<!tpu.dma_semaphore, #tpu.memory_space<semaphore_mem>>)
        %dma_wait3A_159 = tpu.memref_slice %arg3[%add3A_95] : memref<160000xi32, #tpu.memory_space<hbm>> -> memref<128xi32, #tpu.memory_space<hbm>>
        %dma_wait3A_160 = tpu.memref_slice %arg3[%add3A_95] : memref<160000xi32, #tpu.memory_space<hbm>> -> memref<128xi32, #tpu.memory_space<hbm>>
        tpu.wait_dma2 semaphore(%run_scoped3A : memref<!tpu.dma_semaphore, #tpu.memory_space<semaphore_mem>>) src(%dma_wait3A_160 : memref<128xi32, #tpu.memory_space<hbm>>) dst(%arg13 : memref<128xi32, #tpu.memory_space<vmem>>)
        tpu.yield
      }) : () -> ()
    } else {
    }
    %cond3A_106 = arith.constant 0 : i32
    %min3A_107 = arith.constant 896 : i32
    %min3A_108 = arith.constant 9872 : i32
    %min3A_109 = arith.minsi %min3A_107, %min3A_108 : i32
    %add3A_110 = arith.addi %mul3A_6, %min3A_109 : i32
    %eq3A_111 = arith.constant 0 : i32
    %eq3A_112 = arith.cmpi eq, %arg0, %eq3A_111 : i32
    %convert_element_type3A_113 = arith.extui %eq3A_112 : i1 to i32
    %cond3A_114 = arith.constant 0 : i32
    %cond3A_115 = arith.cmpi ne, %convert_element_type3A_113, %cond3A_114 : i32
    scf.if %cond3A_115 {
      "tpu.region"() ({
        %run_scoped3A = tpu.sem_alloc : memref<!tpu.dma_semaphore, #tpu.memory_space<semaphore_mem>>
        %dma_start3A = tpu.memref_slice %arg2[%add3A_110] : memref<160000xi32, #tpu.memory_space<hbm>> -> memref<128xi32, #tpu.memory_space<hbm>>
        %dma_start3A_158 = tpu.memref_slice %arg2[%add3A_110] : memref<160000xi32, #tpu.memory_space<hbm>> -> memref<128xi32, #tpu.memory_space<hbm>>
        tpu.enqueue_dma source(%dma_start3A_158 : memref<128xi32, #tpu.memory_space<hbm>>) target(%arg14 : memref<128xi32, #tpu.memory_space<vmem>>) target_semaphore(%run_scoped3A : memref<!tpu.dma_semaphore, #tpu.memory_space<semaphore_mem>>)
        %dma_wait3A_159 = tpu.memref_slice %arg2[%add3A_110] : memref<160000xi32, #tpu.memory_space<hbm>> -> memref<128xi32, #tpu.memory_space<hbm>>
        %dma_wait3A_160 = tpu.memref_slice %arg2[%add3A_110] : memref<160000xi32, #tpu.memory_space<hbm>> -> memref<128xi32, #tpu.memory_space<hbm>>
        tpu.wait_dma2 semaphore(%run_scoped3A : memref<!tpu.dma_semaphore, #tpu.memory_space<semaphore_mem>>) src(%dma_wait3A_160 : memref<128xi32, #tpu.memory_space<hbm>>) dst(%arg14 : memref<128xi32, #tpu.memory_space<vmem>>)
        tpu.yield
      }) : () -> ()
    } else {
    }
    %eq3A_116 = arith.constant 1 : i32
    %eq3A_117 = arith.cmpi eq, %arg0, %eq3A_116 : i32
    %convert_element_type3A_118 = arith.extui %eq3A_117 : i1 to i32
    %cond3A_119 = arith.constant 0 : i32
    %cond3A_120 = arith.cmpi ne, %convert_element_type3A_118, %cond3A_119 : i32
    scf.if %cond3A_120 {
      "tpu.region"() ({
        %run_scoped3A = tpu.sem_alloc : memref<!tpu.dma_semaphore, #tpu.memory_space<semaphore_mem>>
        %dma_start3A = tpu.memref_slice %arg3[%add3A_110] : memref<160000xi32, #tpu.memory_space<hbm>> -> memref<128xi32, #tpu.memory_space<hbm>>
        %dma_start3A_158 = tpu.memref_slice %arg3[%add3A_110] : memref<160000xi32, #tpu.memory_space<hbm>> -> memref<128xi32, #tpu.memory_space<hbm>>
        tpu.enqueue_dma source(%dma_start3A_158 : memref<128xi32, #tpu.memory_space<hbm>>) target(%arg14 : memref<128xi32, #tpu.memory_space<vmem>>) target_semaphore(%run_scoped3A : memref<!tpu.dma_semaphore, #tpu.memory_space<semaphore_mem>>)
        %dma_wait3A_159 = tpu.memref_slice %arg3[%add3A_110] : memref<160000xi32, #tpu.memory_space<hbm>> -> memref<128xi32, #tpu.memory_space<hbm>>
        %dma_wait3A_160 = tpu.memref_slice %arg3[%add3A_110] : memref<160000xi32, #tpu.memory_space<hbm>> -> memref<128xi32, #tpu.memory_space<hbm>>
        tpu.wait_dma2 semaphore(%run_scoped3A : memref<!tpu.dma_semaphore, #tpu.memory_space<semaphore_mem>>) src(%dma_wait3A_160 : memref<128xi32, #tpu.memory_space<hbm>>) dst(%arg14 : memref<128xi32, #tpu.memory_space<vmem>>)
        tpu.yield
      }) : () -> ()
    } else {
    }
    %cond3A_121 = arith.constant 0 : i32
    %scan3A_122 = arith.constant 0 : i32
    %scan3A_123 = arith.constant 0 : i32
    %scan3A_124 = arith.constant 10 : i32
    %scan3A_125 = arith.addi %scan3A_123, %scan3A_124 : i32
    %scan3A_126 = arith.constant 1 : i32
    scf.for %scan3A_158 = %scan3A_123 to %scan3A_125 step %scan3A_126  : i32 {
      %mul3A_159 = arith.constant 8 : i32
      %mul3A_160 = arith.muli %mul3A_159, %scan3A_158 : i32
      %add3A_161 = arith.constant 0 : i32
      %add3A_162 = arith.addi %mul3A_160, %add3A_161 : i32
      %lt3A = arith.constant 79 : i32
      %lt3A_163 = arith.cmpi slt, %add3A_162, %lt3A : i32
      %convert_element_type3A_164 = arith.extui %lt3A_163 : i1 to i32
      %cond3A_165 = arith.constant 0 : i32
      %cond3A_166 = arith.cmpi ne, %convert_element_type3A_164, %cond3A_165 : i32
      scf.if %cond3A_166 {
        %dma_start3A = arith.constant 0 : i32
        %dma_start3A_318 = arith.constant 0 : i32
        %dma_start3A_319 = tpu.memref_slice %arg17[%dma_start3A, %dma_start3A_318] : memref<10240x128xf32, #tpu.memory_space<vmem_shared>> -> memref<10240x128xf32, #tpu.memory_space<vmem_shared>>
        tpu.enqueue_indirect_dma source(%arg15 : memref<128x128xf32, #tpu.memory_space<vmem>>) target(%dma_start3A_319 : memref<10240x128xf32, #tpu.memory_space<vmem_shared>>) offsets(%arg7 : memref<128xi32, #tpu.memory_space<vmem>>) semaphore(%arg18 : memref<!tpu.dma_semaphore, #tpu.memory_space<semaphore_mem>>) {add = true}
      } else {
      }
      %mul3A_167 = arith.constant 8 : i32
      %mul3A_168 = arith.muli %mul3A_167, %scan3A_158 : i32
      %add3A_169 = arith.constant 1 : i32
      %add3A_170 = arith.addi %mul3A_168, %add3A_169 : i32
      %lt3A_171 = arith.constant 79 : i32
      %lt3A_172 = arith.cmpi slt, %add3A_170, %lt3A_171 : i32
      %convert_element_type3A_173 = arith.extui %lt3A_172 : i1 to i32
      %cond3A_174 = arith.constant 0 : i32
      %cond3A_175 = arith.cmpi ne, %convert_element_type3A_173, %cond3A_174 : i32
      scf.if %cond3A_175 {
        %dma_start3A = arith.constant 0 : i32
        %dma_start3A_318 = arith.constant 0 : i32
        %dma_start3A_319 = tpu.memref_slice %arg17[%dma_start3A, %dma_start3A_318] : memref<10240x128xf32, #tpu.memory_space<vmem_shared>> -> memref<10240x128xf32, #tpu.memory_space<vmem_shared>>
        tpu.enqueue_indirect_dma source(%arg15 : memref<128x128xf32, #tpu.memory_space<vmem>>) target(%dma_start3A_319 : memref<10240x128xf32, #tpu.memory_space<vmem_shared>>) offsets(%arg8 : memref<128xi32, #tpu.memory_space<vmem>>) semaphore(%arg19 : memref<!tpu.dma_semaphore, #tpu.memory_space<semaphore_mem>>) {add = true}
      } else {
      }
      %mul3A_176 = arith.constant 8 : i32
      %mul3A_177 = arith.muli %mul3A_176, %scan3A_158 : i32
      %add3A_178 = arith.constant 2 : i32
      %add3A_179 = arith.addi %mul3A_177, %add3A_178 : i32
      %lt3A_180 = arith.constant 79 : i32
      %lt3A_181 = arith.cmpi slt, %add3A_179, %lt3A_180 : i32
      %convert_element_type3A_182 = arith.extui %lt3A_181 : i1 to i32
      %cond3A_183 = arith.constant 0 : i32
      %cond3A_184 = arith.cmpi ne, %convert_element_type3A_182, %cond3A_183 : i32
      scf.if %cond3A_184 {
        %dma_start3A = arith.constant 0 : i32
        %dma_start3A_318 = arith.constant 0 : i32
        %dma_start3A_319 = tpu.memref_slice %arg17[%dma_start3A, %dma_start3A_318] : memref<10240x128xf32, #tpu.memory_space<vmem_shared>> -> memref<10240x128xf32, #tpu.memory_space<vmem_shared>>
        tpu.enqueue_indirect_dma source(%arg15 : memref<128x128xf32, #tpu.memory_space<vmem>>) target(%dma_start3A_319 : memref<10240x128xf32, #tpu.memory_space<vmem_shared>>) offsets(%arg9 : memref<128xi32, #tpu.memory_space<vmem>>) semaphore(%arg20 : memref<!tpu.dma_semaphore, #tpu.memory_space<semaphore_mem>>) {add = true}
      } else {
      }
      %mul3A_185 = arith.constant 8 : i32
      %mul3A_186 = arith.muli %mul3A_185, %scan3A_158 : i32
      %add3A_187 = arith.constant 3 : i32
      %add3A_188 = arith.addi %mul3A_186, %add3A_187 : i32
      %lt3A_189 = arith.constant 79 : i32
      %lt3A_190 = arith.cmpi slt, %add3A_188, %lt3A_189 : i32
      %convert_element_type3A_191 = arith.extui %lt3A_190 : i1 to i32
      %cond3A_192 = arith.constant 0 : i32
      %cond3A_193 = arith.cmpi ne, %convert_element_type3A_191, %cond3A_192 : i32
      scf.if %cond3A_193 {
        %dma_start3A = arith.constant 0 : i32
        %dma_start3A_318 = arith.constant 0 : i32
        %dma_start3A_319 = tpu.memref_slice %arg17[%dma_start3A, %dma_start3A_318] : memref<10240x128xf32, #tpu.memory_space<vmem_shared>> -> memref<10240x128xf32, #tpu.memory_space<vmem_shared>>
        tpu.enqueue_indirect_dma source(%arg15 : memref<128x128xf32, #tpu.memory_space<vmem>>) target(%dma_start3A_319 : memref<10240x128xf32, #tpu.memory_space<vmem_shared>>) offsets(%arg10 : memref<128xi32, #tpu.memory_space<vmem>>) semaphore(%arg21 : memref<!tpu.dma_semaphore, #tpu.memory_space<semaphore_mem>>) {add = true}
      } else {
      }
      %mul3A_194 = arith.constant 8 : i32
      %mul3A_195 = arith.muli %mul3A_194, %scan3A_158 : i32
      %add3A_196 = arith.constant 4 : i32
      %add3A_197 = arith.addi %mul3A_195, %add3A_196 : i32
      %lt3A_198 = arith.constant 79 : i32
      %lt3A_199 = arith.cmpi slt, %add3A_197, %lt3A_198 : i32
      %convert_element_type3A_200 = arith.extui %lt3A_199 : i1 to i32
      %cond3A_201 = arith.constant 0 : i32
      %cond3A_202 = arith.cmpi ne, %convert_element_type3A_200, %cond3A_201 : i32
      scf.if %cond3A_202 {
        %dma_start3A = arith.constant 0 : i32
        %dma_start3A_318 = arith.constant 0 : i32
        %dma_start3A_319 = tpu.memref_slice %arg17[%dma_start3A, %dma_start3A_318] : memref<10240x128xf32, #tpu.memory_space<vmem_shared>> -> memref<10240x128xf32, #tpu.memory_space<vmem_shared>>
        tpu.enqueue_indirect_dma source(%arg15 : memref<128x128xf32, #tpu.memory_space<vmem>>) target(%dma_start3A_319 : memref<10240x128xf32, #tpu.memory_space<vmem_shared>>) offsets(%arg11 : memref<128xi32, #tpu.memory_space<vmem>>) semaphore(%arg22 : memref<!tpu.dma_semaphore, #tpu.memory_space<semaphore_mem>>) {add = true}
      } else {
      }
      %mul3A_203 = arith.constant 8 : i32
      %mul3A_204 = arith.muli %mul3A_203, %scan3A_158 : i32
      %add3A_205 = arith.constant 5 : i32
      %add3A_206 = arith.addi %mul3A_204, %add3A_205 : i32
      %lt3A_207 = arith.constant 79 : i32
      %lt3A_208 = arith.cmpi slt, %add3A_206, %lt3A_207 : i32
      %convert_element_type3A_209 = arith.extui %lt3A_208 : i1 to i32
      %cond3A_210 = arith.constant 0 : i32
      %cond3A_211 = arith.cmpi ne, %convert_element_type3A_209, %cond3A_210 : i32
      scf.if %cond3A_211 {
        %dma_start3A = arith.constant 0 : i32
        %dma_start3A_318 = arith.constant 0 : i32
        %dma_start3A_319 = tpu.memref_slice %arg17[%dma_start3A, %dma_start3A_318] : memref<10240x128xf32, #tpu.memory_space<vmem_shared>> -> memref<10240x128xf32, #tpu.memory_space<vmem_shared>>
        tpu.enqueue_indirect_dma source(%arg15 : memref<128x128xf32, #tpu.memory_space<vmem>>) target(%dma_start3A_319 : memref<10240x128xf32, #tpu.memory_space<vmem_shared>>) offsets(%arg12 : memref<128xi32, #tpu.memory_space<vmem>>) semaphore(%arg23 : memref<!tpu.dma_semaphore, #tpu.memory_space<semaphore_mem>>) {add = true}
      } else {
      }
      %mul3A_212 = arith.constant 8 : i32
      %mul3A_213 = arith.muli %mul3A_212, %scan3A_158 : i32
      %add3A_214 = arith.constant 6 : i32
      %add3A_215 = arith.addi %mul3A_213, %add3A_214 : i32
      %lt3A_216 = arith.constant 79 : i32
      %lt3A_217 = arith.cmpi slt, %add3A_215, %lt3A_216 : i32
      %convert_element_type3A_218 = arith.extui %lt3A_217 : i1 to i32
      %cond3A_219 = arith.constant 0 : i32
      %cond3A_220 = arith.cmpi ne, %convert_element_type3A_218, %cond3A_219 : i32
      scf.if %cond3A_220 {
        %dma_start3A = arith.constant 0 : i32
        %dma_start3A_318 = arith.constant 0 : i32
        %dma_start3A_319 = tpu.memref_slice %arg17[%dma_start3A, %dma_start3A_318] : memref<10240x128xf32, #tpu.memory_space<vmem_shared>> -> memref<10240x128xf32, #tpu.memory_space<vmem_shared>>
        tpu.enqueue_indirect_dma source(%arg15 : memref<128x128xf32, #tpu.memory_space<vmem>>) target(%dma_start3A_319 : memref<10240x128xf32, #tpu.memory_space<vmem_shared>>) offsets(%arg13 : memref<128xi32, #tpu.memory_space<vmem>>) semaphore(%arg24 : memref<!tpu.dma_semaphore, #tpu.memory_space<semaphore_mem>>) {add = true}
      } else {
      }
      %mul3A_221 = arith.constant 8 : i32
      %mul3A_222 = arith.muli %mul3A_221, %scan3A_158 : i32
      %add3A_223 = arith.constant 7 : i32
      %add3A_224 = arith.addi %mul3A_222, %add3A_223 : i32
      %lt3A_225 = arith.constant 79 : i32
      %lt3A_226 = arith.cmpi slt, %add3A_224, %lt3A_225 : i32
      %convert_element_type3A_227 = arith.extui %lt3A_226 : i1 to i32
      %cond3A_228 = arith.constant 0 : i32
      %cond3A_229 = arith.cmpi ne, %convert_element_type3A_227, %cond3A_228 : i32
      scf.if %cond3A_229 {
        %dma_start3A = arith.constant 0 : i32
        %dma_start3A_318 = arith.constant 0 : i32
        %dma_start3A_319 = tpu.memref_slice %arg17[%dma_start3A, %dma_start3A_318] : memref<10240x128xf32, #tpu.memory_space<vmem_shared>> -> memref<10240x128xf32, #tpu.memory_space<vmem_shared>>
        tpu.enqueue_indirect_dma source(%arg15 : memref<128x128xf32, #tpu.memory_space<vmem>>) target(%dma_start3A_319 : memref<10240x128xf32, #tpu.memory_space<vmem_shared>>) offsets(%arg14 : memref<128xi32, #tpu.memory_space<vmem>>) semaphore(%arg25 : memref<!tpu.dma_semaphore, #tpu.memory_space<semaphore_mem>>) {add = true}
      } else {
      }
      %mul3A_230 = arith.constant 8 : i32
      %mul3A_231 = arith.muli %mul3A_230, %scan3A_158 : i32
      %add3A_232 = arith.constant 8 : i32
      %add3A_233 = arith.addi %mul3A_231, %add3A_232 : i32
      %add3A_234 = arith.constant 0 : i32
      %add3A_235 = arith.addi %add3A_233, %add3A_234 : i32
      %lt3A_236 = arith.constant 79 : i32
      %lt3A_237 = arith.cmpi slt, %add3A_235, %lt3A_236 : i32
      %convert_element_type3A_238 = arith.extui %lt3A_237 : i1 to i32
      %cond3A_239 = arith.constant 0 : i32
      %cond3A_240 = arith.cmpi ne, %convert_element_type3A_238, %cond3A_239 : i32
      scf.if %cond3A_240 {
        %dma_wait3A_318 = arith.constant 0 : i32
        %dma_wait3A_319 = arith.constant 0 : i32
        %dma_wait3A_320 = tpu.memref_slice %arg17[%dma_wait3A_318, %dma_wait3A_319] : memref<10240x128xf32, #tpu.memory_space<vmem_shared>> -> memref<10240x128xf32, #tpu.memory_space<vmem_shared>>
        tpu.wait_indirect_dma semaphore(%arg18 : memref<!tpu.dma_semaphore, #tpu.memory_space<semaphore_mem>>) src(%arg15 : memref<128x128xf32, #tpu.memory_space<vmem>>) dst(%dma_wait3A_320 : memref<10240x128xf32, #tpu.memory_space<vmem_shared>>)
        %mul3A_321 = arith.constant 128 : i32
        %mul3A_322 = arith.muli %add3A_235, %mul3A_321 : i32
        %min3A_323 = arith.constant 9872 : i32
        %min3A_324 = arith.minsi %mul3A_322, %min3A_323 : i32
        %add3A_325 = arith.addi %mul3A_6, %min3A_324 : i32
        %eq3A_326 = arith.constant 0 : i32
        %eq3A_327 = arith.cmpi eq, %arg0, %eq3A_326 : i32
        %convert_element_type3A_328 = arith.extui %eq3A_327 : i1 to i32
        %cond3A_329 = arith.constant 0 : i32
        %cond3A_330 = arith.cmpi ne, %convert_element_type3A_328, %cond3A_329 : i32
        scf.if %cond3A_330 {
          "tpu.region"() ({
            %run_scoped3A = tpu.sem_alloc : memref<!tpu.dma_semaphore, #tpu.memory_space<semaphore_mem>>
            %dma_start3A = tpu.memref_slice %arg2[%add3A_325] : memref<160000xi32, #tpu.memory_space<hbm>> -> memref<128xi32, #tpu.memory_space<hbm>>
            %dma_start3A_341 = tpu.memref_slice %arg2[%add3A_325] : memref<160000xi32, #tpu.memory_space<hbm>> -> memref<128xi32, #tpu.memory_space<hbm>>
            tpu.enqueue_dma source(%dma_start3A_341 : memref<128xi32, #tpu.memory_space<hbm>>) target(%arg7 : memref<128xi32, #tpu.memory_space<vmem>>) target_semaphore(%run_scoped3A : memref<!tpu.dma_semaphore, #tpu.memory_space<semaphore_mem>>)
            %dma_wait3A_342 = tpu.memref_slice %arg2[%add3A_325] : memref<160000xi32, #tpu.memory_space<hbm>> -> memref<128xi32, #tpu.memory_space<hbm>>
            %dma_wait3A_343 = tpu.memref_slice %arg2[%add3A_325] : memref<160000xi32, #tpu.memory_space<hbm>> -> memref<128xi32, #tpu.memory_space<hbm>>
            tpu.wait_dma2 semaphore(%run_scoped3A : memref<!tpu.dma_semaphore, #tpu.memory_space<semaphore_mem>>) src(%dma_wait3A_343 : memref<128xi32, #tpu.memory_space<hbm>>) dst(%arg7 : memref<128xi32, #tpu.memory_space<vmem>>)
            tpu.yield
          }) : () -> ()
        } else {
        }
        %eq3A_331 = arith.constant 1 : i32
        %eq3A_332 = arith.cmpi eq, %arg0, %eq3A_331 : i32
        %convert_element_type3A_333 = arith.extui %eq3A_332 : i1 to i32
        %cond3A_334 = arith.constant 0 : i32
        %cond3A_335 = arith.cmpi ne, %convert_element_type3A_333, %cond3A_334 : i32
        scf.if %cond3A_335 {
          "tpu.region"() ({
            %run_scoped3A = tpu.sem_alloc : memref<!tpu.dma_semaphore, #tpu.memory_space<semaphore_mem>>
            %dma_start3A = tpu.memref_slice %arg3[%add3A_325] : memref<160000xi32, #tpu.memory_space<hbm>> -> memref<128xi32, #tpu.memory_space<hbm>>
            %dma_start3A_341 = tpu.memref_slice %arg3[%add3A_325] : memref<160000xi32, #tpu.memory_space<hbm>> -> memref<128xi32, #tpu.memory_space<hbm>>
            tpu.enqueue_dma source(%dma_start3A_341 : memref<128xi32, #tpu.memory_space<hbm>>) target(%arg7 : memref<128xi32, #tpu.memory_space<vmem>>) target_semaphore(%run_scoped3A : memref<!tpu.dma_semaphore, #tpu.memory_space<semaphore_mem>>)
            %dma_wait3A_342 = tpu.memref_slice %arg3[%add3A_325] : memref<160000xi32, #tpu.memory_space<hbm>> -> memref<128xi32, #tpu.memory_space<hbm>>
            %dma_wait3A_343 = tpu.memref_slice %arg3[%add3A_325] : memref<160000xi32, #tpu.memory_space<hbm>> -> memref<128xi32, #tpu.memory_space<hbm>>
            tpu.wait_dma2 semaphore(%run_scoped3A : memref<!tpu.dma_semaphore, #tpu.memory_space<semaphore_mem>>) src(%dma_wait3A_343 : memref<128xi32, #tpu.memory_space<hbm>>) dst(%arg7 : memref<128xi32, #tpu.memory_space<vmem>>)
            tpu.yield
          }) : () -> ()
        } else {
        }
        %eq3A_336 = arith.constant 78 : i32
        %eq3A_337 = arith.cmpi eq, %add3A_235, %eq3A_336 : i32
        %convert_element_type3A_338 = arith.extui %eq3A_337 : i1 to i32
        %cond3A_339 = arith.constant 0 : i32
        %cond3A_340 = arith.cmpi ne, %convert_element_type3A_338, %cond3A_339 : i32
        scf.if %cond3A_340 {
          %swap3A = arith.constant 0 : index
          %swap3A_341 = tpu.vector_load %arg7[%swap3A] {strides = array<i32>} : memref<128xi32, #tpu.memory_space<vmem>>, vector<16xi32>,
          %swap3A_342 = vector.shape_cast %swap3A_341 : vector<16xi32> to vector<16xi32>
          %swap3A_343 = vector.shape_cast %broadcast_in_dim3A_0 : vector<16xi32> to vector<16xi32>
          tpu.vector_store %arg7[%swap3A], %swap3A_343 {strides = array<i32>} : memref<128xi32, #tpu.memory_space<vmem>>, vector<16xi32>,
          %swap3A_344 = arith.constant 16 : index
          %swap3A_345 = tpu.vector_load %arg7[%swap3A_344] {strides = array<i32>} : memref<128xi32, #tpu.memory_space<vmem>>, vector<16xi32>,
          %swap3A_346 = vector.shape_cast %swap3A_345 : vector<16xi32> to vector<16xi32>
          %swap3A_347 = vector.shape_cast %broadcast_in_dim3A_0 : vector<16xi32> to vector<16xi32>
          tpu.vector_store %arg7[%swap3A_344], %swap3A_347 {strides = array<i32>} : memref<128xi32, #tpu.memory_space<vmem>>, vector<16xi32>,
          %swap3A_348 = arith.constant 32 : index
          %swap3A_349 = tpu.vector_load %arg7[%swap3A_348] {strides = array<i32>} : memref<128xi32, #tpu.memory_space<vmem>>, vector<16xi32>,
          %swap3A_350 = vector.shape_cast %swap3A_349 : vector<16xi32> to vector<16xi32>
          %swap3A_351 = vector.shape_cast %broadcast_in_dim3A_0 : vector<16xi32> to vector<16xi32>
          tpu.vector_store %arg7[%swap3A_348], %swap3A_351 {strides = array<i32>} : memref<128xi32, #tpu.memory_space<vmem>>, vector<16xi32>,
          %swap3A_352 = arith.constant 48 : index
          %swap3A_353 = tpu.vector_load %arg7[%swap3A_352] {strides = array<i32>} : memref<128xi32, #tpu.memory_space<vmem>>, vector<16xi32>,
          %swap3A_354 = vector.shape_cast %swap3A_353 : vector<16xi32> to vector<16xi32>
          %swap3A_355 = vector.shape_cast %broadcast_in_dim3A_0 : vector<16xi32> to vector<16xi32>
          tpu.vector_store %arg7[%swap3A_352], %swap3A_355 {strides = array<i32>} : memref<128xi32, #tpu.memory_space<vmem>>, vector<16xi32>,
          %swap3A_356 = arith.constant 64 : index
          %swap3A_357 = tpu.vector_load %arg7[%swap3A_356] {strides = array<i32>} : memref<128xi32, #tpu.memory_space<vmem>>, vector<16xi32>,
          %swap3A_358 = vector.shape_cast %swap3A_357 : vector<16xi32> to vector<16xi32>
          %swap3A_359 = vector.shape_cast %broadcast_in_dim3A_0 : vector<16xi32> to vector<16xi32>
          tpu.vector_store %arg7[%swap3A_356], %swap3A_359 {strides = array<i32>} : memref<128xi32, #tpu.memory_space<vmem>>, vector<16xi32>,
          %swap3A_360 = arith.constant 80 : index
          %swap3A_361 = tpu.vector_load %arg7[%swap3A_360] {strides = array<i32>} : memref<128xi32, #tpu.memory_space<vmem>>, vector<16xi32>,
          %swap3A_362 = vector.shape_cast %swap3A_361 : vector<16xi32> to vector<16xi32>
          %swap3A_363 = vector.shape_cast %broadcast_in_dim3A_0 : vector<16xi32> to vector<16xi32>
          tpu.vector_store %arg7[%swap3A_360], %swap3A_363 {strides = array<i32>} : memref<128xi32, #tpu.memory_space<vmem>>, vector<16xi32>,
          %swap3A_364 = arith.constant 96 : index
          %swap3A_365 = tpu.vector_load %arg7[%swap3A_364] {strides = array<i32>} : memref<128xi32, #tpu.memory_space<vmem>>, vector<16xi32>,
          %swap3A_366 = vector.shape_cast %swap3A_365 : vector<16xi32> to vector<16xi32>
          %swap3A_367 = vector.shape_cast %broadcast_in_dim3A_0 : vector<16xi32> to vector<16xi32>
          tpu.vector_store %arg7[%swap3A_364], %swap3A_367 {strides = array<i32>} : memref<128xi32, #tpu.memory_space<vmem>>, vector<16xi32>,
        } else {
        }
      } else {
      }
      %mul3A_241 = arith.constant 8 : i32
      %mul3A_242 = arith.muli %mul3A_241, %scan3A_158 : i32
      %add3A_243 = arith.constant 8 : i32
      %add3A_244 = arith.addi %mul3A_242, %add3A_243 : i32
      %add3A_245 = arith.constant 1 : i32
      %add3A_246 = arith.addi %add3A_244, %add3A_245 : i32
      %lt3A_247 = arith.constant 79 : i32
      %lt3A_248 = arith.cmpi slt, %add3A_246, %lt3A_247 : i32
      %convert_element_type3A_249 = arith.extui %lt3A_248 : i1 to i32
      %cond3A_250 = arith.constant 0 : i32
      %cond3A_251 = arith.cmpi ne, %convert_element_type3A_249, %cond3A_250 : i32
      scf.if %cond3A_251 {
        %dma_wait3A_318 = arith.constant 0 : i32
        %dma_wait3A_319 = arith.constant 0 : i32
        %dma_wait3A_320 = tpu.memref_slice %arg17[%dma_wait3A_318, %dma_wait3A_319] : memref<10240x128xf32, #tpu.memory_space<vmem_shared>> -> memref<10240x128xf32, #tpu.memory_space<vmem_shared>>
        tpu.wait_indirect_dma semaphore(%arg19 : memref<!tpu.dma_semaphore, #tpu.memory_space<semaphore_mem>>) src(%arg15 : memref<128x128xf32, #tpu.memory_space<vmem>>) dst(%dma_wait3A_320 : memref<10240x128xf32, #tpu.memory_space<vmem_shared>>)
        %mul3A_321 = arith.constant 128 : i32
        %mul3A_322 = arith.muli %add3A_246, %mul3A_321 : i32
        %min3A_323 = arith.constant 9872 : i32
        %min3A_324 = arith.minsi %mul3A_322, %min3A_323 : i32
        %add3A_325 = arith.addi %mul3A_6, %min3A_324 : i32
        %eq3A_326 = arith.constant 0 : i32
        %eq3A_327 = arith.cmpi eq, %arg0, %eq3A_326 : i32
        %convert_element_type3A_328 = arith.extui %eq3A_327 : i1 to i32
        %cond3A_329 = arith.constant 0 : i32
        %cond3A_330 = arith.cmpi ne, %convert_element_type3A_328, %cond3A_329 : i32
        scf.if %cond3A_330 {
          "tpu.region"() ({
            %run_scoped3A = tpu.sem_alloc : memref<!tpu.dma_semaphore, #tpu.memory_space<semaphore_mem>>
            %dma_start3A = tpu.memref_slice %arg2[%add3A_325] : memref<160000xi32, #tpu.memory_space<hbm>> -> memref<128xi32, #tpu.memory_space<hbm>>
            %dma_start3A_341 = tpu.memref_slice %arg2[%add3A_325] : memref<160000xi32, #tpu.memory_space<hbm>> -> memref<128xi32, #tpu.memory_space<hbm>>
            tpu.enqueue_dma source(%dma_start3A_341 : memref<128xi32, #tpu.memory_space<hbm>>) target(%arg8 : memref<128xi32, #tpu.memory_space<vmem>>) target_semaphore(%run_scoped3A : memref<!tpu.dma_semaphore, #tpu.memory_space<semaphore_mem>>)
            %dma_wait3A_342 = tpu.memref_slice %arg2[%add3A_325] : memref<160000xi32, #tpu.memory_space<hbm>> -> memref<128xi32, #tpu.memory_space<hbm>>
            %dma_wait3A_343 = tpu.memref_slice %arg2[%add3A_325] : memref<160000xi32, #tpu.memory_space<hbm>> -> memref<128xi32, #tpu.memory_space<hbm>>
            tpu.wait_dma2 semaphore(%run_scoped3A : memref<!tpu.dma_semaphore, #tpu.memory_space<semaphore_mem>>) src(%dma_wait3A_343 : memref<128xi32, #tpu.memory_space<hbm>>) dst(%arg8 : memref<128xi32, #tpu.memory_space<vmem>>)
            tpu.yield
          }) : () -> ()
        } else {
        }
        %eq3A_331 = arith.constant 1 : i32
        %eq3A_332 = arith.cmpi eq, %arg0, %eq3A_331 : i32
        %convert_element_type3A_333 = arith.extui %eq3A_332 : i1 to i32
        %cond3A_334 = arith.constant 0 : i32
        %cond3A_335 = arith.cmpi ne, %convert_element_type3A_333, %cond3A_334 : i32
        scf.if %cond3A_335 {
          "tpu.region"() ({
            %run_scoped3A = tpu.sem_alloc : memref<!tpu.dma_semaphore, #tpu.memory_space<semaphore_mem>>
            %dma_start3A = tpu.memref_slice %arg3[%add3A_325] : memref<160000xi32, #tpu.memory_space<hbm>> -> memref<128xi32, #tpu.memory_space<hbm>>
            %dma_start3A_341 = tpu.memref_slice %arg3[%add3A_325] : memref<160000xi32, #tpu.memory_space<hbm>> -> memref<128xi32, #tpu.memory_space<hbm>>
            tpu.enqueue_dma source(%dma_start3A_341 : memref<128xi32, #tpu.memory_space<hbm>>) target(%arg8 : memref<128xi32, #tpu.memory_space<vmem>>) target_semaphore(%run_scoped3A : memref<!tpu.dma_semaphore, #tpu.memory_space<semaphore_mem>>)
            %dma_wait3A_342 = tpu.memref_slice %arg3[%add3A_325] : memref<160000xi32, #tpu.memory_space<hbm>> -> memref<128xi32, #tpu.memory_space<hbm>>
            %dma_wait3A_343 = tpu.memref_slice %arg3[%add3A_325] : memref<160000xi32, #tpu.memory_space<hbm>> -> memref<128xi32, #tpu.memory_space<hbm>>
            tpu.wait_dma2 semaphore(%run_scoped3A : memref<!tpu.dma_semaphore, #tpu.memory_space<semaphore_mem>>) src(%dma_wait3A_343 : memref<128xi32, #tpu.memory_space<hbm>>) dst(%arg8 : memref<128xi32, #tpu.memory_space<vmem>>)
            tpu.yield
          }) : () -> ()
        } else {
        }
        %eq3A_336 = arith.constant 78 : i32
        %eq3A_337 = arith.cmpi eq, %add3A_246, %eq3A_336 : i32
        %convert_element_type3A_338 = arith.extui %eq3A_337 : i1 to i32
        %cond3A_339 = arith.constant 0 : i32
        %cond3A_340 = arith.cmpi ne, %convert_element_type3A_338, %cond3A_339 : i32
        scf.if %cond3A_340 {
          %swap3A = arith.constant 0 : index
          %swap3A_341 = tpu.vector_load %arg8[%swap3A] {strides = array<i32>} : memref<128xi32, #tpu.memory_space<vmem>>, vector<16xi32>,
          %swap3A_342 = vector.shape_cast %swap3A_341 : vector<16xi32> to vector<16xi32>
          %swap3A_343 = vector.shape_cast %broadcast_in_dim3A_0 : vector<16xi32> to vector<16xi32>
          tpu.vector_store %arg8[%swap3A], %swap3A_343 {strides = array<i32>} : memref<128xi32, #tpu.memory_space<vmem>>, vector<16xi32>,
          %swap3A_344 = arith.constant 16 : index
          %swap3A_345 = tpu.vector_load %arg8[%swap3A_344] {strides = array<i32>} : memref<128xi32, #tpu.memory_space<vmem>>, vector<16xi32>,
          %swap3A_346 = vector.shape_cast %swap3A_345 : vector<16xi32> to vector<16xi32>
          %swap3A_347 = vector.shape_cast %broadcast_in_dim3A_0 : vector<16xi32> to vector<16xi32>
          tpu.vector_store %arg8[%swap3A_344], %swap3A_347 {strides = array<i32>} : memref<128xi32, #tpu.memory_space<vmem>>, vector<16xi32>,
          %swap3A_348 = arith.constant 32 : index
          %swap3A_349 = tpu.vector_load %arg8[%swap3A_348] {strides = array<i32>} : memref<128xi32, #tpu.memory_space<vmem>>, vector<16xi32>,
          %swap3A_350 = vector.shape_cast %swap3A_349 : vector<16xi32> to vector<16xi32>
          %swap3A_351 = vector.shape_cast %broadcast_in_dim3A_0 : vector<16xi32> to vector<16xi32>
          tpu.vector_store %arg8[%swap3A_348], %swap3A_351 {strides = array<i32>} : memref<128xi32, #tpu.memory_space<vmem>>, vector<16xi32>,
          %swap3A_352 = arith.constant 48 : index
          %swap3A_353 = tpu.vector_load %arg8[%swap3A_352] {strides = array<i32>} : memref<128xi32, #tpu.memory_space<vmem>>, vector<16xi32>,
          %swap3A_354 = vector.shape_cast %swap3A_353 : vector<16xi32> to vector<16xi32>
          %swap3A_355 = vector.shape_cast %broadcast_in_dim3A_0 : vector<16xi32> to vector<16xi32>
          tpu.vector_store %arg8[%swap3A_352], %swap3A_355 {strides = array<i32>} : memref<128xi32, #tpu.memory_space<vmem>>, vector<16xi32>,
          %swap3A_356 = arith.constant 64 : index
          %swap3A_357 = tpu.vector_load %arg8[%swap3A_356] {strides = array<i32>} : memref<128xi32, #tpu.memory_space<vmem>>, vector<16xi32>,
          %swap3A_358 = vector.shape_cast %swap3A_357 : vector<16xi32> to vector<16xi32>
          %swap3A_359 = vector.shape_cast %broadcast_in_dim3A_0 : vector<16xi32> to vector<16xi32>
          tpu.vector_store %arg8[%swap3A_356], %swap3A_359 {strides = array<i32>} : memref<128xi32, #tpu.memory_space<vmem>>, vector<16xi32>,
          %swap3A_360 = arith.constant 80 : index
          %swap3A_361 = tpu.vector_load %arg8[%swap3A_360] {strides = array<i32>} : memref<128xi32, #tpu.memory_space<vmem>>, vector<16xi32>,
          %swap3A_362 = vector.shape_cast %swap3A_361 : vector<16xi32> to vector<16xi32>
          %swap3A_363 = vector.shape_cast %broadcast_in_dim3A_0 : vector<16xi32> to vector<16xi32>
          tpu.vector_store %arg8[%swap3A_360], %swap3A_363 {strides = array<i32>} : memref<128xi32, #tpu.memory_space<vmem>>, vector<16xi32>,
          %swap3A_364 = arith.constant 96 : index
          %swap3A_365 = tpu.vector_load %arg8[%swap3A_364] {strides = array<i32>} : memref<128xi32, #tpu.memory_space<vmem>>, vector<16xi32>,
          %swap3A_366 = vector.shape_cast %swap3A_365 : vector<16xi32> to vector<16xi32>
          %swap3A_367 = vector.shape_cast %broadcast_in_dim3A_0 : vector<16xi32> to vector<16xi32>
          tpu.vector_store %arg8[%swap3A_364], %swap3A_367 {strides = array<i32>} : memref<128xi32, #tpu.memory_space<vmem>>, vector<16xi32>,
        } else {
        }
      } else {
      }
      %mul3A_252 = arith.constant 8 : i32
      %mul3A_253 = arith.muli %mul3A_252, %scan3A_158 : i32
      %add3A_254 = arith.constant 8 : i32
      %add3A_255 = arith.addi %mul3A_253, %add3A_254 : i32
      %add3A_256 = arith.constant 2 : i32
      %add3A_257 = arith.addi %add3A_255, %add3A_256 : i32
      %lt3A_258 = arith.constant 79 : i32
      %lt3A_259 = arith.cmpi slt, %add3A_257, %lt3A_258 : i32
      %convert_element_type3A_260 = arith.extui %lt3A_259 : i1 to i32
      %cond3A_261 = arith.constant 0 : i32
      %cond3A_262 = arith.cmpi ne, %convert_element_type3A_260, %cond3A_261 : i32
      scf.if %cond3A_262 {
        %dma_wait3A_318 = arith.constant 0 : i32
        %dma_wait3A_319 = arith.constant 0 : i32
        %dma_wait3A_320 = tpu.memref_slice %arg17[%dma_wait3A_318, %dma_wait3A_319] : memref<10240x128xf32, #tpu.memory_space<vmem_shared>> -> memref<10240x128xf32, #tpu.memory_space<vmem_shared>>
        tpu.wait_indirect_dma semaphore(%arg20 : memref<!tpu.dma_semaphore, #tpu.memory_space<semaphore_mem>>) src(%arg15 : memref<128x128xf32, #tpu.memory_space<vmem>>) dst(%dma_wait3A_320 : memref<10240x128xf32, #tpu.memory_space<vmem_shared>>)
        %mul3A_321 = arith.constant 128 : i32
        %mul3A_322 = arith.muli %add3A_257, %mul3A_321 : i32
        %min3A_323 = arith.constant 9872 : i32
        %min3A_324 = arith.minsi %mul3A_322, %min3A_323 : i32
        %add3A_325 = arith.addi %mul3A_6, %min3A_324 : i32
        %eq3A_326 = arith.constant 0 : i32
        %eq3A_327 = arith.cmpi eq, %arg0, %eq3A_326 : i32
        %convert_element_type3A_328 = arith.extui %eq3A_327 : i1 to i32
        %cond3A_329 = arith.constant 0 : i32
        %cond3A_330 = arith.cmpi ne, %convert_element_type3A_328, %cond3A_329 : i32
        scf.if %cond3A_330 {
          "tpu.region"() ({
            %run_scoped3A = tpu.sem_alloc : memref<!tpu.dma_semaphore, #tpu.memory_space<semaphore_mem>>
            %dma_start3A = tpu.memref_slice %arg2[%add3A_325] : memref<160000xi32, #tpu.memory_space<hbm>> -> memref<128xi32, #tpu.memory_space<hbm>>
            %dma_start3A_341 = tpu.memref_slice %arg2[%add3A_325] : memref<160000xi32, #tpu.memory_space<hbm>> -> memref<128xi32, #tpu.memory_space<hbm>>
            tpu.enqueue_dma source(%dma_start3A_341 : memref<128xi32, #tpu.memory_space<hbm>>) target(%arg9 : memref<128xi32, #tpu.memory_space<vmem>>) target_semaphore(%run_scoped3A : memref<!tpu.dma_semaphore, #tpu.memory_space<semaphore_mem>>)
            %dma_wait3A_342 = tpu.memref_slice %arg2[%add3A_325] : memref<160000xi32, #tpu.memory_space<hbm>> -> memref<128xi32, #tpu.memory_space<hbm>>
            %dma_wait3A_343 = tpu.memref_slice %arg2[%add3A_325] : memref<160000xi32, #tpu.memory_space<hbm>> -> memref<128xi32, #tpu.memory_space<hbm>>
            tpu.wait_dma2 semaphore(%run_scoped3A : memref<!tpu.dma_semaphore, #tpu.memory_space<semaphore_mem>>) src(%dma_wait3A_343 : memref<128xi32, #tpu.memory_space<hbm>>) dst(%arg9 : memref<128xi32, #tpu.memory_space<vmem>>)
            tpu.yield
          }) : () -> ()
        } else {
        }
        %eq3A_331 = arith.constant 1 : i32
        %eq3A_332 = arith.cmpi eq, %arg0, %eq3A_331 : i32
        %convert_element_type3A_333 = arith.extui %eq3A_332 : i1 to i32
        %cond3A_334 = arith.constant 0 : i32
        %cond3A_335 = arith.cmpi ne, %convert_element_type3A_333, %cond3A_334 : i32
        scf.if %cond3A_335 {
          "tpu.region"() ({
            %run_scoped3A = tpu.sem_alloc : memref<!tpu.dma_semaphore, #tpu.memory_space<semaphore_mem>>
            %dma_start3A = tpu.memref_slice %arg3[%add3A_325] : memref<160000xi32, #tpu.memory_space<hbm>> -> memref<128xi32, #tpu.memory_space<hbm>>
            %dma_start3A_341 = tpu.memref_slice %arg3[%add3A_325] : memref<160000xi32, #tpu.memory_space<hbm>> -> memref<128xi32, #tpu.memory_space<hbm>>
            tpu.enqueue_dma source(%dma_start3A_341 : memref<128xi32, #tpu.memory_space<hbm>>) target(%arg9 : memref<128xi32, #tpu.memory_space<vmem>>) target_semaphore(%run_scoped3A : memref<!tpu.dma_semaphore, #tpu.memory_space<semaphore_mem>>)
            %dma_wait3A_342 = tpu.memref_slice %arg3[%add3A_325] : memref<160000xi32, #tpu.memory_space<hbm>> -> memref<128xi32, #tpu.memory_space<hbm>>
            %dma_wait3A_343 = tpu.memref_slice %arg3[%add3A_325] : memref<160000xi32, #tpu.memory_space<hbm>> -> memref<128xi32, #tpu.memory_space<hbm>>
            tpu.wait_dma2 semaphore(%run_scoped3A : memref<!tpu.dma_semaphore, #tpu.memory_space<semaphore_mem>>) src(%dma_wait3A_343 : memref<128xi32, #tpu.memory_space<hbm>>) dst(%arg9 : memref<128xi32, #tpu.memory_space<vmem>>)
            tpu.yield
          }) : () -> ()
        } else {
        }
        %eq3A_336 = arith.constant 78 : i32
        %eq3A_337 = arith.cmpi eq, %add3A_257, %eq3A_336 : i32
        %convert_element_type3A_338 = arith.extui %eq3A_337 : i1 to i32
        %cond3A_339 = arith.constant 0 : i32
        %cond3A_340 = arith.cmpi ne, %convert_element_type3A_338, %cond3A_339 : i32
        scf.if %cond3A_340 {
          %swap3A = arith.constant 0 : index
          %swap3A_341 = tpu.vector_load %arg9[%swap3A] {strides = array<i32>} : memref<128xi32, #tpu.memory_space<vmem>>, vector<16xi32>,
          %swap3A_342 = vector.shape_cast %swap3A_341 : vector<16xi32> to vector<16xi32>
          %swap3A_343 = vector.shape_cast %broadcast_in_dim3A_0 : vector<16xi32> to vector<16xi32>
          tpu.vector_store %arg9[%swap3A], %swap3A_343 {strides = array<i32>} : memref<128xi32, #tpu.memory_space<vmem>>, vector<16xi32>,
          %swap3A_344 = arith.constant 16 : index
          %swap3A_345 = tpu.vector_load %arg9[%swap3A_344] {strides = array<i32>} : memref<128xi32, #tpu.memory_space<vmem>>, vector<16xi32>,
          %swap3A_346 = vector.shape_cast %swap3A_345 : vector<16xi32> to vector<16xi32>
          %swap3A_347 = vector.shape_cast %broadcast_in_dim3A_0 : vector<16xi32> to vector<16xi32>
          tpu.vector_store %arg9[%swap3A_344], %swap3A_347 {strides = array<i32>} : memref<128xi32, #tpu.memory_space<vmem>>, vector<16xi32>,
          %swap3A_348 = arith.constant 32 : index
          %swap3A_349 = tpu.vector_load %arg9[%swap3A_348] {strides = array<i32>} : memref<128xi32, #tpu.memory_space<vmem>>, vector<16xi32>,
          %swap3A_350 = vector.shape_cast %swap3A_349 : vector<16xi32> to vector<16xi32>
          %swap3A_351 = vector.shape_cast %broadcast_in_dim3A_0 : vector<16xi32> to vector<16xi32>
          tpu.vector_store %arg9[%swap3A_348], %swap3A_351 {strides = array<i32>} : memref<128xi32, #tpu.memory_space<vmem>>, vector<16xi32>,
          %swap3A_352 = arith.constant 48 : index
          %swap3A_353 = tpu.vector_load %arg9[%swap3A_352] {strides = array<i32>} : memref<128xi32, #tpu.memory_space<vmem>>, vector<16xi32>,
          %swap3A_354 = vector.shape_cast %swap3A_353 : vector<16xi32> to vector<16xi32>
          %swap3A_355 = vector.shape_cast %broadcast_in_dim3A_0 : vector<16xi32> to vector<16xi32>
          tpu.vector_store %arg9[%swap3A_352], %swap3A_355 {strides = array<i32>} : memref<128xi32, #tpu.memory_space<vmem>>, vector<16xi32>,
          %swap3A_356 = arith.constant 64 : index
          %swap3A_357 = tpu.vector_load %arg9[%swap3A_356] {strides = array<i32>} : memref<128xi32, #tpu.memory_space<vmem>>, vector<16xi32>,
          %swap3A_358 = vector.shape_cast %swap3A_357 : vector<16xi32> to vector<16xi32>
          %swap3A_359 = vector.shape_cast %broadcast_in_dim3A_0 : vector<16xi32> to vector<16xi32>
          tpu.vector_store %arg9[%swap3A_356], %swap3A_359 {strides = array<i32>} : memref<128xi32, #tpu.memory_space<vmem>>, vector<16xi32>,
          %swap3A_360 = arith.constant 80 : index
          %swap3A_361 = tpu.vector_load %arg9[%swap3A_360] {strides = array<i32>} : memref<128xi32, #tpu.memory_space<vmem>>, vector<16xi32>,
          %swap3A_362 = vector.shape_cast %swap3A_361 : vector<16xi32> to vector<16xi32>
          %swap3A_363 = vector.shape_cast %broadcast_in_dim3A_0 : vector<16xi32> to vector<16xi32>
          tpu.vector_store %arg9[%swap3A_360], %swap3A_363 {strides = array<i32>} : memref<128xi32, #tpu.memory_space<vmem>>, vector<16xi32>,
          %swap3A_364 = arith.constant 96 : index
          %swap3A_365 = tpu.vector_load %arg9[%swap3A_364] {strides = array<i32>} : memref<128xi32, #tpu.memory_space<vmem>>, vector<16xi32>,
          %swap3A_366 = vector.shape_cast %swap3A_365 : vector<16xi32> to vector<16xi32>
          %swap3A_367 = vector.shape_cast %broadcast_in_dim3A_0 : vector<16xi32> to vector<16xi32>
          tpu.vector_store %arg9[%swap3A_364], %swap3A_367 {strides = array<i32>} : memref<128xi32, #tpu.memory_space<vmem>>, vector<16xi32>,
        } else {
        }
      } else {
      }
      %mul3A_263 = arith.constant 8 : i32
      %mul3A_264 = arith.muli %mul3A_263, %scan3A_158 : i32
      %add3A_265 = arith.constant 8 : i32
      %add3A_266 = arith.addi %mul3A_264, %add3A_265 : i32
      %add3A_267 = arith.constant 3 : i32
      %add3A_268 = arith.addi %add3A_266, %add3A_267 : i32
      %lt3A_269 = arith.constant 79 : i32
      %lt3A_270 = arith.cmpi slt, %add3A_268, %lt3A_269 : i32
      %convert_element_type3A_271 = arith.extui %lt3A_270 : i1 to i32
      %cond3A_272 = arith.constant 0 : i32
      %cond3A_273 = arith.cmpi ne, %convert_element_type3A_271, %cond3A_272 : i32
      scf.if %cond3A_273 {
        %dma_wait3A_318 = arith.constant 0 : i32
        %dma_wait3A_319 = arith.constant 0 : i32
        %dma_wait3A_320 = tpu.memref_slice %arg17[%dma_wait3A_318, %dma_wait3A_319] : memref<10240x128xf32, #tpu.memory_space<vmem_shared>> -> memref<10240x128xf32, #tpu.memory_space<vmem_shared>>
        tpu.wait_indirect_dma semaphore(%arg21 : memref<!tpu.dma_semaphore, #tpu.memory_space<semaphore_mem>>) src(%arg15 : memref<128x128xf32, #tpu.memory_space<vmem>>) dst(%dma_wait3A_320 : memref<10240x128xf32, #tpu.memory_space<vmem_shared>>)
        %mul3A_321 = arith.constant 128 : i32
        %mul3A_322 = arith.muli %add3A_268, %mul3A_321 : i32
        %min3A_323 = arith.constant 9872 : i32
        %min3A_324 = arith.minsi %mul3A_322, %min3A_323 : i32
        %add3A_325 = arith.addi %mul3A_6, %min3A_324 : i32
        %eq3A_326 = arith.constant 0 : i32
        %eq3A_327 = arith.cmpi eq, %arg0, %eq3A_326 : i32
        %convert_element_type3A_328 = arith.extui %eq3A_327 : i1 to i32
        %cond3A_329 = arith.constant 0 : i32
        %cond3A_330 = arith.cmpi ne, %convert_element_type3A_328, %cond3A_329 : i32
        scf.if %cond3A_330 {
          "tpu.region"() ({
            %run_scoped3A = tpu.sem_alloc : memref<!tpu.dma_semaphore, #tpu.memory_space<semaphore_mem>>
            %dma_start3A = tpu.memref_slice %arg2[%add3A_325] : memref<160000xi32, #tpu.memory_space<hbm>> -> memref<128xi32, #tpu.memory_space<hbm>>
            %dma_start3A_341 = tpu.memref_slice %arg2[%add3A_325] : memref<160000xi32, #tpu.memory_space<hbm>> -> memref<128xi32, #tpu.memory_space<hbm>>
            tpu.enqueue_dma source(%dma_start3A_341 : memref<128xi32, #tpu.memory_space<hbm>>) target(%arg10 : memref<128xi32, #tpu.memory_space<vmem>>) target_semaphore(%run_scoped3A : memref<!tpu.dma_semaphore, #tpu.memory_space<semaphore_mem>>)
            %dma_wait3A_342 = tpu.memref_slice %arg2[%add3A_325] : memref<160000xi32, #tpu.memory_space<hbm>> -> memref<128xi32, #tpu.memory_space<hbm>>
            %dma_wait3A_343 = tpu.memref_slice %arg2[%add3A_325] : memref<160000xi32, #tpu.memory_space<hbm>> -> memref<128xi32, #tpu.memory_space<hbm>>
            tpu.wait_dma2 semaphore(%run_scoped3A : memref<!tpu.dma_semaphore, #tpu.memory_space<semaphore_mem>>) src(%dma_wait3A_343 : memref<128xi32, #tpu.memory_space<hbm>>) dst(%arg10 : memref<128xi32, #tpu.memory_space<vmem>>)
            tpu.yield
          }) : () -> ()
        } else {
        }
        %eq3A_331 = arith.constant 1 : i32
        %eq3A_332 = arith.cmpi eq, %arg0, %eq3A_331 : i32
        %convert_element_type3A_333 = arith.extui %eq3A_332 : i1 to i32
        %cond3A_334 = arith.constant 0 : i32
        %cond3A_335 = arith.cmpi ne, %convert_element_type3A_333, %cond3A_334 : i32
        scf.if %cond3A_335 {
          "tpu.region"() ({
            %run_scoped3A = tpu.sem_alloc : memref<!tpu.dma_semaphore, #tpu.memory_space<semaphore_mem>>
            %dma_start3A = tpu.memref_slice %arg3[%add3A_325] : memref<160000xi32, #tpu.memory_space<hbm>> -> memref<128xi32, #tpu.memory_space<hbm>>
            %dma_start3A_341 = tpu.memref_slice %arg3[%add3A_325] : memref<160000xi32, #tpu.memory_space<hbm>> -> memref<128xi32, #tpu.memory_space<hbm>>
            tpu.enqueue_dma source(%dma_start3A_341 : memref<128xi32, #tpu.memory_space<hbm>>) target(%arg10 : memref<128xi32, #tpu.memory_space<vmem>>) target_semaphore(%run_scoped3A : memref<!tpu.dma_semaphore, #tpu.memory_space<semaphore_mem>>)
            %dma_wait3A_342 = tpu.memref_slice %arg3[%add3A_325] : memref<160000xi32, #tpu.memory_space<hbm>> -> memref<128xi32, #tpu.memory_space<hbm>>
            %dma_wait3A_343 = tpu.memref_slice %arg3[%add3A_325] : memref<160000xi32, #tpu.memory_space<hbm>> -> memref<128xi32, #tpu.memory_space<hbm>>
            tpu.wait_dma2 semaphore(%run_scoped3A : memref<!tpu.dma_semaphore, #tpu.memory_space<semaphore_mem>>) src(%dma_wait3A_343 : memref<128xi32, #tpu.memory_space<hbm>>) dst(%arg10 : memref<128xi32, #tpu.memory_space<vmem>>)
            tpu.yield
          }) : () -> ()
        } else {
        }
        %eq3A_336 = arith.constant 78 : i32
        %eq3A_337 = arith.cmpi eq, %add3A_268, %eq3A_336 : i32
        %convert_element_type3A_338 = arith.extui %eq3A_337 : i1 to i32
        %cond3A_339 = arith.constant 0 : i32
        %cond3A_340 = arith.cmpi ne, %convert_element_type3A_338, %cond3A_339 : i32
        scf.if %cond3A_340 {
          %swap3A = arith.constant 0 : index
          %swap3A_341 = tpu.vector_load %arg10[%swap3A] {strides = array<i32>} : memref<128xi32, #tpu.memory_space<vmem>>, vector<16xi32>,
          %swap3A_342 = vector.shape_cast %swap3A_341 : vector<16xi32> to vector<16xi32>
          %swap3A_343 = vector.shape_cast %broadcast_in_dim3A_0 : vector<16xi32> to vector<16xi32>
          tpu.vector_store %arg10[%swap3A], %swap3A_343 {strides = array<i32>} : memref<128xi32, #tpu.memory_space<vmem>>, vector<16xi32>,
          %swap3A_344 = arith.constant 16 : index
          %swap3A_345 = tpu.vector_load %arg10[%swap3A_344] {strides = array<i32>} : memref<128xi32, #tpu.memory_space<vmem>>, vector<16xi32>,
          %swap3A_346 = vector.shape_cast %swap3A_345 : vector<16xi32> to vector<16xi32>
          %swap3A_347 = vector.shape_cast %broadcast_in_dim3A_0 : vector<16xi32> to vector<16xi32>
          tpu.vector_store %arg10[%swap3A_344], %swap3A_347 {strides = array<i32>} : memref<128xi32, #tpu.memory_space<vmem>>, vector<16xi32>,
          %swap3A_348 = arith.constant 32 : index
          %swap3A_349 = tpu.vector_load %arg10[%swap3A_348] {strides = array<i32>} : memref<128xi32, #tpu.memory_space<vmem>>, vector<16xi32>,
          %swap3A_350 = vector.shape_cast %swap3A_349 : vector<16xi32> to vector<16xi32>
          %swap3A_351 = vector.shape_cast %broadcast_in_dim3A_0 : vector<16xi32> to vector<16xi32>
          tpu.vector_store %arg10[%swap3A_348], %swap3A_351 {strides = array<i32>} : memref<128xi32, #tpu.memory_space<vmem>>, vector<16xi32>,
          %swap3A_352 = arith.constant 48 : index
          %swap3A_353 = tpu.vector_load %arg10[%swap3A_352] {strides = array<i32>} : memref<128xi32, #tpu.memory_space<vmem>>, vector<16xi32>,
          %swap3A_354 = vector.shape_cast %swap3A_353 : vector<16xi32> to vector<16xi32>
          %swap3A_355 = vector.shape_cast %broadcast_in_dim3A_0 : vector<16xi32> to vector<16xi32>
          tpu.vector_store %arg10[%swap3A_352], %swap3A_355 {strides = array<i32>} : memref<128xi32, #tpu.memory_space<vmem>>, vector<16xi32>,
          %swap3A_356 = arith.constant 64 : index
          %swap3A_357 = tpu.vector_load %arg10[%swap3A_356] {strides = array<i32>} : memref<128xi32, #tpu.memory_space<vmem>>, vector<16xi32>,
          %swap3A_358 = vector.shape_cast %swap3A_357 : vector<16xi32> to vector<16xi32>
          %swap3A_359 = vector.shape_cast %broadcast_in_dim3A_0 : vector<16xi32> to vector<16xi32>
          tpu.vector_store %arg10[%swap3A_356], %swap3A_359 {strides = array<i32>} : memref<128xi32, #tpu.memory_space<vmem>>, vector<16xi32>,
          %swap3A_360 = arith.constant 80 : index
          %swap3A_361 = tpu.vector_load %arg10[%swap3A_360] {strides = array<i32>} : memref<128xi32, #tpu.memory_space<vmem>>, vector<16xi32>,
          %swap3A_362 = vector.shape_cast %swap3A_361 : vector<16xi32> to vector<16xi32>
          %swap3A_363 = vector.shape_cast %broadcast_in_dim3A_0 : vector<16xi32> to vector<16xi32>
          tpu.vector_store %arg10[%swap3A_360], %swap3A_363 {strides = array<i32>} : memref<128xi32, #tpu.memory_space<vmem>>, vector<16xi32>,
          %swap3A_364 = arith.constant 96 : index
          %swap3A_365 = tpu.vector_load %arg10[%swap3A_364] {strides = array<i32>} : memref<128xi32, #tpu.memory_space<vmem>>, vector<16xi32>,
          %swap3A_366 = vector.shape_cast %swap3A_365 : vector<16xi32> to vector<16xi32>
          %swap3A_367 = vector.shape_cast %broadcast_in_dim3A_0 : vector<16xi32> to vector<16xi32>
          tpu.vector_store %arg10[%swap3A_364], %swap3A_367 {strides = array<i32>} : memref<128xi32, #tpu.memory_space<vmem>>, vector<16xi32>,
        } else {
        }
      } else {
      }
      %mul3A_274 = arith.constant 8 : i32
      %mul3A_275 = arith.muli %mul3A_274, %scan3A_158 : i32
      %add3A_276 = arith.constant 8 : i32
      %add3A_277 = arith.addi %mul3A_275, %add3A_276 : i32
      %add3A_278 = arith.constant 4 : i32
      %add3A_279 = arith.addi %add3A_277, %add3A_278 : i32
      %lt3A_280 = arith.constant 79 : i32
      %lt3A_281 = arith.cmpi slt, %add3A_279, %lt3A_280 : i32
      %convert_element_type3A_282 = arith.extui %lt3A_281 : i1 to i32
      %cond3A_283 = arith.constant 0 : i32
      %cond3A_284 = arith.cmpi ne, %convert_element_type3A_282, %cond3A_283 : i32
      scf.if %cond3A_284 {
        %dma_wait3A_318 = arith.constant 0 : i32
        %dma_wait3A_319 = arith.constant 0 : i32
        %dma_wait3A_320 = tpu.memref_slice %arg17[%dma_wait3A_318, %dma_wait3A_319] : memref<10240x128xf32, #tpu.memory_space<vmem_shared>> -> memref<10240x128xf32, #tpu.memory_space<vmem_shared>>
        tpu.wait_indirect_dma semaphore(%arg22 : memref<!tpu.dma_semaphore, #tpu.memory_space<semaphore_mem>>) src(%arg15 : memref<128x128xf32, #tpu.memory_space<vmem>>) dst(%dma_wait3A_320 : memref<10240x128xf32, #tpu.memory_space<vmem_shared>>)
        %mul3A_321 = arith.constant 128 : i32
        %mul3A_322 = arith.muli %add3A_279, %mul3A_321 : i32
        %min3A_323 = arith.constant 9872 : i32
        %min3A_324 = arith.minsi %mul3A_322, %min3A_323 : i32
        %add3A_325 = arith.addi %mul3A_6, %min3A_324 : i32
        %eq3A_326 = arith.constant 0 : i32
        %eq3A_327 = arith.cmpi eq, %arg0, %eq3A_326 : i32
        %convert_element_type3A_328 = arith.extui %eq3A_327 : i1 to i32
        %cond3A_329 = arith.constant 0 : i32
        %cond3A_330 = arith.cmpi ne, %convert_element_type3A_328, %cond3A_329 : i32
        scf.if %cond3A_330 {
          "tpu.region"() ({
            %run_scoped3A = tpu.sem_alloc : memref<!tpu.dma_semaphore, #tpu.memory_space<semaphore_mem>>
            %dma_start3A = tpu.memref_slice %arg2[%add3A_325] : memref<160000xi32, #tpu.memory_space<hbm>> -> memref<128xi32, #tpu.memory_space<hbm>>
            %dma_start3A_341 = tpu.memref_slice %arg2[%add3A_325] : memref<160000xi32, #tpu.memory_space<hbm>> -> memref<128xi32, #tpu.memory_space<hbm>>
            tpu.enqueue_dma source(%dma_start3A_341 : memref<128xi32, #tpu.memory_space<hbm>>) target(%arg11 : memref<128xi32, #tpu.memory_space<vmem>>) target_semaphore(%run_scoped3A : memref<!tpu.dma_semaphore, #tpu.memory_space<semaphore_mem>>)
            %dma_wait3A_342 = tpu.memref_slice %arg2[%add3A_325] : memref<160000xi32, #tpu.memory_space<hbm>> -> memref<128xi32, #tpu.memory_space<hbm>>
            %dma_wait3A_343 = tpu.memref_slice %arg2[%add3A_325] : memref<160000xi32, #tpu.memory_space<hbm>> -> memref<128xi32, #tpu.memory_space<hbm>>
            tpu.wait_dma2 semaphore(%run_scoped3A : memref<!tpu.dma_semaphore, #tpu.memory_space<semaphore_mem>>) src(%dma_wait3A_343 : memref<128xi32, #tpu.memory_space<hbm>>) dst(%arg11 : memref<128xi32, #tpu.memory_space<vmem>>)
            tpu.yield
          }) : () -> ()
        } else {
        }
        %eq3A_331 = arith.constant 1 : i32
        %eq3A_332 = arith.cmpi eq, %arg0, %eq3A_331 : i32
        %convert_element_type3A_333 = arith.extui %eq3A_332 : i1 to i32
        %cond3A_334 = arith.constant 0 : i32
        %cond3A_335 = arith.cmpi ne, %convert_element_type3A_333, %cond3A_334 : i32
        scf.if %cond3A_335 {
          "tpu.region"() ({
            %run_scoped3A = tpu.sem_alloc : memref<!tpu.dma_semaphore, #tpu.memory_space<semaphore_mem>>
            %dma_start3A = tpu.memref_slice %arg3[%add3A_325] : memref<160000xi32, #tpu.memory_space<hbm>> -> memref<128xi32, #tpu.memory_space<hbm>>
            %dma_start3A_341 = tpu.memref_slice %arg3[%add3A_325] : memref<160000xi32, #tpu.memory_space<hbm>> -> memref<128xi32, #tpu.memory_space<hbm>>
            tpu.enqueue_dma source(%dma_start3A_341 : memref<128xi32, #tpu.memory_space<hbm>>) target(%arg11 : memref<128xi32, #tpu.memory_space<vmem>>) target_semaphore(%run_scoped3A : memref<!tpu.dma_semaphore, #tpu.memory_space<semaphore_mem>>)
            %dma_wait3A_342 = tpu.memref_slice %arg3[%add3A_325] : memref<160000xi32, #tpu.memory_space<hbm>> -> memref<128xi32, #tpu.memory_space<hbm>>
            %dma_wait3A_343 = tpu.memref_slice %arg3[%add3A_325] : memref<160000xi32, #tpu.memory_space<hbm>> -> memref<128xi32, #tpu.memory_space<hbm>>
            tpu.wait_dma2 semaphore(%run_scoped3A : memref<!tpu.dma_semaphore, #tpu.memory_space<semaphore_mem>>) src(%dma_wait3A_343 : memref<128xi32, #tpu.memory_space<hbm>>) dst(%arg11 : memref<128xi32, #tpu.memory_space<vmem>>)
            tpu.yield
          }) : () -> ()
        } else {
        }
        %eq3A_336 = arith.constant 78 : i32
        %eq3A_337 = arith.cmpi eq, %add3A_279, %eq3A_336 : i32
        %convert_element_type3A_338 = arith.extui %eq3A_337 : i1 to i32
        %cond3A_339 = arith.constant 0 : i32
        %cond3A_340 = arith.cmpi ne, %convert_element_type3A_338, %cond3A_339 : i32
        scf.if %cond3A_340 {
          %swap3A = arith.constant 0 : index
          %swap3A_341 = tpu.vector_load %arg11[%swap3A] {strides = array<i32>} : memref<128xi32, #tpu.memory_space<vmem>>, vector<16xi32>,
          %swap3A_342 = vector.shape_cast %swap3A_341 : vector<16xi32> to vector<16xi32>
          %swap3A_343 = vector.shape_cast %broadcast_in_dim3A_0 : vector<16xi32> to vector<16xi32>
          tpu.vector_store %arg11[%swap3A], %swap3A_343 {strides = array<i32>} : memref<128xi32, #tpu.memory_space<vmem>>, vector<16xi32>,
          %swap3A_344 = arith.constant 16 : index
          %swap3A_345 = tpu.vector_load %arg11[%swap3A_344] {strides = array<i32>} : memref<128xi32, #tpu.memory_space<vmem>>, vector<16xi32>,
          %swap3A_346 = vector.shape_cast %swap3A_345 : vector<16xi32> to vector<16xi32>
          %swap3A_347 = vector.shape_cast %broadcast_in_dim3A_0 : vector<16xi32> to vector<16xi32>
          tpu.vector_store %arg11[%swap3A_344], %swap3A_347 {strides = array<i32>} : memref<128xi32, #tpu.memory_space<vmem>>, vector<16xi32>,
          %swap3A_348 = arith.constant 32 : index
          %swap3A_349 = tpu.vector_load %arg11[%swap3A_348] {strides = array<i32>} : memref<128xi32, #tpu.memory_space<vmem>>, vector<16xi32>,
          %swap3A_350 = vector.shape_cast %swap3A_349 : vector<16xi32> to vector<16xi32>
          %swap3A_351 = vector.shape_cast %broadcast_in_dim3A_0 : vector<16xi32> to vector<16xi32>
          tpu.vector_store %arg11[%swap3A_348], %swap3A_351 {strides = array<i32>} : memref<128xi32, #tpu.memory_space<vmem>>, vector<16xi32>,
          %swap3A_352 = arith.constant 48 : index
          %swap3A_353 = tpu.vector_load %arg11[%swap3A_352] {strides = array<i32>} : memref<128xi32, #tpu.memory_space<vmem>>, vector<16xi32>,
          %swap3A_354 = vector.shape_cast %swap3A_353 : vector<16xi32> to vector<16xi32>
          %swap3A_355 = vector.shape_cast %broadcast_in_dim3A_0 : vector<16xi32> to vector<16xi32>
          tpu.vector_store %arg11[%swap3A_352], %swap3A_355 {strides = array<i32>} : memref<128xi32, #tpu.memory_space<vmem>>, vector<16xi32>,
          %swap3A_356 = arith.constant 64 : index
          %swap3A_357 = tpu.vector_load %arg11[%swap3A_356] {strides = array<i32>} : memref<128xi32, #tpu.memory_space<vmem>>, vector<16xi32>,
          %swap3A_358 = vector.shape_cast %swap3A_357 : vector<16xi32> to vector<16xi32>
          %swap3A_359 = vector.shape_cast %broadcast_in_dim3A_0 : vector<16xi32> to vector<16xi32>
          tpu.vector_store %arg11[%swap3A_356], %swap3A_359 {strides = array<i32>} : memref<128xi32, #tpu.memory_space<vmem>>, vector<16xi32>,
          %swap3A_360 = arith.constant 80 : index
          %swap3A_361 = tpu.vector_load %arg11[%swap3A_360] {strides = array<i32>} : memref<128xi32, #tpu.memory_space<vmem>>, vector<16xi32>,
          %swap3A_362 = vector.shape_cast %swap3A_361 : vector<16xi32> to vector<16xi32>
          %swap3A_363 = vector.shape_cast %broadcast_in_dim3A_0 : vector<16xi32> to vector<16xi32>
          tpu.vector_store %arg11[%swap3A_360], %swap3A_363 {strides = array<i32>} : memref<128xi32, #tpu.memory_space<vmem>>, vector<16xi32>,
          %swap3A_364 = arith.constant 96 : index
          %swap3A_365 = tpu.vector_load %arg11[%swap3A_364] {strides = array<i32>} : memref<128xi32, #tpu.memory_space<vmem>>, vector<16xi32>,
          %swap3A_366 = vector.shape_cast %swap3A_365 : vector<16xi32> to vector<16xi32>
          %swap3A_367 = vector.shape_cast %broadcast_in_dim3A_0 : vector<16xi32> to vector<16xi32>
          tpu.vector_store %arg11[%swap3A_364], %swap3A_367 {strides = array<i32>} : memref<128xi32, #tpu.memory_space<vmem>>, vector<16xi32>,
        } else {
        }
      } else {
      }
      %mul3A_285 = arith.constant 8 : i32
      %mul3A_286 = arith.muli %mul3A_285, %scan3A_158 : i32
      %add3A_287 = arith.constant 8 : i32
      %add3A_288 = arith.addi %mul3A_286, %add3A_287 : i32
      %add3A_289 = arith.constant 5 : i32
      %add3A_290 = arith.addi %add3A_288, %add3A_289 : i32
      %lt3A_291 = arith.constant 79 : i32
      %lt3A_292 = arith.cmpi slt, %add3A_290, %lt3A_291 : i32
      %convert_element_type3A_293 = arith.extui %lt3A_292 : i1 to i32
      %cond3A_294 = arith.constant 0 : i32
      %cond3A_295 = arith.cmpi ne, %convert_element_type3A_293, %cond3A_294 : i32
      scf.if %cond3A_295 {
        %dma_wait3A_318 = arith.constant 0 : i32
        %dma_wait3A_319 = arith.constant 0 : i32
        %dma_wait3A_320 = tpu.memref_slice %arg17[%dma_wait3A_318, %dma_wait3A_319] : memref<10240x128xf32, #tpu.memory_space<vmem_shared>> -> memref<10240x128xf32, #tpu.memory_space<vmem_shared>>
        tpu.wait_indirect_dma semaphore(%arg23 : memref<!tpu.dma_semaphore, #tpu.memory_space<semaphore_mem>>) src(%arg15 : memref<128x128xf32, #tpu.memory_space<vmem>>) dst(%dma_wait3A_320 : memref<10240x128xf32, #tpu.memory_space<vmem_shared>>)
        %mul3A_321 = arith.constant 128 : i32
        %mul3A_322 = arith.muli %add3A_290, %mul3A_321 : i32
        %min3A_323 = arith.constant 9872 : i32
        %min3A_324 = arith.minsi %mul3A_322, %min3A_323 : i32
        %add3A_325 = arith.addi %mul3A_6, %min3A_324 : i32
        %eq3A_326 = arith.constant 0 : i32
        %eq3A_327 = arith.cmpi eq, %arg0, %eq3A_326 : i32
        %convert_element_type3A_328 = arith.extui %eq3A_327 : i1 to i32
        %cond3A_329 = arith.constant 0 : i32
        %cond3A_330 = arith.cmpi ne, %convert_element_type3A_328, %cond3A_329 : i32
        scf.if %cond3A_330 {
          "tpu.region"() ({
            %run_scoped3A = tpu.sem_alloc : memref<!tpu.dma_semaphore, #tpu.memory_space<semaphore_mem>>
            %dma_start3A = tpu.memref_slice %arg2[%add3A_325] : memref<160000xi32, #tpu.memory_space<hbm>> -> memref<128xi32, #tpu.memory_space<hbm>>
            %dma_start3A_341 = tpu.memref_slice %arg2[%add3A_325] : memref<160000xi32, #tpu.memory_space<hbm>> -> memref<128xi32, #tpu.memory_space<hbm>>
            tpu.enqueue_dma source(%dma_start3A_341 : memref<128xi32, #tpu.memory_space<hbm>>) target(%arg12 : memref<128xi32, #tpu.memory_space<vmem>>) target_semaphore(%run_scoped3A : memref<!tpu.dma_semaphore, #tpu.memory_space<semaphore_mem>>)
            %dma_wait3A_342 = tpu.memref_slice %arg2[%add3A_325] : memref<160000xi32, #tpu.memory_space<hbm>> -> memref<128xi32, #tpu.memory_space<hbm>>
            %dma_wait3A_343 = tpu.memref_slice %arg2[%add3A_325] : memref<160000xi32, #tpu.memory_space<hbm>> -> memref<128xi32, #tpu.memory_space<hbm>>
            tpu.wait_dma2 semaphore(%run_scoped3A : memref<!tpu.dma_semaphore, #tpu.memory_space<semaphore_mem>>) src(%dma_wait3A_343 : memref<128xi32, #tpu.memory_space<hbm>>) dst(%arg12 : memref<128xi32, #tpu.memory_space<vmem>>)
            tpu.yield
          }) : () -> ()
        } else {
        }
        %eq3A_331 = arith.constant 1 : i32
        %eq3A_332 = arith.cmpi eq, %arg0, %eq3A_331 : i32
        %convert_element_type3A_333 = arith.extui %eq3A_332 : i1 to i32
        %cond3A_334 = arith.constant 0 : i32
        %cond3A_335 = arith.cmpi ne, %convert_element_type3A_333, %cond3A_334 : i32
        scf.if %cond3A_335 {
          "tpu.region"() ({
            %run_scoped3A = tpu.sem_alloc : memref<!tpu.dma_semaphore, #tpu.memory_space<semaphore_mem>>
            %dma_start3A = tpu.memref_slice %arg3[%add3A_325] : memref<160000xi32, #tpu.memory_space<hbm>> -> memref<128xi32, #tpu.memory_space<hbm>>
            %dma_start3A_341 = tpu.memref_slice %arg3[%add3A_325] : memref<160000xi32, #tpu.memory_space<hbm>> -> memref<128xi32, #tpu.memory_space<hbm>>
            tpu.enqueue_dma source(%dma_start3A_341 : memref<128xi32, #tpu.memory_space<hbm>>) target(%arg12 : memref<128xi32, #tpu.memory_space<vmem>>) target_semaphore(%run_scoped3A : memref<!tpu.dma_semaphore, #tpu.memory_space<semaphore_mem>>)
            %dma_wait3A_342 = tpu.memref_slice %arg3[%add3A_325] : memref<160000xi32, #tpu.memory_space<hbm>> -> memref<128xi32, #tpu.memory_space<hbm>>
            %dma_wait3A_343 = tpu.memref_slice %arg3[%add3A_325] : memref<160000xi32, #tpu.memory_space<hbm>> -> memref<128xi32, #tpu.memory_space<hbm>>
            tpu.wait_dma2 semaphore(%run_scoped3A : memref<!tpu.dma_semaphore, #tpu.memory_space<semaphore_mem>>) src(%dma_wait3A_343 : memref<128xi32, #tpu.memory_space<hbm>>) dst(%arg12 : memref<128xi32, #tpu.memory_space<vmem>>)
            tpu.yield
          }) : () -> ()
        } else {
        }
        %eq3A_336 = arith.constant 78 : i32
        %eq3A_337 = arith.cmpi eq, %add3A_290, %eq3A_336 : i32
        %convert_element_type3A_338 = arith.extui %eq3A_337 : i1 to i32
        %cond3A_339 = arith.constant 0 : i32
        %cond3A_340 = arith.cmpi ne, %convert_element_type3A_338, %cond3A_339 : i32
        scf.if %cond3A_340 {
          %swap3A = arith.constant 0 : index
          %swap3A_341 = tpu.vector_load %arg12[%swap3A] {strides = array<i32>} : memref<128xi32, #tpu.memory_space<vmem>>, vector<16xi32>,
          %swap3A_342 = vector.shape_cast %swap3A_341 : vector<16xi32> to vector<16xi32>
          %swap3A_343 = vector.shape_cast %broadcast_in_dim3A_0 : vector<16xi32> to vector<16xi32>
          tpu.vector_store %arg12[%swap3A], %swap3A_343 {strides = array<i32>} : memref<128xi32, #tpu.memory_space<vmem>>, vector<16xi32>,
          %swap3A_344 = arith.constant 16 : index
          %swap3A_345 = tpu.vector_load %arg12[%swap3A_344] {strides = array<i32>} : memref<128xi32, #tpu.memory_space<vmem>>, vector<16xi32>,
          %swap3A_346 = vector.shape_cast %swap3A_345 : vector<16xi32> to vector<16xi32>
          %swap3A_347 = vector.shape_cast %broadcast_in_dim3A_0 : vector<16xi32> to vector<16xi32>
          tpu.vector_store %arg12[%swap3A_344], %swap3A_347 {strides = array<i32>} : memref<128xi32, #tpu.memory_space<vmem>>, vector<16xi32>,
          %swap3A_348 = arith.constant 32 : index
          %swap3A_349 = tpu.vector_load %arg12[%swap3A_348] {strides = array<i32>} : memref<128xi32, #tpu.memory_space<vmem>>, vector<16xi32>,
          %swap3A_350 = vector.shape_cast %swap3A_349 : vector<16xi32> to vector<16xi32>
          %swap3A_351 = vector.shape_cast %broadcast_in_dim3A_0 : vector<16xi32> to vector<16xi32>
          tpu.vector_store %arg12[%swap3A_348], %swap3A_351 {strides = array<i32>} : memref<128xi32, #tpu.memory_space<vmem>>, vector<16xi32>,
          %swap3A_352 = arith.constant 48 : index
          %swap3A_353 = tpu.vector_load %arg12[%swap3A_352] {strides = array<i32>} : memref<128xi32, #tpu.memory_space<vmem>>, vector<16xi32>,
          %swap3A_354 = vector.shape_cast %swap3A_353 : vector<16xi32> to vector<16xi32>
          %swap3A_355 = vector.shape_cast %broadcast_in_dim3A_0 : vector<16xi32> to vector<16xi32>
          tpu.vector_store %arg12[%swap3A_352], %swap3A_355 {strides = array<i32>} : memref<128xi32, #tpu.memory_space<vmem>>, vector<16xi32>,
          %swap3A_356 = arith.constant 64 : index
          %swap3A_357 = tpu.vector_load %arg12[%swap3A_356] {strides = array<i32>} : memref<128xi32, #tpu.memory_space<vmem>>, vector<16xi32>,
          %swap3A_358 = vector.shape_cast %swap3A_357 : vector<16xi32> to vector<16xi32>
          %swap3A_359 = vector.shape_cast %broadcast_in_dim3A_0 : vector<16xi32> to vector<16xi32>
          tpu.vector_store %arg12[%swap3A_356], %swap3A_359 {strides = array<i32>} : memref<128xi32, #tpu.memory_space<vmem>>, vector<16xi32>,
          %swap3A_360 = arith.constant 80 : index
          %swap3A_361 = tpu.vector_load %arg12[%swap3A_360] {strides = array<i32>} : memref<128xi32, #tpu.memory_space<vmem>>, vector<16xi32>,
          %swap3A_362 = vector.shape_cast %swap3A_361 : vector<16xi32> to vector<16xi32>
          %swap3A_363 = vector.shape_cast %broadcast_in_dim3A_0 : vector<16xi32> to vector<16xi32>
          tpu.vector_store %arg12[%swap3A_360], %swap3A_363 {strides = array<i32>} : memref<128xi32, #tpu.memory_space<vmem>>, vector<16xi32>,
          %swap3A_364 = arith.constant 96 : index
          %swap3A_365 = tpu.vector_load %arg12[%swap3A_364] {strides = array<i32>} : memref<128xi32, #tpu.memory_space<vmem>>, vector<16xi32>,
          %swap3A_366 = vector.shape_cast %swap3A_365 : vector<16xi32> to vector<16xi32>
          %swap3A_367 = vector.shape_cast %broadcast_in_dim3A_0 : vector<16xi32> to vector<16xi32>
          tpu.vector_store %arg12[%swap3A_364], %swap3A_367 {strides = array<i32>} : memref<128xi32, #tpu.memory_space<vmem>>, vector<16xi32>,
        } else {
        }
      } else {
      }
      %mul3A_296 = arith.constant 8 : i32
      %mul3A_297 = arith.muli %mul3A_296, %scan3A_158 : i32
      %add3A_298 = arith.constant 8 : i32
      %add3A_299 = arith.addi %mul3A_297, %add3A_298 : i32
      %add3A_300 = arith.constant 6 : i32
      %add3A_301 = arith.addi %add3A_299, %add3A_300 : i32
      %lt3A_302 = arith.constant 79 : i32
      %lt3A_303 = arith.cmpi slt, %add3A_301, %lt3A_302 : i32
      %convert_element_type3A_304 = arith.extui %lt3A_303 : i1 to i32
      %cond3A_305 = arith.constant 0 : i32
      %cond3A_306 = arith.cmpi ne, %convert_element_type3A_304, %cond3A_305 : i32
      scf.if %cond3A_306 {
        %dma_wait3A_318 = arith.constant 0 : i32
        %dma_wait3A_319 = arith.constant 0 : i32
        %dma_wait3A_320 = tpu.memref_slice %arg17[%dma_wait3A_318, %dma_wait3A_319] : memref<10240x128xf32, #tpu.memory_space<vmem_shared>> -> memref<10240x128xf32, #tpu.memory_space<vmem_shared>>
        tpu.wait_indirect_dma semaphore(%arg24 : memref<!tpu.dma_semaphore, #tpu.memory_space<semaphore_mem>>) src(%arg15 : memref<128x128xf32, #tpu.memory_space<vmem>>) dst(%dma_wait3A_320 : memref<10240x128xf32, #tpu.memory_space<vmem_shared>>)
        %mul3A_321 = arith.constant 128 : i32
        %mul3A_322 = arith.muli %add3A_301, %mul3A_321 : i32
        %min3A_323 = arith.constant 9872 : i32
        %min3A_324 = arith.minsi %mul3A_322, %min3A_323 : i32
        %add3A_325 = arith.addi %mul3A_6, %min3A_324 : i32
        %eq3A_326 = arith.constant 0 : i32
        %eq3A_327 = arith.cmpi eq, %arg0, %eq3A_326 : i32
        %convert_element_type3A_328 = arith.extui %eq3A_327 : i1 to i32
        %cond3A_329 = arith.constant 0 : i32
        %cond3A_330 = arith.cmpi ne, %convert_element_type3A_328, %cond3A_329 : i32
        scf.if %cond3A_330 {
          "tpu.region"() ({
            %run_scoped3A = tpu.sem_alloc : memref<!tpu.dma_semaphore, #tpu.memory_space<semaphore_mem>>
            %dma_start3A = tpu.memref_slice %arg2[%add3A_325] : memref<160000xi32, #tpu.memory_space<hbm>> -> memref<128xi32, #tpu.memory_space<hbm>>
            %dma_start3A_341 = tpu.memref_slice %arg2[%add3A_325] : memref<160000xi32, #tpu.memory_space<hbm>> -> memref<128xi32, #tpu.memory_space<hbm>>
            tpu.enqueue_dma source(%dma_start3A_341 : memref<128xi32, #tpu.memory_space<hbm>>) target(%arg13 : memref<128xi32, #tpu.memory_space<vmem>>) target_semaphore(%run_scoped3A : memref<!tpu.dma_semaphore, #tpu.memory_space<semaphore_mem>>)
            %dma_wait3A_342 = tpu.memref_slice %arg2[%add3A_325] : memref<160000xi32, #tpu.memory_space<hbm>> -> memref<128xi32, #tpu.memory_space<hbm>>
            %dma_wait3A_343 = tpu.memref_slice %arg2[%add3A_325] : memref<160000xi32, #tpu.memory_space<hbm>> -> memref<128xi32, #tpu.memory_space<hbm>>
            tpu.wait_dma2 semaphore(%run_scoped3A : memref<!tpu.dma_semaphore, #tpu.memory_space<semaphore_mem>>) src(%dma_wait3A_343 : memref<128xi32, #tpu.memory_space<hbm>>) dst(%arg13 : memref<128xi32, #tpu.memory_space<vmem>>)
            tpu.yield
          }) : () -> ()
        } else {
        }
        %eq3A_331 = arith.constant 1 : i32
        %eq3A_332 = arith.cmpi eq, %arg0, %eq3A_331 : i32
        %convert_element_type3A_333 = arith.extui %eq3A_332 : i1 to i32
        %cond3A_334 = arith.constant 0 : i32
        %cond3A_335 = arith.cmpi ne, %convert_element_type3A_333, %cond3A_334 : i32
        scf.if %cond3A_335 {
          "tpu.region"() ({
            %run_scoped3A = tpu.sem_alloc : memref<!tpu.dma_semaphore, #tpu.memory_space<semaphore_mem>>
            %dma_start3A = tpu.memref_slice %arg3[%add3A_325] : memref<160000xi32, #tpu.memory_space<hbm>> -> memref<128xi32, #tpu.memory_space<hbm>>
            %dma_start3A_341 = tpu.memref_slice %arg3[%add3A_325] : memref<160000xi32, #tpu.memory_space<hbm>> -> memref<128xi32, #tpu.memory_space<hbm>>
            tpu.enqueue_dma source(%dma_start3A_341 : memref<128xi32, #tpu.memory_space<hbm>>) target(%arg13 : memref<128xi32, #tpu.memory_space<vmem>>) target_semaphore(%run_scoped3A : memref<!tpu.dma_semaphore, #tpu.memory_space<semaphore_mem>>)
            %dma_wait3A_342 = tpu.memref_slice %arg3[%add3A_325] : memref<160000xi32, #tpu.memory_space<hbm>> -> memref<128xi32, #tpu.memory_space<hbm>>
            %dma_wait3A_343 = tpu.memref_slice %arg3[%add3A_325] : memref<160000xi32, #tpu.memory_space<hbm>> -> memref<128xi32, #tpu.memory_space<hbm>>
            tpu.wait_dma2 semaphore(%run_scoped3A : memref<!tpu.dma_semaphore, #tpu.memory_space<semaphore_mem>>) src(%dma_wait3A_343 : memref<128xi32, #tpu.memory_space<hbm>>) dst(%arg13 : memref<128xi32, #tpu.memory_space<vmem>>)
            tpu.yield
          }) : () -> ()
        } else {
        }
        %eq3A_336 = arith.constant 78 : i32
        %eq3A_337 = arith.cmpi eq, %add3A_301, %eq3A_336 : i32
        %convert_element_type3A_338 = arith.extui %eq3A_337 : i1 to i32
        %cond3A_339 = arith.constant 0 : i32
        %cond3A_340 = arith.cmpi ne, %convert_element_type3A_338, %cond3A_339 : i32
        scf.if %cond3A_340 {
          %swap3A = arith.constant 0 : index
          %swap3A_341 = tpu.vector_load %arg13[%swap3A] {strides = array<i32>} : memref<128xi32, #tpu.memory_space<vmem>>, vector<16xi32>,
          %swap3A_342 = vector.shape_cast %swap3A_341 : vector<16xi32> to vector<16xi32>
          %swap3A_343 = vector.shape_cast %broadcast_in_dim3A_0 : vector<16xi32> to vector<16xi32>
          tpu.vector_store %arg13[%swap3A], %swap3A_343 {strides = array<i32>} : memref<128xi32, #tpu.memory_space<vmem>>, vector<16xi32>,
          %swap3A_344 = arith.constant 16 : index
          %swap3A_345 = tpu.vector_load %arg13[%swap3A_344] {strides = array<i32>} : memref<128xi32, #tpu.memory_space<vmem>>, vector<16xi32>,
          %swap3A_346 = vector.shape_cast %swap3A_345 : vector<16xi32> to vector<16xi32>
          %swap3A_347 = vector.shape_cast %broadcast_in_dim3A_0 : vector<16xi32> to vector<16xi32>
          tpu.vector_store %arg13[%swap3A_344], %swap3A_347 {strides = array<i32>} : memref<128xi32, #tpu.memory_space<vmem>>, vector<16xi32>,
          %swap3A_348 = arith.constant 32 : index
          %swap3A_349 = tpu.vector_load %arg13[%swap3A_348] {strides = array<i32>} : memref<128xi32, #tpu.memory_space<vmem>>, vector<16xi32>,
          %swap3A_350 = vector.shape_cast %swap3A_349 : vector<16xi32> to vector<16xi32>
          %swap3A_351 = vector.shape_cast %broadcast_in_dim3A_0 : vector<16xi32> to vector<16xi32>
          tpu.vector_store %arg13[%swap3A_348], %swap3A_351 {strides = array<i32>} : memref<128xi32, #tpu.memory_space<vmem>>, vector<16xi32>,
          %swap3A_352 = arith.constant 48 : index
          %swap3A_353 = tpu.vector_load %arg13[%swap3A_352] {strides = array<i32>} : memref<128xi32, #tpu.memory_space<vmem>>, vector<16xi32>,
          %swap3A_354 = vector.shape_cast %swap3A_353 : vector<16xi32> to vector<16xi32>
          %swap3A_355 = vector.shape_cast %broadcast_in_dim3A_0 : vector<16xi32> to vector<16xi32>
          tpu.vector_store %arg13[%swap3A_352], %swap3A_355 {strides = array<i32>} : memref<128xi32, #tpu.memory_space<vmem>>, vector<16xi32>,
          %swap3A_356 = arith.constant 64 : index
          %swap3A_357 = tpu.vector_load %arg13[%swap3A_356] {strides = array<i32>} : memref<128xi32, #tpu.memory_space<vmem>>, vector<16xi32>,
          %swap3A_358 = vector.shape_cast %swap3A_357 : vector<16xi32> to vector<16xi32>
          %swap3A_359 = vector.shape_cast %broadcast_in_dim3A_0 : vector<16xi32> to vector<16xi32>
          tpu.vector_store %arg13[%swap3A_356], %swap3A_359 {strides = array<i32>} : memref<128xi32, #tpu.memory_space<vmem>>, vector<16xi32>,
          %swap3A_360 = arith.constant 80 : index
          %swap3A_361 = tpu.vector_load %arg13[%swap3A_360] {strides = array<i32>} : memref<128xi32, #tpu.memory_space<vmem>>, vector<16xi32>,
          %swap3A_362 = vector.shape_cast %swap3A_361 : vector<16xi32> to vector<16xi32>
          %swap3A_363 = vector.shape_cast %broadcast_in_dim3A_0 : vector<16xi32> to vector<16xi32>
          tpu.vector_store %arg13[%swap3A_360], %swap3A_363 {strides = array<i32>} : memref<128xi32, #tpu.memory_space<vmem>>, vector<16xi32>,
          %swap3A_364 = arith.constant 96 : index
          %swap3A_365 = tpu.vector_load %arg13[%swap3A_364] {strides = array<i32>} : memref<128xi32, #tpu.memory_space<vmem>>, vector<16xi32>,
          %swap3A_366 = vector.shape_cast %swap3A_365 : vector<16xi32> to vector<16xi32>
          %swap3A_367 = vector.shape_cast %broadcast_in_dim3A_0 : vector<16xi32> to vector<16xi32>
          tpu.vector_store %arg13[%swap3A_364], %swap3A_367 {strides = array<i32>} : memref<128xi32, #tpu.memory_space<vmem>>, vector<16xi32>,
        } else {
        }
      } else {
      }
      %mul3A_307 = arith.constant 8 : i32
      %mul3A_308 = arith.muli %mul3A_307, %scan3A_158 : i32
      %add3A_309 = arith.constant 8 : i32
      %add3A_310 = arith.addi %mul3A_308, %add3A_309 : i32
      %add3A_311 = arith.constant 7 : i32
      %add3A_312 = arith.addi %add3A_310, %add3A_311 : i32
      %lt3A_313 = arith.constant 79 : i32
      %lt3A_314 = arith.cmpi slt, %add3A_312, %lt3A_313 : i32
      %convert_element_type3A_315 = arith.extui %lt3A_314 : i1 to i32
      %cond3A_316 = arith.constant 0 : i32
      %cond3A_317 = arith.cmpi ne, %convert_element_type3A_315, %cond3A_316 : i32
      scf.if %cond3A_317 {
        %dma_wait3A_318 = arith.constant 0 : i32
        %dma_wait3A_319 = arith.constant 0 : i32
        %dma_wait3A_320 = tpu.memref_slice %arg17[%dma_wait3A_318, %dma_wait3A_319] : memref<10240x128xf32, #tpu.memory_space<vmem_shared>> -> memref<10240x128xf32, #tpu.memory_space<vmem_shared>>
        tpu.wait_indirect_dma semaphore(%arg25 : memref<!tpu.dma_semaphore, #tpu.memory_space<semaphore_mem>>) src(%arg15 : memref<128x128xf32, #tpu.memory_space<vmem>>) dst(%dma_wait3A_320 : memref<10240x128xf32, #tpu.memory_space<vmem_shared>>)
        %mul3A_321 = arith.constant 128 : i32
        %mul3A_322 = arith.muli %add3A_312, %mul3A_321 : i32
        %min3A_323 = arith.constant 9872 : i32
        %min3A_324 = arith.minsi %mul3A_322, %min3A_323 : i32
        %add3A_325 = arith.addi %mul3A_6, %min3A_324 : i32
        %eq3A_326 = arith.constant 0 : i32
        %eq3A_327 = arith.cmpi eq, %arg0, %eq3A_326 : i32
        %convert_element_type3A_328 = arith.extui %eq3A_327 : i1 to i32
        %cond3A_329 = arith.constant 0 : i32
        %cond3A_330 = arith.cmpi ne, %convert_element_type3A_328, %cond3A_329 : i32
        scf.if %cond3A_330 {
          "tpu.region"() ({
            %run_scoped3A = tpu.sem_alloc : memref<!tpu.dma_semaphore, #tpu.memory_space<semaphore_mem>>
            %dma_start3A = tpu.memref_slice %arg2[%add3A_325] : memref<160000xi32, #tpu.memory_space<hbm>> -> memref<128xi32, #tpu.memory_space<hbm>>
            %dma_start3A_341 = tpu.memref_slice %arg2[%add3A_325] : memref<160000xi32, #tpu.memory_space<hbm>> -> memref<128xi32, #tpu.memory_space<hbm>>
            tpu.enqueue_dma source(%dma_start3A_341 : memref<128xi32, #tpu.memory_space<hbm>>) target(%arg14 : memref<128xi32, #tpu.memory_space<vmem>>) target_semaphore(%run_scoped3A : memref<!tpu.dma_semaphore, #tpu.memory_space<semaphore_mem>>)
            %dma_wait3A_342 = tpu.memref_slice %arg2[%add3A_325] : memref<160000xi32, #tpu.memory_space<hbm>> -> memref<128xi32, #tpu.memory_space<hbm>>
            %dma_wait3A_343 = tpu.memref_slice %arg2[%add3A_325] : memref<160000xi32, #tpu.memory_space<hbm>> -> memref<128xi32, #tpu.memory_space<hbm>>
            tpu.wait_dma2 semaphore(%run_scoped3A : memref<!tpu.dma_semaphore, #tpu.memory_space<semaphore_mem>>) src(%dma_wait3A_343 : memref<128xi32, #tpu.memory_space<hbm>>) dst(%arg14 : memref<128xi32, #tpu.memory_space<vmem>>)
            tpu.yield
          }) : () -> ()
        } else {
        }
        %eq3A_331 = arith.constant 1 : i32
        %eq3A_332 = arith.cmpi eq, %arg0, %eq3A_331 : i32
        %convert_element_type3A_333 = arith.extui %eq3A_332 : i1 to i32
        %cond3A_334 = arith.constant 0 : i32
        %cond3A_335 = arith.cmpi ne, %convert_element_type3A_333, %cond3A_334 : i32
        scf.if %cond3A_335 {
          "tpu.region"() ({
            %run_scoped3A = tpu.sem_alloc : memref<!tpu.dma_semaphore, #tpu.memory_space<semaphore_mem>>
            %dma_start3A = tpu.memref_slice %arg3[%add3A_325] : memref<160000xi32, #tpu.memory_space<hbm>> -> memref<128xi32, #tpu.memory_space<hbm>>
            %dma_start3A_341 = tpu.memref_slice %arg3[%add3A_325] : memref<160000xi32, #tpu.memory_space<hbm>> -> memref<128xi32, #tpu.memory_space<hbm>>
            tpu.enqueue_dma source(%dma_start3A_341 : memref<128xi32, #tpu.memory_space<hbm>>) target(%arg14 : memref<128xi32, #tpu.memory_space<vmem>>) target_semaphore(%run_scoped3A : memref<!tpu.dma_semaphore, #tpu.memory_space<semaphore_mem>>)
            %dma_wait3A_342 = tpu.memref_slice %arg3[%add3A_325] : memref<160000xi32, #tpu.memory_space<hbm>> -> memref<128xi32, #tpu.memory_space<hbm>>
            %dma_wait3A_343 = tpu.memref_slice %arg3[%add3A_325] : memref<160000xi32, #tpu.memory_space<hbm>> -> memref<128xi32, #tpu.memory_space<hbm>>
            tpu.wait_dma2 semaphore(%run_scoped3A : memref<!tpu.dma_semaphore, #tpu.memory_space<semaphore_mem>>) src(%dma_wait3A_343 : memref<128xi32, #tpu.memory_space<hbm>>) dst(%arg14 : memref<128xi32, #tpu.memory_space<vmem>>)
            tpu.yield
          }) : () -> ()
        } else {
        }
        %eq3A_336 = arith.constant 78 : i32
        %eq3A_337 = arith.cmpi eq, %add3A_312, %eq3A_336 : i32
        %convert_element_type3A_338 = arith.extui %eq3A_337 : i1 to i32
        %cond3A_339 = arith.constant 0 : i32
        %cond3A_340 = arith.cmpi ne, %convert_element_type3A_338, %cond3A_339 : i32
        scf.if %cond3A_340 {
          %swap3A = arith.constant 0 : index
          %swap3A_341 = tpu.vector_load %arg14[%swap3A] {strides = array<i32>} : memref<128xi32, #tpu.memory_space<vmem>>, vector<16xi32>,
          %swap3A_342 = vector.shape_cast %swap3A_341 : vector<16xi32> to vector<16xi32>
          %swap3A_343 = vector.shape_cast %broadcast_in_dim3A_0 : vector<16xi32> to vector<16xi32>
          tpu.vector_store %arg14[%swap3A], %swap3A_343 {strides = array<i32>} : memref<128xi32, #tpu.memory_space<vmem>>, vector<16xi32>,
          %swap3A_344 = arith.constant 16 : index
          %swap3A_345 = tpu.vector_load %arg14[%swap3A_344] {strides = array<i32>} : memref<128xi32, #tpu.memory_space<vmem>>, vector<16xi32>,
          %swap3A_346 = vector.shape_cast %swap3A_345 : vector<16xi32> to vector<16xi32>
          %swap3A_347 = vector.shape_cast %broadcast_in_dim3A_0 : vector<16xi32> to vector<16xi32>
          tpu.vector_store %arg14[%swap3A_344], %swap3A_347 {strides = array<i32>} : memref<128xi32, #tpu.memory_space<vmem>>, vector<16xi32>,
          %swap3A_348 = arith.constant 32 : index
          %swap3A_349 = tpu.vector_load %arg14[%swap3A_348] {strides = array<i32>} : memref<128xi32, #tpu.memory_space<vmem>>, vector<16xi32>,
          %swap3A_350 = vector.shape_cast %swap3A_349 : vector<16xi32> to vector<16xi32>
          %swap3A_351 = vector.shape_cast %broadcast_in_dim3A_0 : vector<16xi32> to vector<16xi32>
          tpu.vector_store %arg14[%swap3A_348], %swap3A_351 {strides = array<i32>} : memref<128xi32, #tpu.memory_space<vmem>>, vector<16xi32>,
          %swap3A_352 = arith.constant 48 : index
          %swap3A_353 = tpu.vector_load %arg14[%swap3A_352] {strides = array<i32>} : memref<128xi32, #tpu.memory_space<vmem>>, vector<16xi32>,
          %swap3A_354 = vector.shape_cast %swap3A_353 : vector<16xi32> to vector<16xi32>
          %swap3A_355 = vector.shape_cast %broadcast_in_dim3A_0 : vector<16xi32> to vector<16xi32>
          tpu.vector_store %arg14[%swap3A_352], %swap3A_355 {strides = array<i32>} : memref<128xi32, #tpu.memory_space<vmem>>, vector<16xi32>,
          %swap3A_356 = arith.constant 64 : index
          %swap3A_357 = tpu.vector_load %arg14[%swap3A_356] {strides = array<i32>} : memref<128xi32, #tpu.memory_space<vmem>>, vector<16xi32>,
          %swap3A_358 = vector.shape_cast %swap3A_357 : vector<16xi32> to vector<16xi32>
          %swap3A_359 = vector.shape_cast %broadcast_in_dim3A_0 : vector<16xi32> to vector<16xi32>
          tpu.vector_store %arg14[%swap3A_356], %swap3A_359 {strides = array<i32>} : memref<128xi32, #tpu.memory_space<vmem>>, vector<16xi32>,
          %swap3A_360 = arith.constant 80 : index
          %swap3A_361 = tpu.vector_load %arg14[%swap3A_360] {strides = array<i32>} : memref<128xi32, #tpu.memory_space<vmem>>, vector<16xi32>,
          %swap3A_362 = vector.shape_cast %swap3A_361 : vector<16xi32> to vector<16xi32>
          %swap3A_363 = vector.shape_cast %broadcast_in_dim3A_0 : vector<16xi32> to vector<16xi32>
          tpu.vector_store %arg14[%swap3A_360], %swap3A_363 {strides = array<i32>} : memref<128xi32, #tpu.memory_space<vmem>>, vector<16xi32>,
          %swap3A_364 = arith.constant 96 : index
          %swap3A_365 = tpu.vector_load %arg14[%swap3A_364] {strides = array<i32>} : memref<128xi32, #tpu.memory_space<vmem>>, vector<16xi32>,
          %swap3A_366 = vector.shape_cast %swap3A_365 : vector<16xi32> to vector<16xi32>
          %swap3A_367 = vector.shape_cast %broadcast_in_dim3A_0 : vector<16xi32> to vector<16xi32>
          tpu.vector_store %arg14[%swap3A_364], %swap3A_367 {strides = array<i32>} : memref<128xi32, #tpu.memory_space<vmem>>, vector<16xi32>,
        } else {
        }
      } else {
      }
    }
    %scan3A_127 = arith.constant 10 : i32
    %dma_wait3A = arith.constant 0 : i32
    %dma_wait3A_128 = arith.constant 0 : i32
    %dma_wait3A_129 = tpu.memref_slice %arg17[%dma_wait3A, %dma_wait3A_128] : memref<10240x128xf32, #tpu.memory_space<vmem_shared>> -> memref<10240x128xf32, #tpu.memory_space<vmem_shared>>
    tpu.wait_indirect_dma semaphore(%arg18 : memref<!tpu.dma_semaphore, #tpu.memory_space<semaphore_mem>>) src(%arg15 : memref<128x128xf32, #tpu.memory_space<vmem>>) dst(%dma_wait3A_129 : memref<10240x128xf32, #tpu.memory_space<vmem_shared>>)
    %dma_wait3A_130 = arith.constant 0 : i32
    %dma_wait3A_131 = arith.constant 0 : i32
    %dma_wait3A_132 = tpu.memref_slice %arg17[%dma_wait3A_130, %dma_wait3A_131] : memref<10240x128xf32, #tpu.memory_space<vmem_shared>> -> memref<10240x128xf32, #tpu.memory_space<vmem_shared>>
    tpu.wait_indirect_dma semaphore(%arg19 : memref<!tpu.dma_semaphore, #tpu.memory_space<semaphore_mem>>) src(%arg15 : memref<128x128xf32, #tpu.memory_space<vmem>>) dst(%dma_wait3A_132 : memref<10240x128xf32, #tpu.memory_space<vmem_shared>>)
    %dma_wait3A_133 = arith.constant 0 : i32
    %dma_wait3A_134 = arith.constant 0 : i32
    %dma_wait3A_135 = tpu.memref_slice %arg17[%dma_wait3A_133, %dma_wait3A_134] : memref<10240x128xf32, #tpu.memory_space<vmem_shared>> -> memref<10240x128xf32, #tpu.memory_space<vmem_shared>>
    tpu.wait_indirect_dma semaphore(%arg20 : memref<!tpu.dma_semaphore, #tpu.memory_space<semaphore_mem>>) src(%arg15 : memref<128x128xf32, #tpu.memory_space<vmem>>) dst(%dma_wait3A_135 : memref<10240x128xf32, #tpu.memory_space<vmem_shared>>)
    %dma_wait3A_136 = arith.constant 0 : i32
    %dma_wait3A_137 = arith.constant 0 : i32
    %dma_wait3A_138 = tpu.memref_slice %arg17[%dma_wait3A_136, %dma_wait3A_137] : memref<10240x128xf32, #tpu.memory_space<vmem_shared>> -> memref<10240x128xf32, #tpu.memory_space<vmem_shared>>
    tpu.wait_indirect_dma semaphore(%arg21 : memref<!tpu.dma_semaphore, #tpu.memory_space<semaphore_mem>>) src(%arg15 : memref<128x128xf32, #tpu.memory_space<vmem>>) dst(%dma_wait3A_138 : memref<10240x128xf32, #tpu.memory_space<vmem_shared>>)
    %dma_wait3A_139 = arith.constant 0 : i32
    %dma_wait3A_140 = arith.constant 0 : i32
    %dma_wait3A_141 = tpu.memref_slice %arg17[%dma_wait3A_139, %dma_wait3A_140] : memref<10240x128xf32, #tpu.memory_space<vmem_shared>> -> memref<10240x128xf32, #tpu.memory_space<vmem_shared>>
    tpu.wait_indirect_dma semaphore(%arg22 : memref<!tpu.dma_semaphore, #tpu.memory_space<semaphore_mem>>) src(%arg15 : memref<128x128xf32, #tpu.memory_space<vmem>>) dst(%dma_wait3A_141 : memref<10240x128xf32, #tpu.memory_space<vmem_shared>>)
    %dma_wait3A_142 = arith.constant 0 : i32
    %dma_wait3A_143 = arith.constant 0 : i32
    %dma_wait3A_144 = tpu.memref_slice %arg17[%dma_wait3A_142, %dma_wait3A_143] : memref<10240x128xf32, #tpu.memory_space<vmem_shared>> -> memref<10240x128xf32, #tpu.memory_space<vmem_shared>>
    tpu.wait_indirect_dma semaphore(%arg23 : memref<!tpu.dma_semaphore, #tpu.memory_space<semaphore_mem>>) src(%arg15 : memref<128x128xf32, #tpu.memory_space<vmem>>) dst(%dma_wait3A_144 : memref<10240x128xf32, #tpu.memory_space<vmem_shared>>)
    %dma_wait3A_145 = arith.constant 0 : i32
    %dma_wait3A_146 = arith.constant 0 : i32
    %dma_wait3A_147 = tpu.memref_slice %arg17[%dma_wait3A_145, %dma_wait3A_146] : memref<10240x128xf32, #tpu.memory_space<vmem_shared>> -> memref<10240x128xf32, #tpu.memory_space<vmem_shared>>
    tpu.wait_indirect_dma semaphore(%arg24 : memref<!tpu.dma_semaphore, #tpu.memory_space<semaphore_mem>>) src(%arg15 : memref<128x128xf32, #tpu.memory_space<vmem>>) dst(%dma_wait3A_147 : memref<10240x128xf32, #tpu.memory_space<vmem_shared>>)
    %dma_wait3A_148 = arith.constant 0 : i32
    %dma_wait3A_149 = arith.constant 0 : i32
    %dma_wait3A_150 = tpu.memref_slice %arg17[%dma_wait3A_148, %dma_wait3A_149] : memref<10240x128xf32, #tpu.memory_space<vmem_shared>> -> memref<10240x128xf32, #tpu.memory_space<vmem_shared>>
    tpu.wait_indirect_dma semaphore(%arg25 : memref<!tpu.dma_semaphore, #tpu.memory_space<semaphore_mem>>) src(%arg15 : memref<128x128xf32, #tpu.memory_space<vmem>>) dst(%dma_wait3A_150 : memref<10240x128xf32, #tpu.memory_space<vmem_shared>>)
    %barrier3A_151 = arith.constant 0 : index
    tpu.barrier barrier_id(%barrier3A_151)
    %scan3A_152 = arith.constant 0 : i32
    %scan3A_153 = arith.constant 0 : i32
    %scan3A_154 = arith.constant 5 : i32
    %scan3A_155 = arith.addi %scan3A_153, %scan3A_154 : i32
    %scan3A_156 = arith.constant 1 : i32
    scf.for %scan3A_158 = %scan3A_153 to %scan3A_155 step %scan3A_156  : i32 {
      %mul3A_159 = arith.constant 640 : i32
      %mul3A_160 = arith.muli %arg1, %mul3A_159 : i32
      %mul3A_161 = arith.constant 128 : i32
      %mul3A_162 = arith.muli %scan3A_158, %mul3A_161 : i32
      %add3A_163 = arith.addi %mul3A_160, %mul3A_162 : i32
      "tpu.region"() ({
        %run_scoped3A = tpu.sem_alloc : memref<!tpu.dma_semaphore, #tpu.memory_space<semaphore_mem>>
        %dma_start3A = arith.constant 0 : i32
        %dma_start3A_169 = tpu.memref_slice %arg17[%add3A_163, %dma_start3A] : memref<10240x128xf32, #tpu.memory_space<vmem_shared>> -> memref<128x128xf32, #tpu.memory_space<vmem_shared>>
        %dma_start3A_170 = arith.constant 0 : i32
        %dma_start3A_171 = tpu.memref_slice %arg17[%add3A_163, %dma_start3A_170] : memref<10240x128xf32, #tpu.memory_space<vmem_shared>> -> memref<128x128xf32, #tpu.memory_space<vmem_shared>>
        tpu.enqueue_dma source(%dma_start3A_171 : memref<128x128xf32, #tpu.memory_space<vmem_shared>>) target(%arg16 : memref<128x128xf32, #tpu.memory_space<vmem>>) target_semaphore(%run_scoped3A : memref<!tpu.dma_semaphore, #tpu.memory_space<semaphore_mem>>)
        %dma_wait3A_172 = arith.constant 0 : i32
        %dma_wait3A_173 = tpu.memref_slice %arg17[%add3A_163, %dma_wait3A_172] : memref<10240x128xf32, #tpu.memory_space<vmem_shared>> -> memref<128x128xf32, #tpu.memory_space<vmem_shared>>
        %dma_wait3A_174 = arith.constant 0 : i32
        %dma_wait3A_175 = tpu.memref_slice %arg17[%add3A_163, %dma_wait3A_174] : memref<10240x128xf32, #tpu.memory_space<vmem_shared>> -> memref<128x128xf32, #tpu.memory_space<vmem_shared>>
        tpu.wait_dma2 semaphore(%run_scoped3A : memref<!tpu.dma_semaphore, #tpu.memory_space<semaphore_mem>>) src(%dma_wait3A_175 : memref<128x128xf32, #tpu.memory_space<vmem_shared>>) dst(%arg16 : memref<128x128xf32, #tpu.memory_space<vmem>>)
        tpu.yield
      }) : () -> ()
      %mul3A_164 = arith.constant 640 : i32
      %mul3A_165 = arith.muli %arg1, %mul3A_164 : i32
      %mul3A_166 = arith.constant 128 : i32
      %mul3A_167 = arith.muli %scan3A_158, %mul3A_166 : i32
      %add3A_168 = arith.addi %mul3A_165, %mul3A_167 : i32
      "tpu.region"() ({
        %run_scoped3A = tpu.sem_alloc : memref<!tpu.dma_semaphore, #tpu.memory_space<semaphore_mem>>
        %dma_start3A = arith.constant 0 : i32
        %dma_start3A_169 = tpu.memref_slice %arg6[%arg0, %add3A_168, %dma_start3A] : memref<2x10240x128xf32, #tpu.memory_space<hbm>> -> memref<1x128x128xf32, #tpu.memory_space<hbm>>
        %dma_start3A_170 = tpu.memref_squeeze %dma_start3A_169 : memref<1x128x128xf32, #tpu.memory_space<hbm>> -> memref<128x128xf32, #tpu.memory_space<hbm>>
        %dma_start3A_171 = arith.constant 0 : i32
        %dma_start3A_172 = tpu.memref_slice %arg6[%arg0, %add3A_168, %dma_start3A_171] : memref<2x10240x128xf32, #tpu.memory_space<hbm>> -> memref<1x128x128xf32, #tpu.memory_space<hbm>>
        %dma_start3A_173 = tpu.memref_squeeze %dma_start3A_172 : memref<1x128x128xf32, #tpu.memory_space<hbm>> -> memref<128x128xf32, #tpu.memory_space<hbm>>
        tpu.enqueue_dma source(%arg16 : memref<128x128xf32, #tpu.memory_space<vmem>>) target(%dma_start3A_173 : memref<128x128xf32, #tpu.memory_space<hbm>>) target_semaphore(%run_scoped3A : memref<!tpu.dma_semaphore, #tpu.memory_space<semaphore_mem>>)
        %dma_wait3A_174 = arith.constant 0 : i32
        %dma_wait3A_175 = tpu.memref_slice %arg6[%arg0, %add3A_168, %dma_wait3A_174] : memref<2x10240x128xf32, #tpu.memory_space<hbm>> -> memref<1x128x128xf32, #tpu.memory_space<hbm>>
        %dma_wait3A_176 = tpu.memref_squeeze %dma_wait3A_175 : memref<1x128x128xf32, #tpu.memory_space<hbm>> -> memref<128x128xf32, #tpu.memory_space<hbm>>
        %dma_wait3A_177 = arith.constant 0 : i32
        %dma_wait3A_178 = tpu.memref_slice %arg6[%arg0, %add3A_168, %dma_wait3A_177] : memref<2x10240x128xf32, #tpu.memory_space<hbm>> -> memref<1x128x128xf32, #tpu.memory_space<hbm>>
        %dma_wait3A_179 = tpu.memref_squeeze %dma_wait3A_178 : memref<1x128x128xf32, #tpu.memory_space<hbm>> -> memref<128x128xf32, #tpu.memory_space<hbm>>
        tpu.wait_dma2 semaphore(%run_scoped3A : memref<!tpu.dma_semaphore, #tpu.memory_space<semaphore_mem>>) src(%arg16 : memref<128x128xf32, #tpu.memory_space<vmem>>) dst(%dma_wait3A_179 : memref<128x128xf32, #tpu.memory_space<hbm>>)
        tpu.yield
      }) : () -> ()
    }
    %scan3A_157 = arith.constant 5 : i32
    return
  }
}

module attributes {stable_mosaic.version = 14 : i64} {
  func.func @_k1_body(%arg0: i32, %arg1: memref<2000x1024xf32, #tpu.memory_space<vmem>>, %arg2: memref<512x512xf32, #tpu.memory_space<vmem>>, %arg3: memref<1x512xf32, #tpu.memory_space<vmem>>, %arg4: memref<512x512xf32, #tpu.memory_space<vmem>>, %arg5: memref<1x512xf32, #tpu.memory_space<vmem>>, %arg6: memref<2000x512xf32, #tpu.memory_space<vmem>>, %arg7: memref<2000x512xf32, #tpu.memory_space<vmem>>, %arg8: memref<4x512xf32, #tpu.memory_space<vmem>>) attributes {dimension_semantics = [#tpu.dimension_semantics<arbitrary>], iteration_bounds = array<i64: 5>, scalar_prefetch = 0 : i64, scratch_operands = 0 : i64, tpu.core_type = #tpu.core_type<tc>, window_params = [{transform_indices = @transform_0, window_bounds = array<i64: 2000, 1024>}, {pipeline_mode = #tpu.pipeline_mode<synchronous>, transform_indices = @transform_1, window_bounds = array<i64: 512, 512>}, {pipeline_mode = #tpu.pipeline_mode<synchronous>, transform_indices = @transform_2, window_bounds = array<i64: 1, 512>}, {pipeline_mode = #tpu.pipeline_mode<synchronous>, transform_indices = @transform_3, window_bounds = array<i64: 512, 512>}, {pipeline_mode = #tpu.pipeline_mode<synchronous>, transform_indices = @transform_4, window_bounds = array<i64: 1, 512>}, {transform_indices = @transform_5, window_bounds = array<i64: 2000, 512>}, {transform_indices = @transform_6, window_bounds = array<i64: 2000, 512>}, {pipeline_mode = #tpu.pipeline_mode<synchronous>, transform_indices = @transform_7, window_bounds = array<i64: 4, 512>}]} {
    %get3A = arith.constant 0 : index
    %get3A_0 = arith.constant 0 : index
    %get3A_1 = vector.load %arg1[%get3A, %get3A_0] : memref<2000x1024xf32, #tpu.memory_space<vmem>>, vector<2000x512xf32>
    %get3A_2 = arith.constant 0 : index
    %get3A_3 = arith.constant 0 : index
    %get3A_4 = vector.load %arg2[%get3A_2, %get3A_3] : memref<512x512xf32, #tpu.memory_space<vmem>>, vector<512x512xf32>
    %dot_general3A = arith.constant dense<0.000000e+00> : vector<2000x512xf32>
    %dot_general3A_5 = tpu.matmul %get3A_1, %get3A_4, %dot_general3A {dimension_numbers = #tpu.dot_dimension_numbers<[1], [0], [0], [1], [0, 0, 1, 1], [], []>, transpose_lhs_hint = false} : vector<2000x512xf32>, vector<512x512xf32>, vector<2000x512xf32> -> vector<2000x512xf32>
    %get3A_6 = arith.constant 0 : index
    %get3A_7 = arith.constant 0 : index
    %get3A_8 = vector.load %arg3[%get3A_6, %get3A_7] : memref<1x512xf32, #tpu.memory_space<vmem>>, vector<1x512xf32>
    %add3A = vector.broadcast %get3A_8 : vector<1x512xf32> to vector<2000x512xf32>
    %add3A_9 = arith.addf %dot_general3A_5, %add3A : vector<2000x512xf32>
    %get3A_10 = arith.constant 0 : index
    %get3A_11 = arith.constant 512 : index
    %get3A_12 = vector.load %arg1[%get3A_10, %get3A_11] : memref<2000x1024xf32, #tpu.memory_space<vmem>>, vector<2000x512xf32>
    %get3A_13 = arith.constant 0 : index
    %get3A_14 = arith.constant 0 : index
    %get3A_15 = vector.load %arg4[%get3A_13, %get3A_14] : memref<512x512xf32, #tpu.memory_space<vmem>>, vector<512x512xf32>
    %dot_general3A_16 = arith.constant dense<0.000000e+00> : vector<2000x512xf32>
    %dot_general3A_17 = tpu.matmul %get3A_12, %get3A_15, %dot_general3A_16 {dimension_numbers = #tpu.dot_dimension_numbers<[1], [0], [0], [1], [0, 0, 1, 1], [], []>, transpose_lhs_hint = false} : vector<2000x512xf32>, vector<512x512xf32>, vector<2000x512xf32> -> vector<2000x512xf32>
    %get3A_18 = arith.constant 0 : index
    %get3A_19 = arith.constant 0 : index
    %get3A_20 = vector.load %arg5[%get3A_18, %get3A_19] : memref<1x512xf32, #tpu.memory_space<vmem>>, vector<1x512xf32>
    %add3A_21 = vector.broadcast %get3A_20 : vector<1x512xf32> to vector<2000x512xf32>
    %add3A_22 = arith.addf %dot_general3A_17, %add3A_21 : vector<2000x512xf32>
    %swap3A = arith.constant 0 : index
    %swap3A_23 = arith.constant 0 : index
    %swap3A_24 = vector.load %arg6[%swap3A, %swap3A_23] : memref<2000x512xf32, #tpu.memory_space<vmem>>, vector<2000x512xf32>
    tpu.vector_store %arg6[%swap3A, %swap3A_23], %add3A_9 {strides = array<i32>} : memref<2000x512xf32, #tpu.memory_space<vmem>>, vector<2000x512xf32>,
    %swap3A_25 = arith.constant 0 : index
    %swap3A_26 = arith.constant 0 : index
    %swap3A_27 = vector.load %arg7[%swap3A_25, %swap3A_26] : memref<2000x512xf32, #tpu.memory_space<vmem>>, vector<2000x512xf32>
    tpu.vector_store %arg7[%swap3A_25, %swap3A_26], %add3A_22 {strides = array<i32>} : memref<2000x512xf32, #tpu.memory_space<vmem>>, vector<2000x512xf32>,
    %eq3A = arith.constant 0 : i32
    %eq3A_28 = arith.cmpi eq, %arg0, %eq3A : i32
    %convert_element_type3A = arith.extui %eq3A_28 : i1 to i32
    %cond3A = arith.constant 0 : i32
    %cond3A_29 = arith.cmpi ne, %convert_element_type3A, %cond3A : i32
    scf.if %cond3A_29 {
      %broadcast_in_dim3A_69 = arith.constant 0.000000e+00 : f32
      %broadcast_in_dim3A_70 = vector.broadcast %broadcast_in_dim3A_69 : f32 to vector<4x512xf32>
      %swap3A_71 = arith.constant 0 : index
      %swap3A_72 = arith.constant 0 : index
      %swap3A_73 = vector.load %arg8[%swap3A_71, %swap3A_72] : memref<4x512xf32, #tpu.memory_space<vmem>>, vector<4x512xf32>
      tpu.vector_store %arg8[%swap3A_71, %swap3A_72], %broadcast_in_dim3A_70 {strides = array<i32>} : memref<4x512xf32, #tpu.memory_space<vmem>>, vector<4x512xf32>,
    } else {
    }
    %get3A_30 = arith.constant 0 : index
    %get3A_31 = arith.constant 0 : index
    %get3A_32 = vector.load %arg8[%get3A_30, %get3A_31] : memref<4x512xf32, #tpu.memory_space<vmem>>, vector<1x512xf32>
    %reduce_sum3A = arith.constant dense<0.000000e+00> : vector<512xf32>
    %reduce_sum3A_33 = vector.multi_reduction <add>, %add3A_9, %reduce_sum3A [0] : vector<2000x512xf32> to vector<512xf32>
    %broadcast_in_dim3A = vector.shape_cast %reduce_sum3A_33 : vector<512xf32> to vector<1x512xf32>
    %add3A_34 = arith.addf %get3A_32, %broadcast_in_dim3A : vector<1x512xf32>
    %swap3A_35 = arith.constant 0 : index
    %swap3A_36 = arith.constant 0 : index
    %swap3A_37 = vector.load %arg8[%swap3A_35, %swap3A_36] : memref<4x512xf32, #tpu.memory_space<vmem>>, vector<1x512xf32>
    tpu.vector_store %arg8[%swap3A_35, %swap3A_36], %add3A_34 {strides = array<i32>} : memref<4x512xf32, #tpu.memory_space<vmem>>, vector<1x512xf32>,
    %get3A_38 = arith.constant 1 : index
    %get3A_39 = arith.constant 0 : index
    %get3A_40 = vector.load %arg8[%get3A_38, %get3A_39] : memref<4x512xf32, #tpu.memory_space<vmem>>, vector<1x512xf32>
    %mul3A = arith.mulf %add3A_9, %add3A_9 : vector<2000x512xf32>
    %reduce_sum3A_41 = arith.constant dense<0.000000e+00> : vector<512xf32>
    %reduce_sum3A_42 = vector.multi_reduction <add>, %mul3A, %reduce_sum3A_41 [0] : vector<2000x512xf32> to vector<512xf32>
    %broadcast_in_dim3A_43 = vector.shape_cast %reduce_sum3A_42 : vector<512xf32> to vector<1x512xf32>
    %add3A_44 = arith.addf %get3A_40, %broadcast_in_dim3A_43 : vector<1x512xf32>
    %swap3A_45 = arith.constant 1 : index
    %swap3A_46 = arith.constant 0 : index
    %swap3A_47 = vector.load %arg8[%swap3A_45, %swap3A_46] : memref<4x512xf32, #tpu.memory_space<vmem>>, vector<1x512xf32>
    tpu.vector_store %arg8[%swap3A_45, %swap3A_46], %add3A_44 {strides = array<i32>} : memref<4x512xf32, #tpu.memory_space<vmem>>, vector<1x512xf32>,
    %get3A_48 = arith.constant 2 : index
    %get3A_49 = arith.constant 0 : index
    %get3A_50 = vector.load %arg8[%get3A_48, %get3A_49] : memref<4x512xf32, #tpu.memory_space<vmem>>, vector<1x512xf32>
    %reduce_sum3A_51 = arith.constant dense<0.000000e+00> : vector<512xf32>
    %reduce_sum3A_52 = vector.multi_reduction <add>, %add3A_22, %reduce_sum3A_51 [0] : vector<2000x512xf32> to vector<512xf32>
    %broadcast_in_dim3A_53 = vector.shape_cast %reduce_sum3A_52 : vector<512xf32> to vector<1x512xf32>
    %add3A_54 = arith.addf %get3A_50, %broadcast_in_dim3A_53 : vector<1x512xf32>
    %swap3A_55 = arith.constant 2 : index
    %swap3A_56 = arith.constant 0 : index
    %swap3A_57 = vector.load %arg8[%swap3A_55, %swap3A_56] : memref<4x512xf32, #tpu.memory_space<vmem>>, vector<1x512xf32>
    tpu.vector_store %arg8[%swap3A_55, %swap3A_56], %add3A_54 {strides = array<i32>} : memref<4x512xf32, #tpu.memory_space<vmem>>, vector<1x512xf32>,
    %get3A_58 = arith.constant 3 : index
    %get3A_59 = arith.constant 0 : index
    %get3A_60 = vector.load %arg8[%get3A_58, %get3A_59] : memref<4x512xf32, #tpu.memory_space<vmem>>, vector<1x512xf32>
    %mul3A_61 = arith.mulf %add3A_22, %add3A_22 : vector<2000x512xf32>
    %reduce_sum3A_62 = arith.constant dense<0.000000e+00> : vector<512xf32>
    %reduce_sum3A_63 = vector.multi_reduction <add>, %mul3A_61, %reduce_sum3A_62 [0] : vector<2000x512xf32> to vector<512xf32>
    %broadcast_in_dim3A_64 = vector.shape_cast %reduce_sum3A_63 : vector<512xf32> to vector<1x512xf32>
    %add3A_65 = arith.addf %get3A_60, %broadcast_in_dim3A_64 : vector<1x512xf32>
    %swap3A_66 = arith.constant 3 : index
    %swap3A_67 = arith.constant 0 : index
    %swap3A_68 = vector.load %arg8[%swap3A_66, %swap3A_67] : memref<4x512xf32, #tpu.memory_space<vmem>>, vector<1x512xf32>
    tpu.vector_store %arg8[%swap3A_66, %swap3A_67], %add3A_65 {strides = array<i32>} : memref<4x512xf32, #tpu.memory_space<vmem>>, vector<1x512xf32>,
    return
  }
  func.func @transform_0(%arg0: i32) -> (i32, i32) {
    %c0_i32 = arith.constant 0 : i32
    %c0_i32_0 = arith.constant 0 : i32
    return %arg0, %c0_i32 : i32, i32
  }
  func.func @transform_1(%arg0: i32) -> (i32, i32) {
    %c0_i32 = arith.constant 0 : i32
    %c0_i32_0 = arith.constant 0 : i32
    %c0_i32_1 = arith.constant 0 : i32
    return %c0_i32, %c0_i32_0 : i32, i32
  }
  func.func @transform_2(%arg0: i32) -> (i32, i32) {
    %c0_i32 = arith.constant 0 : i32
    %c0_i32_0 = arith.constant 0 : i32
    %c0_i32_1 = arith.constant 0 : i32
    return %c0_i32, %c0_i32_0 : i32, i32
  }
  func.func @transform_3(%arg0: i32) -> (i32, i32) {
    %c0_i32 = arith.constant 0 : i32
    %c0_i32_0 = arith.constant 0 : i32
    %c0_i32_1 = arith.constant 0 : i32
    return %c0_i32, %c0_i32_0 : i32, i32
  }
  func.func @transform_4(%arg0: i32) -> (i32, i32) {
    %c0_i32 = arith.constant 0 : i32
    %c0_i32_0 = arith.constant 0 : i32
    %c0_i32_1 = arith.constant 0 : i32
    return %c0_i32, %c0_i32_0 : i32, i32
  }
  func.func @transform_5(%arg0: i32) -> (i32, i32) {
    %c0_i32 = arith.constant 0 : i32
    %c0_i32_0 = arith.constant 0 : i32
    return %arg0, %c0_i32 : i32, i32
  }
  func.func @transform_6(%arg0: i32) -> (i32, i32) {
    %c0_i32 = arith.constant 0 : i32
    %c0_i32_0 = arith.constant 0 : i32
    return %arg0, %c0_i32 : i32, i32
  }
  func.func @transform_7(%arg0: i32) -> (i32, i32) {
    %c0_i32 = arith.constant 0 : i32
    %c0_i32_0 = arith.constant 0 : i32
    %c0_i32_1 = arith.constant 0 : i32
    return %c0_i32, %c0_i32_0 : i32, i32
  }
}

module attributes {stable_mosaic.version = 14 : i64} {
  func.func @_k2_body(%arg0: i32, %arg1: memref<2000x512xf32, #tpu.memory_space<vmem>>, %arg2: memref<2000x512xf32, #tpu.memory_space<vmem>>, %arg3: memref<4x512xf32, #tpu.memory_space<vmem>>, %arg4: memref<1x512xf32, #tpu.memory_space<vmem>>, %arg5: memref<1x512xf32, #tpu.memory_space<vmem>>, %arg6: memref<1x512xf32, #tpu.memory_space<vmem>>, %arg7: memref<1x512xf32, #tpu.memory_space<vmem>>, %arg8: memref<512x256xf32, #tpu.memory_space<vmem>>, %arg9: memref<1x256xf32, #tpu.memory_space<vmem>>, %arg10: memref<512x256xf32, #tpu.memory_space<vmem>>, %arg11: memref<1x256xf32, #tpu.memory_space<vmem>>, %arg12: memref<2000x256xf32, #tpu.memory_space<vmem>>, %arg13: memref<2000x256xf32, #tpu.memory_space<vmem>>, %arg14: memref<4x256xf32, #tpu.memory_space<vmem>>) attributes {dimension_semantics = [#tpu.dimension_semantics<arbitrary>], iteration_bounds = array<i64: 5>, scalar_prefetch = 0 : i64, scratch_operands = 0 : i64, tpu.core_type = #tpu.core_type<tc>, window_params = [{transform_indices = @transform_0, window_bounds = array<i64: 2000, 512>}, {transform_indices = @transform_1, window_bounds = array<i64: 2000, 512>}, {pipeline_mode = #tpu.pipeline_mode<synchronous>, transform_indices = @transform_2, window_bounds = array<i64: 4, 512>}, {pipeline_mode = #tpu.pipeline_mode<synchronous>, transform_indices = @transform_3, window_bounds = array<i64: 1, 512>}, {pipeline_mode = #tpu.pipeline_mode<synchronous>, transform_indices = @transform_4, window_bounds = array<i64: 1, 512>}, {pipeline_mode = #tpu.pipeline_mode<synchronous>, transform_indices = @transform_5, window_bounds = array<i64: 1, 512>}, {pipeline_mode = #tpu.pipeline_mode<synchronous>, transform_indices = @transform_6, window_bounds = array<i64: 1, 512>}, {pipeline_mode = #tpu.pipeline_mode<synchronous>, transform_indices = @transform_7, window_bounds = array<i64: 512, 256>}, {pipeline_mode = #tpu.pipeline_mode<synchronous>, transform_indices = @transform_8, window_bounds = array<i64: 1, 256>}, {pipeline_mode = #tpu.pipeline_mode<synchronous>, transform_indices = @transform_9, window_bounds = array<i64: 512, 256>}, {pipeline_mode = #tpu.pipeline_mode<synchronous>, transform_indices = @transform_10, window_bounds = array<i64: 1, 256>}, {transform_indices = @transform_11, window_bounds = array<i64: 2000, 256>}, {transform_indices = @transform_12, window_bounds = array<i64: 2000, 256>}, {pipeline_mode = #tpu.pipeline_mode<synchronous>, transform_indices = @transform_13, window_bounds = array<i64: 4, 256>}]} {
    %get3A = arith.constant 0 : index
    %get3A_0 = arith.constant 0 : index
    %get3A_1 = vector.load %arg3[%get3A, %get3A_0] : memref<4x512xf32, #tpu.memory_space<vmem>>, vector<4x512xf32>
    %get3A_2 = arith.constant 0 : index
    %get3A_3 = arith.constant 0 : index
    %get3A_4 = vector.load %arg1[%get3A_2, %get3A_3] : memref<2000x512xf32, #tpu.memory_space<vmem>>, vector<2000x512xf32>
    %get3A_5 = arith.constant 0 : index
    %get3A_6 = arith.constant 0 : index
    %get3A_7 = vector.load %arg4[%get3A_5, %get3A_6] : memref<1x512xf32, #tpu.memory_space<vmem>>, vector<1x512xf32>
    %get3A_8 = arith.constant 0 : index
    %get3A_9 = arith.constant 0 : index
    %get3A_10 = vector.load %arg5[%get3A_8, %get3A_9] : memref<1x512xf32, #tpu.memory_space<vmem>>, vector<1x512xf32>
    %slice3A = vector.extract_strided_slice %get3A_1 {offsets = [0, 0], sizes = [1, 512], strides = [1, 1]} : vector<4x512xf32> to vector<1x512xf32>
    %mul3A = arith.constant 9.99999974E-5 : f32
    %mul3A_11 = vector.broadcast %mul3A : f32 to vector<1x512xf32>
    %mul3A_12 = arith.mulf %slice3A, %mul3A_11 : vector<1x512xf32>
    %slice3A_13 = vector.extract_strided_slice %get3A_1 {offsets = [1, 0], sizes = [1, 512], strides = [1, 1]} : vector<4x512xf32> to vector<1x512xf32>
    %mul3A_14 = arith.constant 9.99999974E-5 : f32
    %mul3A_15 = vector.broadcast %mul3A_14 : f32 to vector<1x512xf32>
    %mul3A_16 = arith.mulf %slice3A_13, %mul3A_15 : vector<1x512xf32>
    %mul3A_17 = arith.mulf %mul3A_12, %mul3A_12 : vector<1x512xf32>
    %sub3A = arith.subf %mul3A_16, %mul3A_17 : vector<1x512xf32>
    %sub3A_18 = vector.broadcast %mul3A_12 : vector<1x512xf32> to vector<2000x512xf32>
    %sub3A_19 = arith.subf %get3A_4, %sub3A_18 : vector<2000x512xf32>
    %mul3A_20 = vector.broadcast %get3A_7 : vector<1x512xf32> to vector<2000x512xf32>
    %mul3A_21 = arith.mulf %mul3A_20, %sub3A_19 : vector<2000x512xf32>
    %add3A = arith.constant 9.99999974E-6 : f32
    %add3A_22 = vector.broadcast %add3A : f32 to vector<1x512xf32>
    %add3A_23 = arith.addf %sub3A, %add3A_22 : vector<1x512xf32>
    %rsqrt3A = math.rsqrt %add3A_23 : vector<1x512xf32>
    %mul3A_24 = vector.broadcast %rsqrt3A : vector<1x512xf32> to vector<2000x512xf32>
    %mul3A_25 = arith.mulf %mul3A_21, %mul3A_24 : vector<2000x512xf32>
    %add3A_26 = vector.broadcast %get3A_10 : vector<1x512xf32> to vector<2000x512xf32>
    %add3A_27 = arith.addf %mul3A_25, %add3A_26 : vector<2000x512xf32>
    %get3A_28 = arith.constant 0 : index
    %get3A_29 = arith.constant 0 : index
    %get3A_30 = vector.load %arg2[%get3A_28, %get3A_29] : memref<2000x512xf32, #tpu.memory_space<vmem>>, vector<2000x512xf32>
    %get3A_31 = arith.constant 0 : index
    %get3A_32 = arith.constant 0 : index
    %get3A_33 = vector.load %arg6[%get3A_31, %get3A_32] : memref<1x512xf32, #tpu.memory_space<vmem>>, vector<1x512xf32>
    %get3A_34 = arith.constant 0 : index
    %get3A_35 = arith.constant 0 : index
    %get3A_36 = vector.load %arg7[%get3A_34, %get3A_35] : memref<1x512xf32, #tpu.memory_space<vmem>>, vector<1x512xf32>
    %slice3A_37 = vector.extract_strided_slice %get3A_1 {offsets = [2, 0], sizes = [1, 512], strides = [1, 1]} : vector<4x512xf32> to vector<1x512xf32>
    %mul3A_38 = arith.constant 9.99999974E-5 : f32
    %mul3A_39 = vector.broadcast %mul3A_38 : f32 to vector<1x512xf32>
    %mul3A_40 = arith.mulf %slice3A_37, %mul3A_39 : vector<1x512xf32>
    %slice3A_41 = vector.extract_strided_slice %get3A_1 {offsets = [3, 0], sizes = [1, 512], strides = [1, 1]} : vector<4x512xf32> to vector<1x512xf32>
    %mul3A_42 = arith.constant 9.99999974E-5 : f32
    %mul3A_43 = vector.broadcast %mul3A_42 : f32 to vector<1x512xf32>
    %mul3A_44 = arith.mulf %slice3A_41, %mul3A_43 : vector<1x512xf32>
    %mul3A_45 = arith.mulf %mul3A_40, %mul3A_40 : vector<1x512xf32>
    %sub3A_46 = arith.subf %mul3A_44, %mul3A_45 : vector<1x512xf32>
    %sub3A_47 = vector.broadcast %mul3A_40 : vector<1x512xf32> to vector<2000x512xf32>
    %sub3A_48 = arith.subf %get3A_30, %sub3A_47 : vector<2000x512xf32>
    %mul3A_49 = vector.broadcast %get3A_33 : vector<1x512xf32> to vector<2000x512xf32>
    %mul3A_50 = arith.mulf %mul3A_49, %sub3A_48 : vector<2000x512xf32>
    %add3A_51 = arith.constant 9.99999974E-6 : f32
    %add3A_52 = vector.broadcast %add3A_51 : f32 to vector<1x512xf32>
    %add3A_53 = arith.addf %sub3A_46, %add3A_52 : vector<1x512xf32>
    %rsqrt3A_54 = math.rsqrt %add3A_53 : vector<1x512xf32>
    %mul3A_55 = vector.broadcast %rsqrt3A_54 : vector<1x512xf32> to vector<2000x512xf32>
    %mul3A_56 = arith.mulf %mul3A_50, %mul3A_55 : vector<2000x512xf32>
    %add3A_57 = vector.broadcast %get3A_36 : vector<1x512xf32> to vector<2000x512xf32>
    %add3A_58 = arith.addf %mul3A_56, %add3A_57 : vector<2000x512xf32>
    %get3A_59 = arith.constant 0 : index
    %get3A_60 = arith.constant 0 : index
    %get3A_61 = vector.load %arg8[%get3A_59, %get3A_60] : memref<512x256xf32, #tpu.memory_space<vmem>>, vector<512x256xf32>
    %dot_general3A = arith.constant dense<0.000000e+00> : vector<2000x256xf32>
    %dot_general3A_62 = tpu.matmul %add3A_27, %get3A_61, %dot_general3A {dimension_numbers = #tpu.dot_dimension_numbers<[1], [0], [0], [1], [0, 0, 1, 1], [], []>, transpose_lhs_hint = false} : vector<2000x512xf32>, vector<512x256xf32>, vector<2000x256xf32> -> vector<2000x256xf32>
    %get3A_63 = arith.constant 0 : index
    %get3A_64 = arith.constant 0 : index
    %get3A_65 = vector.load %arg9[%get3A_63, %get3A_64] : memref<1x256xf32, #tpu.memory_space<vmem>>, vector<1x256xf32>
    %add3A_66 = vector.broadcast %get3A_65 : vector<1x256xf32> to vector<2000x256xf32>
    %add3A_67 = arith.addf %dot_general3A_62, %add3A_66 : vector<2000x256xf32>
    %get3A_68 = arith.constant 0 : index
    %get3A_69 = arith.constant 0 : index
    %get3A_70 = vector.load %arg10[%get3A_68, %get3A_69] : memref<512x256xf32, #tpu.memory_space<vmem>>, vector<512x256xf32>
    %dot_general3A_71 = arith.constant dense<0.000000e+00> : vector<2000x256xf32>
    %dot_general3A_72 = tpu.matmul %add3A_58, %get3A_70, %dot_general3A_71 {dimension_numbers = #tpu.dot_dimension_numbers<[1], [0], [0], [1], [0, 0, 1, 1], [], []>, transpose_lhs_hint = false} : vector<2000x512xf32>, vector<512x256xf32>, vector<2000x256xf32> -> vector<2000x256xf32>
    %get3A_73 = arith.constant 0 : index
    %get3A_74 = arith.constant 0 : index
    %get3A_75 = vector.load %arg11[%get3A_73, %get3A_74] : memref<1x256xf32, #tpu.memory_space<vmem>>, vector<1x256xf32>
    %add3A_76 = vector.broadcast %get3A_75 : vector<1x256xf32> to vector<2000x256xf32>
    %add3A_77 = arith.addf %dot_general3A_72, %add3A_76 : vector<2000x256xf32>
    %swap3A = arith.constant 0 : index
    %swap3A_78 = arith.constant 0 : index
    %swap3A_79 = vector.load %arg12[%swap3A, %swap3A_78] : memref<2000x256xf32, #tpu.memory_space<vmem>>, vector<2000x256xf32>
    tpu.vector_store %arg12[%swap3A, %swap3A_78], %add3A_67 {strides = array<i32>} : memref<2000x256xf32, #tpu.memory_space<vmem>>, vector<2000x256xf32>,
    %swap3A_80 = arith.constant 0 : index
    %swap3A_81 = arith.constant 0 : index
    %swap3A_82 = vector.load %arg13[%swap3A_80, %swap3A_81] : memref<2000x256xf32, #tpu.memory_space<vmem>>, vector<2000x256xf32>
    tpu.vector_store %arg13[%swap3A_80, %swap3A_81], %add3A_77 {strides = array<i32>} : memref<2000x256xf32, #tpu.memory_space<vmem>>, vector<2000x256xf32>,
    %eq3A = arith.constant 0 : i32
    %eq3A_83 = arith.cmpi eq, %arg0, %eq3A : i32
    %convert_element_type3A = arith.extui %eq3A_83 : i1 to i32
    %cond3A = arith.constant 0 : i32
    %cond3A_84 = arith.cmpi ne, %convert_element_type3A, %cond3A : i32
    scf.if %cond3A_84 {
      %broadcast_in_dim3A_125 = arith.constant 0.000000e+00 : f32
      %broadcast_in_dim3A_126 = vector.broadcast %broadcast_in_dim3A_125 : f32 to vector<4x256xf32>
      %swap3A_127 = arith.constant 0 : index
      %swap3A_128 = arith.constant 0 : index
      %swap3A_129 = vector.load %arg14[%swap3A_127, %swap3A_128] : memref<4x256xf32, #tpu.memory_space<vmem>>, vector<4x256xf32>
      tpu.vector_store %arg14[%swap3A_127, %swap3A_128], %broadcast_in_dim3A_126 {strides = array<i32>} : memref<4x256xf32, #tpu.memory_space<vmem>>, vector<4x256xf32>,
    } else {
    }
    %get3A_85 = arith.constant 0 : index
    %get3A_86 = arith.constant 0 : index
    %get3A_87 = vector.load %arg14[%get3A_85, %get3A_86] : memref<4x256xf32, #tpu.memory_space<vmem>>, vector<1x256xf32>
    %reduce_sum3A = arith.constant dense<0.000000e+00> : vector<256xf32>
    %reduce_sum3A_88 = vector.multi_reduction <add>, %add3A_67, %reduce_sum3A [0] : vector<2000x256xf32> to vector<256xf32>
    %broadcast_in_dim3A = vector.shape_cast %reduce_sum3A_88 : vector<256xf32> to vector<1x256xf32>
    %add3A_89 = arith.addf %get3A_87, %broadcast_in_dim3A : vector<1x256xf32>
    %swap3A_90 = arith.constant 0 : index
    %swap3A_91 = arith.constant 0 : index
    %swap3A_92 = vector.load %arg14[%swap3A_90, %swap3A_91] : memref<4x256xf32, #tpu.memory_space<vmem>>, vector<1x256xf32>
    tpu.vector_store %arg14[%swap3A_90, %swap3A_91], %add3A_89 {strides = array<i32>} : memref<4x256xf32, #tpu.memory_space<vmem>>, vector<1x256xf32>,
    %get3A_93 = arith.constant 1 : index
    %get3A_94 = arith.constant 0 : index
    %get3A_95 = vector.load %arg14[%get3A_93, %get3A_94] : memref<4x256xf32, #tpu.memory_space<vmem>>, vector<1x256xf32>
    %mul3A_96 = arith.mulf %add3A_67, %add3A_67 : vector<2000x256xf32>
    %reduce_sum3A_97 = arith.constant dense<0.000000e+00> : vector<256xf32>
    %reduce_sum3A_98 = vector.multi_reduction <add>, %mul3A_96, %reduce_sum3A_97 [0] : vector<2000x256xf32> to vector<256xf32>
    %broadcast_in_dim3A_99 = vector.shape_cast %reduce_sum3A_98 : vector<256xf32> to vector<1x256xf32>
    %add3A_100 = arith.addf %get3A_95, %broadcast_in_dim3A_99 : vector<1x256xf32>
    %swap3A_101 = arith.constant 1 : index
    %swap3A_102 = arith.constant 0 : index
    %swap3A_103 = vector.load %arg14[%swap3A_101, %swap3A_102] : memref<4x256xf32, #tpu.memory_space<vmem>>, vector<1x256xf32>
    tpu.vector_store %arg14[%swap3A_101, %swap3A_102], %add3A_100 {strides = array<i32>} : memref<4x256xf32, #tpu.memory_space<vmem>>, vector<1x256xf32>,
    %get3A_104 = arith.constant 2 : index
    %get3A_105 = arith.constant 0 : index
    %get3A_106 = vector.load %arg14[%get3A_104, %get3A_105] : memref<4x256xf32, #tpu.memory_space<vmem>>, vector<1x256xf32>
    %reduce_sum3A_107 = arith.constant dense<0.000000e+00> : vector<256xf32>
    %reduce_sum3A_108 = vector.multi_reduction <add>, %add3A_77, %reduce_sum3A_107 [0] : vector<2000x256xf32> to vector<256xf32>
    %broadcast_in_dim3A_109 = vector.shape_cast %reduce_sum3A_108 : vector<256xf32> to vector<1x256xf32>
    %add3A_110 = arith.addf %get3A_106, %broadcast_in_dim3A_109 : vector<1x256xf32>
    %swap3A_111 = arith.constant 2 : index
    %swap3A_112 = arith.constant 0 : index
    %swap3A_113 = vector.load %arg14[%swap3A_111, %swap3A_112] : memref<4x256xf32, #tpu.memory_space<vmem>>, vector<1x256xf32>
    tpu.vector_store %arg14[%swap3A_111, %swap3A_112], %add3A_110 {strides = array<i32>} : memref<4x256xf32, #tpu.memory_space<vmem>>, vector<1x256xf32>,
    %get3A_114 = arith.constant 3 : index
    %get3A_115 = arith.constant 0 : index
    %get3A_116 = vector.load %arg14[%get3A_114, %get3A_115] : memref<4x256xf32, #tpu.memory_space<vmem>>, vector<1x256xf32>
    %mul3A_117 = arith.mulf %add3A_77, %add3A_77 : vector<2000x256xf32>
    %reduce_sum3A_118 = arith.constant dense<0.000000e+00> : vector<256xf32>
    %reduce_sum3A_119 = vector.multi_reduction <add>, %mul3A_117, %reduce_sum3A_118 [0] : vector<2000x256xf32> to vector<256xf32>
    %broadcast_in_dim3A_120 = vector.shape_cast %reduce_sum3A_119 : vector<256xf32> to vector<1x256xf32>
    %add3A_121 = arith.addf %get3A_116, %broadcast_in_dim3A_120 : vector<1x256xf32>
    %swap3A_122 = arith.constant 3 : index
    %swap3A_123 = arith.constant 0 : index
    %swap3A_124 = vector.load %arg14[%swap3A_122, %swap3A_123] : memref<4x256xf32, #tpu.memory_space<vmem>>, vector<1x256xf32>
    tpu.vector_store %arg14[%swap3A_122, %swap3A_123], %add3A_121 {strides = array<i32>} : memref<4x256xf32, #tpu.memory_space<vmem>>, vector<1x256xf32>,
    return
  }
  func.func @transform_0(%arg0: i32) -> (i32, i32) {
    %c0_i32 = arith.constant 0 : i32
    %c0_i32_0 = arith.constant 0 : i32
    return %arg0, %c0_i32 : i32, i32
  }
  func.func @transform_1(%arg0: i32) -> (i32, i32) {
    %c0_i32 = arith.constant 0 : i32
    %c0_i32_0 = arith.constant 0 : i32
    return %arg0, %c0_i32 : i32, i32
  }
  func.func @transform_2(%arg0: i32) -> (i32, i32) {
    %c0_i32 = arith.constant 0 : i32
    %c0_i32_0 = arith.constant 0 : i32
    %c0_i32_1 = arith.constant 0 : i32
    return %c0_i32, %c0_i32_0 : i32, i32
  }
  func.func @transform_3(%arg0: i32) -> (i32, i32) {
    %c0_i32 = arith.constant 0 : i32
    %c0_i32_0 = arith.constant 0 : i32
    %c0_i32_1 = arith.constant 0 : i32
    return %c0_i32, %c0_i32_0 : i32, i32
  }
  func.func @transform_4(%arg0: i32) -> (i32, i32) {
    %c0_i32 = arith.constant 0 : i32
    %c0_i32_0 = arith.constant 0 : i32
    %c0_i32_1 = arith.constant 0 : i32
    return %c0_i32, %c0_i32_0 : i32, i32
  }
  func.func @transform_5(%arg0: i32) -> (i32, i32) {
    %c0_i32 = arith.constant 0 : i32
    %c0_i32_0 = arith.constant 0 : i32
    %c0_i32_1 = arith.constant 0 : i32
    return %c0_i32, %c0_i32_0 : i32, i32
  }
  func.func @transform_6(%arg0: i32) -> (i32, i32) {
    %c0_i32 = arith.constant 0 : i32
    %c0_i32_0 = arith.constant 0 : i32
    %c0_i32_1 = arith.constant 0 : i32
    return %c0_i32, %c0_i32_0 : i32, i32
  }
  func.func @transform_7(%arg0: i32) -> (i32, i32) {
    %c0_i32 = arith.constant 0 : i32
    %c0_i32_0 = arith.constant 0 : i32
    %c0_i32_1 = arith.constant 0 : i32
    return %c0_i32, %c0_i32_0 : i32, i32
  }
  func.func @transform_8(%arg0: i32) -> (i32, i32) {
    %c0_i32 = arith.constant 0 : i32
    %c0_i32_0 = arith.constant 0 : i32
    %c0_i32_1 = arith.constant 0 : i32
    return %c0_i32, %c0_i32_0 : i32, i32
  }
  func.func @transform_9(%arg0: i32) -> (i32, i32) {
    %c0_i32 = arith.constant 0 : i32
    %c0_i32_0 = arith.constant 0 : i32
    %c0_i32_1 = arith.constant 0 : i32
    return %c0_i32, %c0_i32_0 : i32, i32
  }
  func.func @transform_10(%arg0: i32) -> (i32, i32) {
    %c0_i32 = arith.constant 0 : i32
    %c0_i32_0 = arith.constant 0 : i32
    %c0_i32_1 = arith.constant 0 : i32
    return %c0_i32, %c0_i32_0 : i32, i32
  }
  func.func @transform_11(%arg0: i32) -> (i32, i32) {
    %c0_i32 = arith.constant 0 : i32
    %c0_i32_0 = arith.constant 0 : i32
    return %arg0, %c0_i32 : i32, i32
  }
  func.func @transform_12(%arg0: i32) -> (i32, i32) {
    %c0_i32 = arith.constant 0 : i32
    %c0_i32_0 = arith.constant 0 : i32
    return %arg0, %c0_i32 : i32, i32
  }
  func.func @transform_13(%arg0: i32) -> (i32, i32) {
    %c0_i32 = arith.constant 0 : i32
    %c0_i32_0 = arith.constant 0 : i32
    %c0_i32_1 = arith.constant 0 : i32
    return %c0_i32, %c0_i32_0 : i32, i32
  }
}

module attributes {stable_mosaic.version = 14 : i64} {
  func.func @_k3_body(%arg0: i32, %arg1: memref<2000x256xf32, #tpu.memory_space<vmem>>, %arg2: memref<2000x256xf32, #tpu.memory_space<vmem>>, %arg3: memref<4x256xf32, #tpu.memory_space<vmem>>, %arg4: memref<1x256xf32, #tpu.memory_space<vmem>>, %arg5: memref<1x256xf32, #tpu.memory_space<vmem>>, %arg6: memref<1x256xf32, #tpu.memory_space<vmem>>, %arg7: memref<1x256xf32, #tpu.memory_space<vmem>>, %arg8: memref<256x256xf32, #tpu.memory_space<vmem>>, %arg9: memref<1x256xf32, #tpu.memory_space<vmem>>, %arg10: memref<256x256xf32, #tpu.memory_space<vmem>>, %arg11: memref<1x256xf32, #tpu.memory_space<vmem>>, %arg12: memref<2x2000x128xf32, #tpu.memory_space<vmem>>) attributes {dimension_semantics = [#tpu.dimension_semantics<arbitrary>], iteration_bounds = array<i64: 5>, scalar_prefetch = 0 : i64, scratch_operands = 0 : i64, tpu.core_type = #tpu.core_type<tc>, window_params = [{transform_indices = @transform_0, window_bounds = array<i64: 2000, 256>}, {transform_indices = @transform_1, window_bounds = array<i64: 2000, 256>}, {pipeline_mode = #tpu.pipeline_mode<synchronous>, transform_indices = @transform_2, window_bounds = array<i64: 4, 256>}, {pipeline_mode = #tpu.pipeline_mode<synchronous>, transform_indices = @transform_3, window_bounds = array<i64: 1, 256>}, {pipeline_mode = #tpu.pipeline_mode<synchronous>, transform_indices = @transform_4, window_bounds = array<i64: 1, 256>}, {pipeline_mode = #tpu.pipeline_mode<synchronous>, transform_indices = @transform_5, window_bounds = array<i64: 1, 256>}, {pipeline_mode = #tpu.pipeline_mode<synchronous>, transform_indices = @transform_6, window_bounds = array<i64: 1, 256>}, {pipeline_mode = #tpu.pipeline_mode<synchronous>, transform_indices = @transform_7, window_bounds = array<i64: 256, 256>}, {pipeline_mode = #tpu.pipeline_mode<synchronous>, transform_indices = @transform_8, window_bounds = array<i64: 1, 256>}, {pipeline_mode = #tpu.pipeline_mode<synchronous>, transform_indices = @transform_9, window_bounds = array<i64: 256, 256>}, {pipeline_mode = #tpu.pipeline_mode<synchronous>, transform_indices = @transform_10, window_bounds = array<i64: 1, 256>}, {transform_indices = @transform_11, window_bounds = array<i64: 2, 2000, 128>}]} {
    %get3A = arith.constant 0 : index
    %get3A_0 = arith.constant 0 : index
    %get3A_1 = vector.load %arg3[%get3A, %get3A_0] : memref<4x256xf32, #tpu.memory_space<vmem>>, vector<4x256xf32>
    %get3A_2 = arith.constant 0 : index
    %get3A_3 = arith.constant 0 : index
    %get3A_4 = vector.load %arg1[%get3A_2, %get3A_3] : memref<2000x256xf32, #tpu.memory_space<vmem>>, vector<2000x256xf32>
    %get3A_5 = arith.constant 0 : index
    %get3A_6 = arith.constant 0 : index
    %get3A_7 = vector.load %arg4[%get3A_5, %get3A_6] : memref<1x256xf32, #tpu.memory_space<vmem>>, vector<1x256xf32>
    %get3A_8 = arith.constant 0 : index
    %get3A_9 = arith.constant 0 : index
    %get3A_10 = vector.load %arg5[%get3A_8, %get3A_9] : memref<1x256xf32, #tpu.memory_space<vmem>>, vector<1x256xf32>
    %slice3A = vector.extract_strided_slice %get3A_1 {offsets = [0, 0], sizes = [1, 256], strides = [1, 1]} : vector<4x256xf32> to vector<1x256xf32>
    %mul3A = arith.constant 9.99999974E-5 : f32
    %mul3A_11 = vector.broadcast %mul3A : f32 to vector<1x256xf32>
    %mul3A_12 = arith.mulf %slice3A, %mul3A_11 : vector<1x256xf32>
    %slice3A_13 = vector.extract_strided_slice %get3A_1 {offsets = [1, 0], sizes = [1, 256], strides = [1, 1]} : vector<4x256xf32> to vector<1x256xf32>
    %mul3A_14 = arith.constant 9.99999974E-5 : f32
    %mul3A_15 = vector.broadcast %mul3A_14 : f32 to vector<1x256xf32>
    %mul3A_16 = arith.mulf %slice3A_13, %mul3A_15 : vector<1x256xf32>
    %mul3A_17 = arith.mulf %mul3A_12, %mul3A_12 : vector<1x256xf32>
    %sub3A = arith.subf %mul3A_16, %mul3A_17 : vector<1x256xf32>
    %sub3A_18 = vector.broadcast %mul3A_12 : vector<1x256xf32> to vector<2000x256xf32>
    %sub3A_19 = arith.subf %get3A_4, %sub3A_18 : vector<2000x256xf32>
    %mul3A_20 = vector.broadcast %get3A_7 : vector<1x256xf32> to vector<2000x256xf32>
    %mul3A_21 = arith.mulf %mul3A_20, %sub3A_19 : vector<2000x256xf32>
    %add3A = arith.constant 9.99999974E-6 : f32
    %add3A_22 = vector.broadcast %add3A : f32 to vector<1x256xf32>
    %add3A_23 = arith.addf %sub3A, %add3A_22 : vector<1x256xf32>
    %rsqrt3A = math.rsqrt %add3A_23 : vector<1x256xf32>
    %mul3A_24 = vector.broadcast %rsqrt3A : vector<1x256xf32> to vector<2000x256xf32>
    %mul3A_25 = arith.mulf %mul3A_21, %mul3A_24 : vector<2000x256xf32>
    %add3A_26 = vector.broadcast %get3A_10 : vector<1x256xf32> to vector<2000x256xf32>
    %add3A_27 = arith.addf %mul3A_25, %add3A_26 : vector<2000x256xf32>
    %get3A_28 = arith.constant 0 : index
    %get3A_29 = arith.constant 0 : index
    %get3A_30 = vector.load %arg2[%get3A_28, %get3A_29] : memref<2000x256xf32, #tpu.memory_space<vmem>>, vector<2000x256xf32>
    %get3A_31 = arith.constant 0 : index
    %get3A_32 = arith.constant 0 : index
    %get3A_33 = vector.load %arg6[%get3A_31, %get3A_32] : memref<1x256xf32, #tpu.memory_space<vmem>>, vector<1x256xf32>
    %get3A_34 = arith.constant 0 : index
    %get3A_35 = arith.constant 0 : index
    %get3A_36 = vector.load %arg7[%get3A_34, %get3A_35] : memref<1x256xf32, #tpu.memory_space<vmem>>, vector<1x256xf32>
    %slice3A_37 = vector.extract_strided_slice %get3A_1 {offsets = [2, 0], sizes = [1, 256], strides = [1, 1]} : vector<4x256xf32> to vector<1x256xf32>
    %mul3A_38 = arith.constant 9.99999974E-5 : f32
    %mul3A_39 = vector.broadcast %mul3A_38 : f32 to vector<1x256xf32>
    %mul3A_40 = arith.mulf %slice3A_37, %mul3A_39 : vector<1x256xf32>
    %slice3A_41 = vector.extract_strided_slice %get3A_1 {offsets = [3, 0], sizes = [1, 256], strides = [1, 1]} : vector<4x256xf32> to vector<1x256xf32>
    %mul3A_42 = arith.constant 9.99999974E-5 : f32
    %mul3A_43 = vector.broadcast %mul3A_42 : f32 to vector<1x256xf32>
    %mul3A_44 = arith.mulf %slice3A_41, %mul3A_43 : vector<1x256xf32>
    %mul3A_45 = arith.mulf %mul3A_40, %mul3A_40 : vector<1x256xf32>
    %sub3A_46 = arith.subf %mul3A_44, %mul3A_45 : vector<1x256xf32>
    %sub3A_47 = vector.broadcast %mul3A_40 : vector<1x256xf32> to vector<2000x256xf32>
    %sub3A_48 = arith.subf %get3A_30, %sub3A_47 : vector<2000x256xf32>
    %mul3A_49 = vector.broadcast %get3A_33 : vector<1x256xf32> to vector<2000x256xf32>
    %mul3A_50 = arith.mulf %mul3A_49, %sub3A_48 : vector<2000x256xf32>
    %add3A_51 = arith.constant 9.99999974E-6 : f32
    %add3A_52 = vector.broadcast %add3A_51 : f32 to vector<1x256xf32>
    %add3A_53 = arith.addf %sub3A_46, %add3A_52 : vector<1x256xf32>
    %rsqrt3A_54 = math.rsqrt %add3A_53 : vector<1x256xf32>
    %mul3A_55 = vector.broadcast %rsqrt3A_54 : vector<1x256xf32> to vector<2000x256xf32>
    %mul3A_56 = arith.mulf %mul3A_50, %mul3A_55 : vector<2000x256xf32>
    %add3A_57 = vector.broadcast %get3A_36 : vector<1x256xf32> to vector<2000x256xf32>
    %add3A_58 = arith.addf %mul3A_56, %add3A_57 : vector<2000x256xf32>
    %get3A_59 = arith.constant 0 : index
    %get3A_60 = arith.constant 0 : index
    %get3A_61 = vector.load %arg8[%get3A_59, %get3A_60] : memref<256x256xf32, #tpu.memory_space<vmem>>, vector<256x256xf32>
    %dot_general3A = arith.constant dense<0.000000e+00> : vector<2000x256xf32>
    %dot_general3A_62 = tpu.matmul %add3A_27, %get3A_61, %dot_general3A {dimension_numbers = #tpu.dot_dimension_numbers<[1], [0], [0], [1], [0, 0, 1, 1], [], []>, transpose_lhs_hint = false} : vector<2000x256xf32>, vector<256x256xf32>, vector<2000x256xf32> -> vector<2000x256xf32>
    %get3A_63 = arith.constant 0 : index
    %get3A_64 = arith.constant 0 : index
    %get3A_65 = vector.load %arg9[%get3A_63, %get3A_64] : memref<1x256xf32, #tpu.memory_space<vmem>>, vector<1x256xf32>
    %add3A_66 = vector.broadcast %get3A_65 : vector<1x256xf32> to vector<2000x256xf32>
    %add3A_67 = arith.addf %dot_general3A_62, %add3A_66 : vector<2000x256xf32>
    %get3A_68 = arith.constant 0 : index
    %get3A_69 = arith.constant 0 : index
    %get3A_70 = vector.load %arg10[%get3A_68, %get3A_69] : memref<256x256xf32, #tpu.memory_space<vmem>>, vector<256x256xf32>
    %dot_general3A_71 = arith.constant dense<0.000000e+00> : vector<2000x256xf32>
    %dot_general3A_72 = tpu.matmul %add3A_58, %get3A_70, %dot_general3A_71 {dimension_numbers = #tpu.dot_dimension_numbers<[1], [0], [0], [1], [0, 0, 1, 1], [], []>, transpose_lhs_hint = false} : vector<2000x256xf32>, vector<256x256xf32>, vector<2000x256xf32> -> vector<2000x256xf32>
    %get3A_73 = arith.constant 0 : index
    %get3A_74 = arith.constant 0 : index
    %get3A_75 = vector.load %arg11[%get3A_73, %get3A_74] : memref<1x256xf32, #tpu.memory_space<vmem>>, vector<1x256xf32>
    %add3A_76 = vector.broadcast %get3A_75 : vector<1x256xf32> to vector<2000x256xf32>
    %add3A_77 = arith.addf %dot_general3A_72, %add3A_76 : vector<2000x256xf32>
    %add3A_78 = arith.addf %add3A_67, %add3A_77 : vector<2000x256xf32>
    %mul3A_79 = arith.constant 5.000000e-01 : f32
    %mul3A_80 = vector.broadcast %mul3A_79 : f32 to vector<2000x256xf32>
    %mul3A_81 = arith.mulf %add3A_78, %mul3A_80 : vector<2000x256xf32>
    %slice3A_82 = vector.extract_strided_slice %mul3A_81 {offsets = [0, 0], sizes = [2000, 128], strides = [1, 1]} : vector<2000x256xf32> to vector<2000x128xf32>
    %swap3A = arith.constant 0 : index
    %swap3A_83 = arith.constant 0 : index
    %swap3A_84 = arith.constant 0 : index
    %swap3A_85 = vector.load %arg12[%swap3A, %swap3A_83, %swap3A_84] : memref<2x2000x128xf32, #tpu.memory_space<vmem>>, vector<1x2000x128xf32>
    %swap3A_86 = vector.shape_cast %swap3A_85 : vector<1x2000x128xf32> to vector<2000x128xf32>
    %swap3A_87 = vector.shape_cast %slice3A_82 : vector<2000x128xf32> to vector<1x2000x128xf32>
    tpu.vector_store %arg12[%swap3A, %swap3A_83, %swap3A_84], %swap3A_87 {strides = array<i32>} : memref<2x2000x128xf32, #tpu.memory_space<vmem>>, vector<1x2000x128xf32>,
    %slice3A_88 = vector.extract_strided_slice %mul3A_81 {offsets = [0, 128], sizes = [2000, 128], strides = [1, 1]} : vector<2000x256xf32> to vector<2000x128xf32>
    %swap3A_89 = arith.constant 1 : index
    %swap3A_90 = arith.constant 0 : index
    %swap3A_91 = arith.constant 0 : index
    %swap3A_92 = vector.load %arg12[%swap3A_89, %swap3A_90, %swap3A_91] : memref<2x2000x128xf32, #tpu.memory_space<vmem>>, vector<1x2000x128xf32>
    %swap3A_93 = vector.shape_cast %swap3A_92 : vector<1x2000x128xf32> to vector<2000x128xf32>
    %swap3A_94 = vector.shape_cast %slice3A_88 : vector<2000x128xf32> to vector<1x2000x128xf32>
    tpu.vector_store %arg12[%swap3A_89, %swap3A_90, %swap3A_91], %swap3A_94 {strides = array<i32>} : memref<2x2000x128xf32, #tpu.memory_space<vmem>>, vector<1x2000x128xf32>,
    return
  }
  func.func @transform_0(%arg0: i32) -> (i32, i32) {
    %c0_i32 = arith.constant 0 : i32
    %c0_i32_0 = arith.constant 0 : i32
    return %arg0, %c0_i32 : i32, i32
  }
  func.func @transform_1(%arg0: i32) -> (i32, i32) {
    %c0_i32 = arith.constant 0 : i32
    %c0_i32_0 = arith.constant 0 : i32
    return %arg0, %c0_i32 : i32, i32
  }
  func.func @transform_2(%arg0: i32) -> (i32, i32) {
    %c0_i32 = arith.constant 0 : i32
    %c0_i32_0 = arith.constant 0 : i32
    %c0_i32_1 = arith.constant 0 : i32
    return %c0_i32, %c0_i32_0 : i32, i32
  }
  func.func @transform_3(%arg0: i32) -> (i32, i32) {
    %c0_i32 = arith.constant 0 : i32
    %c0_i32_0 = arith.constant 0 : i32
    %c0_i32_1 = arith.constant 0 : i32
    return %c0_i32, %c0_i32_0 : i32, i32
  }
  func.func @transform_4(%arg0: i32) -> (i32, i32) {
    %c0_i32 = arith.constant 0 : i32
    %c0_i32_0 = arith.constant 0 : i32
    %c0_i32_1 = arith.constant 0 : i32
    return %c0_i32, %c0_i32_0 : i32, i32
  }
  func.func @transform_5(%arg0: i32) -> (i32, i32) {
    %c0_i32 = arith.constant 0 : i32
    %c0_i32_0 = arith.constant 0 : i32
    %c0_i32_1 = arith.constant 0 : i32
    return %c0_i32, %c0_i32_0 : i32, i32
  }
  func.func @transform_6(%arg0: i32) -> (i32, i32) {
    %c0_i32 = arith.constant 0 : i32
    %c0_i32_0 = arith.constant 0 : i32
    %c0_i32_1 = arith.constant 0 : i32
    return %c0_i32, %c0_i32_0 : i32, i32
  }
  func.func @transform_7(%arg0: i32) -> (i32, i32) {
    %c0_i32 = arith.constant 0 : i32
    %c0_i32_0 = arith.constant 0 : i32
    %c0_i32_1 = arith.constant 0 : i32
    return %c0_i32, %c0_i32_0 : i32, i32
  }
  func.func @transform_8(%arg0: i32) -> (i32, i32) {
    %c0_i32 = arith.constant 0 : i32
    %c0_i32_0 = arith.constant 0 : i32
    %c0_i32_1 = arith.constant 0 : i32
    return %c0_i32, %c0_i32_0 : i32, i32
  }
  func.func @transform_9(%arg0: i32) -> (i32, i32) {
    %c0_i32 = arith.constant 0 : i32
    %c0_i32_0 = arith.constant 0 : i32
    %c0_i32_1 = arith.constant 0 : i32
    return %c0_i32, %c0_i32_0 : i32, i32
  }
  func.func @transform_10(%arg0: i32) -> (i32, i32) {
    %c0_i32 = arith.constant 0 : i32
    %c0_i32_0 = arith.constant 0 : i32
    %c0_i32_1 = arith.constant 0 : i32
    return %c0_i32, %c0_i32_0 : i32, i32
  }
  func.func @transform_11(%arg0: i32) -> (i32, i32, i32) {
    %c0_i32 = arith.constant 0 : i32
    %c0_i32_0 = arith.constant 0 : i32
    %c0_i32_1 = arith.constant 0 : i32
    return %c0_i32, %arg0, %c0_i32_0 : i32, i32, i32
  }
}

module attributes {stable_mosaic.version = 14 : i64} {
  func.func @_k4_body(%arg0: i32, %arg1: memref<2x2000x128xf32, #tpu.memory_space<vmem>>, %arg2: memref<2x2000x128xf32, #tpu.memory_space<vmem>>, %arg3: memref<1x2000x128xf32, #tpu.memory_space<vmem>>, %arg4: memref<128x256xf32, #tpu.memory_space<vmem>>, %arg5: memref<128x256xf32, #tpu.memory_space<vmem>>, %arg6: memref<128x256xf32, #tpu.memory_space<vmem>>, %arg7: memref<128x256xf32, #tpu.memory_space<vmem>>, %arg8: memref<1x256xf32, #tpu.memory_space<vmem>>, %arg9: memref<2000x256xf32, #tpu.memory_space<vmem>>, %arg10: memref<2x256xf32, #tpu.memory_space<vmem>>) attributes {dimension_semantics = [#tpu.dimension_semantics<arbitrary>], iteration_bounds = array<i64: 5>, scalar_prefetch = 0 : i64, scratch_operands = 0 : i64, tpu.core_type = #tpu.core_type<tc>, window_params = [{transform_indices = @transform_0, window_bounds = array<i64: 2, 2000, 128>}, {transform_indices = @transform_1, window_bounds = array<i64: 2, 2000, 128>}, {transform_indices = @transform_2, window_bounds = array<i64: 1, 2000, 128>}, {pipeline_mode = #tpu.pipeline_mode<synchronous>, transform_indices = @transform_3, window_bounds = array<i64: 128, 256>}, {pipeline_mode = #tpu.pipeline_mode<synchronous>, transform_indices = @transform_4, window_bounds = array<i64: 128, 256>}, {pipeline_mode = #tpu.pipeline_mode<synchronous>, transform_indices = @transform_5, window_bounds = array<i64: 128, 256>}, {pipeline_mode = #tpu.pipeline_mode<synchronous>, transform_indices = @transform_6, window_bounds = array<i64: 128, 256>}, {pipeline_mode = #tpu.pipeline_mode<synchronous>, transform_indices = @transform_7, window_bounds = array<i64: 1, 256>}, {transform_indices = @transform_8, window_bounds = array<i64: 2000, 256>}, {pipeline_mode = #tpu.pipeline_mode<synchronous>, transform_indices = @transform_9, window_bounds = array<i64: 2, 256>}]} {
    %get3A = arith.constant 0 : index
    %get3A_0 = arith.constant 0 : index
    %get3A_1 = arith.constant 0 : index
    %get3A_2 = vector.load %arg3[%get3A, %get3A_0, %get3A_1] : memref<1x2000x128xf32, #tpu.memory_space<vmem>>, vector<1x2000x128xf32>
    %get3A_3 = vector.shape_cast %get3A_2 : vector<1x2000x128xf32> to vector<2000x128xf32>
    %max3A = arith.constant 1.000000e+00 : f32
    %max3A_4 = vector.broadcast %max3A : f32 to vector<2000x128xf32>
    %max3A_5 = arith.maximumf %get3A_3, %max3A_4 : vector<2000x128xf32>
    %div3A = arith.constant 1.000000e+00 : f32
    %div3A_6 = vector.broadcast %div3A : f32 to vector<2000x128xf32>
    %div3A_7 = arith.divf %div3A_6, %max3A_5 : vector<2000x128xf32>
    %get3A_8 = arith.constant 0 : index
    %get3A_9 = arith.constant 0 : index
    %get3A_10 = arith.constant 0 : index
    %get3A_11 = vector.load %arg2[%get3A_8, %get3A_9, %get3A_10] : memref<2x2000x128xf32, #tpu.memory_space<vmem>>, vector<1x2000x128xf32>
    %get3A_12 = vector.shape_cast %get3A_11 : vector<1x2000x128xf32> to vector<2000x128xf32>
    %mul3A = arith.mulf %get3A_12, %div3A_7 : vector<2000x128xf32>
    %get3A_13 = arith.constant 1 : index
    %get3A_14 = arith.constant 0 : index
    %get3A_15 = arith.constant 0 : index
    %get3A_16 = vector.load %arg2[%get3A_13, %get3A_14, %get3A_15] : memref<2x2000x128xf32, #tpu.memory_space<vmem>>, vector<1x2000x128xf32>
    %get3A_17 = vector.shape_cast %get3A_16 : vector<1x2000x128xf32> to vector<2000x128xf32>
    %mul3A_18 = arith.mulf %get3A_17, %div3A_7 : vector<2000x128xf32>
    %get3A_19 = arith.constant 0 : index
    %get3A_20 = arith.constant 0 : index
    %get3A_21 = arith.constant 0 : index
    %get3A_22 = vector.load %arg1[%get3A_19, %get3A_20, %get3A_21] : memref<2x2000x128xf32, #tpu.memory_space<vmem>>, vector<1x2000x128xf32>
    %get3A_23 = vector.shape_cast %get3A_22 : vector<1x2000x128xf32> to vector<2000x128xf32>
    %get3A_24 = arith.constant 0 : index
    %get3A_25 = arith.constant 0 : index
    %get3A_26 = vector.load %arg4[%get3A_24, %get3A_25] : memref<128x256xf32, #tpu.memory_space<vmem>>, vector<128x256xf32>
    %dot_general3A = arith.constant dense<0.000000e+00> : vector<2000x256xf32>
    %dot_general3A_27 = tpu.matmul %get3A_23, %get3A_26, %dot_general3A {dimension_numbers = #tpu.dot_dimension_numbers<[1], [0], [0], [1], [0, 0, 1, 1], [], []>, transpose_lhs_hint = false} : vector<2000x128xf32>, vector<128x256xf32>, vector<2000x256xf32> -> vector<2000x256xf32>
    %get3A_28 = arith.constant 1 : index
    %get3A_29 = arith.constant 0 : index
    %get3A_30 = arith.constant 0 : index
    %get3A_31 = vector.load %arg1[%get3A_28, %get3A_29, %get3A_30] : memref<2x2000x128xf32, #tpu.memory_space<vmem>>, vector<1x2000x128xf32>
    %get3A_32 = vector.shape_cast %get3A_31 : vector<1x2000x128xf32> to vector<2000x128xf32>
    %get3A_33 = arith.constant 0 : index
    %get3A_34 = arith.constant 0 : index
    %get3A_35 = vector.load %arg5[%get3A_33, %get3A_34] : memref<128x256xf32, #tpu.memory_space<vmem>>, vector<128x256xf32>
    %dot_general3A_36 = arith.constant dense<0.000000e+00> : vector<2000x256xf32>
    %dot_general3A_37 = tpu.matmul %get3A_32, %get3A_35, %dot_general3A_36 {dimension_numbers = #tpu.dot_dimension_numbers<[1], [0], [0], [1], [0, 0, 1, 1], [], []>, transpose_lhs_hint = false} : vector<2000x128xf32>, vector<128x256xf32>, vector<2000x256xf32> -> vector<2000x256xf32>
    %add3A = arith.addf %dot_general3A_27, %dot_general3A_37 : vector<2000x256xf32>
    %get3A_38 = arith.constant 0 : index
    %get3A_39 = arith.constant 0 : index
    %get3A_40 = vector.load %arg6[%get3A_38, %get3A_39] : memref<128x256xf32, #tpu.memory_space<vmem>>, vector<128x256xf32>
    %dot_general3A_41 = arith.constant dense<0.000000e+00> : vector<2000x256xf32>
    %dot_general3A_42 = tpu.matmul %mul3A, %get3A_40, %dot_general3A_41 {dimension_numbers = #tpu.dot_dimension_numbers<[1], [0], [0], [1], [0, 0, 1, 1], [], []>, transpose_lhs_hint = false} : vector<2000x128xf32>, vector<128x256xf32>, vector<2000x256xf32> -> vector<2000x256xf32>
    %add3A_43 = arith.addf %add3A, %dot_general3A_42 : vector<2000x256xf32>
    %get3A_44 = arith.constant 0 : index
    %get3A_45 = arith.constant 0 : index
    %get3A_46 = vector.load %arg7[%get3A_44, %get3A_45] : memref<128x256xf32, #tpu.memory_space<vmem>>, vector<128x256xf32>
    %dot_general3A_47 = arith.constant dense<0.000000e+00> : vector<2000x256xf32>
    %dot_general3A_48 = tpu.matmul %mul3A_18, %get3A_46, %dot_general3A_47 {dimension_numbers = #tpu.dot_dimension_numbers<[1], [0], [0], [1], [0, 0, 1, 1], [], []>, transpose_lhs_hint = false} : vector<2000x128xf32>, vector<128x256xf32>, vector<2000x256xf32> -> vector<2000x256xf32>
    %add3A_49 = arith.addf %add3A_43, %dot_general3A_48 : vector<2000x256xf32>
    %get3A_50 = arith.constant 0 : index
    %get3A_51 = arith.constant 0 : index
    %get3A_52 = vector.load %arg8[%get3A_50, %get3A_51] : memref<1x256xf32, #tpu.memory_space<vmem>>, vector<1x256xf32>
    %add3A_53 = vector.broadcast %get3A_52 : vector<1x256xf32> to vector<2000x256xf32>
    %add3A_54 = arith.addf %add3A_49, %add3A_53 : vector<2000x256xf32>
    %max3A_55 = arith.constant 0.000000e+00 : f32
    %max3A_56 = vector.broadcast %max3A_55 : f32 to vector<2000x256xf32>
    %max3A_57 = arith.maximumf %add3A_54, %max3A_56 : vector<2000x256xf32>
    %swap3A = arith.constant 0 : index
    %swap3A_58 = arith.constant 0 : index
    %swap3A_59 = vector.load %arg9[%swap3A, %swap3A_58] : memref<2000x256xf32, #tpu.memory_space<vmem>>, vector<2000x256xf32>
    tpu.vector_store %arg9[%swap3A, %swap3A_58], %max3A_57 {strides = array<i32>} : memref<2000x256xf32, #tpu.memory_space<vmem>>, vector<2000x256xf32>,
    %eq3A = arith.constant 0 : i32
    %eq3A_60 = arith.cmpi eq, %arg0, %eq3A : i32
    %convert_element_type3A = arith.extui %eq3A_60 : i1 to i32
    %cond3A = arith.constant 0 : i32
    %cond3A_61 = arith.cmpi ne, %convert_element_type3A, %cond3A : i32
    scf.if %cond3A_61 {
      %broadcast_in_dim3A_81 = arith.constant 0.000000e+00 : f32
      %broadcast_in_dim3A_82 = vector.broadcast %broadcast_in_dim3A_81 : f32 to vector<2x256xf32>
      %swap3A_83 = arith.constant 0 : index
      %swap3A_84 = arith.constant 0 : index
      %swap3A_85 = vector.load %arg10[%swap3A_83, %swap3A_84] : memref<2x256xf32, #tpu.memory_space<vmem>>, vector<2x256xf32>
      tpu.vector_store %arg10[%swap3A_83, %swap3A_84], %broadcast_in_dim3A_82 {strides = array<i32>} : memref<2x256xf32, #tpu.memory_space<vmem>>, vector<2x256xf32>,
    } else {
    }
    %get3A_62 = arith.constant 0 : index
    %get3A_63 = arith.constant 0 : index
    %get3A_64 = vector.load %arg10[%get3A_62, %get3A_63] : memref<2x256xf32, #tpu.memory_space<vmem>>, vector<1x256xf32>
    %reduce_sum3A = arith.constant dense<0.000000e+00> : vector<256xf32>
    %reduce_sum3A_65 = vector.multi_reduction <add>, %max3A_57, %reduce_sum3A [0] : vector<2000x256xf32> to vector<256xf32>
    %broadcast_in_dim3A = vector.shape_cast %reduce_sum3A_65 : vector<256xf32> to vector<1x256xf32>
    %add3A_66 = arith.addf %get3A_64, %broadcast_in_dim3A : vector<1x256xf32>
    %swap3A_67 = arith.constant 0 : index
    %swap3A_68 = arith.constant 0 : index
    %swap3A_69 = vector.load %arg10[%swap3A_67, %swap3A_68] : memref<2x256xf32, #tpu.memory_space<vmem>>, vector<1x256xf32>
    tpu.vector_store %arg10[%swap3A_67, %swap3A_68], %add3A_66 {strides = array<i32>} : memref<2x256xf32, #tpu.memory_space<vmem>>, vector<1x256xf32>,
    %get3A_70 = arith.constant 1 : index
    %get3A_71 = arith.constant 0 : index
    %get3A_72 = vector.load %arg10[%get3A_70, %get3A_71] : memref<2x256xf32, #tpu.memory_space<vmem>>, vector<1x256xf32>
    %mul3A_73 = arith.mulf %max3A_57, %max3A_57 : vector<2000x256xf32>
    %reduce_sum3A_74 = arith.constant dense<0.000000e+00> : vector<256xf32>
    %reduce_sum3A_75 = vector.multi_reduction <add>, %mul3A_73, %reduce_sum3A_74 [0] : vector<2000x256xf32> to vector<256xf32>
    %broadcast_in_dim3A_76 = vector.shape_cast %reduce_sum3A_75 : vector<256xf32> to vector<1x256xf32>
    %add3A_77 = arith.addf %get3A_72, %broadcast_in_dim3A_76 : vector<1x256xf32>
    %swap3A_78 = arith.constant 1 : index
    %swap3A_79 = arith.constant 0 : index
    %swap3A_80 = vector.load %arg10[%swap3A_78, %swap3A_79] : memref<2x256xf32, #tpu.memory_space<vmem>>, vector<1x256xf32>
    tpu.vector_store %arg10[%swap3A_78, %swap3A_79], %add3A_77 {strides = array<i32>} : memref<2x256xf32, #tpu.memory_space<vmem>>, vector<1x256xf32>,
    return
  }
  func.func @transform_0(%arg0: i32) -> (i32, i32, i32) {
    %c0_i32 = arith.constant 0 : i32
    %c0_i32_0 = arith.constant 0 : i32
    %c0_i32_1 = arith.constant 0 : i32
    return %c0_i32, %arg0, %c0_i32_0 : i32, i32, i32
  }
  func.func @transform_1(%arg0: i32) -> (i32, i32, i32) {
    %c0_i32 = arith.constant 0 : i32
    %c0_i32_0 = arith.constant 0 : i32
    %c0_i32_1 = arith.constant 0 : i32
    return %c0_i32, %arg0, %c0_i32_0 : i32, i32, i32
  }
  func.func @transform_2(%arg0: i32) -> (i32, i32, i32) {
    %c0_i32 = arith.constant 0 : i32
    %c0_i32_0 = arith.constant 0 : i32
    %c0_i32_1 = arith.constant 0 : i32
    return %c0_i32, %arg0, %c0_i32_0 : i32, i32, i32
  }
  func.func @transform_3(%arg0: i32) -> (i32, i32) {
    %c0_i32 = arith.constant 0 : i32
    %c0_i32_0 = arith.constant 0 : i32
    %c0_i32_1 = arith.constant 0 : i32
    return %c0_i32, %c0_i32_0 : i32, i32
  }
  func.func @transform_4(%arg0: i32) -> (i32, i32) {
    %c0_i32 = arith.constant 0 : i32
    %c0_i32_0 = arith.constant 0 : i32
    %c0_i32_1 = arith.constant 0 : i32
    return %c0_i32, %c0_i32_0 : i32, i32
  }
  func.func @transform_5(%arg0: i32) -> (i32, i32) {
    %c0_i32 = arith.constant 0 : i32
    %c0_i32_0 = arith.constant 0 : i32
    %c0_i32_1 = arith.constant 0 : i32
    return %c0_i32, %c0_i32_0 : i32, i32
  }
  func.func @transform_6(%arg0: i32) -> (i32, i32) {
    %c0_i32 = arith.constant 0 : i32
    %c0_i32_0 = arith.constant 0 : i32
    %c0_i32_1 = arith.constant 0 : i32
    return %c0_i32, %c0_i32_0 : i32, i32
  }
  func.func @transform_7(%arg0: i32) -> (i32, i32) {
    %c0_i32 = arith.constant 0 : i32
    %c0_i32_0 = arith.constant 0 : i32
    %c0_i32_1 = arith.constant 0 : i32
    return %c0_i32, %c0_i32_0 : i32, i32
  }
  func.func @transform_8(%arg0: i32) -> (i32, i32) {
    %c0_i32 = arith.constant 0 : i32
    %c0_i32_0 = arith.constant 0 : i32
    return %arg0, %c0_i32 : i32, i32
  }
  func.func @transform_9(%arg0: i32) -> (i32, i32) {
    %c0_i32 = arith.constant 0 : i32
    %c0_i32_0 = arith.constant 0 : i32
    %c0_i32_1 = arith.constant 0 : i32
    return %c0_i32, %c0_i32_0 : i32, i32
  }
}

module attributes {stable_mosaic.version = 14 : i64} {
  func.func @_k5_body(%arg0: i32, %arg1: memref<2000x256xf32, #tpu.memory_space<vmem>>, %arg2: memref<2x256xf32, #tpu.memory_space<vmem>>, %arg3: memref<1x256xf32, #tpu.memory_space<vmem>>, %arg4: memref<1x256xf32, #tpu.memory_space<vmem>>, %arg5: memref<256x16xf32, #tpu.memory_space<vmem>>, %arg6: memref<256x128xf32, #tpu.memory_space<vmem>>, %arg7: memref<1x16xf32, #tpu.memory_space<vmem>>, %arg8: memref<2000x128xf32, #tpu.memory_space<vmem>>, %arg9: memref<2000x16xf32, #tpu.memory_space<vmem>>) attributes {dimension_semantics = [#tpu.dimension_semantics<arbitrary>], iteration_bounds = array<i64: 5>, scalar_prefetch = 0 : i64, scratch_operands = 0 : i64, tpu.core_type = #tpu.core_type<tc>, window_params = [{transform_indices = @transform_0, window_bounds = array<i64: 2000, 256>}, {pipeline_mode = #tpu.pipeline_mode<synchronous>, transform_indices = @transform_1, window_bounds = array<i64: 2, 256>}, {pipeline_mode = #tpu.pipeline_mode<synchronous>, transform_indices = @transform_2, window_bounds = array<i64: 1, 256>}, {pipeline_mode = #tpu.pipeline_mode<synchronous>, transform_indices = @transform_3, window_bounds = array<i64: 1, 256>}, {pipeline_mode = #tpu.pipeline_mode<synchronous>, transform_indices = @transform_4, window_bounds = array<i64: 256, 16>}, {pipeline_mode = #tpu.pipeline_mode<synchronous>, transform_indices = @transform_5, window_bounds = array<i64: 256, 128>}, {pipeline_mode = #tpu.pipeline_mode<synchronous>, transform_indices = @transform_6, window_bounds = array<i64: 1, 16>}, {transform_indices = @transform_7, window_bounds = array<i64: 2000, 128>}, {transform_indices = @transform_8, window_bounds = array<i64: 2000, 16>}]} {
    %get3A = arith.constant 0 : index
    %get3A_0 = arith.constant 0 : index
    %get3A_1 = vector.load %arg2[%get3A, %get3A_0] : memref<2x256xf32, #tpu.memory_space<vmem>>, vector<2x256xf32>
    %get3A_2 = arith.constant 0 : index
    %get3A_3 = arith.constant 0 : index
    %get3A_4 = vector.load %arg1[%get3A_2, %get3A_3] : memref<2000x256xf32, #tpu.memory_space<vmem>>, vector<2000x256xf32>
    %get3A_5 = arith.constant 0 : index
    %get3A_6 = arith.constant 0 : index
    %get3A_7 = vector.load %arg3[%get3A_5, %get3A_6] : memref<1x256xf32, #tpu.memory_space<vmem>>, vector<1x256xf32>
    %get3A_8 = arith.constant 0 : index
    %get3A_9 = arith.constant 0 : index
    %get3A_10 = vector.load %arg4[%get3A_8, %get3A_9] : memref<1x256xf32, #tpu.memory_space<vmem>>, vector<1x256xf32>
    %slice3A = vector.extract_strided_slice %get3A_1 {offsets = [0, 0], sizes = [1, 256], strides = [1, 1]} : vector<2x256xf32> to vector<1x256xf32>
    %mul3A = arith.constant 9.99999974E-5 : f32
    %mul3A_11 = vector.broadcast %mul3A : f32 to vector<1x256xf32>
    %mul3A_12 = arith.mulf %slice3A, %mul3A_11 : vector<1x256xf32>
    %slice3A_13 = vector.extract_strided_slice %get3A_1 {offsets = [1, 0], sizes = [1, 256], strides = [1, 1]} : vector<2x256xf32> to vector<1x256xf32>
    %mul3A_14 = arith.constant 9.99999974E-5 : f32
    %mul3A_15 = vector.broadcast %mul3A_14 : f32 to vector<1x256xf32>
    %mul3A_16 = arith.mulf %slice3A_13, %mul3A_15 : vector<1x256xf32>
    %mul3A_17 = arith.mulf %mul3A_12, %mul3A_12 : vector<1x256xf32>
    %sub3A = arith.subf %mul3A_16, %mul3A_17 : vector<1x256xf32>
    %sub3A_18 = vector.broadcast %mul3A_12 : vector<1x256xf32> to vector<2000x256xf32>
    %sub3A_19 = arith.subf %get3A_4, %sub3A_18 : vector<2000x256xf32>
    %mul3A_20 = vector.broadcast %get3A_7 : vector<1x256xf32> to vector<2000x256xf32>
    %mul3A_21 = arith.mulf %mul3A_20, %sub3A_19 : vector<2000x256xf32>
    %add3A = arith.constant 9.99999974E-6 : f32
    %add3A_22 = vector.broadcast %add3A : f32 to vector<1x256xf32>
    %add3A_23 = arith.addf %sub3A, %add3A_22 : vector<1x256xf32>
    %rsqrt3A = math.rsqrt %add3A_23 : vector<1x256xf32>
    %mul3A_24 = vector.broadcast %rsqrt3A : vector<1x256xf32> to vector<2000x256xf32>
    %mul3A_25 = arith.mulf %mul3A_21, %mul3A_24 : vector<2000x256xf32>
    %add3A_26 = vector.broadcast %get3A_10 : vector<1x256xf32> to vector<2000x256xf32>
    %add3A_27 = arith.addf %mul3A_25, %add3A_26 : vector<2000x256xf32>
    %get3A_28 = arith.constant 0 : index
    %get3A_29 = arith.constant 0 : index
    %get3A_30 = vector.load %arg6[%get3A_28, %get3A_29] : memref<256x128xf32, #tpu.memory_space<vmem>>, vector<256x128xf32>
    %dot_general3A = arith.constant dense<0.000000e+00> : vector<2000x128xf32>
    %dot_general3A_31 = tpu.matmul %add3A_27, %get3A_30, %dot_general3A {dimension_numbers = #tpu.dot_dimension_numbers<[1], [0], [0], [1], [0, 0, 1, 1], [], []>, transpose_lhs_hint = false} : vector<2000x256xf32>, vector<256x128xf32>, vector<2000x128xf32> -> vector<2000x128xf32>
    %swap3A = arith.constant 0 : index
    %swap3A_32 = arith.constant 0 : index
    %swap3A_33 = vector.load %arg8[%swap3A, %swap3A_32] : memref<2000x128xf32, #tpu.memory_space<vmem>>, vector<2000x128xf32>
    tpu.vector_store %arg8[%swap3A, %swap3A_32], %dot_general3A_31 {strides = array<i32>} : memref<2000x128xf32, #tpu.memory_space<vmem>>, vector<2000x128xf32>,
    %get3A_34 = arith.constant 0 : index
    %get3A_35 = arith.constant 0 : index
    %get3A_36 = vector.load %arg5[%get3A_34, %get3A_35] : memref<256x16xf32, #tpu.memory_space<vmem>>, vector<256x16xf32>
    %dot_general3A_37 = arith.constant dense<0.000000e+00> : vector<2000x16xf32>
    %dot_general3A_38 = tpu.matmul %add3A_27, %get3A_36, %dot_general3A_37 {dimension_numbers = #tpu.dot_dimension_numbers<[1], [0], [0], [1], [0, 0, 1, 1], [], []>, transpose_lhs_hint = false} : vector<2000x256xf32>, vector<256x16xf32>, vector<2000x16xf32> -> vector<2000x16xf32>
    %get3A_39 = arith.constant 0 : index
    %get3A_40 = arith.constant 0 : index
    %get3A_41 = vector.load %arg7[%get3A_39, %get3A_40] : memref<1x16xf32, #tpu.memory_space<vmem>>, vector<1x16xf32>
    %add3A_42 = vector.broadcast %get3A_41 : vector<1x16xf32> to vector<2000x16xf32>
    %add3A_43 = arith.addf %dot_general3A_38, %add3A_42 : vector<2000x16xf32>
    %swap3A_44 = arith.constant 0 : index
    %swap3A_45 = arith.constant 0 : index
    %swap3A_46 = vector.load %arg9[%swap3A_44, %swap3A_45] : memref<2000x16xf32, #tpu.memory_space<vmem>>, vector<2000x16xf32>
    tpu.vector_store %arg9[%swap3A_44, %swap3A_45], %add3A_43 {strides = array<i32>} : memref<2000x16xf32, #tpu.memory_space<vmem>>, vector<2000x16xf32>,
    return
  }
  func.func @transform_0(%arg0: i32) -> (i32, i32) {
    %c0_i32 = arith.constant 0 : i32
    %c0_i32_0 = arith.constant 0 : i32
    return %arg0, %c0_i32 : i32, i32
  }
  func.func @transform_1(%arg0: i32) -> (i32, i32) {
    %c0_i32 = arith.constant 0 : i32
    %c0_i32_0 = arith.constant 0 : i32
    %c0_i32_1 = arith.constant 0 : i32
    return %c0_i32, %c0_i32_0 : i32, i32
  }
  func.func @transform_2(%arg0: i32) -> (i32, i32) {
    %c0_i32 = arith.constant 0 : i32
    %c0_i32_0 = arith.constant 0 : i32
    %c0_i32_1 = arith.constant 0 : i32
    return %c0_i32, %c0_i32_0 : i32, i32
  }
  func.func @transform_3(%arg0: i32) -> (i32, i32) {
    %c0_i32 = arith.constant 0 : i32
    %c0_i32_0 = arith.constant 0 : i32
    %c0_i32_1 = arith.constant 0 : i32
    return %c0_i32, %c0_i32_0 : i32, i32
  }
  func.func @transform_4(%arg0: i32) -> (i32, i32) {
    %c0_i32 = arith.constant 0 : i32
    %c0_i32_0 = arith.constant 0 : i32
    %c0_i32_1 = arith.constant 0 : i32
    return %c0_i32, %c0_i32_0 : i32, i32
  }
  func.func @transform_5(%arg0: i32) -> (i32, i32) {
    %c0_i32 = arith.constant 0 : i32
    %c0_i32_0 = arith.constant 0 : i32
    %c0_i32_1 = arith.constant 0 : i32
    return %c0_i32, %c0_i32_0 : i32, i32
  }
  func.func @transform_6(%arg0: i32) -> (i32, i32) {
    %c0_i32 = arith.constant 0 : i32
    %c0_i32_0 = arith.constant 0 : i32
    %c0_i32_1 = arith.constant 0 : i32
    return %c0_i32, %c0_i32_0 : i32, i32
  }
  func.func @transform_7(%arg0: i32) -> (i32, i32) {
    %c0_i32 = arith.constant 0 : i32
    %c0_i32_0 = arith.constant 0 : i32
    return %arg0, %c0_i32 : i32, i32
  }
  func.func @transform_8(%arg0: i32) -> (i32, i32) {
    %c0_i32 = arith.constant 0 : i32
    %c0_i32_0 = arith.constant 0 : i32
    return %arg0, %c0_i32 : i32, i32
  }
}

module attributes {stable_mosaic.version = 14 : i64} {
  func.func @_k6_body(%arg0: i32, %arg1: memref<2000x16xf32, #tpu.memory_space<vmem>>, %arg2: memref<2x2000x128xf32, #tpu.memory_space<vmem>>, %arg3: memref<1x2000x128xf32, #tpu.memory_space<vmem>>, %arg4: memref<2000x16xf32, #tpu.memory_space<vmem>>) attributes {dimension_semantics = [#tpu.dimension_semantics<arbitrary>], iteration_bounds = array<i64: 5>, scalar_prefetch = 0 : i64, scratch_operands = 0 : i64, tpu.core_type = #tpu.core_type<tc>, window_params = [{transform_indices = @transform_0, window_bounds = array<i64: 2000, 16>}, {transform_indices = @transform_1, window_bounds = array<i64: 2, 2000, 128>}, {transform_indices = @transform_2, window_bounds = array<i64: 1, 2000, 128>}, {transform_indices = @transform_3, window_bounds = array<i64: 2000, 16>}]} {
    %get3A = arith.constant 0 : index
    %get3A_0 = arith.constant 0 : index
    %get3A_1 = arith.constant 0 : index
    %get3A_2 = vector.load %arg3[%get3A, %get3A_0, %get3A_1] : memref<1x2000x128xf32, #tpu.memory_space<vmem>>, vector<1x2000x128xf32>
    %get3A_3 = vector.shape_cast %get3A_2 : vector<1x2000x128xf32> to vector<2000x128xf32>
    %max3A = arith.constant 1.000000e+00 : f32
    %max3A_4 = vector.broadcast %max3A : f32 to vector<2000x128xf32>
    %max3A_5 = arith.maximumf %get3A_3, %max3A_4 : vector<2000x128xf32>
    %div3A = arith.constant 1.000000e+00 : f32
    %div3A_6 = vector.broadcast %div3A : f32 to vector<2000x128xf32>
    %div3A_7 = arith.divf %div3A_6, %max3A_5 : vector<2000x128xf32>
    %get3A_8 = arith.constant 0 : index
    %get3A_9 = arith.constant 0 : index
    %get3A_10 = arith.constant 0 : index
    %get3A_11 = vector.load %arg2[%get3A_8, %get3A_9, %get3A_10] : memref<2x2000x128xf32, #tpu.memory_space<vmem>>, vector<1x2000x128xf32>
    %get3A_12 = vector.shape_cast %get3A_11 : vector<1x2000x128xf32> to vector<2000x128xf32>
    %get3A_13 = arith.constant 1 : index
    %get3A_14 = arith.constant 0 : index
    %get3A_15 = arith.constant 0 : index
    %get3A_16 = vector.load %arg2[%get3A_13, %get3A_14, %get3A_15] : memref<2x2000x128xf32, #tpu.memory_space<vmem>>, vector<1x2000x128xf32>
    %get3A_17 = vector.shape_cast %get3A_16 : vector<1x2000x128xf32> to vector<2000x128xf32>
    %add3A = arith.addf %get3A_12, %get3A_17 : vector<2000x128xf32>
    %mul3A = arith.mulf %add3A, %div3A_7 : vector<2000x128xf32>
    %get3A_18 = arith.constant 0 : index
    %get3A_19 = arith.constant 0 : index
    %get3A_20 = vector.load %arg1[%get3A_18, %get3A_19] : memref<2000x16xf32, #tpu.memory_space<vmem>>, vector<2000x16xf32>
    %slice3A = vector.extract_strided_slice %mul3A {offsets = [0, 0], sizes = [2000, 16], strides = [1, 1]} : vector<2000x128xf32> to vector<2000x16xf32>
    %add3A_21 = arith.addf %get3A_20, %slice3A : vector<2000x16xf32>
    %swap3A = arith.constant 0 : index
    %swap3A_22 = arith.constant 0 : index
    %swap3A_23 = vector.load %arg4[%swap3A, %swap3A_22] : memref<2000x16xf32, #tpu.memory_space<vmem>>, vector<2000x16xf32>
    tpu.vector_store %arg4[%swap3A, %swap3A_22], %add3A_21 {strides = array<i32>} : memref<2000x16xf32, #tpu.memory_space<vmem>>, vector<2000x16xf32>,
    return
  }
  func.func @transform_0(%arg0: i32) -> (i32, i32) {
    %c0_i32 = arith.constant 0 : i32
    %c0_i32_0 = arith.constant 0 : i32
    return %arg0, %c0_i32 : i32, i32
  }
  func.func @transform_1(%arg0: i32) -> (i32, i32, i32) {
    %c0_i32 = arith.constant 0 : i32
    %c0_i32_0 = arith.constant 0 : i32
    %c0_i32_1 = arith.constant 0 : i32
    return %c0_i32, %arg0, %c0_i32_0 : i32, i32, i32
  }
  func.func @transform_2(%arg0: i32) -> (i32, i32, i32) {
    %c1_i32 = arith.constant 1 : i32
    %c0_i32 = arith.constant 0 : i32
    %c0_i32_0 = arith.constant 0 : i32
    return %c1_i32, %arg0, %c0_i32 : i32, i32, i32
  }
  func.func @transform_3(%arg0: i32) -> (i32, i32) {
    %c0_i32 = arith.constant 0 : i32
    %c0_i32_0 = arith.constant 0 : i32
    return %arg0, %c0_i32 : i32, i32
  }
}

</mosaic_0001>

<sc_bundles>
// kernel: kernel.11.cloned.1.call-start
scs
__scs_entry_jumppad:
0x0: {  	(pc) =	sbr.rel $0x88, $3  }
0x1: {  	(tag) =	ssettag $0x0;
	lr =	simm.s32 $0x1  }
0x2: {  	[smem:$0x3F82] =	sst lr;
	_ =	strace $0xD0000000  }
0x3: {  	_ = 	snop  }
0x4: {  	_ = 	snop  }
0x5: {  	_ = 	snop  }
0x6: {  	_ = 	snop  }
0x7: {  	_ = 	snop  }
__scs_overlays_trampoline_lowered:
0x8: {  	[smem:$0x3F91] =	sst s0  }
0x9: {  	[smem:$0x3F92] =	sst s1  }
0xa: {  	[smem:$0x3F93] =	sst s2  }
0xb: {  	[smem:$0x3F94] =	sst s3  }
0xc: {  	[smem:$0x3F95] =	sst s4  }
0xd: {  	[smem:$0x3F96] =	sst s5  }
0xe: {  	[smem:$0x3F97] =	sst s6  }
0xf: {  	[smem:$0x3F98] =	sst s7  }
0x10: {  	[smem:$0x3F99] =	sst s8  }
0x11: {  	[smem:$0x3F9A] =	sst s9;
	s0 =	simm.s32 @!p0 $0x0  }
0x12: {  	s1 =	sld [smem:$0x3F80];
	s0 =	simm.s32 @p0 $0x1  }
0x13: {  	[smem:$0x3F9B] =	sst s0;
	s0 =	simm.s32 @!p1 $0x0  }
0x14: {  	s2 =	sld [smem:$0x3F7F];
	s0 =	simm.s32 @p1 $0x1  }
0x15: {  	[smem:$0x3F9C] =	sst s0;
	s0 =	simm.s32 @!p2 $0x0  }
0x16: {  	s3 =	sld [smem:$0x3FDB];
	s0 =	simm.s32 @p2 $0x1  }
0x17: {  	s4 =	simm.s32 $0x1BF5;
	[smem:$0x3F9E] =	sst s0  }
0x18: {  	s0 =	sld [smem:$0x3F81];
	_ =	swait.ge [sflag:s4], $0x0  }
0x19: {  	s7 =	sld [smem:$0x3F82]  }
0x1a: {  	s8 =	sadd.s32 $0xFFFFE003, lr  }
0x1b: {  	s9 =	sadd.s32 $0xFFFFFEF7, lr;
	s5 =	simm.s32 $0xFFFFFFFF;
	p2 =	slt.u32 s8, $0xFFFFF086  }
0x1c: {  	p1 =	slt.u32 s9, $0xF7A;
	s5 =	simm.s32 @!p2 $0x0  }
0x1d: {  	s5 =	simm.s32 @p1 $0x1;
	p0 =	seq.s32 s7, s2  }
0x1e: {  	s7 =	smul.u32 @!p0 $0xF7A, s2;
	p2 =	seq.s32 @!p0 s5, $0x0  }
0x1f: {  	s9 =	smul.u32 $0xF7A, s1;
	s8 =	simm.s32 @!p0 $0x1BF5;
	p2 =	por !p2, p0  }
0x20: {  	[sflag:s8] =	ssyncset.s32 @!p0 $0xFFFFF086;
	s6 =	sadd.s32 @!p0 s3, s7;
	s7 =	simm.s32 @!p0 $0x108  }
0x21: {  	s3 =	sadd.s32 s3, s9;
	s6 =	sadd.s32 @!p0 $0x88, s6;
	s7 =	simm.s32 @p2 $0x1082  }
0x22: {  	[simem:s7], [sflag:s8] =	dma.local @!p0 [hbm:s6], $0xF7A  }
0x23: {  	s9 =	sor.u32 $0xD0000000, s2;
	s6 =	simm.s32 $0x108;
	_ =	swait.ge @!p0 [sflag:s8], $0x0  }
0x24: {  	s3 =	sadd.s32 $0x88, s3;
	s6 =	simm.s32 @!p1 $0x1082;
	[sflag:s4] =	ssyncset.s32 $0xFFFFF086  }
0x25: {  	[simem:s6], [sflag:s4] =	dma.local [hbm:s3], $0xF7A  }
0x26: {  	[smem:$0x3F82] =	sst s1;
	(tag) =	ssettag s2;
	_ =	strace s9  }
0x27: {  	s1 =	sld [smem:$0x3F92]  }
0x28: {  	s2 =	sld [smem:$0x3F93]  }
0x29: {  	s4 =	sld [smem:$0x3F95]  }
0x2a: {  	p0 =	seq.s32 s5, $0x0;
	s5 =	sld [smem:$0x3F96]  }
0x2b: {  	s6 =	sld [smem:$0x3F97]  }
0x2c: {  	s7 =	sld [smem:$0x3F98]  }
0x2d: {  	s3 =	simm.s32 $0x108;
	s8 =	sld [smem:$0x3F99]  }
0x2e: {  	s3 =	simm.s32 @!p0 $0x1082;
	s9 =	sld [smem:$0x3F9A]  }
0x2f: {  	lr =	sadd.s32 s0, s3;
	s0 =	sld [smem:$0x3F91]  }
0x30: {  	s3 =	sld [smem:$0x3F94]  }
0x31: {  	[smem:$0x3F9D] =	sst s10  }
0x32: {  	s10 =	sld [smem:$0x3F9B];
	_ =	sdelay $0x3  }
0x33: {  	p0 =	seq.s32 s10, $0x1;
	s10 =	sld [smem:$0x3F9D];
	_ =	sdelay $0x3  }
0x34: {  	[smem:$0x3F9D] =	sst s10  }
0x35: {  	s10 =	sld [smem:$0x3F9C];
	_ =	sdelay $0x3  }
0x36: {  	p1 =	seq.s32 s10, $0x1;
	s10 =	sld [smem:$0x3F9D];
	_ =	sdelay $0x3  }
0x37: {  	[smem:$0x3F9D] =	sst s10  }
0x38: {  	s10 =	sld [smem:$0x3F9E]  }
0x39: {  	_ = 	snop;
	(pc) =	sbr.ind lr, $3  }
0x3a: {  	_ = 	snop  }
0x3b: {  	_ = 	snop  }
0x3c: {  	p2 =	seq.s32 s10, $0x1;
	s10 =	sld [smem:$0x3F9D]  }
0x3d: {  	_ =	shalt  }
0x3e: {  	_ =	shalt  }
0x3f: {  	_ =	shalt  }
0x40: {  	_ =	shalt  }
0x41: {  	_ =	shalt  }
0x42: {  	_ =	shalt  }
0x43: {  	_ =	shalt  }
0x44: {  	_ =	shalt  }
0x45: {  	_ =	shalt  }
0x46: {  	_ =	shalt  }
0x47: {  	_ =	shalt  }
0x48: {  	_ =	shalt  }
0x49: {  	_ =	shalt  }
0x4a: {  	_ =	shalt  }
0x4b: {  	_ =	shalt  }
0x4c: {  	_ =	shalt  }
0x4d: {  	_ =	shalt  }
0x4e: {  	_ =	shalt  }
0x4f: {  	_ =	shalt  }
0x50: {  	_ =	shalt  }
0x51: {  	_ =	shalt  }
0x52: {  	_ =	shalt  }
0x53: {  	_ =	shalt  }
0x54: {  	_ =	shalt  }
0x55: {  	_ =	shalt  }
0x56: {  	_ =	shalt  }
0x57: {  	_ =	shalt  }
0x58: {  	_ =	shalt  }
0x59: {  	_ =	shalt  }
0x5a: {  	_ =	shalt  }
0x5b: {  	_ =	shalt  }
0x5c: {  	_ =	shalt  }
0x5d: {  	_ =	shalt  }
0x5e: {  	_ =	shalt  }
0x5f: {  	_ =	shalt  }
0x60: {  	_ =	shalt  }
0x61: {  	_ =	shalt  }
0x62: {  	_ =	shalt  }
0x63: {  	_ =	shalt  }
0x64: {  	_ =	shalt  }
0x65: {  	_ =	shalt  }
0x66: {  	_ =	shalt  }
0x67: {  	_ =	shalt  }
0x68: {  	_ =	shalt  }
0x69: {  	_ =	shalt  }
0x6a: {  	_ =	shalt  }
0x6b: {  	_ =	shalt  }
0x6c: {  	_ =	shalt  }
0x6d: {  	_ =	shalt  }
0x6e: {  	_ =	shalt  }
0x6f: {  	_ =	shalt  }
0x70: {  	_ =	shalt  }
0x71: {  	_ =	shalt  }
0x72: {  	_ =	shalt  }
0x73: {  	_ =	shalt  }
0x74: {  	_ =	shalt  }
0x75: {  	_ =	shalt  }
0x76: {  	_ =	shalt  }
0x77: {  	_ =	shalt  }
0x78: {  	_ =	shalt  }
0x79: {  	_ =	shalt  }
0x7a: {  	_ =	shalt  }
0x7b: {  	_ =	shalt  }
0x7c: {  	_ =	shalt  }
0x7d: {  	_ =	shalt  }
0x7e: {  	_ =	shalt  }
0x7f: {  	_ =	shalt  }
0x80: {  	_ =	shalt  }
0x81: {  	_ =	shalt  }
0x82: {  	_ =	shalt  }
0x83: {  	_ =	shalt  }
0x84: {  	_ =	shalt  }
0x85: {  	_ =	shalt  }
0x86: {  	_ =	shalt  }
0x87: {  	_ =	shalt  }
.Lfunc_end0:
.L_simem_size_0:
called_computation_lowered:
.L_overlay_start_0:
0x88: {  	s2 =	sld [smem:$0x3FD9]  }
0x89: {  	s3 =	sld [smem:$0x3FFE];
	_ =	sdelay $0x1  }
0x8a: {  	s1 =	srdreg.scid  }
0x8b: {  	s0 =	sand.u32 $0x1, s1  }
0x8c: {  	s17 =	sshll.u32 s0, $0xA;
	s2 =	sadd.s32 s3, s2  }
0x8d: {  	s2 =	sadd.s32 s2, s17  }
0x8e: {  	[smem:$0x3FA9] =	sst s2  }
0x8f: {  	_ = 	snop  }
0x90: {  	(tm) =	ssettm $0x1  }
0x91: {  	s18 =	sld [smem:$0x3FFB];
	_ =	sdelay $0x3  }
0x92: {  	_ =	strace s18  }
0x93: {  	s2 =	sld [smem:$0x3FFC];
	_ =	sdelay $0x3  }
0x94: {  	_ =	strace s2  }
0x95: {  	s2 =	sld [smem:$0x3FFD];
	_ =	sdelay $0x3  }
0x96: {  	_ =	strace s2  }
0x97: {  	_ =	strace $0x8FFFFFFF  }
0x98: {  	s19 =	sld [smem:$0x3FDB];
	_ =	sdelay $0x1  }
0x99: {  	s20 =	simm.s32 $_scs_section_size  }
0x9a: {  	s4 =	simm.s32 $_size__tile_overlayer_lowered;
	s5 =	simm.s32 $_tile_overlayer_lowered  }
0x9b: {  	s6 =	simm.s32 $0x1BFF;
	s21 =	sshll.u32 s5, $0x1;
	s3 =	sadd.s32 s20, s19  }
0x9c: {  	s22 =	simm.s32 $0x0;
	s4 =	sshll.u32 s4, $0x1;
	s5 =	sadd.s32 s21, s3  }
0x9d: {  	[timem:s22], [sflag:s6] =	dma.local [hbm:s5], s4  }
0x9e: {  	_ =	swait.ge [sflag:s6], s4  }
0x9f: {  	s4 =	ssub.s32 $0x0, s4;
	[sflag:s6] =	ssyncset.done $0x0  }
0xa0: {  	[sflag:s6] =	ssyncadd.s32 s4;
	_ =	sdelay $0x1  }
0xa1: {  	s23 =	simm.s32 $0x1B8B  }
0xa2: {  	_ =	swait.ge [sflag:s23], $0x1  }
0xa3: {  	[sflag:s23] =	ssyncset.done $0x0  }
0xa4: {  	[sflag:s23] =	ssyncadd.s32 $0xFFFFFFFF  }
0xa5: {  	s4 =	sld [smem:$0x0]  }
0xa6: {  	s5 =	sand.u32 $0xFFFFFFFE, s1  }
0xa7: {  	p0 =	sne.s32 s1, s5  }
0xa8: {  	s5 =	sshll.u32 @p0 s5, $0xE  }
0xa9: {  	s5 =	sadd.s32 @p0 $0x11B8D, s5;
	s6 =	sshll.u32 @p0 s4, $0x11  }
0xaa: {  	s5 =	sor.u32 @p0 s6, s5  }
0xab: {  	[sflag:s5] =	ssyncadd.remote.s32 @p0 $0x1;
	_ =	sdelay $0x1  }
0xac: {  	s5 =	simm.s32 @p0 $0x1B8D  }
0xad: {  	_ =	swait.eq @p0 [sflag:s5], $0x1  }
0xae: {  	[sflag:s5] =	ssyncadd.s32 @p0 $0xFFFFFFFF  }
0xaf: {  	s6 =	sshll.u32 @!p0 s1, $0xE  }
0xb0: {  	s6 =	sor.u32 @!p0 $0x4000, s6;
	s5 =	simm.s32 @!p0 $0x1B8D  }
0xb1: {  	s4 =	sshll.u32 @!p0 s4, $0x11;
	s6 =	sadd.s32 @!p0 $0x11B8D, s6;
	_ =	swait.eq @!p0 [sflag:s5], $0x1  }
0xb2: {  	s4 =	sor.u32 @!p0 s4, s6;
	[sflag:s5] =	ssyncadd.s32 @!p0 $0xFFFFFFFF  }
0xb3: {  	s25 =	simm.s32 $0x1B8E;
	s24 =	sld [smem:$0x3FFE];
	[sflag:s4] =	ssyncadd.remote.s32 @!p0 $0x1  }
0xb4: {  	s26 =	simm.s32 $execute0_lowered;
	[smem:$0x3FD2] =	sst s25  }
0xb5: {  	s5 =	sshll.u32 s26, $0x1;
	_ =	strace $0x80000049;
	[dreg:$0x1] =	wrdreg $0xFFFFFFFF  }
0xb6: {  	s28 =	simm.s32 $_size_execute0_lowered;
	s3 =	sadd.s32 s3, s5;
	[dreg:$0x0] =	wrdreg $0x0  }
0xb7: {  	s5 =	sshll.u32 s28, $0x1;
	[dreg:$0x2] =	wrdreg s3  }
0xb8: {  	[dreg:$0x3] =	wrdreg s5  }
0xb9: {  	[dreg:$0x4] =	wrdreg $0xC0  }
0xba: {  	_ =	task [dreg:s22], $0x5FFFF  }
0xbb: {  	[dreg:$0x1] =	wrdreg $0xFFFFFFFF  }
0xbc: {  	[dreg:$0x0] =	wrdreg $0x60  }
0xbd: {  	[dreg:$0x2] =	wrdreg s24  }
0xbe: {  	[dreg:$0x3] =	wrdreg $0x84000  }
0xbf: {  	[dreg:$0x4] =	wrdreg $0x9  }
0xc0: {  	_ =	task.clear_ibuf [dreg:s22], $0x5FFFF;
	_ =	strace $0x90000049  }
0xc1: {  	s29 =	simm.s32 $0x9;
	_ =	strace $0x8000004B  }
0xc2: {  	_ =	swait.ge [sflag:s29], $0x1  }
0xc3: {  	[sflag:s29] =	ssyncadd.s32 $0xFFFFFFFF  }
0xc4: {  	_ =	strace $0x9000004B  }
0xc5: {  	_ =	sfence  }
0xc6: {  	s30 =	sld [smem:$0x0];
	_ =	sdelay $0x2  }
0xc7: {  	s31 =	sshll.u32 s1, $0xD;
	s1 =	sshrl.u32 s1, $0x2  }
0xc8: {  	s4 =	sand.u32 $0x4000, s31;
	s1 =	sadd.s32 s1, s30  }
0xc9: {  	s0 =	sor.u32 s4, s0;
	s1 =	sshll.u32 s1, $0x11  }
0xca: {  	s0 =	sor.u32 s1, s0  }
0xcb: {  	s0 =	sadd.s32 $0x8F2B, s0  }
0xcc: {  	[sflag:s0] =	ssyncadd.remote.s32 $0x1  }
0xcd: {  	_ =	sfence.sel $0xFFFF  }
0xce: {  	[dreg:$0x0] =	wrdreg $0xFFFFFFFF;
	(pc) =	sbr.abs _section_cstart, $3  }
0xcf: {  	[dreg:$0x1] =	wrdreg $0xFFFFFFFF  }
0xd0: {  	_ =	task.clear_ibuf [dreg:s22], $0x2FFFF;
	_ =	strace $0x9FFFFFFF  }
0xd1: {  	(tm) =	ssettm $0x7FFFFFFF  }
tec
execute0_lowered:
.L_overlay_start_1:
0x0: {  	(tag) =	ssettag $0x1  }
0x1: {  	s0 =	rddreg [dreg:$0x0]  }
0x2: {  	s1 =	rddreg [dreg:$0x1];
	s12 =	stileid.u32  }
0x3: {  	s3 =	simm.s32 $0x0;
	s2 =	srdreg.scid;
	s23 =	smul.u32 $0x50000, s12  }
0x4: {  	[smem:$0x7FF] =	sst s3;
	s6 =	smul.u32 $0x2710, s12  }
0x5: {  	s4 =	sadd.s32 $0xB2600, s0;
	s2 =	sand.u32 $0x1, s2;
	s9 =	smul.u32 $0x14000, s12  }
0x6: {  	s5 =	sadd.s32 $0x61E00, s0;
	s24 =	sadd.s32 $0xB2E00, s0;
	s21 =	smul.u32 $0x4E2, s12  }
0x7: {  	s12 =	simm.s32 $0x280;
	_ =	strace $0x8000004A;
	[dreg:$0x3] =	wrdreg s4  }
0x8: {  	[dreg:$0x4] =	wrdreg s5;
	s7 =	ssub.s32 $0x2, s2;
	s25 =	smul.u32 $0x140000, s2  }
0x9: {  	p0 =	seq.s32 s2, $0x0;
	s5 =	simm.s32 $0x400;
	s8 =	sshrl.u32 s7, $0x1  }
0xa: {  	s4 =	sshrl.u32 s23, $0x2;
	s26 =	sshrl.u32 s6, $0x3;
	s10 =	sadd.s32 $0x4000, s9  }
0xb: {  	s15 =	sadd.s32 $0x8000, s9;
	s18 =	sadd.s32 $0xC000, s9;
	s8 =	ssub.s32 s7, s8  }
0xc: {  	s7 =	sadd.s32 s4, s1;
	s31 =	sadd.s32 s25, s9;
	s13 =	sadd.s32 s25, s10  }
0xd: {  	s10 =	sadd.s32 s10, s1;
	s16 =	sadd.s32 s25, s15;
	s17 =	sadd.s32 s15, s1  }
0xe: {  	s19 =	sadd.s32 s18, s1;
	s20 =	sadd.s32 s25, s18;
	s9 =	sadd.s32 $0x10000, s9  }
0xf: {  	s15 =	simm.s32 $0x1;
	s18 =	simm.s32 $0x4;
	[dreg:$0xb] =	wrdreg s10  }
0x10: {  	s8 =	smax.u32 s8, $0x1;
	s28 =	sadd.s32 $0x4000, s7;
	[dreg:$0xd] =	wrdreg s17  }
0x11: {  	s29 =	sadd.s32 $0x8000, s7;
	s30 =	sadd.s32 $0xC000, s7;
	[dreg:$0xf] =	wrdreg s19  }
0x12: {  	s11 =	sadd.s32 $0x10000, s7;
	s14 =	sshrl.u32 s13, $0x3;
	[dreg:$0x5] =	wrdreg s8  }
0x13: {  	s10 =	simm.s32 $0x9C00;
	s4 =	sadd.s32 s25, s9;
	[dreg:$0x6] =	wrdreg s28  }
0x14: {  	s22 =	sadd.s32 s9, s1;
	s9 =	simm.s32 $0x100;
	[dreg:$0x7] =	wrdreg s29  }
0x15: {  	s13 =	simm.s32 $0x300;
	s17 =	simm.s32 $0x3;
	[dreg:$0x8] =	wrdreg s30  }
0x16: {  	s19 =	simm.s32 $0x5;
	[dreg:$0x9] =	wrdreg s11;
	s8 =	sshrl.u32 s31, $0x3  }
0x17: {  	s10 =	simm.s32 @!p0 $0xEC00;
	[dreg:$0x11] =	wrdreg s22;
	s8 =	sadd.s32 s24, s8  }
0x18: {  	s4 =	sshrl.u32 s4, $0x3;
	[dreg:$0xa] =	wrdreg s8;
	s8 =	sadd.s32 s24, s14  }
0x19: {  	s4 =	sadd.s32 s24, s4;
	[dreg:$0xc] =	wrdreg s8;
	s8 =	sshrl.u32 s16, $0x3  }
0x1a: {  	s11 =	simm.s32 $0x200;
	[dreg:$0x12] =	wrdreg s4;
	s8 =	sadd.s32 s24, s8  }
0x1b: {  	s22 =	simm.s32 $0x7;
	[dreg:$0xe] =	wrdreg s8;
	s8 =	sshrl.u32 s20, $0x3  }
0x1c: {  	s4 =	simm.s32 $0x9;
	s20 =	sadd.s32 s10, s0;
	s8 =	sadd.s32 s24, s8  }
0x1d: {  	s14 =	simm.s32 $0x380;
	s2 =	sadd.s32 s20, s26;
	[dreg:$0x10] =	wrdreg s8  }
0x1e: {  	s16 =	simm.s32 $0x2;
	s23 =	sadd.s32 $0x10, s2;
	[dreg:$0x13] =	wrdreg s2  }
0x1f: {  	s10 =	simm.s32 $0x180;
	s24 =	sadd.s32 $0x20, s2;
	[dreg:$0x14] =	wrdreg s23  }
0x20: {  	s25 =	sadd.s32 s21, s20;
	s26 =	sadd.s32 $0x30, s2;
	[dreg:$0x15] =	wrdreg s24  }
.Ltmp0:
0x21: {  	s28 =	sadd.s32 $0x40, s2;
	[dreg:$0x16] =	wrdreg s26;
	(pc) =	sbr.rel .LBB2_1-.Ltmp0, $4  }
0x22: {  	s21 =	simm.s32 $0x6;
	s29 =	sadd.s32 $0x50, s2;
	[dreg:$0x17] =	wrdreg s28  }
0x23: {  	s30 =	sadd.s32 $0x60, s2;
	s31 =	sadd.s32 $0x70, s2;
	[dreg:$0x18] =	wrdreg s29  }
0x24: {  	s2 =	simm.s32 $0x4400;
	s8 =	simm.s32 $0x80;
	[dreg:$0x19] =	wrdreg s30  }
0x25: {  	[dreg:$0x1a] =	wrdreg s31;
	s24 =	simm.s32 $0x8;
	s26 =	simm.s32 $0x0  }
.LBB2_6:
0x26: {  	_ =	swait.ge [sflag:s15], $0x4000  }
0x27: {  	[sflag:s15] =	ssyncset.done $0x0  }
0x28: {  	[sflag:s15] =	ssyncadd.s32 $0xFFFFC000  }
0x29: {  	_ =	swait.ge [sflag:s16], $0x4000  }
0x2a: {  	[sflag:s16] =	ssyncset.done $0x0  }
0x2b: {  	[sflag:s16] =	ssyncadd.s32 $0xFFFFC000  }
0x2c: {  	_ =	swait.ge [sflag:s17], $0x4000  }
0x2d: {  	[sflag:s17] =	ssyncset.done $0x0  }
0x2e: {  	[sflag:s17] =	ssyncadd.s32 $0xFFFFC000  }
0x2f: {  	_ =	swait.ge [sflag:s18], $0x4000  }
0x30: {  	[sflag:s18] =	ssyncset.done $0x0  }
0x31: {  	[sflag:s18] =	ssyncadd.s32 $0xFFFFC000  }
0x32: {  	_ =	swait.ge [sflag:s19], $0x4000  }
0x33: {  	[sflag:s19] =	ssyncset.done $0x0  }
0x34: {  	[sflag:s19] =	ssyncadd.s32 $0xFFFFC000  }
0x35: {  	_ =	swait.ge [sflag:s21], $0x4000  }
0x36: {  	[sflag:s21] =	ssyncset.done $0x0  }
0x37: {  	[sflag:s21] =	ssyncadd.s32 $0xFFFFC000  }
0x38: {  	_ =	swait.ge [sflag:s22], $0x4000  }
0x39: {  	[sflag:s22] =	ssyncset.done $0x0  }
0x3a: {  	[sflag:s22] =	ssyncadd.s32 $0xFFFFC000  }
0x3b: {  	_ =	swait.ge [sflag:s24], $0x4000  }
0x3c: {  	[sflag:s24] =	ssyncset.done $0x0  }
0x3d: {  	[sflag:s24] =	ssyncadd.s32 $0xFFFFC000  }
0x3e: {  	[bflag:$0x0] =	sbarrier.arrive $0xFFFF  }
0x3f: {  	[tilespmem:s2], [sflag:$0x9] =	stream.linear.gather [spmem:s7], $0x4000, $0x38;
	[tilespmem:$0x1C400] =	vst v63  }
0x40: {  	_ =	swait.ge [sflag:s4], $0x4000  }
0x41: {  	[sflag:s4] =	ssyncset.done $0x0  }
0x42: {  	s0 =	rddreg [dreg:$0xa];
	[sflag:s4] =	ssyncadd.s32 $0xFFFFC000  }
0x43: {  	[hbm4b:s0+s3] =	stream.linear.scatter [tilespmem:s2], [sflag:$0x9], $0x4000, $0x38;
	[tilespmem:$0x1C400] =	vst v63  }
0x44: {  	_ =	swait.ge [sflag:s4], $0x4000  }
0x45: {  	[sflag:s4] =	ssyncset.done $0x0  }
0x46: {  	s28 =	rddreg [dreg:$0xb];
	[sflag:s4] =	ssyncadd.s32 $0xFFFFC000  }
0x47: {  	[tilespmem:s2], [sflag:$0x9] =	stream.linear.gather [spmem:s28], $0x4000, $0x38;
	[tilespmem:$0x1C400] =	vst v63  }
0x48: {  	_ =	swait.ge [sflag:s4], $0x4000  }
0x49: {  	[sflag:s4] =	ssyncset.done $0x0  }
0x4a: {  	s29 =	rddreg [dreg:$0xc];
	[sflag:s4] =	ssyncadd.s32 $0xFFFFC000  }
0x4b: {  	[hbm4b:s29+s3] =	stream.linear.scatter [tilespmem:s2], [sflag:$0x9], $0x4000, $0x38;
	[tilespmem:$0x1C400] =	vst v63  }
0x4c: {  	_ =	swait.ge [sflag:s4], $0x4000  }
0x4d: {  	[sflag:s4] =	ssyncset.done $0x0  }
0x4e: {  	s30 =	rddreg [dreg:$0xd];
	[sflag:s4] =	ssyncadd.s32 $0xFFFFC000  }
0x4f: {  	[tilespmem:s2], [sflag:$0x9] =	stream.linear.gather [spmem:s30], $0x4000, $0x38;
	[tilespmem:$0x1C400] =	vst v63  }
0x50: {  	_ =	swait.ge [sflag:s4], $0x4000  }
0x51: {  	[sflag:s4] =	ssyncset.done $0x0  }
0x52: {  	s31 =	rddreg [dreg:$0xe];
	[sflag:s4] =	ssyncadd.s32 $0xFFFFC000  }
0x53: {  	[hbm4b:s31+s3] =	stream.linear.scatter [tilespmem:s2], [sflag:$0x9], $0x4000, $0x38;
	[tilespmem:$0x1C400] =	vst v63  }
0x54: {  	_ =	swait.ge [sflag:s4], $0x4000  }
0x55: {  	[sflag:s4] =	ssyncset.done $0x0  }
0x56: {  	s23 =	rddreg [dreg:$0xf];
	[sflag:s4] =	ssyncadd.s32 $0xFFFFC000  }
0x57: {  	[tilespmem:s2], [sflag:$0x9] =	stream.linear.gather [spmem:s23], $0x4000, $0x38;
	[tilespmem:$0x1C400] =	vst v63  }
0x58: {  	_ =	swait.ge [sflag:s4], $0x4000  }
0x59: {  	[sflag:s4] =	ssyncset.done $0x0  }
0x5a: {  	s28 =	rddreg [dreg:$0x10];
	[sflag:s4] =	ssyncadd.s32 $0xFFFFC000  }
0x5b: {  	[hbm4b:s28+s3] =	stream.linear.scatter [tilespmem:s2], [sflag:$0x9], $0x4000, $0x38;
	[tilespmem:$0x1C400] =	vst v63  }
0x5c: {  	_ =	swait.ge [sflag:s4], $0x4000  }
0x5d: {  	[sflag:s4] =	ssyncset.done $0x0  }
0x5e: {  	s29 =	rddreg [dreg:$0x11];
	[sflag:s4] =	ssyncadd.s32 $0xFFFFC000  }
0x5f: {  	[tilespmem:s2], [sflag:$0x9] =	stream.linear.gather [spmem:s29], $0x4000, $0x38;
	[tilespmem:$0x1C400] =	vst v63  }
0x60: {  	_ =	swait.ge [sflag:s4], $0x4000  }
0x61: {  	[sflag:s4] =	ssyncset.done $0x0  }
0x62: {  	s30 =	rddreg [dreg:$0x12];
	[sflag:s4] =	ssyncadd.s32 $0xFFFFC000  }
0x63: {  	[hbm4b:s30+s3] =	stream.linear.scatter [tilespmem:s2], [sflag:$0x9], $0x4000, $0x38;
	[tilespmem:$0x1C400] =	vst v63  }
0x64: {  	_ =	swait.ge [sflag:s4], $0x4000  }
0x65: {  	s26 =	sadd.s32 $0x1, s26;
	s31 =	rddreg [dreg:$0x5]  }
0x66: {  	p0 =	sne.s32 s26, s31  }
.Ltmp1:
0x67: {  	_ = 	snop;
	(pc) =	sbr.rel @!p0 .LBB2_7-.Ltmp1, $3  }
0x68: {  	_ =	sdelay $0x1  }
0x69: {  	[sflag:s4] =	ssyncset.done $0x0  }
0x6a: {  	[sflag:s4] =	ssyncadd.s32 $0xFFFFC000  }
.LBB2_1:
0x6b: {  	s0 =	rddreg [dreg:$0x4]  }
0x6c: {  	[tilespmem:s2], [sflag:$0x9] =	stream.linear.gather [hbm4b:s0+s3], $0x4000, $0x38;
	[tilespmem:$0x1C400] =	vst v63  }
0x6d: {  	_ =	swait.ge [sflag:s4], $0x4000  }
0x6e: {  	[sflag:s4] =	ssyncset.done $0x0  }
0x6f: {  	[sflag:s4] =	ssyncadd.s32 $0xFFFFC000  }
0x70: {  	[spmem:s7] =	stream.linear.scatter [tilespmem:s2], [sflag:$0x9], $0x4000, $0x38;
	[tilespmem:$0x1C400] =	vst v63  }
0x71: {  	_ =	swait.ge [sflag:s4], $0x4000  }
0x72: {  	[sflag:s4] =	ssyncset.done $0x0  }
0x73: {  	s31 =	rddreg [dreg:$0x6];
	[sflag:s4] =	ssyncadd.s32 $0xFFFFC000  }
0x74: {  	[spmem:s31] =	stream.linear.scatter [tilespmem:s2], [sflag:$0x9], $0x4000, $0x38;
	[tilespmem:$0x1C400] =	vst v63  }
0x75: {  	_ =	swait.ge [sflag:s4], $0x4000  }
0x76: {  	[sflag:s4] =	ssyncset.done $0x0  }
0x77: {  	s23 =	rddreg [dreg:$0x7];
	[sflag:s4] =	ssyncadd.s32 $0xFFFFC000  }
0x78: {  	[spmem:s23] =	stream.linear.scatter [tilespmem:s2], [sflag:$0x9], $0x4000, $0x38;
	[tilespmem:$0x1C400] =	vst v63  }
0x79: {  	_ =	swait.ge [sflag:s4], $0x4000  }
0x7a: {  	[sflag:s4] =	ssyncset.done $0x0  }
0x7b: {  	s31 =	rddreg [dreg:$0x8];
	[sflag:s4] =	ssyncadd.s32 $0xFFFFC000  }
0x7c: {  	[spmem:s31] =	stream.linear.scatter [tilespmem:s2], [sflag:$0x9], $0x4000, $0x38;
	[tilespmem:$0x1C400] =	vst v63  }
0x7d: {  	_ =	swait.ge [sflag:s4], $0x4000  }
0x7e: {  	[sflag:s4] =	ssyncset.done $0x0  }
0x7f: {  	s23 =	rddreg [dreg:$0x9];
	[sflag:s4] =	ssyncadd.s32 $0xFFFFC000  }
0x80: {  	[spmem:s23] =	stream.linear.scatter [tilespmem:s2], [sflag:$0x9], $0x4000, $0x38;
	[tilespmem:$0x1C400] =	vst v63  }
0x81: {  	_ =	swait.ge [sflag:s4], $0x4000  }
0x82: {  	[sflag:s4] =	ssyncset.done $0x0  }
0x83: {  	s31 =	rddreg [dreg:$0x3];
	[sflag:s4] =	ssyncadd.s32 $0xFFFFC000  }
0x84: {  	[tilespmem:s5], [sflag:$0x9] =	stream.linear.gather [hbm4b:s31+s3], $0x4000, $0x38;
	[tilespmem:$0x1C400] =	vst v63  }
0x85: {  	_ =	swait.ge [sflag:s4], $0x4000  }
0x86: {  	[sflag:s4] =	ssyncset.done $0x0  }
0x87: {  	[sflag:s4] =	ssyncadd.s32 $0xFFFFC000  }
0x88: {  	[bflag:$0x0] =	sbarrier.arrive $0xFFFF  }
0x89: {  	s23 =	rddreg [dreg:$0x13]  }
0x8a: {  	[tilespmem:s3], [sflag:$0x9] =	stream.linear.gather [hbm4b:s23+s3], $0x80, $0x38;
	[tilespmem:$0x1C400] =	vst v63  }
0x8b: {  	_ =	swait.ge [sflag:s4], $0x80  }
0x8c: {  	[sflag:s4] =	ssyncset.done $0x0  }
0x8d: {  	s31 =	rddreg [dreg:$0x14];
	[sflag:s4] =	ssyncadd.s32 $0xFFFFFF80  }
0x8e: {  	[tilespmem:s8], [sflag:$0x9] =	stream.linear.gather [hbm4b:s31+s3], $0x80, $0x38;
	[tilespmem:$0x1C400] =	vst v63  }
0x8f: {  	_ =	swait.ge [sflag:s4], $0x80  }
0x90: {  	[sflag:s4] =	ssyncset.done $0x0  }
0x91: {  	s23 =	rddreg [dreg:$0x15];
	[sflag:s4] =	ssyncadd.s32 $0xFFFFFF80  }
0x92: {  	[tilespmem:s9], [sflag:$0x9] =	stream.linear.gather [hbm4b:s23+s3], $0x80, $0x38;
	[tilespmem:$0x1C400] =	vst v63  }
0x93: {  	_ =	swait.ge [sflag:s4], $0x80  }
0x94: {  	[sflag:s4] =	ssyncset.done $0x0  }
0x95: {  	s31 =	rddreg [dreg:$0x16];
	[sflag:s4] =	ssyncadd.s32 $0xFFFFFF80  }
0x96: {  	[tilespmem:s10], [sflag:$0x9] =	stream.linear.gather [hbm4b:s31+s3], $0x80, $0x38;
	[tilespmem:$0x1C400] =	vst v63  }
0x97: {  	_ =	swait.ge [sflag:s4], $0x80  }
0x98: {  	[sflag:s4] =	ssyncset.done $0x0  }
0x99: {  	s23 =	rddreg [dreg:$0x17];
	[sflag:s4] =	ssyncadd.s32 $0xFFFFFF80  }
0x9a: {  	[tilespmem:s11], [sflag:$0x9] =	stream.linear.gather [hbm4b:s23+s3], $0x80, $0x38;
	[tilespmem:$0x1C400] =	vst v63  }
0x9b: {  	_ =	swait.ge [sflag:s4], $0x80  }
0x9c: {  	[sflag:s4] =	ssyncset.done $0x0  }
0x9d: {  	s31 =	rddreg [dreg:$0x18];
	[sflag:s4] =	ssyncadd.s32 $0xFFFFFF80  }
0x9e: {  	[tilespmem:s12], [sflag:$0x9] =	stream.linear.gather [hbm4b:s31+s3], $0x80, $0x38;
	[tilespmem:$0x1C400] =	vst v63  }
0x9f: {  	_ =	swait.ge [sflag:s4], $0x80  }
0xa0: {  	[sflag:s4] =	ssyncset.done $0x0  }
0xa1: {  	s23 =	rddreg [dreg:$0x19];
	[sflag:s4] =	ssyncadd.s32 $0xFFFFFF80  }
0xa2: {  	[tilespmem:s13], [sflag:$0x9] =	stream.linear.gather [hbm4b:s23+s3], $0x80, $0x38;
	[tilespmem:$0x1C400] =	vst v63  }
0xa3: {  	_ =	swait.ge [sflag:s4], $0x80  }
0xa4: {  	[sflag:s4] =	ssyncset.done $0x0  }
.Ltmp2:
0xa5: {  	s31 =	rddreg [dreg:$0x1a];
	[sflag:s4] =	ssyncadd.s32 $0xFFFFFF80;
	(pc) =	sbr.rel .LBB2_2-.Ltmp2, $4  }
0xa6: {  	[tilespmem:s14], [sflag:$0x9] =	stream.linear.gather [hbm4b:s31+s3], $0x80, $0x38;
	[tilespmem:$0x1C400] =	vst v63  }
0xa7: {  	_ =	swait.ge [sflag:s4], $0x80  }
0xa8: {  	s28 =	simm.s32 $0x700;
	[sflag:s4] =	ssyncset.done $0x0  }
0xa9: {  	s29 =	simm.s32 $0x0;
	s30 =	simm.s32 $0x0;
	[sflag:s4] =	ssyncadd.s32 $0xFFFFFF80  }
.LBB2_3:
0xaa: {  	[spmem:s1] =	stream.indirect.scatter.add.f32 [tilespmem:s5], [sflag:$0x8], $0x80, s14, s8, $0xb8;
	[tilespmem:$0x1C400] =	vst v63  }
.LBB2_5:
0xab: {  	_ =	swait.ge [sflag:s15], $0x4000  }
0xac: {  	s31 =	sadd.s32 s29, s25;
	[sflag:s15] =	ssyncset.done $0x0  }
0xad: {  	s0 =	sadd.s32 $0x80, s31;
	[sflag:s15] =	ssyncadd.s32 $0xFFFFC000  }
0xae: {  	[tilespmem:s3], [sflag:$0x9] =	stream.linear.gather [hbm4b:s0+s3], $0x80, $0x38;
	[tilespmem:$0x1C400] =	vst v63  }
0xaf: {  	_ =	swait.ge [sflag:s4], $0x80  }
0xb0: {  	[sflag:s4] =	ssyncset.done $0x0  }
0xb1: {  	[sflag:s4] =	ssyncadd.s32 $0xFFFFFF80  }
0xb2: {  	_ =	swait.ge [sflag:s16], $0x4000  }
0xb3: {  	[sflag:s16] =	ssyncset.done $0x0  }
0xb4: {  	s23 =	sadd.s32 $0x90, s31;
	[sflag:s16] =	ssyncadd.s32 $0xFFFFC000  }
0xb5: {  	[tilespmem:s8], [sflag:$0x9] =	stream.linear.gather [hbm4b:s23+s3], $0x80, $0x38;
	[tilespmem:$0x1C400] =	vst v63  }
0xb6: {  	_ =	swait.ge [sflag:s4], $0x80  }
0xb7: {  	[sflag:s4] =	ssyncset.done $0x0  }
0xb8: {  	[sflag:s4] =	ssyncadd.s32 $0xFFFFFF80  }
0xb9: {  	_ =	swait.ge [sflag:s17], $0x4000  }
0xba: {  	[sflag:s17] =	ssyncset.done $0x0  }
0xbb: {  	s23 =	sadd.s32 $0xA0, s31;
	[sflag:s17] =	ssyncadd.s32 $0xFFFFC000  }
0xbc: {  	[tilespmem:s9], [sflag:$0x9] =	stream.linear.gather [hbm4b:s23+s3], $0x80, $0x38;
	[tilespmem:$0x1C400] =	vst v63  }
0xbd: {  	_ =	swait.ge [sflag:s4], $0x80  }
0xbe: {  	[sflag:s4] =	ssyncset.done $0x0  }
0xbf: {  	[sflag:s4] =	ssyncadd.s32 $0xFFFFFF80  }
0xc0: {  	_ =	swait.ge [sflag:s18], $0x4000  }
0xc1: {  	[sflag:s18] =	ssyncset.done $0x0  }
0xc2: {  	s23 =	sadd.s32 $0xB0, s31;
	[sflag:s18] =	ssyncadd.s32 $0xFFFFC000  }
0xc3: {  	[tilespmem:s10], [sflag:$0x9] =	stream.linear.gather [hbm4b:s23+s3], $0x80, $0x38;
	[tilespmem:$0x1C400] =	vst v63  }
0xc4: {  	_ =	swait.ge [sflag:s4], $0x80  }
0xc5: {  	[sflag:s4] =	ssyncset.done $0x0  }
0xc6: {  	[sflag:s4] =	ssyncadd.s32 $0xFFFFFF80  }
0xc7: {  	_ =	swait.ge [sflag:s19], $0x4000  }
0xc8: {  	[sflag:s19] =	ssyncset.done $0x0  }
0xc9: {  	s23 =	sadd.s32 $0xC0, s31;
	[sflag:s19] =	ssyncadd.s32 $0xFFFFC000  }
0xca: {  	[tilespmem:s11], [sflag:$0x9] =	stream.linear.gather [hbm4b:s23+s3], $0x80, $0x38;
	[tilespmem:$0x1C400] =	vst v63  }
0xcb: {  	_ =	swait.ge [sflag:s4], $0x80  }
0xcc: {  	[sflag:s4] =	ssyncset.done $0x0  }
0xcd: {  	[sflag:s4] =	ssyncadd.s32 $0xFFFFFF80  }
0xce: {  	_ =	swait.ge [sflag:s21], $0x4000  }
0xcf: {  	[sflag:s21] =	ssyncset.done $0x0  }
0xd0: {  	s23 =	sadd.s32 $0xD0, s31;
	[sflag:s21] =	ssyncadd.s32 $0xFFFFC000  }
0xd1: {  	[tilespmem:s12], [sflag:$0x9] =	stream.linear.gather [hbm4b:s23+s3], $0x80, $0x38;
	[tilespmem:$0x1C400] =	vst v63  }
0xd2: {  	_ =	swait.ge [sflag:s4], $0x80  }
0xd3: {  	[sflag:s4] =	ssyncset.done $0x0  }
0xd4: {  	s31 =	smin.u32 s28, $0x2690;
	[sflag:s4] =	ssyncadd.s32 $0xFFFFFF80  }
0xd5: {  	s0 =	sadd.s32 s6, s31;
	_ =	swait.ge [sflag:s22], $0x4000  }
0xd6: {  	s0 =	sshrl.u32 s0, $0x3;
	[sflag:s22] =	ssyncset.done $0x0  }
0xd7: {  	s0 =	sadd.s32 s20, s0;
	[sflag:s22] =	ssyncadd.s32 $0xFFFFC000  }
0xd8: {  	[tilespmem:s13], [sflag:$0x9] =	stream.linear.gather [hbm4b:s0+s3], $0x80, $0x38;
	[tilespmem:$0x1C400] =	vst v63  }
0xd9: {  	_ =	swait.ge [sflag:s4], $0x80  }
0xda: {  	p1 =	sne.s32 s29, $0x400;
	[sflag:s4] =	ssyncset.done $0x0  }
0xdb: {  	v0 =	vimm.s32 @!p1 $0x2710;
	[sflag:s4] =	ssyncadd.s32 $0xFFFFFF80  }
0xdc: {  	[tilespmem:$0x300] =	vst @!p1 v0  }
0xdd: {  	[tilespmem:$0x310] =	vst @!p1 v0  }
0xde: {  	[tilespmem:$0x320] =	vst @!p1 v0  }
0xdf: {  	[tilespmem:$0x330] =	vst @!p1 v0  }
0xe0: {  	[tilespmem:$0x340] =	vst @!p1 v0  }
0xe1: {  	p0 =	sgt.u32 s30, $0x7;
	[tilespmem:$0x350] =	vst @!p1 v0  }
0xe2: {  	s0 =	simm.s32 @!p0 $0x8;
	[tilespmem:$0x360] =	vst @!p1 v0  }
0xe3: {  	_ =	swait.ge @!p0 [sflag:s0], $0x4000  }
0xe4: {  	s31 =	simm.s32 @!p0 $0x0;
	[sflag:s0] =	ssyncset.done @!p0 $0x0  }
0xe5: {  	[sflag:s0] =	ssyncadd.s32 @!p0 $0xFFFFC000;
	s0 =	sadd.s32 @!p0 s29, s25;
	s29 =	sadd.s32 $0x80, s29  }
0xe6: {  	s23 =	simm.s32 @!p0 $0x380;
	s0 =	sadd.s32 @!p0 $0xF0, s0;
	p1 =	sne.s32 s29, $0x500  }
0xe7: {  	[tilespmem:s23], [sflag:$0x9] =	stream.linear.gather @!p0 [hbm4b:s0+s31], $0x80, $0x38;
	[tilespmem:$0x1C400] =	vst v63  }
.Ltmp3:
0xe8: {  	_ = 	snop;
	(pc) =	sbr.rel @!p1 .LBB2_6-.Ltmp3, $4  }
0xe9: {  	s0 =	simm.s32 @!p0 $0x9  }
0xea: {  	_ =	swait.ge @!p0 [sflag:s0], $0x80  }
0xeb: {  	[sflag:s0] =	ssyncset.done @!p0 $0x0  }
0xec: {  	s30 =	sadd.s32 $0x1, s30;
	s28 =	sadd.s32 $0x400, s28;
	[sflag:s0] =	ssyncadd.s32 @!p0 $0xFFFFFF80  }
.LBB2_2:
0xed: {  	[spmem:s1] =	stream.indirect.scatter.add.f32 [tilespmem:s5], [sflag:$0x1], $0x80, s3, s8, $0xb8;
	[tilespmem:$0x1C400] =	vst v63  }
0xee: {  	_ = 	snop  }
0xef: {  	[spmem:s1] =	stream.indirect.scatter.add.f32 [tilespmem:s5], [sflag:$0x2], $0x80, s8, s8, $0xb8;
	[tilespmem:$0x1C400] =	vst v63  }
0xf0: {  	_ = 	snop  }
0xf1: {  	[spmem:s1] =	stream.indirect.scatter.add.f32 [tilespmem:s5], [sflag:$0x3], $0x80, s9, s8, $0xb8;
	[tilespmem:$0x1C400] =	vst v63  }
0xf2: {  	_ = 	snop  }
0xf3: {  	[spmem:s1] =	stream.indirect.scatter.add.f32 [tilespmem:s5], [sflag:$0x4], $0x80, s10, s8, $0xb8;
	[tilespmem:$0x1C400] =	vst v63  }
0xf4: {  	p0 =	sgt.u32 s30, $0x8  }
0xf5: {  	[spmem:s1] =	stream.indirect.scatter.add.f32 [tilespmem:s5], [sflag:$0x5], $0x80, s11, s8, $0xb8;
	[tilespmem:$0x1C400] =	vst v63  }
.Ltmp4:
0xf6: {  	_ = 	snop;
	(pc) =	sbr.rel @!p0 .LBB2_3-.Ltmp4, $4  }
0xf7: {  	_ = 	snop  }
0xf8: {  	[spmem:s1] =	stream.indirect.scatter.add.f32 [tilespmem:s5], [sflag:$0x6], $0x80, s12, s8, $0xb8;
	[tilespmem:$0x1C400] =	vst v63  }
0xf9: {  	_ = 	snop  }
0xfa: {  	[spmem:s1] =	stream.indirect.scatter.add.f32 [tilespmem:s5], [sflag:$0x7], $0x80, s13, s8, $0xb8;
	[tilespmem:$0x1C400] =	vst v63  }
0xfb: {  	p0 =	seq.s32 s29, $0x480  }
.Ltmp5:
0xfc: {  	_ = 	snop;
	(pc) =	sbr.rel @!p0 .LBB2_5-.Ltmp5, $4  }
.Ltmp6:
0xfd: {  	_ = 	snop;
	(pc) =	sbr.rel @p0 .LBB2_6-.Ltmp6, $4  }
0xfe: {  	_ = 	snop  }
0xff: {  	_ = 	snop  }
0x100: {  	_ = 	snop  }
0x101: {  	_ = 	snop  }
.LBB2_7:
0x102: {  	_ =	sfence.sel $0x180000  }
0x103: {  	[bflag:$0x0] =	sbarrier.arrive $0xFFFF  }
0x104: {  	_ =	strace $0x9000004A  }
0x105: {  	s0 =	stileid.u32;
	[bflag:$0x2] =	sbarrier.arrive $0xFFFF  }
0x106: {  	p0 =	sne.s32 s0, $0x0;
	s0 =	rddreg [dreg:$0x2]  }
0x107: {  	s0 =	sadd.s32 @!p0 $0x100000, s0  }
0x108: {  	[sflag:s0] =	ssyncadd.tile.s32 @!p0 $0x1;
	_ =	shalt  }
.Lfunc_end2:
_tile_overlayer_lowered:
.L_overlay_start_2:
0x109: {  	(tag) =	ssettag $0x2  }
0x10a: {  	s0 =	rddreg [dreg:$0x0];
	s2 =	stileid.u32  }
0x10b: {  	s1 =	rddreg [dreg:$0x1];
	p0 =	sne.s32 s2, $0x0  }
0x10c: {  	s3 =	rddreg [dreg:$0x2];
	[bflag:$0x3] =	sbarrier.arrive $0xFFFF;
	s2 =	simm.s32 @!p0 $0x1C09  }
0x10d: {  	[timem:s3], [sflag:s2] =	dma.local @!p0 [hbm:s0], s1  }
0x10e: {  	s0 =	simm.s32 @!p0 $0x9  }
0x10f: {  	_ =	swait.ge @!p0 [sflag:s0], s1  }
0x110: {  	s1 =	ssub.s32 @!p0 $0x0, s1;
	[sflag:s0] =	ssyncset.done @!p0 $0x0  }
0x111: {  	[sflag:s0] =	ssyncadd.s32 @!p0 s1  }
0x112: {  	[bflag:$0x3] =	sbarrier.arrive $0xFFFF  }
0x113: {  	_ =	shalt  }

// kernel: kernel.14.cloned.1.call-start
scs
__scs_entry_jumppad:
0x0: {  	(pc) =	sbr.rel $0x88, $3  }
0x1: {  	(tag) =	ssettag $0x0;
	lr =	simm.s32 $0x1  }
0x2: {  	[smem:$0x3F82] =	sst lr;
	_ =	strace $0xD0000000  }
0x3: {  	_ = 	snop  }
0x4: {  	_ = 	snop  }
0x5: {  	_ = 	snop  }
0x6: {  	_ = 	snop  }
0x7: {  	_ = 	snop  }
__scs_overlays_trampoline_lowered:
0x8: {  	[smem:$0x3F91] =	sst s0  }
0x9: {  	[smem:$0x3F92] =	sst s1  }
0xa: {  	[smem:$0x3F93] =	sst s2  }
0xb: {  	[smem:$0x3F94] =	sst s3  }
0xc: {  	[smem:$0x3F95] =	sst s4  }
0xd: {  	[smem:$0x3F96] =	sst s5  }
0xe: {  	[smem:$0x3F97] =	sst s6  }
0xf: {  	[smem:$0x3F98] =	sst s7  }
0x10: {  	[smem:$0x3F99] =	sst s8  }
0x11: {  	[smem:$0x3F9A] =	sst s9;
	s0 =	simm.s32 @!p0 $0x0  }
0x12: {  	s1 =	sld [smem:$0x3F80];
	s0 =	simm.s32 @p0 $0x1  }
0x13: {  	[smem:$0x3F9B] =	sst s0;
	s0 =	simm.s32 @!p1 $0x0  }
0x14: {  	s2 =	sld [smem:$0x3F7F];
	s0 =	simm.s32 @p1 $0x1  }
0x15: {  	[smem:$0x3F9C] =	sst s0;
	s0 =	simm.s32 @!p2 $0x0  }
0x16: {  	s3 =	sld [smem:$0x3FDB];
	s0 =	simm.s32 @p2 $0x1  }
0x17: {  	s4 =	simm.s32 $0x1BF5;
	[smem:$0x3F9E] =	sst s0  }
0x18: {  	s0 =	sld [smem:$0x3F81];
	_ =	swait.ge [sflag:s4], $0x0  }
0x19: {  	s7 =	sld [smem:$0x3F82]  }
0x1a: {  	s8 =	sadd.s32 $0xFFFFE003, lr  }
0x1b: {  	s9 =	sadd.s32 $0xFFFFFEF7, lr;
	s5 =	simm.s32 $0xFFFFFFFF;
	p2 =	slt.u32 s8, $0xFFFFF086  }
0x1c: {  	p1 =	slt.u32 s9, $0xF7A;
	s5 =	simm.s32 @!p2 $0x0  }
0x1d: {  	s5 =	simm.s32 @p1 $0x1;
	p0 =	seq.s32 s7, s2  }
0x1e: {  	s7 =	smul.u32 @!p0 $0xF7A, s2;
	p2 =	seq.s32 @!p0 s5, $0x0  }
0x1f: {  	s9 =	smul.u32 $0xF7A, s1;
	s8 =	simm.s32 @!p0 $0x1BF5;
	p2 =	por !p2, p0  }
0x20: {  	[sflag:s8] =	ssyncset.s32 @!p0 $0xFFFFF086;
	s6 =	sadd.s32 @!p0 s3, s7;
	s7 =	simm.s32 @!p0 $0x108  }
0x21: {  	s3 =	sadd.s32 s3, s9;
	s6 =	sadd.s32 @!p0 $0x88, s6;
	s7 =	simm.s32 @p2 $0x1082  }
0x22: {  	[simem:s7], [sflag:s8] =	dma.local @!p0 [hbm:s6], $0xF7A  }
0x23: {  	s9 =	sor.u32 $0xD0000000, s2;
	s6 =	simm.s32 $0x108;
	_ =	swait.ge @!p0 [sflag:s8], $0x0  }
0x24: {  	s3 =	sadd.s32 $0x88, s3;
	s6 =	simm.s32 @!p1 $0x1082;
	[sflag:s4] =	ssyncset.s32 $0xFFFFF086  }
0x25: {  	[simem:s6], [sflag:s4] =	dma.local [hbm:s3], $0xF7A  }
0x26: {  	[smem:$0x3F82] =	sst s1;
	(tag) =	ssettag s2;
	_ =	strace s9  }
0x27: {  	s1 =	sld [smem:$0x3F92]  }
0x28: {  	s2 =	sld [smem:$0x3F93]  }
0x29: {  	s4 =	sld [smem:$0x3F95]  }
0x2a: {  	p0 =	seq.s32 s5, $0x0;
	s5 =	sld [smem:$0x3F96]  }
0x2b: {  	s6 =	sld [smem:$0x3F97]  }
0x2c: {  	s7 =	sld [smem:$0x3F98]  }
0x2d: {  	s3 =	simm.s32 $0x108;
	s8 =	sld [smem:$0x3F99]  }
0x2e: {  	s3 =	simm.s32 @!p0 $0x1082;
	s9 =	sld [smem:$0x3F9A]  }
0x2f: {  	lr =	sadd.s32 s0, s3;
	s0 =	sld [smem:$0x3F91]  }
0x30: {  	s3 =	sld [smem:$0x3F94]  }
0x31: {  	[smem:$0x3F9D] =	sst s10  }
0x32: {  	s10 =	sld [smem:$0x3F9B];
	_ =	sdelay $0x3  }
0x33: {  	p0 =	seq.s32 s10, $0x1;
	s10 =	sld [smem:$0x3F9D];
	_ =	sdelay $0x3  }
0x34: {  	[smem:$0x3F9D] =	sst s10  }
0x35: {  	s10 =	sld [smem:$0x3F9C];
	_ =	sdelay $0x3  }
0x36: {  	p1 =	seq.s32 s10, $0x1;
	s10 =	sld [smem:$0x3F9D];
	_ =	sdelay $0x3  }
0x37: {  	[smem:$0x3F9D] =	sst s10  }
0x38: {  	s10 =	sld [smem:$0x3F9E]  }
0x39: {  	_ = 	snop;
	(pc) =	sbr.ind lr, $3  }
0x3a: {  	_ = 	snop  }
0x3b: {  	_ = 	snop  }
0x3c: {  	p2 =	seq.s32 s10, $0x1;
	s10 =	sld [smem:$0x3F9D]  }
0x3d: {  	_ =	shalt  }
0x3e: {  	_ =	shalt  }
0x3f: {  	_ =	shalt  }
0x40: {  	_ =	shalt  }
0x41: {  	_ =	shalt  }
0x42: {  	_ =	shalt  }
0x43: {  	_ =	shalt  }
0x44: {  	_ =	shalt  }
0x45: {  	_ =	shalt  }
0x46: {  	_ =	shalt  }
0x47: {  	_ =	shalt  }
0x48: {  	_ =	shalt  }
0x49: {  	_ =	shalt  }
0x4a: {  	_ =	shalt  }
0x4b: {  	_ =	shalt  }
0x4c: {  	_ =	shalt  }
0x4d: {  	_ =	shalt  }
0x4e: {  	_ =	shalt  }
0x4f: {  	_ =	shalt  }
0x50: {  	_ =	shalt  }
0x51: {  	_ =	shalt  }
0x52: {  	_ =	shalt  }
0x53: {  	_ =	shalt  }
0x54: {  	_ =	shalt  }
0x55: {  	_ =	shalt  }
0x56: {  	_ =	shalt  }
0x57: {  	_ =	shalt  }
0x58: {  	_ =	shalt  }
0x59: {  	_ =	shalt  }
0x5a: {  	_ =	shalt  }
0x5b: {  	_ =	shalt  }
0x5c: {  	_ =	shalt  }
0x5d: {  	_ =	shalt  }
0x5e: {  	_ =	shalt  }
0x5f: {  	_ =	shalt  }
0x60: {  	_ =	shalt  }
0x61: {  	_ =	shalt  }
0x62: {  	_ =	shalt  }
0x63: {  	_ =	shalt  }
0x64: {  	_ =	shalt  }
0x65: {  	_ =	shalt  }
0x66: {  	_ =	shalt  }
0x67: {  	_ =	shalt  }
0x68: {  	_ =	shalt  }
0x69: {  	_ =	shalt  }
0x6a: {  	_ =	shalt  }
0x6b: {  	_ =	shalt  }
0x6c: {  	_ =	shalt  }
0x6d: {  	_ =	shalt  }
0x6e: {  	_ =	shalt  }
0x6f: {  	_ =	shalt  }
0x70: {  	_ =	shalt  }
0x71: {  	_ =	shalt  }
0x72: {  	_ =	shalt  }
0x73: {  	_ =	shalt  }
0x74: {  	_ =	shalt  }
0x75: {  	_ =	shalt  }
0x76: {  	_ =	shalt  }
0x77: {  	_ =	shalt  }
0x78: {  	_ =	shalt  }
0x79: {  	_ =	shalt  }
0x7a: {  	_ =	shalt  }
0x7b: {  	_ =	shalt  }
0x7c: {  	_ =	shalt  }
0x7d: {  	_ =	shalt  }
0x7e: {  	_ =	shalt  }
0x7f: {  	_ =	shalt  }
0x80: {  	_ =	shalt  }
0x81: {  	_ =	shalt  }
0x82: {  	_ =	shalt  }
0x83: {  	_ =	shalt  }
0x84: {  	_ =	shalt  }
0x85: {  	_ =	shalt  }
0x86: {  	_ =	shalt  }
0x87: {  	_ =	shalt  }
.Lfunc_end0:
.L_simem_size_0:
called_computation.1_lowered:
.L_overlay_start_0:
0x88: {  	s2 =	sld [smem:$0x3FD9]  }
0x89: {  	s3 =	sld [smem:$0x3FFE];
	_ =	sdelay $0x1  }
0x8a: {  	s1 =	srdreg.scid  }
0x8b: {  	s0 =	sand.u32 $0x1, s1  }
0x8c: {  	s16 =	sshll.u32 s0, $0xA;
	s2 =	sadd.s32 s3, s2  }
0x8d: {  	s2 =	sadd.s32 s2, s16  }
0x8e: {  	[smem:$0x3FA9] =	sst s2  }
0x8f: {  	_ = 	snop  }
0x90: {  	(tm) =	ssettm $0x1  }
0x91: {  	s17 =	sld [smem:$0x3FFB];
	_ =	sdelay $0x3  }
0x92: {  	_ =	strace s17  }
0x93: {  	s2 =	sld [smem:$0x3FFC];
	_ =	sdelay $0x3  }
0x94: {  	_ =	strace s2  }
0x95: {  	s2 =	sld [smem:$0x3FFD];
	_ =	sdelay $0x3  }
0x96: {  	_ =	strace s2  }
0x97: {  	_ =	strace $0x8FFFFFFF  }
0x98: {  	s18 =	sld [smem:$0x3FDB];
	_ =	sdelay $0x1  }
0x99: {  	s19 =	simm.s32 $_scs_section_size  }
0x9a: {  	s4 =	simm.s32 $_size__tile_overlayer_lowered;
	s5 =	simm.s32 $_tile_overlayer_lowered  }
0x9b: {  	s22 =	simm.s32 $0x1BFF;
	s21 =	sshll.u32 s5, $0x1;
	s2 =	sadd.s32 s19, s18  }
0x9c: {  	s6 =	simm.s32 $0x0;
	s20 =	sshll.u32 s4, $0x1;
	s4 =	sadd.s32 s21, s2  }
0x9d: {  	[timem:s6], [sflag:s22] =	dma.local [hbm:s4], s20  }
0x9e: {  	_ =	swait.ge [sflag:s22], s20  }
0x9f: {  	s3 =	ssub.s32 $0x0, s20;
	[sflag:s22] =	ssyncset.done $0x0  }
0xa0: {  	[sflag:s22] =	ssyncadd.s32 s3;
	_ =	sdelay $0x1  }
0xa1: {  	s23 =	simm.s32 $0x1B8B  }
0xa2: {  	_ =	swait.ge [sflag:s23], $0x1  }
0xa3: {  	[sflag:s23] =	ssyncset.done $0x0  }
0xa4: {  	s25 =	simm.s32 $0x1B8E;
	s24 =	sld [smem:$0x3FFE];
	[sflag:s23] =	ssyncadd.s32 $0xFFFFFFFF  }
0xa5: {  	s26 =	simm.s32 $execute0_lowered;
	[smem:$0x3FD2] =	sst s25  }
0xa6: {  	s4 =	sshll.u32 s26, $0x1;
	_ =	strace $0x80000046;
	[dreg:$0x1] =	wrdreg $0xFFFFFFFF  }
0xa7: {  	s28 =	simm.s32 $_size_execute0_lowered;
	s2 =	sadd.s32 s2, s4;
	[dreg:$0x0] =	wrdreg $0x0  }
0xa8: {  	s4 =	sshll.u32 s28, $0x1;
	[dreg:$0x2] =	wrdreg s2  }
0xa9: {  	[dreg:$0x3] =	wrdreg s4  }
0xaa: {  	[dreg:$0x4] =	wrdreg $0xC0  }
0xab: {  	_ =	task [dreg:s6], $0x5FFFF  }
0xac: {  	[dreg:$0x1] =	wrdreg $0xFFFFFFFF  }
0xad: {  	[dreg:$0x0] =	wrdreg $0x60  }
0xae: {  	[dreg:$0x2] =	wrdreg s24  }
0xaf: {  	[dreg:$0x3] =	wrdreg $0xAB000  }
0xb0: {  	[dreg:$0x4] =	wrdreg $0xA  }
0xb1: {  	_ =	task.clear_ibuf [dreg:s6], $0x5FFFF;
	_ =	strace $0x90000046  }
0xb2: {  	s29 =	simm.s32 $0xA;
	_ =	strace $0x80000048  }
0xb3: {  	_ =	swait.ge [sflag:s29], $0x1  }
0xb4: {  	[sflag:s29] =	ssyncadd.s32 $0xFFFFFFFF  }
0xb5: {  	_ =	strace $0x90000048  }
0xb6: {  	_ =	sfence  }
0xb7: {  	s30 =	sld [smem:$0x0];
	_ =	sdelay $0x2  }
0xb8: {  	s31 =	sshll.u32 s1, $0xD;
	s1 =	sshrl.u32 s1, $0x2  }
0xb9: {  	s3 =	sand.u32 $0x4000, s31;
	s1 =	sadd.s32 s1, s30  }
0xba: {  	s0 =	sor.u32 s3, s0;
	s1 =	sshll.u32 s1, $0x11  }
0xbb: {  	s0 =	sor.u32 s1, s0  }
0xbc: {  	s0 =	sadd.s32 $0x8F2B, s0  }
0xbd: {  	[sflag:s0] =	ssyncadd.remote.s32 $0x1  }
0xbe: {  	_ =	sfence.sel $0xFFFF  }
0xbf: {  	[dreg:$0x0] =	wrdreg $0xFFFFFFFF;
	(pc) =	sbr.abs _section_cstart, $3  }
0xc0: {  	[dreg:$0x1] =	wrdreg $0xFFFFFFFF  }
0xc1: {  	_ =	task.clear_ibuf [dreg:s6], $0x2FFFF;
	_ =	strace $0x9FFFFFFF  }
0xc2: {  	(tm) =	ssettm $0x7FFFFFFF  }
0xc3: {  	_ =	shalt  }
tec
execute0_lowered:
.L_overlay_start_1:
0x0: {  	(tag) =	ssettag $0x1  }
0x1: {  	s0 =	rddreg [dreg:$0x0]  }
0x2: {  	s1 =	rddreg [dreg:$0x1];
	s2 =	simm.s32 $0x0;
	s3 =	srdreg.scid  }
0x3: {  	s20 =	stileid.u32;
	[smem:$0x7FF] =	sst s2  }
0x4: {  	s3 =	sand.u32 $0x1, s3;
	s4 =	sadd.s32 $0x4C00, s0;
	s8 =	smul.u32 $0x14000, s20  }
0x5: {  	s5 =	sadd.s32 $0x9C00, s0;
	s18 =	smul.u32 $0x4E2, s20;
	s6 =	ssub.s32 $0x2, s3  }
0x6: {  	s9 =	sadd.s32 $0x62600, s0;
	_ =	strace $0x80000047;
	s7 =	sshrl.u32 s6, $0x1  }
0x7: {  	s11 =	sadd.s32 $0x5000, s8;
	s12 =	sadd.s32 $0x7800, s8;
	s22 =	sadd.s32 s18, s5  }
0x8: {  	s14 =	sadd.s32 $0xA000, s8;
	[dreg:$0x3] =	wrdreg s22;
	s28 =	sadd.s32 s11, s1  }
0x9: {  	s17 =	sadd.s32 $0xF000, s8;
	s29 =	sadd.s32 s12, s1;
	[dreg:$0x15] =	wrdreg s28  }
0xa: {  	s6 =	ssub.s32 s6, s7;
	s30 =	sadd.s32 s14, s1;
	[dreg:$0x16] =	wrdreg s29  }
0xb: {  	s7 =	smul.u32 $0x140000, s3;
	s31 =	sadd.s32 s17, s1;
	[dreg:$0x17] =	wrdreg s30  }
0xc: {  	s10 =	sor.u32 $0x2800, s8;
	s16 =	sadd.s32 $0xC800, s8;
	[dreg:$0x19] =	wrdreg s31  }
0xd: {  	s13 =	sadd.s32 s7, s8;
	s15 =	sadd.s32 s7, s10;
	s8 =	sadd.s32 $0x11800, s8  }
0xe: {  	s25 =	sadd.s32 s7, s11;
	s26 =	sadd.s32 s7, s12;
	s19 =	sadd.s32 s7, s14  }
0xf: {  	s23 =	sadd.s32 s7, s17;
	s11 =	simm.s32 $0x3B00;
	s12 =	simm.s32 $0x100  }
0x10: {  	s14 =	simm.s32 $0x280;
	s17 =	simm.s32 $0x1;
	s13 =	sshrl.u32 s13, $0x3  }
0x11: {  	s15 =	sshrl.u32 s15, $0x3;
	s21 =	sshrl.u32 s19, $0x3;
	s19 =	sadd.s32 s7, s16  }
0x12: {  	s7 =	sadd.s32 s7, s8;
	s13 =	sadd.s32 s9, s13;
	s24 =	sadd.s32 s9, s15  }
0x13: {  	s15 =	sshrl.u32 s26, $0x3;
	s7 =	sshrl.u32 s7, $0x3;
	[dreg:$0x5] =	wrdreg s13  }
0x14: {  	s26 =	sadd.s32 s18, s4;
	[dreg:$0x6] =	wrdreg s24;
	s13 =	sshrl.u32 s25, $0x3  }
0x15: {  	s24 =	sshrl.u32 s19, $0x3;
	s7 =	sadd.s32 s9, s7;
	[dreg:$0x4] =	wrdreg s26  }
0x16: {  	s26 =	smax.u32 s6, $0x1;
	s6 =	simm.s32 $0x7;
	[dreg:$0xc] =	wrdreg s7  }
0x17: {  	s13 =	sadd.s32 s9, s13;
	[dreg:$0x14] =	wrdreg s26;
	s26 =	sadd.s32 s10, s1  }
0x18: {  	s10 =	simm.s32 $0x200;
	[dreg:$0x7] =	wrdreg s13;
	s13 =	sadd.s32 s9, s15  }
0x19: {  	s15 =	sshrl.u32 s23, $0x3;
	[dreg:$0x8] =	wrdreg s13;
	s13 =	sadd.s32 s9, s21  }
0x1a: {  	s25 =	sadd.s32 s9, s15;
	[dreg:$0x9] =	wrdreg s13;
	s13 =	sadd.s32 s9, s24  }
0x1b: {  	s15 =	sadd.s32 $0x13C00, s0;
	[dreg:$0xa] =	wrdreg s13;
	s13 =	smul.u32 $0x2710, s20  }
0x1c: {  	s0 =	sadd.s32 $0x61E00, s0;
	s21 =	smul.u32 $0x2710, s3;
	[dreg:$0xb] =	wrdreg s25  }
0x1d: {  	[dreg:$0xd] =	wrdreg s0;
	s9 =	simm.s32 $0x80;
	s7 =	sshrl.u32 s13, $0x3  }
0x1e: {  	s20 =	smul.u32 $0x50000, s20;
	v0 =	vmov s21;
	s21 =	simm.s32 $0x5;
	s18 =	sadd.s32 s4, s7  }
0x1f: {  	s19 =	sadd.s32 $0xE, s7;
	s22 =	sadd.s32 s5, s7;
	[dreg:$0xe] =	wrdreg s18  }
0x20: {  	s24 =	sshrl.u32 s20, $0x2;
	[dreg:$0xf] =	wrdreg s22;
	s23 =	sadd.s32 s4, s19  }
0x21: {  	s0 =	sadd.s32 $0x1C, s7;
	s3 =	sadd.s32 s5, s19;
	[dreg:$0x10] =	wrdreg s23  }
0x22: {  	s20 =	simm.s32 $0x4;
	s25 =	sadd.s32 s4, s0;
	[dreg:$0x11] =	wrdreg s3  }
0x23: {  	s7 =	simm.s32 $0x180;
	s0 =	sadd.s32 s5, s0;
	[dreg:$0x12] =	wrdreg s25  }
0x24: {  	s18 =	simm.s32 $0x2;
	[dreg:$0x13] =	wrdreg s0;
	s23 =	simm.s32 $0x0  }
0x25: {  	s19 =	simm.s32 $0x3;
	s0 =	sadd.s32 s16, s1;
	[dreg:$0x1c] =	wrdreg s23  }
0x26: {  	s22 =	simm.s32 $0x6;
	s25 =	sadd.s32 s24, s1;
	[dreg:$0x18] =	wrdreg s0  }
0x27: {  	s24 =	sadd.s32 s8, s1;
	s3 =	simm.s32 $0x300;
	[dreg:$0x1a] =	wrdreg s25  }
0x28: {  	s8 =	simm.s32 $0x70;
	s16 =	simm.s32 $0x7300;
	[dreg:$0x1b] =	wrdreg s24  }
.LBB2_1:
0x29: {  	s23 =	rddreg [dreg:$0xd]  }
0x2a: {  	[tilespmem:s3], [sflag:$0x7] =	stream.linear.gather [hbm4b:s23+s2], $0x2800, $0x38;
	[tilespmem:$0x1EB00] =	vst v63  }
0x2b: {  	_ =	swait.ge [sflag:s6], $0x2800  }
0x2c: {  	[sflag:s6] =	ssyncset.done $0x0  }
0x2d: {  	[sflag:s6] =	ssyncadd.s32 $0xFFFFD800  }
0x2e: {  	[spmem:s25] =	stream.linear.scatter [tilespmem:s3], [sflag:$0x7], $0x2800, $0x38;
	[tilespmem:$0x1EB00] =	vst v63  }
0x2f: {  	_ =	swait.ge [sflag:s6], $0x2800  }
0x30: {  	[sflag:s6] =	ssyncset.done $0x0  }
0x31: {  	[sflag:s6] =	ssyncadd.s32 $0xFFFFD800  }
0x32: {  	[spmem:s26] =	stream.linear.scatter [tilespmem:s3], [sflag:$0x7], $0x2800, $0x38;
	[tilespmem:$0x1EB00] =	vst v63  }
0x33: {  	_ =	swait.ge [sflag:s6], $0x2800  }
0x34: {  	[sflag:s6] =	ssyncset.done $0x0  }
0x35: {  	[sflag:s6] =	ssyncadd.s32 $0xFFFFD800  }
0x36: {  	[spmem:s28] =	stream.linear.scatter [tilespmem:s3], [sflag:$0x7], $0x2800, $0x38;
	[tilespmem:$0x1EB00] =	vst v63  }
0x37: {  	_ =	swait.ge [sflag:s6], $0x2800  }
0x38: {  	[sflag:s6] =	ssyncset.done $0x0  }
0x39: {  	[sflag:s6] =	ssyncadd.s32 $0xFFFFD800  }
0x3a: {  	[spmem:s29] =	stream.linear.scatter [tilespmem:s3], [sflag:$0x7], $0x2800, $0x38;
	[tilespmem:$0x1EB00] =	vst v63  }
0x3b: {  	_ =	swait.ge [sflag:s6], $0x2800  }
0x3c: {  	[sflag:s6] =	ssyncset.done $0x0  }
0x3d: {  	[sflag:s6] =	ssyncadd.s32 $0xFFFFD800  }
0x3e: {  	[spmem:s30] =	stream.linear.scatter [tilespmem:s3], [sflag:$0x7], $0x2800, $0x38;
	[tilespmem:$0x1EB00] =	vst v63  }
0x3f: {  	_ =	swait.ge [sflag:s6], $0x2800  }
0x40: {  	[sflag:s6] =	ssyncset.done $0x0  }
0x41: {  	s25 =	smov.u32 s0;
	[sflag:s6] =	ssyncadd.s32 $0xFFFFD800  }
0x42: {  	[spmem:s25] =	stream.linear.scatter [tilespmem:s3], [sflag:$0x7], $0x2800, $0x38;
	[tilespmem:$0x1EB00] =	vst v63  }
0x43: {  	_ =	swait.ge [sflag:s6], $0x2800  }
0x44: {  	[sflag:s6] =	ssyncset.done $0x0  }
0x45: {  	[sflag:s6] =	ssyncadd.s32 $0xFFFFD800  }
0x46: {  	[spmem:s31] =	stream.linear.scatter [tilespmem:s3], [sflag:$0x7], $0x2800, $0x38;
	[tilespmem:$0x1EB00] =	vst v63  }
0x47: {  	_ =	swait.ge [sflag:s6], $0x2800  }
0x48: {  	[sflag:s6] =	ssyncset.done $0x0  }
0x49: {  	[sflag:s6] =	ssyncadd.s32 $0xFFFFD800  }
0x4a: {  	[spmem:s24] =	stream.linear.scatter [tilespmem:s3], [sflag:$0x7], $0x2800, $0x38;
	[tilespmem:$0x1EB00] =	vst v63  }
0x4b: {  	_ =	swait.ge [sflag:s6], $0x2800  }
0x4c: {  	[sflag:s6] =	ssyncset.done $0x0  }
0x4d: {  	[sflag:s6] =	ssyncadd.s32 $0xFFFFD800  }
0x4e: {  	[bflag:$0x0] =	sbarrier.arrive $0xFFFF  }
0x4f: {  	s31 =	rddreg [dreg:$0xe]  }
0x50: {  	[tilespmem:s2], [sflag:$0x7] =	stream.linear.gather [hbm4b:s31+s2], $0x70, $0x38;
	[tilespmem:$0x1EB00] =	vst v63  }
0x51: {  	_ =	swait.ge [sflag:s6], $0x70  }
0x52: {  	[sflag:s6] =	ssyncset.done $0x0  }
0x53: {  	[sflag:s6] =	ssyncadd.s32 $0xFFFFFF90  }
0x54: {  	v1 =	vld [tilespmem:$0x0]  }
0x55: {  	v2 =	vld [tilespmem:$0x10]  }
0x56: {  	v3 =	vld [tilespmem:$0x20]  }
0x57: {  	v4 =	vld [tilespmem:$0x30]  }
0x58: {  	v5 =	vld [tilespmem:$0x40]  }
0x59: {  	v6 =	vld [tilespmem:$0x50];
	v1 =	vadd.s32 v0, v1  }
0x5a: {  	[tilespmem:$0x0] =	vst v1;
	v1 =	vadd.s32 v0, v2;
	v2 =	vld [tilespmem:$0x60]  }
0x5b: {  	[tilespmem:$0x10] =	vst v1;
	v1 =	vadd.s32 v0, v3  }
0x5c: {  	[tilespmem:$0x20] =	vst v1;
	v1 =	vadd.s32 v0, v4  }
0x5d: {  	[tilespmem:$0x30] =	vst v1;
	v1 =	vadd.s32 v0, v5  }
0x5e: {  	[tilespmem:$0x40] =	vst v1;
	v1 =	vadd.s32 v0, v6  }
0x5f: {  	[tilespmem:$0x50] =	vst v1;
	v1 =	vadd.s32 v0, v2  }
0x60: {  	s24 =	rddreg [dreg:$0xf];
	[tilespmem:$0x60] =	vst v1  }
0x61: {  	[tilespmem:s7], [sflag:$0x7] =	stream.linear.gather [hbm4b:s24+s2], $0x70, $0x38;
	[tilespmem:$0x1EB00] =	vst v63  }
0x62: {  	_ =	swait.ge [sflag:s6], $0x70  }
0x63: {  	[sflag:s6] =	ssyncset.done $0x0  }
0x64: {  	[sflag:s6] =	ssyncadd.s32 $0xFFFFFF90  }
0x65: {  	[tilespmem:s3], [sflag:$0x1] =	stream.indirect.gather [hbm4b:s15+s8], $0x80, s2, s8, $0xb8;
	[tilespmem:$0x1EB00] =	vst v63  }
0x66: {  	s25 =	rddreg [dreg:$0x10]  }
0x67: {  	[tilespmem:s9], [sflag:$0x7] =	stream.linear.gather [hbm4b:s25+s2], $0x70, $0x38;
	[tilespmem:$0x1EB00] =	vst v63  }
0x68: {  	_ =	swait.ge [sflag:s6], $0x70  }
0x69: {  	[sflag:s6] =	ssyncset.done $0x0  }
0x6a: {  	[sflag:s6] =	ssyncadd.s32 $0xFFFFFF90  }
0x6b: {  	v1 =	vld [tilespmem:$0x80]  }
0x6c: {  	v2 =	vld [tilespmem:$0x90]  }
0x6d: {  	v3 =	vld [tilespmem:$0xA0]  }
0x6e: {  	v51 =	vld [tilespmem:$0xB0]  }
0x6f: {  	v52 =	vld [tilespmem:$0xC0]  }
0x70: {  	v53 =	vld [tilespmem:$0xD0];
	v1 =	vadd.s32 v0, v1  }
0x71: {  	[tilespmem:$0x80] =	vst v1;
	v1 =	vadd.s32 v0, v2;
	v2 =	vld [tilespmem:$0xE0]  }
0x72: {  	[tilespmem:$0x90] =	vst v1;
	v1 =	vadd.s32 v0, v3  }
0x73: {  	[tilespmem:$0xA0] =	vst v1;
	v1 =	vadd.s32 v0, v51  }
0x74: {  	[tilespmem:$0xB0] =	vst v1;
	v1 =	vadd.s32 v0, v52  }
0x75: {  	[tilespmem:$0xC0] =	vst v1;
	v1 =	vadd.s32 v0, v53  }
0x76: {  	[tilespmem:$0xD0] =	vst v1;
	v1 =	vadd.s32 v0, v2  }
0x77: {  	s0 =	smov.u32 s26;
	s26 =	rddreg [dreg:$0x11];
	[tilespmem:$0xE0] =	vst v1  }
0x78: {  	[tilespmem:s10], [sflag:$0x7] =	stream.linear.gather [hbm4b:s26+s2], $0x70, $0x38;
	[tilespmem:$0x1EB00] =	vst v63  }
0x79: {  	_ =	swait.ge [sflag:s6], $0x70  }
0x7a: {  	[sflag:s6] =	ssyncset.done $0x0  }
0x7b: {  	[sflag:s6] =	ssyncadd.s32 $0xFFFFFF90  }
0x7c: {  	[tilespmem:s11], [sflag:$0x2] =	stream.indirect.gather [hbm4b:s15+s8], $0x80, s9, s8, $0xb8;
	[tilespmem:$0x1EB00] =	vst v63  }
0x7d: {  	s29 =	rddreg [dreg:$0x12]  }
0x7e: {  	[tilespmem:s12], [sflag:$0x7] =	stream.linear.gather [hbm4b:s29+s2], $0x70, $0x38;
	[tilespmem:$0x1EB00] =	vst v63  }
0x7f: {  	_ =	swait.ge [sflag:s6], $0x70  }
0x80: {  	[sflag:s6] =	ssyncset.done $0x0  }
0x81: {  	[sflag:s6] =	ssyncadd.s32 $0xFFFFFF90  }
0x82: {  	v1 =	vld [tilespmem:$0x100]  }
0x83: {  	v2 =	vld [tilespmem:$0x110]  }
0x84: {  	v3 =	vld [tilespmem:$0x120]  }
0x85: {  	v54 =	vld [tilespmem:$0x130]  }
0x86: {  	v55 =	vld [tilespmem:$0x140]  }
0x87: {  	v56 =	vld [tilespmem:$0x150];
	v1 =	vadd.s32 v0, v1  }
0x88: {  	[tilespmem:$0x100] =	vst v1;
	v1 =	vadd.s32 v0, v2;
	v2 =	vld [tilespmem:$0x160]  }
0x89: {  	[tilespmem:$0x110] =	vst v1;
	v1 =	vadd.s32 v0, v3  }
0x8a: {  	[tilespmem:$0x120] =	vst v1;
	v1 =	vadd.s32 v0, v54  }
0x8b: {  	[tilespmem:$0x130] =	vst v1;
	v1 =	vadd.s32 v0, v55  }
0x8c: {  	[tilespmem:$0x140] =	vst v1;
	v1 =	vadd.s32 v0, v56  }
0x8d: {  	[tilespmem:$0x150] =	vst v1;
	v1 =	vadd.s32 v0, v2  }
0x8e: {  	s30 =	rddreg [dreg:$0x13];
	[tilespmem:$0x160] =	vst v1  }
0x8f: {  	[tilespmem:s14], [sflag:$0x7] =	stream.linear.gather [hbm4b:s30+s2], $0x70, $0x38;
	[tilespmem:$0x1EB00] =	vst v63  }
0x90: {  	_ =	swait.ge [sflag:s6], $0x70  }
0x91: {  	[sflag:s6] =	ssyncset.done $0x0  }
0x92: {  	[sflag:s6] =	ssyncadd.s32 $0xFFFFFF90  }
0x93: {  	[tilespmem:s16], [sflag:$0x3] =	stream.indirect.gather [hbm4b:s15+s8], $0x80, s12, s8, $0xb8;
	[tilespmem:$0x1EB00] =	vst v63  }
0x94: {  	_ =	swait.ge [sflag:s17], $0x3800  }
0x95: {  	[sflag:s17] =	ssyncset.done $0x0  }
0x96: {  	[sflag:s17] =	ssyncadd.s32 $0xFFFFC800  }
0x97: {  	[spmem:s1] =	stream.indirect.scatter.add.f32 [tilespmem:s3], [sflag:$0x4], $0x80, s7, s8, $0xb8;
	[tilespmem:$0x1EB00] =	vst v63  }
0x98: {  	_ =	swait.ge [sflag:s18], $0x3800  }
0x99: {  	[sflag:s18] =	ssyncset.done $0x0  }
0x9a: {  	[sflag:s18] =	ssyncadd.s32 $0xFFFFC800  }
0x9b: {  	[spmem:s1] =	stream.indirect.scatter.add.f32 [tilespmem:s11], [sflag:$0x5], $0x80, s10, s8, $0xb8;
	[tilespmem:$0x1EB00] =	vst v63  }
0x9c: {  	_ =	swait.ge [sflag:s19], $0x3800  }
0x9d: {  	[sflag:s19] =	ssyncset.done $0x0  }
0x9e: {  	[sflag:s19] =	ssyncadd.s32 $0xFFFFC800  }
0x9f: {  	[spmem:s1] =	stream.indirect.scatter.add.f32 [tilespmem:s16], [sflag:$0x6], $0x80, s14, s8, $0xb8;
	[tilespmem:$0x1EB00] =	vst v63  }
0xa0: {  	_ =	swait.ge [sflag:s20], $0x3800  }
0xa1: {  	s31 =	rddreg [dreg:$0x4]  }
0xa2: {  	[sflag:s20] =	ssyncset.done $0x0;
	s23 =	sadd.s32 $0x0, s31  }
0xa3: {  	[sflag:s20] =	ssyncadd.s32 $0xFFFFC800;
	s24 =	sadd.s32 $0x2A, s23  }
0xa4: {  	[tilespmem:s2], [sflag:$0x7] =	stream.linear.gather [hbm4b:s24+s2], $0x70, $0x38;
	[tilespmem:$0x1EB00] =	vst v63  }
0xa5: {  	_ =	swait.ge [sflag:s6], $0x70  }
0xa6: {  	[sflag:s6] =	ssyncset.done $0x0  }
0xa7: {  	[sflag:s6] =	ssyncadd.s32 $0xFFFFFF90  }
0xa8: {  	v1 =	vld [tilespmem:$0x60]  }
0xa9: {  	v2 =	vld [tilespmem:$0x30]  }
0xaa: {  	v3 =	vld [tilespmem:$0x10]  }
0xab: {  	v57 =	vld [tilespmem:$0x0]  }
0xac: {  	v58 =	vld [tilespmem:$0x40]  }
0xad: {  	v59 =	vld [tilespmem:$0x20];
	v1 =	vadd.s32 v0, v1  }
0xae: {  	v7 =	vld [tilespmem:$0x50];
	v2 =	vadd.s32 v0, v2;
	[tilespmem:$0x60] =	vst v1  }
0xaf: {  	[tilespmem:$0x30] =	vst v2;
	v1 =	vadd.s32 v0, v3  }
0xb0: {  	v2 =	vadd.s32 v0, v57;
	[tilespmem:$0x10] =	vst v1  }
0xb1: {  	[tilespmem:$0x0] =	vst v2;
	v1 =	vadd.s32 v0, v58  }
0xb2: {  	s26 =	rddreg [dreg:$0x3];
	v2 =	vadd.s32 v0, v59;
	[tilespmem:$0x40] =	vst v1  }
0xb3: {  	s25 =	sadd.s32 $0x0, s26;
	v1 =	vadd.s32 v0, v7;
	[tilespmem:$0x20] =	vst v2  }
0xb4: {  	s29 =	sadd.s32 $0x2A, s25;
	[tilespmem:$0x50] =	vst v1  }
0xb5: {  	[tilespmem:s7], [sflag:$0x7] =	stream.linear.gather [hbm4b:s29+s2], $0x70, $0x38;
	[tilespmem:$0x1EB00] =	vst v63  }
0xb6: {  	_ =	swait.ge [sflag:s6], $0x70  }
0xb7: {  	p0 =	por $0x1, $0x1;
	[sflag:s6] =	ssyncset.done $0x0  }
0xb8: {  	v1 =	vimm.s32 @!p0 $0x2710;
	[sflag:s6] =	ssyncadd.s32 $0xFFFFFF90  }
0xb9: {  	[tilespmem:$0x180] =	vst @!p0 v1  }
0xba: {  	[tilespmem:$0x190] =	vst @!p0 v1  }
0xbb: {  	[tilespmem:$0x1B0] =	vst @!p0 v1  }
0xbc: {  	[tilespmem:$0x1C0] =	vst @!p0 v1  }
0xbd: {  	[tilespmem:$0x1A0] =	vst @!p0 v1  }
0xbe: {  	[tilespmem:s3], [sflag:$0x1] =	stream.indirect.gather [hbm4b:s15+s8], $0x80, s2, s8, $0xb8;
	[tilespmem:$0x1EB00] =	vst v63  }
0xbf: {  	_ =	swait.ge [sflag:s21], $0x3800  }
0xc0: {  	[sflag:s21] =	ssyncset.done $0x0  }
0xc1: {  	s23 =	sadd.s32 $0x38, s23;
	[sflag:s21] =	ssyncadd.s32 $0xFFFFC800  }
0xc2: {  	[tilespmem:s9], [sflag:$0x7] =	stream.linear.gather [hbm4b:s23+s2], $0x70, $0x38;
	[tilespmem:$0x1EB00] =	vst v63  }
0xc3: {  	_ =	swait.ge [sflag:s6], $0x70  }
0xc4: {  	[sflag:s6] =	ssyncset.done $0x0  }
0xc5: {  	[sflag:s6] =	ssyncadd.s32 $0xFFFFFF90  }
0xc6: {  	v1 =	vld [tilespmem:$0xC0]  }
0xc7: {  	v2 =	vld [tilespmem:$0xA0]  }
0xc8: {  	v3 =	vld [tilespmem:$0x90]  }
0xc9: {  	v60 =	vld [tilespmem:$0x80]  }
0xca: {  	v61 =	vld [tilespmem:$0xD0]  }
0xcb: {  	v63 =	vld [tilespmem:$0xB0];
	v1 =	vadd.s32 v0, v1  }
0xcc: {  	v62 =	vld [tilespmem:$0xE0];
	v2 =	vadd.s32 v0, v2;
	[tilespmem:$0xC0] =	vst v1  }
0xcd: {  	v1 =	vadd.s32 v0, v3;
	[tilespmem:$0xA0] =	vst v2  }
0xce: {  	v2 =	vadd.s32 v0, v60;
	[tilespmem:$0x90] =	vst v1  }
0xcf: {  	[tilespmem:$0x80] =	vst v2;
	v1 =	vadd.s32 v0, v61  }
0xd0: {  	v2 =	vadd.s32 v0, v63;
	[tilespmem:$0xD0] =	vst v1  }
0xd1: {  	v1 =	vadd.s32 v0, v62;
	[tilespmem:$0xB0] =	vst v2  }
0xd2: {  	s30 =	sadd.s32 $0x38, s25;
	[tilespmem:$0xE0] =	vst v1  }
0xd3: {  	[tilespmem:s10], [sflag:$0x7] =	stream.linear.gather [hbm4b:s30+s2], $0x70, $0x38;
	[tilespmem:$0x1EB00] =	vst v63  }
0xd4: {  	_ =	swait.ge [sflag:s6], $0x70  }
0xd5: {  	p0 =	por $0x1, $0x1;
	[sflag:s6] =	ssyncset.done $0x0  }
0xd6: {  	v1 =	vimm.s32 @!p0 $0x2710;
	[sflag:s6] =	ssyncadd.s32 $0xFFFFFF90  }
0xd7: {  	[tilespmem:$0x200] =	vst @!p0 v1  }
0xd8: {  	[tilespmem:$0x210] =	vst @!p0 v1  }
0xd9: {  	[tilespmem:$0x240] =	vst @!p0 v1  }
0xda: {  	s25 =	simm.s32 $0x230;
	[tilespmem:$0x230] =	vst @!p0 v1  }
0xdb: {  	s31 =	smin.u32 s25, $0x26A0;
	[tilespmem:$0x220] =	vst @!p0 v1  }
0xdc: {  	[tilespmem:s11], [sflag:$0x2] =	stream.indirect.gather [hbm4b:s15+s8], $0x80, s9, s8, $0xb8;
	[tilespmem:$0x1EB00] =	vst v63  }
0xdd: {  	s23 =	sadd.s32 s13, s31;
	_ =	swait.ge [sflag:s22], $0x3800  }
0xde: {  	s28 =	sshrl.u32 s23, $0x3;
	[sflag:s22] =	ssyncset.done $0x0  }
0xdf: {  	s23 =	sadd.s32 s4, s28;
	[sflag:s22] =	ssyncadd.s32 $0xFFFFC800  }
0xe0: {  	[tilespmem:s12], [sflag:$0x7] =	stream.linear.gather [hbm4b:s23+s2], $0x70, $0x38;
	[tilespmem:$0x1EB00] =	vst v63  }
0xe1: {  	_ =	swait.ge [sflag:s6], $0x70  }
0xe2: {  	[sflag:s6] =	ssyncset.done $0x0  }
0xe3: {  	[sflag:s6] =	ssyncadd.s32 $0xFFFFFF90  }
0xe4: {  	s26 =	simm.s32 $0x2A;
	s23 =	simm.s32 $0x0;
	v1 =	vld [tilespmem:$0x160]  }
.LBB2_2:
0xe5: {  	v2 =	vld [tilespmem:$0x140]  }
0xe6: {  	v3 =	vld [tilespmem:$0x150]  }
0xe7: {  	v4 =	vld [tilespmem:$0x100]  }
0xe8: {  	v5 =	vld [tilespmem:$0x110]  }
0xe9: {  	v6 =	vld [tilespmem:$0x120];
	v1 =	vadd.s32 v0, v1  }
0xea: {  	v7 =	vld [tilespmem:$0x130];
	v2 =	vadd.s32 v0, v2;
	[tilespmem:$0x160] =	vst v1  }
0xeb: {  	v1 =	vadd.s32 v0, v3;
	[tilespmem:$0x140] =	vst v2  }
0xec: {  	v2 =	vadd.s32 v0, v4;
	[tilespmem:$0x150] =	vst v1  }
0xed: {  	v1 =	vadd.s32 v0, v5;
	[tilespmem:$0x100] =	vst v2  }
0xee: {  	[tilespmem:$0x110] =	vst v1;
	v1 =	vadd.s32 v0, v6  }
0xef: {  	[tilespmem:$0x120] =	vst v1;
	v1 =	vadd.s32 v0, v7  }
0xf0: {  	s28 =	sadd.s32 s5, s28;
	[tilespmem:$0x130] =	vst v1  }
0xf1: {  	[tilespmem:s14], [sflag:$0x7] =	stream.linear.gather [hbm4b:s28+s2], $0x70, $0x38;
	[tilespmem:$0x1EB00] =	vst v63  }
0xf2: {  	_ =	swait.ge [sflag:s6], $0x70  }
0xf3: {  	p1 =	sne.s32 s23, $0x498;
	[sflag:s6] =	ssyncset.done $0x0  }
0xf4: {  	v1 =	vimm.s32 @!p1 $0x2710;
	[sflag:s6] =	ssyncadd.s32 $0xFFFFFF90  }
0xf5: {  	[tilespmem:$0x280] =	vst @!p1 v1  }
0xf6: {  	[tilespmem:$0x290] =	vst @!p1 v1  }
0xf7: {  	[tilespmem:$0x2B0] =	vst @!p1 v1  }
0xf8: {  	[tilespmem:$0x2C0] =	vst @!p1 v1  }
0xf9: {  	[tilespmem:$0x2A0] =	vst @!p1 v1  }
0xfa: {  	[tilespmem:s16], [sflag:$0x3] =	stream.indirect.gather [hbm4b:s15+s8], $0x80, s12, s8, $0xb8;
	[tilespmem:$0x1EB00] =	vst v63  }
0xfb: {  	_ =	swait.ge [sflag:s17], $0x3800  }
0xfc: {  	[sflag:s17] =	ssyncset.done $0x0  }
0xfd: {  	[sflag:s17] =	ssyncadd.s32 $0xFFFFC800  }
0xfe: {  	[spmem:s1] =	stream.indirect.scatter.add.f32 [tilespmem:s3], [sflag:$0x4], $0x80, s7, s8, $0xb8;
	[tilespmem:$0x1EB00] =	vst v63  }
0xff: {  	_ =	swait.ge [sflag:s18], $0x3800  }
0x100: {  	[sflag:s18] =	ssyncset.done $0x0  }
0x101: {  	[sflag:s18] =	ssyncadd.s32 $0xFFFFC800  }
0x102: {  	[spmem:s1] =	stream.indirect.scatter.add.f32 [tilespmem:s11], [sflag:$0x5], $0x80, s10, s8, $0xb8;
	[tilespmem:$0x1EB00] =	vst v63  }
0x103: {  	_ =	swait.ge [sflag:s19], $0x3800  }
0x104: {  	[sflag:s19] =	ssyncset.done $0x0  }
0x105: {  	[sflag:s19] =	ssyncadd.s32 $0xFFFFC800  }
0x106: {  	[spmem:s1] =	stream.indirect.scatter.add.f32 [tilespmem:s16], [sflag:$0x6], $0x80, s14, s8, $0xb8;
	[tilespmem:$0x1EB00] =	vst v63  }
0x107: {  	s29 =	smov.u32 s26;
	_ =	swait.ge [sflag:s20], $0x3800  }
0x108: {  	s23 =	smov.u32 s29;
	s28 =	rddreg [dreg:$0x4]  }
0x109: {  	[sflag:s20] =	ssyncset.done $0x0;
	s28 =	sadd.s32 s23, s28  }
0x10a: {  	[sflag:s20] =	ssyncadd.s32 $0xFFFFC800;
	s24 =	sadd.s32 $0x2A, s28  }
0x10b: {  	[tilespmem:s2], [sflag:$0x7] =	stream.linear.gather [hbm4b:s24+s2], $0x70, $0x38;
	[tilespmem:$0x1EB00] =	vst v63  }
0x10c: {  	_ =	swait.ge [sflag:s6], $0x70  }
0x10d: {  	[sflag:s6] =	ssyncset.done $0x0  }
0x10e: {  	[sflag:s6] =	ssyncadd.s32 $0xFFFFFF90  }
0x10f: {  	v1 =	vld [tilespmem:$0x60]  }
0x110: {  	v2 =	vld [tilespmem:$0x30]  }
0x111: {  	v56 =	vld [tilespmem:$0x10]  }
0x112: {  	v57 =	vld [tilespmem:$0x0]  }
0x113: {  	v58 =	vld [tilespmem:$0x40]  }
0x114: {  	v3 =	vld [tilespmem:$0x20];
	v1 =	vadd.s32 v0, v1  }
0x115: {  	v59 =	vld [tilespmem:$0x50];
	v2 =	vadd.s32 v0, v2;
	[tilespmem:$0x60] =	vst v1  }
0x116: {  	[tilespmem:$0x30] =	vst v2;
	v1 =	vadd.s32 v0, v56  }
0x117: {  	v2 =	vadd.s32 v0, v57;
	[tilespmem:$0x10] =	vst v1  }
0x118: {  	[tilespmem:$0x0] =	vst v2;
	v2 =	vadd.s32 v0, v58  }
0x119: {  	s30 =	rddreg [dreg:$0x3];
	v1 =	vadd.s32 v0, v3;
	[tilespmem:$0x40] =	vst v2  }
0x11a: {  	s29 =	sadd.s32 s23, s30;
	v2 =	vadd.s32 v0, v59;
	[tilespmem:$0x20] =	vst v1  }
0x11b: {  	s30 =	sadd.s32 $0x2A, s29;
	[tilespmem:$0x50] =	vst v2  }
0x11c: {  	[tilespmem:s7], [sflag:$0x7] =	stream.linear.gather [hbm4b:s30+s2], $0x70, $0x38;
	[tilespmem:$0x1EB00] =	vst v63  }
0x11d: {  	_ =	swait.ge [sflag:s6], $0x70  }
0x11e: {  	p1 =	sne.s32 s23, $0x4B4;
	[sflag:s6] =	ssyncset.done $0x0  }
0x11f: {  	v1 =	vimm.s32 @!p1 $0x2710;
	[sflag:s6] =	ssyncadd.s32 $0xFFFFFF90  }
0x120: {  	[tilespmem:$0x180] =	vst @!p1 v1  }
0x121: {  	[tilespmem:$0x190] =	vst @!p1 v1  }
0x122: {  	[tilespmem:$0x1B0] =	vst @!p1 v1  }
0x123: {  	[tilespmem:$0x1C0] =	vst @!p1 v1  }
0x124: {  	[tilespmem:$0x1A0] =	vst @!p1 v1  }
0x125: {  	[tilespmem:s3], [sflag:$0x1] =	stream.indirect.gather [hbm4b:s15+s8], $0x80, s2, s8, $0xb8;
	[tilespmem:$0x1EB00] =	vst v63  }
0x126: {  	_ =	swait.ge [sflag:s21], $0x3800  }
0x127: {  	[sflag:s21] =	ssyncset.done $0x0  }
0x128: {  	s28 =	sadd.s32 $0x38, s28;
	[sflag:s21] =	ssyncadd.s32 $0xFFFFC800  }
0x129: {  	[tilespmem:s9], [sflag:$0x7] =	stream.linear.gather [hbm4b:s28+s2], $0x70, $0x38;
	[tilespmem:$0x1EB00] =	vst v63  }
0x12a: {  	_ =	swait.ge [sflag:s6], $0x70  }
0x12b: {  	[sflag:s6] =	ssyncset.done $0x0  }
0x12c: {  	[sflag:s6] =	ssyncadd.s32 $0xFFFFFF90  }
0x12d: {  	v2 =	vld [tilespmem:$0xC0]  }
0x12e: {  	v3 =	vld [tilespmem:$0xA0]  }
0x12f: {  	v1 =	vld [tilespmem:$0xD0]  }
0x130: {  	v60 =	vld [tilespmem:$0x90]  }
0x131: {  	v61 =	vld [tilespmem:$0x80]  }
0x132: {  	v63 =	vld [tilespmem:$0xE0];
	v2 =	vadd.s32 v0, v2  }
0x133: {  	v62 =	vld [tilespmem:$0xB0];
	v3 =	vadd.s32 v0, v3;
	[tilespmem:$0xC0] =	vst v2  }
0x134: {  	v1 =	vadd.s32 v0, v1;
	[tilespmem:$0xA0] =	vst v3  }
0x135: {  	v2 =	vadd.s32 v0, v60;
	[tilespmem:$0xD0] =	vst v1  }
0x136: {  	v3 =	vadd.s32 v0, v61;
	[tilespmem:$0x90] =	vst v2  }
0x137: {  	v1 =	vadd.s32 v0, v63;
	[tilespmem:$0x80] =	vst v3  }
0x138: {  	v2 =	vadd.s32 v0, v62;
	[tilespmem:$0xE0] =	vst v1  }
0x139: {  	s28 =	sadd.s32 $0x38, s29;
	[tilespmem:$0xB0] =	vst v2  }
0x13a: {  	[tilespmem:s10], [sflag:$0x7] =	stream.linear.gather [hbm4b:s28+s2], $0x70, $0x38;
	[tilespmem:$0x1EB00] =	vst v63  }
0x13b: {  	_ =	swait.ge [sflag:s6], $0x70  }
0x13c: {  	p1 =	sne.s32 s23, $0x4A6;
	[sflag:s6] =	ssyncset.done $0x0  }
0x13d: {  	v1 =	vimm.s32 @!p1 $0x2710;
	[sflag:s6] =	ssyncadd.s32 $0xFFFFFF90  }
0x13e: {  	[tilespmem:$0x200] =	vst @!p1 v1  }
0x13f: {  	[tilespmem:$0x210] =	vst @!p1 v1  }
0x140: {  	[tilespmem:$0x240] =	vst @!p1 v1  }
0x141: {  	s25 =	sadd.s32 $0x150, s25;
	[tilespmem:$0x230] =	vst @!p1 v1  }
0x142: {  	s28 =	smin.u32 s25, $0x26A0;
	[tilespmem:$0x220] =	vst @!p1 v1  }
0x143: {  	[tilespmem:s11], [sflag:$0x2] =	stream.indirect.gather [hbm4b:s15+s8], $0x80, s9, s8, $0xb8;
	[tilespmem:$0x1EB00] =	vst v63  }
0x144: {  	s28 =	sadd.s32 s13, s28;
	_ =	swait.ge [sflag:s22], $0x3800  }
0x145: {  	s26 =	sadd.s32 $0x2A, s26;
	s28 =	sshrl.u32 s28, $0x3;
	[sflag:s22] =	ssyncset.done $0x0  }
0x146: {  	p0 =	sne.s32 s26, $0x4C2;
	s31 =	sadd.s32 s4, s28;
	[sflag:s22] =	ssyncadd.s32 $0xFFFFC800  }
0x147: {  	[tilespmem:s12], [sflag:$0x7] =	stream.linear.gather [hbm4b:s31+s2], $0x70, $0x38;
	[tilespmem:$0x1EB00] =	vst v63  }
.Ltmp0:
0x148: {  	_ = 	snop;
	(pc) =	sbr.rel @p0 .LBB2_2-.Ltmp0, $4  }
0x149: {  	_ =	swait.ge [sflag:s6], $0x70  }
0x14a: {  	[sflag:s6] =	ssyncset.done $0x0  }
0x14b: {  	[sflag:s6] =	ssyncadd.s32 $0xFFFFFF90  }
0x14c: {  	v1 =	vld [tilespmem:$0x160]  }
0x14d: {  	v2 =	vld [tilespmem:$0x140]  }
0x14e: {  	v3 =	vld [tilespmem:$0x150]  }
0x14f: {  	v4 =	vld [tilespmem:$0x100]  }
0x150: {  	v5 =	vld [tilespmem:$0x110]  }
0x151: {  	v6 =	vld [tilespmem:$0x120];
	v1 =	vadd.s32 v0, v1  }
0x152: {  	v7 =	vld [tilespmem:$0x130];
	v2 =	vadd.s32 v0, v2;
	[tilespmem:$0x160] =	vst v1  }
0x153: {  	v1 =	vadd.s32 v0, v3;
	[tilespmem:$0x140] =	vst v2  }
0x154: {  	v2 =	vadd.s32 v0, v4;
	[tilespmem:$0x150] =	vst v1  }
0x155: {  	v1 =	vadd.s32 v0, v5;
	[tilespmem:$0x100] =	vst v2  }
0x156: {  	[tilespmem:$0x110] =	vst v1;
	v1 =	vadd.s32 v0, v6  }
0x157: {  	[tilespmem:$0x120] =	vst v1;
	v1 =	vadd.s32 v0, v7  }
0x158: {  	s25 =	sadd.s32 s5, s28;
	[tilespmem:$0x130] =	vst v1  }
0x159: {  	[tilespmem:s14], [sflag:$0x7] =	stream.linear.gather [hbm4b:s25+s2], $0x70, $0x38;
	[tilespmem:$0x1EB00] =	vst v63  }
0x15a: {  	_ =	swait.ge [sflag:s6], $0x70  }
0x15b: {  	p0 =	sne.s32 s23, $0x498;
	[sflag:s6] =	ssyncset.done $0x0  }
0x15c: {  	v1 =	vimm.s32 @!p0 $0x2710;
	[sflag:s6] =	ssyncadd.s32 $0xFFFFFF90  }
0x15d: {  	[tilespmem:$0x280] =	vst @!p0 v1  }
0x15e: {  	[tilespmem:$0x290] =	vst @!p0 v1  }
0x15f: {  	[tilespmem:$0x2B0] =	vst @!p0 v1  }
0x160: {  	[tilespmem:$0x2C0] =	vst @!p0 v1  }
0x161: {  	[tilespmem:$0x2A0] =	vst @!p0 v1  }
0x162: {  	[tilespmem:s16], [sflag:$0x3] =	stream.indirect.gather [hbm4b:s15+s8], $0x80, s12, s8, $0xb8;
	[tilespmem:$0x1EB00] =	vst v63  }
0x163: {  	_ =	swait.ge [sflag:s17], $0x3800  }
0x164: {  	[sflag:s17] =	ssyncset.done $0x0  }
0x165: {  	[sflag:s17] =	ssyncadd.s32 $0xFFFFC800  }
0x166: {  	[spmem:s1] =	stream.indirect.scatter.add.f32 [tilespmem:s3], [sflag:$0x4], $0x80, s7, s8, $0xb8;
	[tilespmem:$0x1EB00] =	vst v63  }
0x167: {  	_ =	swait.ge [sflag:s18], $0x3800  }
0x168: {  	[sflag:s18] =	ssyncset.done $0x0  }
0x169: {  	[sflag:s18] =	ssyncadd.s32 $0xFFFFC800  }
0x16a: {  	[spmem:s1] =	stream.indirect.scatter.add.f32 [tilespmem:s11], [sflag:$0x5], $0x80, s10, s8, $0xb8;
	[tilespmem:$0x1EB00] =	vst v63  }
0x16b: {  	_ =	swait.ge [sflag:s19], $0x3800  }
0x16c: {  	[sflag:s19] =	ssyncset.done $0x0  }
0x16d: {  	[sflag:s19] =	ssyncadd.s32 $0xFFFFC800  }
0x16e: {  	[spmem:s1] =	stream.indirect.scatter.add.f32 [tilespmem:s16], [sflag:$0x6], $0x80, s14, s8, $0xb8;
	[tilespmem:$0x1EB00] =	vst v63  }
0x16f: {  	_ =	swait.ge [sflag:s20], $0x3800  }
0x170: {  	[sflag:s20] =	ssyncset.done $0x0  }
0x171: {  	[sflag:s20] =	ssyncadd.s32 $0xFFFFC800  }
0x172: {  	_ =	swait.ge [sflag:s21], $0x3800  }
0x173: {  	[sflag:s21] =	ssyncset.done $0x0  }
0x174: {  	[sflag:s21] =	ssyncadd.s32 $0xFFFFC800  }
0x175: {  	_ =	swait.ge [sflag:s22], $0x3800  }
0x176: {  	[sflag:s22] =	ssyncset.done $0x0  }
0x177: {  	[sflag:s22] =	ssyncadd.s32 $0xFFFFC800  }
0x178: {  	[bflag:$0x0] =	sbarrier.arrive $0xFFFF  }
0x179: {  	s25 =	rddreg [dreg:$0x1a]  }
0x17a: {  	[tilespmem:s3], [sflag:$0x7] =	stream.linear.gather [spmem:s25], $0x2800, $0x38;
	[tilespmem:$0x1EB00] =	vst v63  }
0x17b: {  	_ =	swait.ge [sflag:s6], $0x2800  }
0x17c: {  	[sflag:s6] =	ssyncset.done $0x0  }
0x17d: {  	s26 =	rddreg [dreg:$0x5];
	[sflag:s6] =	ssyncadd.s32 $0xFFFFD800  }
0x17e: {  	[hbm4b:s26+s2] =	stream.linear.scatter [tilespmem:s3], [sflag:$0x7], $0x2800, $0x38;
	[tilespmem:$0x1EB00] =	vst v63  }
0x17f: {  	_ =	swait.ge [sflag:s6], $0x2800  }
0x180: {  	[sflag:s6] =	ssyncset.done $0x0  }
0x181: {  	[sflag:s6] =	ssyncadd.s32 $0xFFFFD800  }
0x182: {  	[tilespmem:s3], [sflag:$0x7] =	stream.linear.gather [spmem:s0], $0x2800, $0x38;
	[tilespmem:$0x1EB00] =	vst v63  }
0x183: {  	_ =	swait.ge [sflag:s6], $0x2800  }
0x184: {  	[sflag:s6] =	ssyncset.done $0x0  }
0x185: {  	s24 =	rddreg [dreg:$0x6];
	[sflag:s6] =	ssyncadd.s32 $0xFFFFD800  }
0x186: {  	[hbm4b:s24+s2] =	stream.linear.scatter [tilespmem:s3], [sflag:$0x7], $0x2800, $0x38;
	[tilespmem:$0x1EB00] =	vst v63  }
0x187: {  	_ =	swait.ge [sflag:s6], $0x2800  }
0x188: {  	[sflag:s6] =	ssyncset.done $0x0  }
0x189: {  	s28 =	rddreg [dreg:$0x15];
	[sflag:s6] =	ssyncadd.s32 $0xFFFFD800  }
0x18a: {  	[tilespmem:s3], [sflag:$0x7] =	stream.linear.gather [spmem:s28], $0x2800, $0x38;
	[tilespmem:$0x1EB00] =	vst v63  }
0x18b: {  	_ =	swait.ge [sflag:s6], $0x2800  }
0x18c: {  	[sflag:s6] =	ssyncset.done $0x0  }
0x18d: {  	s25 =	rddreg [dreg:$0x7];
	[sflag:s6] =	ssyncadd.s32 $0xFFFFD800  }
0x18e: {  	[hbm4b:s25+s2] =	stream.linear.scatter [tilespmem:s3], [sflag:$0x7], $0x2800, $0x38;
	[tilespmem:$0x1EB00] =	vst v63  }
0x18f: {  	_ =	swait.ge [sflag:s6], $0x2800  }
0x190: {  	[sflag:s6] =	ssyncset.done $0x0  }
0x191: {  	s29 =	rddreg [dreg:$0x16];
	[sflag:s6] =	ssyncadd.s32 $0xFFFFD800  }
0x192: {  	[tilespmem:s3], [sflag:$0x7] =	stream.linear.gather [spmem:s29], $0x2800, $0x38;
	[tilespmem:$0x1EB00] =	vst v63  }
0x193: {  	_ =	swait.ge [sflag:s6], $0x2800  }
0x194: {  	[sflag:s6] =	ssyncset.done $0x0  }
0x195: {  	s26 =	smov.u32 s0;
	s0 =	rddreg [dreg:$0x8];
	[sflag:s6] =	ssyncadd.s32 $0xFFFFD800  }
0x196: {  	[hbm4b:s0+s2] =	stream.linear.scatter [tilespmem:s3], [sflag:$0x7], $0x2800, $0x38;
	[tilespmem:$0x1EB00] =	vst v63  }
0x197: {  	_ =	swait.ge [sflag:s6], $0x2800  }
0x198: {  	[sflag:s6] =	ssyncset.done $0x0  }
0x199: {  	s30 =	rddreg [dreg:$0x17];
	[sflag:s6] =	ssyncadd.s32 $0xFFFFD800  }
0x19a: {  	[tilespmem:s3], [sflag:$0x7] =	stream.linear.gather [spmem:s30], $0x2800, $0x38;
	[tilespmem:$0x1EB00] =	vst v63  }
0x19b: {  	_ =	swait.ge [sflag:s6], $0x2800  }
0x19c: {  	[sflag:s6] =	ssyncset.done $0x0  }
0x19d: {  	s24 =	rddreg [dreg:$0x9];
	[sflag:s6] =	ssyncadd.s32 $0xFFFFD800  }
0x19e: {  	[hbm4b:s24+s2] =	stream.linear.scatter [tilespmem:s3], [sflag:$0x7], $0x2800, $0x38;
	[tilespmem:$0x1EB00] =	vst v63  }
0x19f: {  	_ =	swait.ge [sflag:s6], $0x2800  }
0x1a0: {  	[sflag:s6] =	ssyncset.done $0x0  }
0x1a1: {  	s0 =	rddreg [dreg:$0x18];
	[sflag:s6] =	ssyncadd.s32 $0xFFFFD800  }
0x1a2: {  	[tilespmem:s3], [sflag:$0x7] =	stream.linear.gather [spmem:s0], $0x2800, $0x38;
	[tilespmem:$0x1EB00] =	vst v63  }
0x1a3: {  	_ =	swait.ge [sflag:s6], $0x2800  }
0x1a4: {  	[sflag:s6] =	ssyncset.done $0x0  }
0x1a5: {  	s25 =	rddreg [dreg:$0xa];
	[sflag:s6] =	ssyncadd.s32 $0xFFFFD800  }
0x1a6: {  	[hbm4b:s25+s2] =	stream.linear.scatter [tilespmem:s3], [sflag:$0x7], $0x2800, $0x38;
	[tilespmem:$0x1EB00] =	vst v63  }
0x1a7: {  	_ =	swait.ge [sflag:s6], $0x2800  }
0x1a8: {  	[sflag:s6] =	ssyncset.done $0x0  }
0x1a9: {  	s31 =	rddreg [dreg:$0x19];
	[sflag:s6] =	ssyncadd.s32 $0xFFFFD800  }
0x1aa: {  	[tilespmem:s3], [sflag:$0x7] =	stream.linear.gather [spmem:s31], $0x2800, $0x38;
	[tilespmem:$0x1EB00] =	vst v63  }
0x1ab: {  	_ =	swait.ge [sflag:s6], $0x2800  }
0x1ac: {  	[sflag:s6] =	ssyncset.done $0x0  }
0x1ad: {  	s24 =	rddreg [dreg:$0xb];
	[sflag:s6] =	ssyncadd.s32 $0xFFFFD800  }
0x1ae: {  	[hbm4b:s24+s2] =	stream.linear.scatter [tilespmem:s3], [sflag:$0x7], $0x2800, $0x38;
	[tilespmem:$0x1EB00] =	vst v63  }
0x1af: {  	_ =	swait.ge [sflag:s6], $0x2800  }
0x1b0: {  	[sflag:s6] =	ssyncset.done $0x0  }
0x1b1: {  	s24 =	rddreg [dreg:$0x1b];
	[sflag:s6] =	ssyncadd.s32 $0xFFFFD800  }
0x1b2: {  	[tilespmem:s3], [sflag:$0x7] =	stream.linear.gather [spmem:s24], $0x2800, $0x38;
	[tilespmem:$0x1EB00] =	vst v63  }
0x1b3: {  	_ =	swait.ge [sflag:s6], $0x2800  }
0x1b4: {  	[sflag:s6] =	ssyncset.done $0x0  }
0x1b5: {  	s25 =	rddreg [dreg:$0xc];
	[sflag:s6] =	ssyncadd.s32 $0xFFFFD800  }
0x1b6: {  	[hbm4b:s25+s2] =	stream.linear.scatter [tilespmem:s3], [sflag:$0x7], $0x2800, $0x38;
	[tilespmem:$0x1EB00] =	vst v63  }
0x1b7: {  	_ =	swait.ge [sflag:s6], $0x2800  }
0x1b8: {  	s23 =	rddreg [dreg:$0x1c]  }
0x1b9: {  	s25 =	sadd.s32 $0x1, s23;
	s23 =	rddreg [dreg:$0x14]  }
0x1ba: {  	p0 =	sne.s32 s25, s23  }
.Ltmp1:
0x1bb: {  	_ = 	snop;
	(pc) =	sbr.rel @p0 .LBB2_1-.Ltmp1, $3  }
0x1bc: {  	_ =	sdelay $0x1  }
0x1bd: {  	[sflag:s6] =	ssyncset.done $0x0;
	[dreg:$0x1c] =	wrdreg s25  }
0x1be: {  	[sflag:s6] =	ssyncadd.s32 $0xFFFFD800;
	s25 =	rddreg [dreg:$0x1a]  }
0x1bf: {  	_ =	sfence.sel $0x180000  }
0x1c0: {  	[bflag:$0x0] =	sbarrier.arrive $0xFFFF  }
0x1c1: {  	_ =	strace $0x90000047  }
0x1c2: {  	s0 =	stileid.u32;
	[bflag:$0x2] =	sbarrier.arrive $0xFFFF  }
0x1c3: {  	p0 =	sne.s32 s0, $0x0;
	s0 =	rddreg [dreg:$0x2]  }
0x1c4: {  	s0 =	sadd.s32 @!p0 $0x100000, s0  }
0x1c5: {  	[sflag:s0] =	ssyncadd.tile.s32 @!p0 $0x1;
	_ =	shalt  }
.Lfunc_end2:
_tile_overlayer_lowered:
.L_overlay_start_2:
0x1c6: {  	(tag) =	ssettag $0x2  }
0x1c7: {  	s0 =	rddreg [dreg:$0x0];
	s2 =	stileid.u32  }
0x1c8: {  	s1 =	rddreg [dreg:$0x1];
	p0 =	sne.s32 s2, $0x0  }
0x1c9: {  	s3 =	rddreg [dreg:$0x2];
	[bflag:$0x3] =	sbarrier.arrive $0xFFFF;
	s2 =	simm.s32 @!p0 $0x1C07  }
0x1ca: {  	[timem:s3], [sflag:s2] =	dma.local @!p0 [hbm:s0], s1  }
0x1cb: {  	s0 =	simm.s32 @!p0 $0x7  }
0x1cc: {  	_ =	swait.ge @!p0 [sflag:s0], s1  }
0x1cd: {  	s1 =	ssub.s32 @!p0 $0x0, s1;
	[sflag:s0] =	ssyncset.done @!p0 $0x0  }
0x1ce: {  	[sflag:s0] =	ssyncadd.s32 @!p0 s1  }
0x1cf: {  	[bflag:$0x3] =	sbarrier.arrive $0xFFFF  }
0x1d0: {  	_ =	shalt  }

// kernel: kernel.17.cloned.1.call-start
scs
__scs_entry_jumppad:
0x0: {  	(pc) =	sbr.rel $0x88, $3  }
0x1: {  	(tag) =	ssettag $0x0;
	lr =	simm.s32 $0x1  }
0x2: {  	[smem:$0x3F82] =	sst lr;
	_ =	strace $0xD0000000  }
0x3: {  	_ = 	snop  }
0x4: {  	_ = 	snop  }
0x5: {  	_ = 	snop  }
0x6: {  	_ = 	snop  }
0x7: {  	_ = 	snop  }
__scs_overlays_trampoline_lowered:
0x8: {  	[smem:$0x3F91] =	sst s0  }
0x9: {  	[smem:$0x3F92] =	sst s1  }
0xa: {  	[smem:$0x3F93] =	sst s2  }
0xb: {  	[smem:$0x3F94] =	sst s3  }
0xc: {  	[smem:$0x3F95] =	sst s4  }
0xd: {  	[smem:$0x3F96] =	sst s5  }
0xe: {  	[smem:$0x3F97] =	sst s6  }
0xf: {  	[smem:$0x3F98] =	sst s7  }
0x10: {  	[smem:$0x3F99] =	sst s8  }
0x11: {  	[smem:$0x3F9A] =	sst s9;
	s0 =	simm.s32 @!p0 $0x0  }
0x12: {  	s1 =	sld [smem:$0x3F80];
	s0 =	simm.s32 @p0 $0x1  }
0x13: {  	[smem:$0x3F9B] =	sst s0;
	s0 =	simm.s32 @!p1 $0x0  }
0x14: {  	s2 =	sld [smem:$0x3F7F];
	s0 =	simm.s32 @p1 $0x1  }
0x15: {  	[smem:$0x3F9C] =	sst s0;
	s0 =	simm.s32 @!p2 $0x0  }
0x16: {  	s3 =	sld [smem:$0x3FDB];
	s0 =	simm.s32 @p2 $0x1  }
0x17: {  	s4 =	simm.s32 $0x1BF5;
	[smem:$0x3F9E] =	sst s0  }
0x18: {  	s0 =	sld [smem:$0x3F81];
	_ =	swait.ge [sflag:s4], $0x0  }
0x19: {  	s7 =	sld [smem:$0x3F82]  }
0x1a: {  	s8 =	sadd.s32 $0xFFFFE003, lr  }
0x1b: {  	s9 =	sadd.s32 $0xFFFFFEF7, lr;
	s5 =	simm.s32 $0xFFFFFFFF;
	p2 =	slt.u32 s8, $0xFFFFF086  }
0x1c: {  	p1 =	slt.u32 s9, $0xF7A;
	s5 =	simm.s32 @!p2 $0x0  }
0x1d: {  	s5 =	simm.s32 @p1 $0x1;
	p0 =	seq.s32 s7, s2  }
0x1e: {  	s7 =	smul.u32 @!p0 $0xF7A, s2;
	p2 =	seq.s32 @!p0 s5, $0x0  }
0x1f: {  	s9 =	smul.u32 $0xF7A, s1;
	s8 =	simm.s32 @!p0 $0x1BF5;
	p2 =	por !p2, p0  }
0x20: {  	[sflag:s8] =	ssyncset.s32 @!p0 $0xFFFFF086;
	s6 =	sadd.s32 @!p0 s3, s7;
	s7 =	simm.s32 @!p0 $0x108  }
0x21: {  	s3 =	sadd.s32 s3, s9;
	s6 =	sadd.s32 @!p0 $0x88, s6;
	s7 =	simm.s32 @p2 $0x1082  }
0x22: {  	[simem:s7], [sflag:s8] =	dma.local @!p0 [hbm:s6], $0xF7A  }
0x23: {  	s9 =	sor.u32 $0xD0000000, s2;
	s6 =	simm.s32 $0x108;
	_ =	swait.ge @!p0 [sflag:s8], $0x0  }
0x24: {  	s3 =	sadd.s32 $0x88, s3;
	s6 =	simm.s32 @!p1 $0x1082;
	[sflag:s4] =	ssyncset.s32 $0xFFFFF086  }
0x25: {  	[simem:s6], [sflag:s4] =	dma.local [hbm:s3], $0xF7A  }
0x26: {  	[smem:$0x3F82] =	sst s1;
	(tag) =	ssettag s2;
	_ =	strace s9  }
0x27: {  	s1 =	sld [smem:$0x3F92]  }
0x28: {  	s2 =	sld [smem:$0x3F93]  }
0x29: {  	s4 =	sld [smem:$0x3F95]  }
0x2a: {  	p0 =	seq.s32 s5, $0x0;
	s5 =	sld [smem:$0x3F96]  }
0x2b: {  	s6 =	sld [smem:$0x3F97]  }
0x2c: {  	s7 =	sld [smem:$0x3F98]  }
0x2d: {  	s3 =	simm.s32 $0x108;
	s8 =	sld [smem:$0x3F99]  }
0x2e: {  	s3 =	simm.s32 @!p0 $0x1082;
	s9 =	sld [smem:$0x3F9A]  }
0x2f: {  	lr =	sadd.s32 s0, s3;
	s0 =	sld [smem:$0x3F91]  }
0x30: {  	s3 =	sld [smem:$0x3F94]  }
0x31: {  	[smem:$0x3F9D] =	sst s10  }
0x32: {  	s10 =	sld [smem:$0x3F9B];
	_ =	sdelay $0x3  }
0x33: {  	p0 =	seq.s32 s10, $0x1;
	s10 =	sld [smem:$0x3F9D];
	_ =	sdelay $0x3  }
0x34: {  	[smem:$0x3F9D] =	sst s10  }
0x35: {  	s10 =	sld [smem:$0x3F9C];
	_ =	sdelay $0x3  }
0x36: {  	p1 =	seq.s32 s10, $0x1;
	s10 =	sld [smem:$0x3F9D];
	_ =	sdelay $0x3  }
0x37: {  	[smem:$0x3F9D] =	sst s10  }
0x38: {  	s10 =	sld [smem:$0x3F9E]  }
0x39: {  	_ = 	snop;
	(pc) =	sbr.ind lr, $3  }
0x3a: {  	_ = 	snop  }
0x3b: {  	_ = 	snop  }
0x3c: {  	p2 =	seq.s32 s10, $0x1;
	s10 =	sld [smem:$0x3F9D]  }
0x3d: {  	_ =	shalt  }
0x3e: {  	_ =	shalt  }
0x3f: {  	_ =	shalt  }
0x40: {  	_ =	shalt  }
0x41: {  	_ =	shalt  }
0x42: {  	_ =	shalt  }
0x43: {  	_ =	shalt  }
0x44: {  	_ =	shalt  }
0x45: {  	_ =	shalt  }
0x46: {  	_ =	shalt  }
0x47: {  	_ =	shalt  }
0x48: {  	_ =	shalt  }
0x49: {  	_ =	shalt  }
0x4a: {  	_ =	shalt  }
0x4b: {  	_ =	shalt  }
0x4c: {  	_ =	shalt  }
0x4d: {  	_ =	shalt  }
0x4e: {  	_ =	shalt  }
0x4f: {  	_ =	shalt  }
0x50: {  	_ =	shalt  }
0x51: {  	_ =	shalt  }
0x52: {  	_ =	shalt  }
0x53: {  	_ =	shalt  }
0x54: {  	_ =	shalt  }
0x55: {  	_ =	shalt  }
0x56: {  	_ =	shalt  }
0x57: {  	_ =	shalt  }
0x58: {  	_ =	shalt  }
0x59: {  	_ =	shalt  }
0x5a: {  	_ =	shalt  }
0x5b: {  	_ =	shalt  }
0x5c: {  	_ =	shalt  }
0x5d: {  	_ =	shalt  }
0x5e: {  	_ =	shalt  }
0x5f: {  	_ =	shalt  }
0x60: {  	_ =	shalt  }
0x61: {  	_ =	shalt  }
0x62: {  	_ =	shalt  }
0x63: {  	_ =	shalt  }
0x64: {  	_ =	shalt  }
0x65: {  	_ =	shalt  }
0x66: {  	_ =	shalt  }
0x67: {  	_ =	shalt  }
0x68: {  	_ =	shalt  }
0x69: {  	_ =	shalt  }
0x6a: {  	_ =	shalt  }
0x6b: {  	_ =	shalt  }
0x6c: {  	_ =	shalt  }
0x6d: {  	_ =	shalt  }
0x6e: {  	_ =	shalt  }
0x6f: {  	_ =	shalt  }
0x70: {  	_ =	shalt  }
0x71: {  	_ =	shalt  }
0x72: {  	_ =	shalt  }
0x73: {  	_ =	shalt  }
0x74: {  	_ =	shalt  }
0x75: {  	_ =	shalt  }
0x76: {  	_ =	shalt  }
0x77: {  	_ =	shalt  }
0x78: {  	_ =	shalt  }
0x79: {  	_ =	shalt  }
0x7a: {  	_ =	shalt  }
0x7b: {  	_ =	shalt  }
0x7c: {  	_ =	shalt  }
0x7d: {  	_ =	shalt  }
0x7e: {  	_ =	shalt  }
0x7f: {  	_ =	shalt  }
0x80: {  	_ =	shalt  }
0x81: {  	_ =	shalt  }
0x82: {  	_ =	shalt  }
0x83: {  	_ =	shalt  }
0x84: {  	_ =	shalt  }
0x85: {  	_ =	shalt  }
0x86: {  	_ =	shalt  }
0x87: {  	_ =	shalt  }
.Lfunc_end0:
.L_simem_size_0:
called_computation.2_lowered:
.L_overlay_start_0:
0x88: {  	s2 =	sld [smem:$0x3FD9]  }
0x89: {  	s3 =	sld [smem:$0x3FFE];
	_ =	sdelay $0x1  }
0x8a: {  	s1 =	srdreg.scid  }
0x8b: {  	s0 =	sand.u32 $0x1, s1  }
0x8c: {  	s17 =	sshll.u32 s0, $0xA;
	s2 =	sadd.s32 s3, s2  }
0x8d: {  	s2 =	sadd.s32 s2, s17  }
0x8e: {  	[smem:$0x3FA9] =	sst s2  }
0x8f: {  	_ = 	snop  }
0x90: {  	s2 =	sld [smem:$0x3FD0];
	(tm) =	ssettm $0x1  }
0x91: {  	s18 =	sld [smem:$0x3FFB];
	_ =	sdelay $0x3  }
0x92: {  	_ =	strace s18  }
0x93: {  	s3 =	sld [smem:$0x3FFC];
	_ =	sdelay $0x3  }
0x94: {  	_ =	strace s3  }
0x95: {  	s3 =	sld [smem:$0x3FFD];
	_ =	sdelay $0x3  }
0x96: {  	_ =	strace s3  }
0x97: {  	_ =	strace $0x8FFFFFFF  }
0x98: {  	s19 =	sld [smem:$0x3FDB];
	_ =	sdelay $0x1  }
0x99: {  	s4 =	simm.s32 $_scs_section_size  }
0x9a: {  	s5 =	simm.s32 $_size__tile_overlayer_lowered;
	s6 =	simm.s32 $_tile_overlayer_lowered  }
0x9b: {  	s22 =	simm.s32 $0x1BFF;
	s21 =	sshll.u32 s6, $0x1;
	s3 =	sadd.s32 s4, s19  }
0x9c: {  	s7 =	simm.s32 $0x0;
	s20 =	sshll.u32 s5, $0x1;
	s5 =	sadd.s32 s21, s3  }
0x9d: {  	[timem:s7], [sflag:s22] =	dma.local [hbm:s5], s20  }
0x9e: {  	_ =	swait.ge [sflag:s22], s20  }
0x9f: {  	s4 =	ssub.s32 $0x0, s20;
	[sflag:s22] =	ssyncset.done $0x0  }
0xa0: {  	[sflag:s22] =	ssyncadd.s32 s4;
	_ =	sdelay $0x1  }
0xa1: {  	s23 =	simm.s32 $0x1B8B  }
0xa2: {  	_ =	swait.ge [sflag:s23], $0x1  }
0xa3: {  	[sflag:s23] =	ssyncset.done $0x0  }
0xa4: {  	s25 =	simm.s32 $0x1B8E;
	s24 =	sld [smem:$0x3FFE];
	[sflag:s23] =	ssyncadd.s32 $0xFFFFFFFF  }
0xa5: {  	s26 =	simm.s32 $execute0_lowered;
	[smem:$0x3FD2] =	sst s25  }
0xa6: {  	s5 =	sshll.u32 s26, $0x1;
	_ =	strace $0x8000004C;
	[dreg:$0x1] =	wrdreg $0xFFFFFFFF  }
0xa7: {  	s28 =	simm.s32 $_size_execute0_lowered;
	s3 =	sadd.s32 s3, s5;
	[dreg:$0x0] =	wrdreg $0x0  }
0xa8: {  	s5 =	sshll.u32 s28, $0x1;
	[dreg:$0x2] =	wrdreg s3  }
0xa9: {  	[dreg:$0x3] =	wrdreg s5  }
0xaa: {  	[dreg:$0x4] =	wrdreg $0xC0  }
0xab: {  	_ =	task [dreg:s7], $0x5FFFF  }
0xac: {  	[dreg:$0x1] =	wrdreg $0xFFFFFFFF  }
0xad: {  	[dreg:$0x0] =	wrdreg $0x60  }
0xae: {  	[dreg:$0x2] =	wrdreg s2  }
0xaf: {  	[dreg:$0x3] =	wrdreg s24  }
0xb0: {  	[dreg:$0x4] =	wrdreg $0xAB000  }
0xb1: {  	[dreg:$0x5] =	wrdreg $0x9  }
0xb2: {  	_ =	task.clear_ibuf [dreg:s7], $0x6FFFF;
	_ =	strace $0x9000004C  }
0xb3: {  	s29 =	simm.s32 $0x9;
	_ =	strace $0x8000004E  }
0xb4: {  	_ =	swait.ge [sflag:s29], $0x1  }
0xb5: {  	[sflag:s29] =	ssyncadd.s32 $0xFFFFFFFF  }
0xb6: {  	_ =	strace $0x9000004E  }
0xb7: {  	_ =	sfence  }
0xb8: {  	s30 =	sld [smem:$0x0];
	_ =	sdelay $0x2  }
0xb9: {  	s31 =	sshll.u32 s1, $0xD;
	s1 =	sshrl.u32 s1, $0x2  }
0xba: {  	s3 =	sand.u32 $0x4000, s31;
	s1 =	sadd.s32 s1, s30  }
0xbb: {  	s0 =	sor.u32 s3, s0;
	s1 =	sshll.u32 s1, $0x11  }
0xbc: {  	s0 =	sor.u32 s1, s0  }
0xbd: {  	s0 =	sadd.s32 $0x8F2B, s0  }
0xbe: {  	[sflag:s0] =	ssyncadd.remote.s32 $0x1  }
0xbf: {  	_ =	sfence.sel $0xFFFF  }
0xc0: {  	[dreg:$0x0] =	wrdreg $0xFFFFFFFF;
	(pc) =	sbr.abs _section_cstart, $3  }
0xc1: {  	[dreg:$0x1] =	wrdreg $0xFFFFFFFF  }
0xc2: {  	_ =	task.clear_ibuf [dreg:s7], $0x2FFFF;
	_ =	strace $0x9FFFFFFF  }
0xc3: {  	(tm) =	ssettm $0x7FFFFFFF  }
tec
execute0_lowered:
.L_overlay_start_1:
0x0: {  	(tag) =	ssettag $0x1  }
0x1: {  	s1 =	rddreg [dreg:$0x0]  }
0x2: {  	s0 =	rddreg [dreg:$0x1];
	s18 =	stileid.u32  }
0x3: {  	s2 =	rddreg [dreg:$0x2];
	s8 =	smul.u32 $0x1388, s18  }
0x4: {  	s3 =	srdreg.scid;
	s4 =	simm.s32 $0x0;
	s10 =	smul.u32 $0x14000, s18  }
0x5: {  	s3 =	sand.u32 $0x1, s3;
	[smem:$0x7FF] =	sst s4;
	s18 =	smul.u32 $0x50000, s18  }
0x6: {  	s5 =	sadd.s32 $0xEC00, s0;
	s11 =	sadd.s32 $0x102E00, s0;
	s6 =	smul.u32 $0x13880, s3  }
0x7: {  	s7 =	ssub.s32 $0x2, s3;
	_ =	strace $0x8000004D;
	s3 =	smul.u32 $0x140000, s3  }
0x8: {  	s9 =	sshrl.u32 s7, $0x1;
	s12 =	sadd.s32 $0x7800, s10;
	s13 =	sadd.s32 $0xA000, s10  }
0x9: {  	s14 =	sadd.s32 $0xC800, s10;
	s16 =	sadd.s32 $0xF000, s10;
	s7 =	ssub.s32 s7, s9  }
0xa: {  	s6 =	sadd.s32 s8, s6;
	s8 =	sor.u32 $0x2800, s10;
	s9 =	sadd.s32 $0x5000, s10  }
0xb: {  	s15 =	sadd.s32 s3, s10;
	s10 =	sadd.s32 $0x11800, s10;
	s24 =	sadd.s32 s3, s12  }
0xc: {  	s26 =	sadd.s32 s3, s13;
	s20 =	sadd.s32 s3, s14;
	s30 =	sadd.s32 s12, s2  }
0xd: {  	s31 =	sadd.s32 s13, s2;
	s12 =	simm.s32 $0x80;
	s13 =	simm.s32 $0x200  }
0xe: {  	s15 =	sshrl.u32 s15, $0x3;
	s17 =	sadd.s32 s3, s8;
	s22 =	sadd.s32 s3, s9  }
0xf: {  	s25 =	sshrl.u32 s24, $0x3;
	s19 =	sshrl.u32 s26, $0x3;
	[dreg:$0x16] =	wrdreg s30  }
0x10: {  	s24 =	sadd.s32 $0x150, s6;
	s28 =	sadd.s32 s8, s2;
	[dreg:$0x17] =	wrdreg s31  }
0x11: {  	s29 =	sadd.s32 s9, s2;
	s8 =	simm.s32 $0x300;
	[dreg:$0x4] =	wrdreg s24  }
0x12: {  	s15 =	sadd.s32 s11, s15;
	s21 =	sshrl.u32 s17, $0x3;
	[dreg:$0x15] =	wrdreg s29  }
0x13: {  	s23 =	sshrl.u32 s22, $0x3;
	s22 =	sadd.s32 s3, s16;
	[dreg:$0x1a] =	wrdreg s28  }
0x14: {  	s3 =	sadd.s32 s3, s10;
	[dreg:$0x5] =	wrdreg s15;
	s15 =	sadd.s32 s11, s21  }
0x15: {  	s3 =	sshrl.u32 s3, $0x3;
	[dreg:$0x6] =	wrdreg s15;
	s15 =	sadd.s32 s11, s23  }
0x16: {  	s9 =	simm.s32 $0x7;
	s3 =	sadd.s32 s11, s3;
	[dreg:$0x7] =	wrdreg s15  }
0x17: {  	s23 =	sshrl.u32 s22, $0x3;
	s22 =	smax.u32 s7, $0x1;
	[dreg:$0xc] =	wrdreg s3  }
0x18: {  	s21 =	sshrl.u32 s20, $0x3;
	s7 =	sadd.s32 s16, s2;
	[dreg:$0x14] =	wrdreg s22  }
0x19: {  	s16 =	simm.s32 $0x100;
	s15 =	sadd.s32 s11, s25;
	[dreg:$0x19] =	wrdreg s7  }
0x1a: {  	s25 =	sshrl.u32 s6, $0x3;
	[dreg:$0x8] =	wrdreg s15;
	s15 =	sadd.s32 s11, s19  }
0x1b: {  	s22 =	simm.s32 $0x4;
	s19 =	sadd.s32 s1, s25;
	[dreg:$0x9] =	wrdreg s15  }
0x1c: {  	s26 =	sadd.s32 $0xE, s25;
	s20 =	sadd.s32 s5, s25;
	[dreg:$0x10] =	wrdreg s19  }
0x1d: {  	s3 =	sadd.s32 $0x1C, s25;
	s25 =	sadd.s32 s10, s2;
	[dreg:$0x11] =	wrdreg s20  }
0x1e: {  	s10 =	simm.s32 $0x180;
	s15 =	sadd.s32 s11, s21;
	[dreg:$0x1b] =	wrdreg s25  }
0x1f: {  	s17 =	sadd.s32 s1, s26;
	s21 =	sadd.s32 s1, s3;
	[dreg:$0xa] =	wrdreg s15  }
0x20: {  	s3 =	sadd.s32 s5, s3;
	s19 =	simm.s32 $0x1;
	[dreg:$0xe] =	wrdreg s17  }
0x21: {  	s20 =	simm.s32 $0x2;
	s15 =	sadd.s32 s11, s23;
	[dreg:$0x12] =	wrdreg s21  }
0x22: {  	[dreg:$0x13] =	wrdreg s3;
	s23 =	sadd.s32 $0x1C0, s6;
	s3 =	sadd.s32 s14, s2  }
0x23: {  	[dreg:$0xb] =	wrdreg s15;
	s15 =	sadd.s32 $0x13C00, s0;
	s0 =	sadd.s32 $0x61E00, s0  }
0x24: {  	s11 =	simm.s32 $0x70;
	[dreg:$0xd] =	wrdreg s0;
	s0 =	sadd.s32 s5, s26  }
0x25: {  	s14 =	simm.s32 $0x3B00;
	[dreg:$0xf] =	wrdreg s0;
	s0 =	sshrl.u32 s18, $0x2  }
0x26: {  	[dreg:$0x18] =	wrdreg s3;
	s26 =	sadd.s32 s0, s2;
	s0 =	sshrl.u32 s23, $0x3  }
0x27: {  	s17 =	simm.s32 $0x280;
	s24 =	sadd.s32 s0, s5;
	[dreg:$0x1f] =	wrdreg s26  }
0x28: {  	s21 =	simm.s32 $0x3;
	s0 =	sadd.s32 s0, s1;
	[dreg:$0x1c] =	wrdreg s24  }
0x29: {  	s18 =	simm.s32 $0x7300;
	[dreg:$0x1d] =	wrdreg s0;
	s0 =	simm.s32 $0x0  }
0x2a: {  	s23 =	simm.s32 $0x6;
	s24 =	simm.s32 $0x5;
	[dreg:$0x1e] =	wrdreg s0  }
.LBB2_1:
0x2b: {  	s0 =	rddreg [dreg:$0xd]  }
0x2c: {  	[tilespmem:s8], [sflag:$0x7] =	stream.linear.gather [hbm4b:s0+s4], $0x2800, $0x38;
	[tilespmem:$0x1EB00] =	vst v63  }
0x2d: {  	_ =	swait.ge [sflag:s9], $0x2800  }
0x2e: {  	[sflag:s9] =	ssyncset.done $0x0  }
0x2f: {  	[sflag:s9] =	ssyncadd.s32 $0xFFFFD800  }
0x30: {  	[spmem:s26] =	stream.linear.scatter [tilespmem:s8], [sflag:$0x7], $0x2800, $0x38;
	[tilespmem:$0x1EB00] =	vst v63  }
0x31: {  	_ =	swait.ge [sflag:s9], $0x2800  }
0x32: {  	[sflag:s9] =	ssyncset.done $0x0  }
0x33: {  	[sflag:s9] =	ssyncadd.s32 $0xFFFFD800  }
0x34: {  	[spmem:s28] =	stream.linear.scatter [tilespmem:s8], [sflag:$0x7], $0x2800, $0x38;
	[tilespmem:$0x1EB00] =	vst v63  }
0x35: {  	_ =	swait.ge [sflag:s9], $0x2800  }
0x36: {  	[sflag:s9] =	ssyncset.done $0x0  }
0x37: {  	[sflag:s9] =	ssyncadd.s32 $0xFFFFD800  }
0x38: {  	[spmem:s29] =	stream.linear.scatter [tilespmem:s8], [sflag:$0x7], $0x2800, $0x38;
	[tilespmem:$0x1EB00] =	vst v63  }
0x39: {  	_ =	swait.ge [sflag:s9], $0x2800  }
0x3a: {  	[sflag:s9] =	ssyncset.done $0x0  }
0x3b: {  	[sflag:s9] =	ssyncadd.s32 $0xFFFFD800  }
0x3c: {  	[spmem:s30] =	stream.linear.scatter [tilespmem:s8], [sflag:$0x7], $0x2800, $0x38;
	[tilespmem:$0x1EB00] =	vst v63  }
0x3d: {  	_ =	swait.ge [sflag:s9], $0x2800  }
0x3e: {  	[sflag:s9] =	ssyncset.done $0x0  }
0x3f: {  	[sflag:s9] =	ssyncadd.s32 $0xFFFFD800  }
0x40: {  	[spmem:s31] =	stream.linear.scatter [tilespmem:s8], [sflag:$0x7], $0x2800, $0x38;
	[tilespmem:$0x1EB00] =	vst v63  }
0x41: {  	_ =	swait.ge [sflag:s9], $0x2800  }
0x42: {  	[sflag:s9] =	ssyncset.done $0x0  }
0x43: {  	s0 =	smov.u32 s3;
	[sflag:s9] =	ssyncadd.s32 $0xFFFFD800  }
0x44: {  	[spmem:s0] =	stream.linear.scatter [tilespmem:s8], [sflag:$0x7], $0x2800, $0x38;
	[tilespmem:$0x1EB00] =	vst v63  }
0x45: {  	_ =	swait.ge [sflag:s9], $0x2800  }
0x46: {  	[sflag:s9] =	ssyncset.done $0x0  }
0x47: {  	[sflag:s9] =	ssyncadd.s32 $0xFFFFD800  }
0x48: {  	[spmem:s7] =	stream.linear.scatter [tilespmem:s8], [sflag:$0x7], $0x2800, $0x38;
	[tilespmem:$0x1EB00] =	vst v63  }
0x49: {  	_ =	swait.ge [sflag:s9], $0x2800  }
0x4a: {  	[sflag:s9] =	ssyncset.done $0x0  }
0x4b: {  	[sflag:s9] =	ssyncadd.s32 $0xFFFFD800  }
0x4c: {  	[spmem:s25] =	stream.linear.scatter [tilespmem:s8], [sflag:$0x7], $0x2800, $0x38;
	[tilespmem:$0x1EB00] =	vst v63  }
0x4d: {  	_ =	swait.ge [sflag:s9], $0x2800  }
0x4e: {  	[sflag:s9] =	ssyncset.done $0x0  }
0x4f: {  	[sflag:s9] =	ssyncadd.s32 $0xFFFFD800  }
0x50: {  	[bflag:$0x0] =	sbarrier.arrive $0xFFFF  }
0x51: {  	s31 =	rddreg [dreg:$0x10]  }
0x52: {  	[tilespmem:s4], [sflag:$0x7] =	stream.linear.gather [hbm4b:s31+s4], $0x70, $0x38;
	[tilespmem:$0x1EB00] =	vst v63  }
0x53: {  	_ =	swait.ge [sflag:s9], $0x70  }
0x54: {  	[sflag:s9] =	ssyncset.done $0x0  }
0x55: {  	s7 =	rddreg [dreg:$0x11];
	[sflag:s9] =	ssyncadd.s32 $0xFFFFFF90  }
0x56: {  	[tilespmem:s10], [sflag:$0x7] =	stream.linear.gather [hbm4b:s7+s4], $0x70, $0x38;
	[tilespmem:$0x1EB00] =	vst v63  }
0x57: {  	_ =	swait.ge [sflag:s9], $0x70  }
0x58: {  	[sflag:s9] =	ssyncset.done $0x0  }
0x59: {  	[sflag:s9] =	ssyncadd.s32 $0xFFFFFF90  }
0x5a: {  	[tilespmem:s8], [sflag:$0x1] =	stream.indirect.gather [hbm4b:s15+s11], $0x80, s4, s11, $0xb8;
	[tilespmem:$0x1EB00] =	vst v63  }
0x5b: {  	s25 =	rddreg [dreg:$0xe]  }
0x5c: {  	[tilespmem:s12], [sflag:$0x7] =	stream.linear.gather [hbm4b:s25+s4], $0x70, $0x38;
	[tilespmem:$0x1EB00] =	vst v63  }
0x5d: {  	_ =	swait.ge [sflag:s9], $0x70  }
0x5e: {  	[sflag:s9] =	ssyncset.done $0x0  }
0x5f: {  	s3 =	smov.u32 s26;
	s26 =	rddreg [dreg:$0xf];
	[sflag:s9] =	ssyncadd.s32 $0xFFFFFF90  }
0x60: {  	[tilespmem:s13], [sflag:$0x7] =	stream.linear.gather [hbm4b:s26+s4], $0x70, $0x38;
	[tilespmem:$0x1EB00] =	vst v63  }
0x61: {  	_ =	swait.ge [sflag:s9], $0x70  }
0x62: {  	[sflag:s9] =	ssyncset.done $0x0  }
0x63: {  	[sflag:s9] =	ssyncadd.s32 $0xFFFFFF90  }
0x64: {  	[tilespmem:s14], [sflag:$0x2] =	stream.indirect.gather [hbm4b:s15+s11], $0x80, s12, s11, $0xb8;
	[tilespmem:$0x1EB00] =	vst v63  }
0x65: {  	s30 =	rddreg [dreg:$0x12]  }
0x66: {  	[tilespmem:s16], [sflag:$0x7] =	stream.linear.gather [hbm4b:s30+s4], $0x70, $0x38;
	[tilespmem:$0x1EB00] =	vst v63  }
0x67: {  	_ =	swait.ge [sflag:s9], $0x70  }
0x68: {  	[sflag:s9] =	ssyncset.done $0x0  }
0x69: {  	s31 =	rddreg [dreg:$0x13];
	[sflag:s9] =	ssyncadd.s32 $0xFFFFFF90  }
0x6a: {  	[tilespmem:s17], [sflag:$0x7] =	stream.linear.gather [hbm4b:s31+s4], $0x70, $0x38;
	[tilespmem:$0x1EB00] =	vst v63  }
0x6b: {  	_ =	swait.ge [sflag:s9], $0x70  }
0x6c: {  	[sflag:s9] =	ssyncset.done $0x0  }
0x6d: {  	[sflag:s9] =	ssyncadd.s32 $0xFFFFFF90  }
0x6e: {  	[tilespmem:s18], [sflag:$0x3] =	stream.indirect.gather [hbm4b:s15+s11], $0x80, s16, s11, $0xb8;
	[tilespmem:$0x1EB00] =	vst v63  }
0x6f: {  	_ =	swait.ge [sflag:s19], $0x3800  }
0x70: {  	[sflag:s19] =	ssyncset.done $0x0  }
0x71: {  	[sflag:s19] =	ssyncadd.s32 $0xFFFFC800  }
0x72: {  	[spmem:s2] =	stream.indirect.scatter.add.f32 [tilespmem:s8], [sflag:$0x4], $0x80, s10, s11, $0xb8;
	[tilespmem:$0x1EB00] =	vst v63  }
0x73: {  	_ =	swait.ge [sflag:s20], $0x3800  }
0x74: {  	[sflag:s20] =	ssyncset.done $0x0  }
0x75: {  	[sflag:s20] =	ssyncadd.s32 $0xFFFFC800  }
0x76: {  	[spmem:s2] =	stream.indirect.scatter.add.f32 [tilespmem:s14], [sflag:$0x5], $0x80, s13, s11, $0xb8;
	[tilespmem:$0x1EB00] =	vst v63  }
0x77: {  	_ =	swait.ge [sflag:s21], $0x3800  }
0x78: {  	[sflag:s21] =	ssyncset.done $0x0  }
0x79: {  	[sflag:s21] =	ssyncadd.s32 $0xFFFFC800  }
0x7a: {  	[spmem:s2] =	stream.indirect.scatter.add.f32 [tilespmem:s18], [sflag:$0x6], $0x80, s17, s11, $0xb8;
	[tilespmem:$0x1EB00] =	vst v63  }
0x7b: {  	_ =	swait.ge [sflag:s22], $0x3800  }
0x7c: {  	s7 =	rddreg [dreg:$0x4]  }
0x7d: {  	s26 =	sadd.s32 $0x230, s7  }
0x7e: {  	s26 =	sadd.s32 $0xFFFFFDD0, s26  }
0x7f: {  	[sflag:s22] =	ssyncset.done $0x0;
	s26 =	sshrl.u32 s26, $0x3  }
0x80: {  	[sflag:s22] =	ssyncadd.s32 $0xFFFFC800;
	s28 =	sadd.s32 s1, s26  }
0x81: {  	[tilespmem:s4], [sflag:$0x7] =	stream.linear.gather [hbm4b:s28+s4], $0x70, $0x38;
	[tilespmem:$0x1EB00] =	vst v63  }
0x82: {  	_ =	swait.ge [sflag:s9], $0x70  }
0x83: {  	[sflag:s9] =	ssyncset.done $0x0  }
0x84: {  	s26 =	sadd.s32 s5, s26;
	[sflag:s9] =	ssyncadd.s32 $0xFFFFFF90  }
0x85: {  	[tilespmem:s10], [sflag:$0x7] =	stream.linear.gather [hbm4b:s26+s4], $0x70, $0x38;
	[tilespmem:$0x1EB00] =	vst v63  }
0x86: {  	_ =	swait.ge [sflag:s9], $0x70  }
0x87: {  	[sflag:s9] =	ssyncset.done $0x0  }
0x88: {  	p0 =	por $0x1, $0x1;
	[sflag:s9] =	ssyncadd.s32 $0xFFFFFF90  }
0x89: {  	v0 =	vld @!p0 [tilespmem:$0x1A0];
	_ =	sdelay $0x2  }
0x8a: {  	v1 =	vimm.s32 @!p0 $0x2710  }
0x8b: {  	vm0 =	vmmov @!p0 $0xff;
	[tilespmem:$0x180] =	vst @!p0 v1  }
0x8c: {  	[tilespmem:$0x190] =	vst @!p0 v1;
	v0 =	vsel @!p0 vm0, $0x2710, v0  }
0x8d: {  	[tilespmem:$0x1A0] =	vst @!p0 v0  }
0x8e: {  	[tilespmem:s8], [sflag:$0x1] =	stream.indirect.gather [hbm4b:s15+s11], $0x80, s4, s11, $0xb8;
	[tilespmem:$0x1EB00] =	vst v63  }
0x8f: {  	_ =	swait.ge [sflag:s24], $0x3800  }
0x90: {  	[sflag:s24] =	ssyncset.done $0x0  }
0x91: {  	s25 =	rddreg [dreg:$0x1d];
	[sflag:s24] =	ssyncadd.s32 $0xFFFFC800  }
0x92: {  	[tilespmem:s12], [sflag:$0x7] =	stream.linear.gather [hbm4b:s25+s4], $0x70, $0x38;
	[tilespmem:$0x1EB00] =	vst v63  }
0x93: {  	_ =	swait.ge [sflag:s9], $0x70  }
0x94: {  	[sflag:s9] =	ssyncset.done $0x0  }
0x95: {  	s30 =	rddreg [dreg:$0x1c];
	[sflag:s9] =	ssyncadd.s32 $0xFFFFFF90  }
0x96: {  	[tilespmem:s13], [sflag:$0x7] =	stream.linear.gather [hbm4b:s30+s4], $0x70, $0x38;
	[tilespmem:$0x1EB00] =	vst v63  }
0x97: {  	_ =	swait.ge [sflag:s9], $0x70  }
0x98: {  	[sflag:s9] =	ssyncset.done $0x0  }
0x99: {  	p0 =	por $0x1, $0x1;
	[sflag:s9] =	ssyncadd.s32 $0xFFFFFF90  }
0x9a: {  	v0 =	vld @!p0 [tilespmem:$0x220];
	_ =	sdelay $0x2  }
0x9b: {  	v1 =	vimm.s32 @!p0 $0x2710  }
0x9c: {  	vm0 =	vmmov @!p0 $0xff;
	[tilespmem:$0x200] =	vst @!p0 v1  }
0x9d: {  	s31 =	simm.s32 $0x230;
	[tilespmem:$0x210] =	vst @!p0 v1;
	v0 =	vsel @!p0 vm0, $0x2710, v0  }
0x9e: {  	s26 =	smin.u32 s31, $0x1318;
	[tilespmem:$0x220] =	vst @!p0 v0  }
0x9f: {  	[tilespmem:s14], [sflag:$0x2] =	stream.indirect.gather [hbm4b:s15+s11], $0x80, s12, s11, $0xb8;
	[tilespmem:$0x1EB00] =	vst v63  }
0xa0: {  	s26 =	sadd.s32 s6, s26;
	_ =	swait.ge [sflag:s23], $0x3800  }
0xa1: {  	s26 =	sshrl.u32 s26, $0x3;
	[sflag:s23] =	ssyncset.done $0x0  }
0xa2: {  	s28 =	sadd.s32 s1, s26;
	[sflag:s23] =	ssyncadd.s32 $0xFFFFC800  }
0xa3: {  	[tilespmem:s16], [sflag:$0x7] =	stream.linear.gather [hbm4b:s28+s4], $0x70, $0x38;
	[tilespmem:$0x1EB00] =	vst v63  }
0xa4: {  	_ =	swait.ge [sflag:s9], $0x70  }
0xa5: {  	[sflag:s9] =	ssyncset.done $0x0  }
0xa6: {  	s26 =	sadd.s32 s5, s26;
	[sflag:s9] =	ssyncadd.s32 $0xFFFFFF90  }
0xa7: {  	[tilespmem:s17], [sflag:$0x7] =	stream.linear.gather [hbm4b:s26+s4], $0x70, $0x38;
	[tilespmem:$0x1EB00] =	vst v63  }
0xa8: {  	_ =	swait.ge [sflag:s9], $0x70  }
0xa9: {  	[sflag:s9] =	ssyncset.done $0x0  }
0xaa: {  	p0 =	por $0x1, $0x1;
	[sflag:s9] =	ssyncadd.s32 $0xFFFFFF90  }
0xab: {  	v0 =	vld @!p0 [tilespmem:$0x2A0];
	_ =	sdelay $0x2  }
0xac: {  	v1 =	vimm.s32 @!p0 $0x2710  }
0xad: {  	vm0 =	vmmov @!p0 $0xff;
	[tilespmem:$0x280] =	vst @!p0 v1  }
0xae: {  	[tilespmem:$0x290] =	vst @!p0 v1;
	v0 =	vsel @!p0 vm0, $0x2710, v0  }
0xaf: {  	[tilespmem:$0x2A0] =	vst @!p0 v0  }
0xb0: {  	[tilespmem:s18], [sflag:$0x3] =	stream.indirect.gather [hbm4b:s15+s11], $0x80, s16, s11, $0xb8;
	[tilespmem:$0x1EB00] =	vst v63  }
0xb1: {  	_ =	swait.ge [sflag:s19], $0x3800  }
0xb2: {  	[sflag:s19] =	ssyncset.done $0x0  }
0xb3: {  	[sflag:s19] =	ssyncadd.s32 $0xFFFFC800  }
0xb4: {  	[spmem:s2] =	stream.indirect.scatter.add.f32 [tilespmem:s8], [sflag:$0x4], $0x80, s10, s11, $0xb8;
	[tilespmem:$0x1EB00] =	vst v63  }
0xb5: {  	_ =	swait.ge [sflag:s20], $0x3800  }
0xb6: {  	[sflag:s20] =	ssyncset.done $0x0  }
0xb7: {  	[sflag:s20] =	ssyncadd.s32 $0xFFFFC800  }
0xb8: {  	[spmem:s2] =	stream.indirect.scatter.add.f32 [tilespmem:s14], [sflag:$0x5], $0x80, s13, s11, $0xb8;
	[tilespmem:$0x1EB00] =	vst v63  }
0xb9: {  	_ =	swait.ge [sflag:s21], $0x3800  }
0xba: {  	s29 =	sadd.s32 $0x2A, s25;
	[sflag:s21] =	ssyncset.done $0x0  }
0xbb: {  	s28 =	sadd.s32 $0x2A, s30;
	s26 =	simm.s32 $0x380;
	[sflag:s21] =	ssyncadd.s32 $0xFFFFC800  }
.LBB2_2:
0xbc: {  	[spmem:s2] =	stream.indirect.scatter.add.f32 [tilespmem:s18], [sflag:$0x6], $0x80, s17, s11, $0xb8;
	[tilespmem:$0x1EB00] =	vst v63  }
0xbd: {  	_ =	swait.ge [sflag:s22], $0x3800  }
0xbe: {  	s30 =	smov.u32 s26;
	s31 =	rddreg [dreg:$0x4]  }
0xbf: {  	s31 =	sadd.s32 s30, s31  }
0xc0: {  	s31 =	sadd.s32 $0xFFFFFDD0, s31  }
0xc1: {  	[sflag:s22] =	ssyncset.done $0x0;
	s31 =	sshrl.u32 s31, $0x3  }
0xc2: {  	[sflag:s22] =	ssyncadd.s32 $0xFFFFC800;
	s0 =	sadd.s32 s1, s31  }
0xc3: {  	[tilespmem:s4], [sflag:$0x7] =	stream.linear.gather [hbm4b:s0+s4], $0x70, $0x38;
	[tilespmem:$0x1EB00] =	vst v63  }
0xc4: {  	_ =	swait.ge [sflag:s9], $0x70  }
0xc5: {  	[sflag:s9] =	ssyncset.done $0x0  }
0xc6: {  	s31 =	sadd.s32 s5, s31;
	[sflag:s9] =	ssyncadd.s32 $0xFFFFFF90  }
0xc7: {  	[tilespmem:s10], [sflag:$0x7] =	stream.linear.gather [hbm4b:s31+s4], $0x70, $0x38;
	[tilespmem:$0x1EB00] =	vst v63  }
0xc8: {  	_ =	swait.ge [sflag:s9], $0x70  }
0xc9: {  	[sflag:s9] =	ssyncset.done $0x0  }
0xca: {  	p1 =	sne.s32 s30, $0x1420;
	[sflag:s9] =	ssyncadd.s32 $0xFFFFFF90  }
0xcb: {  	v1 =	vld @!p1 [tilespmem:$0x1A0];
	_ =	sdelay $0x2  }
0xcc: {  	v0 =	vimm.s32 @!p1 $0x2710  }
0xcd: {  	vm0 =	vmmov @!p1 $0xff;
	[tilespmem:$0x180] =	vst @!p1 v0  }
0xce: {  	[tilespmem:$0x190] =	vst @!p1 v0;
	v0 =	vsel @!p1 vm0, $0x2710, v1  }
0xcf: {  	[tilespmem:$0x1A0] =	vst @!p1 v0  }
0xd0: {  	[tilespmem:s8], [sflag:$0x1] =	stream.indirect.gather [hbm4b:s15+s11], $0x80, s4, s11, $0xb8;
	[tilespmem:$0x1EB00] =	vst v63  }
0xd1: {  	_ =	swait.ge [sflag:s24], $0x3800  }
0xd2: {  	[sflag:s24] =	ssyncset.done $0x0  }
0xd3: {  	[sflag:s24] =	ssyncadd.s32 $0xFFFFC800  }
0xd4: {  	[tilespmem:s12], [sflag:$0x7] =	stream.linear.gather [hbm4b:s29+s4], $0x70, $0x38;
	[tilespmem:$0x1EB00] =	vst v63  }
0xd5: {  	_ =	swait.ge [sflag:s9], $0x70  }
0xd6: {  	[sflag:s9] =	ssyncset.done $0x0  }
0xd7: {  	[sflag:s9] =	ssyncadd.s32 $0xFFFFFF90  }
0xd8: {  	[tilespmem:s13], [sflag:$0x7] =	stream.linear.gather [hbm4b:s28+s4], $0x70, $0x38;
	[tilespmem:$0x1EB00] =	vst v63  }
0xd9: {  	_ =	swait.ge [sflag:s9], $0x70  }
0xda: {  	[sflag:s9] =	ssyncset.done $0x0  }
0xdb: {  	p1 =	sne.s32 s30, $0x13B0;
	[sflag:s9] =	ssyncadd.s32 $0xFFFFFF90  }
0xdc: {  	v1 =	vld @!p1 [tilespmem:$0x220];
	_ =	sdelay $0x2  }
0xdd: {  	v0 =	vimm.s32 @!p1 $0x2710  }
0xde: {  	vm0 =	vmmov @!p1 $0xff;
	[tilespmem:$0x200] =	vst @!p1 v0  }
0xdf: {  	[tilespmem:$0x210] =	vst @!p1 v0;
	v0 =	vsel @!p1 vm0, $0x2710, v1  }
0xe0: {  	s7 =	smin.u32 s30, $0x1318;
	[tilespmem:$0x220] =	vst @!p1 v0  }
0xe1: {  	[tilespmem:s14], [sflag:$0x2] =	stream.indirect.gather [hbm4b:s15+s11], $0x80, s12, s11, $0xb8;
	[tilespmem:$0x1EB00] =	vst v63  }
0xe2: {  	s0 =	sadd.s32 s6, s7;
	_ =	swait.ge [sflag:s23], $0x3800  }
0xe3: {  	s0 =	sshrl.u32 s0, $0x3;
	[sflag:s23] =	ssyncset.done $0x0  }
0xe4: {  	s25 =	sadd.s32 s1, s0;
	[sflag:s23] =	ssyncadd.s32 $0xFFFFC800  }
0xe5: {  	[tilespmem:s16], [sflag:$0x7] =	stream.linear.gather [hbm4b:s25+s4], $0x70, $0x38;
	[tilespmem:$0x1EB00] =	vst v63  }
0xe6: {  	_ =	swait.ge [sflag:s9], $0x70  }
0xe7: {  	[sflag:s9] =	ssyncset.done $0x0  }
0xe8: {  	s0 =	sadd.s32 s5, s0;
	[sflag:s9] =	ssyncadd.s32 $0xFFFFFF90  }
0xe9: {  	[tilespmem:s17], [sflag:$0x7] =	stream.linear.gather [hbm4b:s0+s4], $0x70, $0x38;
	[tilespmem:$0x1EB00] =	vst v63  }
0xea: {  	_ =	swait.ge [sflag:s9], $0x70  }
0xeb: {  	[sflag:s9] =	ssyncset.done $0x0  }
0xec: {  	p1 =	sne.s32 s30, $0x1340;
	[sflag:s9] =	ssyncadd.s32 $0xFFFFFF90  }
0xed: {  	v1 =	vld @!p1 [tilespmem:$0x2A0];
	_ =	sdelay $0x2  }
0xee: {  	v0 =	vimm.s32 @!p1 $0x2710  }
0xef: {  	vm0 =	vmmov @!p1 $0xff;
	[tilespmem:$0x280] =	vst @!p1 v0  }
0xf0: {  	[tilespmem:$0x290] =	vst @!p1 v0;
	v0 =	vsel @!p1 vm0, $0x2710, v1  }
0xf1: {  	[tilespmem:$0x2A0] =	vst @!p1 v0  }
0xf2: {  	[tilespmem:s18], [sflag:$0x3] =	stream.indirect.gather [hbm4b:s15+s11], $0x80, s16, s11, $0xb8;
	[tilespmem:$0x1EB00] =	vst v63  }
0xf3: {  	_ =	swait.ge [sflag:s19], $0x3800  }
0xf4: {  	[sflag:s19] =	ssyncset.done $0x0  }
0xf5: {  	[sflag:s19] =	ssyncadd.s32 $0xFFFFC800  }
0xf6: {  	[spmem:s2] =	stream.indirect.scatter.add.f32 [tilespmem:s8], [sflag:$0x4], $0x80, s10, s11, $0xb8;
	[tilespmem:$0x1EB00] =	vst v63  }
0xf7: {  	s26 =	sadd.s32 $0x150, s26;
	_ =	swait.ge [sflag:s20], $0x3800  }
0xf8: {  	p0 =	sne.s32 s26, $0x1490;
	[sflag:s20] =	ssyncset.done $0x0  }
.Ltmp0:
0xf9: {  	[sflag:s20] =	ssyncadd.s32 $0xFFFFC800;
	(pc) =	sbr.rel @p0 .LBB2_2-.Ltmp0, $4  }
0xfa: {  	[spmem:s2] =	stream.indirect.scatter.add.f32 [tilespmem:s14], [sflag:$0x5], $0x80, s13, s11, $0xb8;
	[tilespmem:$0x1EB00] =	vst v63  }
0xfb: {  	_ =	swait.ge [sflag:s21], $0x3800  }
0xfc: {  	[sflag:s21] =	ssyncset.done $0x0  }
0xfd: {  	s29 =	sadd.s32 $0x2A, s29;
	s28 =	sadd.s32 $0x2A, s28;
	[sflag:s21] =	ssyncadd.s32 $0xFFFFC800  }
0xfe: {  	[spmem:s2] =	stream.indirect.scatter.add.f32 [tilespmem:s18], [sflag:$0x6], $0x80, s17, s11, $0xb8;
	[tilespmem:$0x1EB00] =	vst v63  }
0xff: {  	_ =	swait.ge [sflag:s22], $0x3800  }
0x100: {  	[sflag:s22] =	ssyncset.done $0x0  }
0x101: {  	[sflag:s22] =	ssyncadd.s32 $0xFFFFC800  }
0x102: {  	_ =	swait.ge [sflag:s24], $0x3800  }
0x103: {  	[sflag:s24] =	ssyncset.done $0x0  }
0x104: {  	[sflag:s24] =	ssyncadd.s32 $0xFFFFC800  }
0x105: {  	_ =	swait.ge [sflag:s23], $0x3800  }
0x106: {  	[sflag:s23] =	ssyncset.done $0x0  }
0x107: {  	[sflag:s23] =	ssyncadd.s32 $0xFFFFC800  }
0x108: {  	[bflag:$0x0] =	sbarrier.arrive $0xFFFF  }
0x109: {  	[tilespmem:s8], [sflag:$0x7] =	stream.linear.gather [spmem:s3], $0x2800, $0x38;
	[tilespmem:$0x1EB00] =	vst v63  }
0x10a: {  	_ =	swait.ge [sflag:s9], $0x2800  }
0x10b: {  	[sflag:s9] =	ssyncset.done $0x0  }
0x10c: {  	s0 =	rddreg [dreg:$0x5];
	[sflag:s9] =	ssyncadd.s32 $0xFFFFD800  }
0x10d: {  	[hbm4b:s0+s4] =	stream.linear.scatter [tilespmem:s8], [sflag:$0x7], $0x2800, $0x38;
	[tilespmem:$0x1EB00] =	vst v63  }
0x10e: {  	_ =	swait.ge [sflag:s9], $0x2800  }
0x10f: {  	[sflag:s9] =	ssyncset.done $0x0  }
0x110: {  	s28 =	rddreg [dreg:$0x1a];
	[sflag:s9] =	ssyncadd.s32 $0xFFFFD800  }
0x111: {  	[tilespmem:s8], [sflag:$0x7] =	stream.linear.gather [spmem:s28], $0x2800, $0x38;
	[tilespmem:$0x1EB00] =	vst v63  }
0x112: {  	_ =	swait.ge [sflag:s9], $0x2800  }
0x113: {  	[sflag:s9] =	ssyncset.done $0x0  }
0x114: {  	s7 =	rddreg [dreg:$0x6];
	[sflag:s9] =	ssyncadd.s32 $0xFFFFD800  }
0x115: {  	[hbm4b:s7+s4] =	stream.linear.scatter [tilespmem:s8], [sflag:$0x7], $0x2800, $0x38;
	[tilespmem:$0x1EB00] =	vst v63  }
0x116: {  	_ =	swait.ge [sflag:s9], $0x2800  }
0x117: {  	[sflag:s9] =	ssyncset.done $0x0  }
0x118: {  	s29 =	rddreg [dreg:$0x15];
	[sflag:s9] =	ssyncadd.s32 $0xFFFFD800  }
0x119: {  	[tilespmem:s8], [sflag:$0x7] =	stream.linear.gather [spmem:s29], $0x2800, $0x38;
	[tilespmem:$0x1EB00] =	vst v63  }
0x11a: {  	_ =	swait.ge [sflag:s9], $0x2800  }
0x11b: {  	[sflag:s9] =	ssyncset.done $0x0  }
0x11c: {  	s25 =	rddreg [dreg:$0x7];
	[sflag:s9] =	ssyncadd.s32 $0xFFFFD800  }
0x11d: {  	[hbm4b:s25+s4] =	stream.linear.scatter [tilespmem:s8], [sflag:$0x7], $0x2800, $0x38;
	[tilespmem:$0x1EB00] =	vst v63  }
0x11e: {  	_ =	swait.ge [sflag:s9], $0x2800  }
0x11f: {  	[sflag:s9] =	ssyncset.done $0x0  }
0x120: {  	s30 =	rddreg [dreg:$0x16];
	[sflag:s9] =	ssyncadd.s32 $0xFFFFD800  }
0x121: {  	[tilespmem:s8], [sflag:$0x7] =	stream.linear.gather [spmem:s30], $0x2800, $0x38;
	[tilespmem:$0x1EB00] =	vst v63  }
0x122: {  	_ =	swait.ge [sflag:s9], $0x2800  }
0x123: {  	[sflag:s9] =	ssyncset.done $0x0  }
0x124: {  	s26 =	rddreg [dreg:$0x8];
	[sflag:s9] =	ssyncadd.s32 $0xFFFFD800  }
0x125: {  	[hbm4b:s26+s4] =	stream.linear.scatter [tilespmem:s8], [sflag:$0x7], $0x2800, $0x38;
	[tilespmem:$0x1EB00] =	vst v63  }
0x126: {  	_ =	swait.ge [sflag:s9], $0x2800  }
0x127: {  	[sflag:s9] =	ssyncset.done $0x0  }
0x128: {  	s31 =	rddreg [dreg:$0x17];
	[sflag:s9] =	ssyncadd.s32 $0xFFFFD800  }
0x129: {  	[tilespmem:s8], [sflag:$0x7] =	stream.linear.gather [spmem:s31], $0x2800, $0x38;
	[tilespmem:$0x1EB00] =	vst v63  }
0x12a: {  	_ =	swait.ge [sflag:s9], $0x2800  }
0x12b: {  	[sflag:s9] =	ssyncset.done $0x0  }
0x12c: {  	s3 =	rddreg [dreg:$0x9];
	[sflag:s9] =	ssyncadd.s32 $0xFFFFD800  }
0x12d: {  	[hbm4b:s3+s4] =	stream.linear.scatter [tilespmem:s8], [sflag:$0x7], $0x2800, $0x38;
	[tilespmem:$0x1EB00] =	vst v63  }
0x12e: {  	_ =	swait.ge [sflag:s9], $0x2800  }
0x12f: {  	[sflag:s9] =	ssyncset.done $0x0  }
0x130: {  	s3 =	rddreg [dreg:$0x18];
	[sflag:s9] =	ssyncadd.s32 $0xFFFFD800  }
0x131: {  	[tilespmem:s8], [sflag:$0x7] =	stream.linear.gather [spmem:s3], $0x2800, $0x38;
	[tilespmem:$0x1EB00] =	vst v63  }
0x132: {  	_ =	swait.ge [sflag:s9], $0x2800  }
0x133: {  	[sflag:s9] =	ssyncset.done $0x0  }
0x134: {  	s7 =	rddreg [dreg:$0xa];
	[sflag:s9] =	ssyncadd.s32 $0xFFFFD800  }
0x135: {  	[hbm4b:s7+s4] =	stream.linear.scatter [tilespmem:s8], [sflag:$0x7], $0x2800, $0x38;
	[tilespmem:$0x1EB00] =	vst v63  }
0x136: {  	_ =	swait.ge [sflag:s9], $0x2800  }
0x137: {  	[sflag:s9] =	ssyncset.done $0x0  }
0x138: {  	s7 =	rddreg [dreg:$0x19];
	[sflag:s9] =	ssyncadd.s32 $0xFFFFD800  }
0x139: {  	[tilespmem:s8], [sflag:$0x7] =	stream.linear.gather [spmem:s7], $0x2800, $0x38;
	[tilespmem:$0x1EB00] =	vst v63  }
0x13a: {  	_ =	swait.ge [sflag:s9], $0x2800  }
0x13b: {  	[sflag:s9] =	ssyncset.done $0x0  }
0x13c: {  	s25 =	rddreg [dreg:$0xb];
	[sflag:s9] =	ssyncadd.s32 $0xFFFFD800  }
0x13d: {  	[hbm4b:s25+s4] =	stream.linear.scatter [tilespmem:s8], [sflag:$0x7], $0x2800, $0x38;
	[tilespmem:$0x1EB00] =	vst v63  }
0x13e: {  	_ =	swait.ge [sflag:s9], $0x2800  }
0x13f: {  	[sflag:s9] =	ssyncset.done $0x0  }
0x140: {  	s25 =	rddreg [dreg:$0x1b];
	[sflag:s9] =	ssyncadd.s32 $0xFFFFD800  }
0x141: {  	[tilespmem:s8], [sflag:$0x7] =	stream.linear.gather [spmem:s25], $0x2800, $0x38;
	[tilespmem:$0x1EB00] =	vst v63  }
0x142: {  	_ =	swait.ge [sflag:s9], $0x2800  }
0x143: {  	[sflag:s9] =	ssyncset.done $0x0  }
0x144: {  	s26 =	rddreg [dreg:$0xc];
	[sflag:s9] =	ssyncadd.s32 $0xFFFFD800  }
0x145: {  	[hbm4b:s26+s4] =	stream.linear.scatter [tilespmem:s8], [sflag:$0x7], $0x2800, $0x38;
	[tilespmem:$0x1EB00] =	vst v63  }
0x146: {  	_ =	swait.ge [sflag:s9], $0x2800  }
0x147: {  	s26 =	rddreg [dreg:$0x1e]  }
0x148: {  	s0 =	rddreg [dreg:$0x14];
	s26 =	sadd.s32 $0x1, s26  }
0x149: {  	p0 =	sne.s32 s26, s0  }
.Ltmp1:
0x14a: {  	_ = 	snop;
	(pc) =	sbr.rel @p0 .LBB2_1-.Ltmp1, $3  }
0x14b: {  	_ =	sdelay $0x1  }
0x14c: {  	[sflag:s9] =	ssyncset.done $0x0;
	[dreg:$0x1e] =	wrdreg s26  }
0x14d: {  	[sflag:s9] =	ssyncadd.s32 $0xFFFFD800;
	s26 =	rddreg [dreg:$0x1f]  }
0x14e: {  	_ =	sfence.sel $0x180000  }
0x14f: {  	[bflag:$0x0] =	sbarrier.arrive $0xFFFF  }
0x150: {  	_ =	strace $0x9000004D  }
0x151: {  	s0 =	stileid.u32;
	[bflag:$0x2] =	sbarrier.arrive $0xFFFF  }
0x152: {  	p0 =	sne.s32 s0, $0x0;
	s0 =	rddreg [dreg:$0x3]  }
0x153: {  	s0 =	sadd.s32 @!p0 $0x100000, s0  }
0x154: {  	[sflag:s0] =	ssyncadd.tile.s32 @!p0 $0x1;
	_ =	shalt  }
.Lfunc_end2:
_tile_overlayer_lowered:
.L_overlay_start_2:
0x155: {  	(tag) =	ssettag $0x2  }
0x156: {  	s0 =	rddreg [dreg:$0x0];
	s2 =	stileid.u32  }
0x157: {  	s1 =	rddreg [dreg:$0x1];
	p0 =	sne.s32 s2, $0x0  }
0x158: {  	s3 =	rddreg [dreg:$0x2];
	[bflag:$0x3] =	sbarrier.arrive $0xFFFF;
	s2 =	simm.s32 @!p0 $0x1C07  }
0x159: {  	[timem:s3], [sflag:s2] =	dma.local @!p0 [hbm:s0], s1  }
0x15a: {  	s0 =	simm.s32 @!p0 $0x7  }
0x15b: {  	_ =	swait.ge @!p0 [sflag:s0], s1  }
0x15c: {  	s1 =	ssub.s32 @!p0 $0x0, s1;
	[sflag:s0] =	ssyncset.done @!p0 $0x0  }
0x15d: {  	[sflag:s0] =	ssyncadd.s32 @!p0 s1  }
0x15e: {  	[bflag:$0x3] =	sbarrier.arrive $0xFFFF  }
0x15f: {  	_ =	shalt  }

</sc_bundles>
